<compile_context>
chip_gen: v7x
topology: tpu7x:2x2x1
jax: 0.10.2.dev20260603
libtpu: 0.0.44.dev20260713+nightly
codegen_flags: <defaults>
</compile_context>

<pallas_src>
import functools

import jax
import jax.numpy as jnp
from jax import lax
from jax.experimental import pallas as pl
from jax.experimental.pallas import tpu as pltpu
import jax.experimental.pallas.tpu_sc as plsc

N = 100000
E = 3200000
D = 128
H = 16

NC = 2
NS = 16
NW = NC * NS
G = 128
GPC = 4
CPT = 196
GPT = GPC * CPT
E_PAD = NW * GPT * G
BN = 2048
N_PAD = 49 * BN
R_TILE = N_PAD // NS

@functools.lru_cache(maxsize=None)
def _make_sc_pass(gather_src):

    mesh = plsc.VectorSubcoreMesh(core_axis_name="c", subcore_axis_name="s",
                                  num_cores=NC, num_subcores=NS)
    scratch = [
        pltpu.VMEM((5, GPC, G), jnp.int32),
        pltpu.VMEM((5, GPC, G), jnp.int32),
        pltpu.VMEM((3, GPC, G, H), jnp.float32),
        pltpu.VMEM_SHARED((N_PAD, H), jnp.float32),
        pltpu.SemaphoreType.DMA((5,)),
        pltpu.SemaphoreType.DMA((3,)),
        pltpu.SemaphoreType.DMA,
    ]

    @functools.partial(
        pl.kernel,
        mesh=mesh,
        out_type=jax.ShapeDtypeStruct((NC, N_PAD, H), jnp.float32),
        scratch_types=scratch,
        compiler_params=pltpu.CompilerParams(use_tc_tiling_on_sc=False),
    )
    def sc_pass(row2d, col2d, src_hbm, zeros_hbm, out_hbm,
                rowv, colv, gath, accum, isem, gsem, ssem):
        cid = lax.axis_index("c")
        sid = lax.axis_index("s")
        wid = sid * NC + cid

        def idx_start(c, slot):
            gb = wid * GPT + c * GPC
            d = [pltpu.async_copy(row2d.at[pl.ds(gb, GPC)], rowv.at[slot],
                                  isem.at[slot])]
            if gather_src:
                d.append(pltpu.async_copy(col2d.at[pl.ds(gb, GPC)],
                                          colv.at[slot], isem.at[slot]))
            return d

        def idx_wait(slot):
            pltpu.make_async_copy(row2d.at[pl.ds(0, GPC)], rowv.at[slot],
                                  isem.at[slot]).wait()
            if gather_src:
                pltpu.make_async_copy(col2d.at[pl.ds(0, GPC)],
                                      colv.at[slot], isem.at[slot]).wait()

        pltpu.sync_copy(zeros_hbm.at[pl.ds(sid * R_TILE, R_TILE)],
                        accum.at[pl.ds(sid * R_TILE, R_TILE)])
        if not gather_src:
            pltpu.sync_copy(src_hbm.at[pl.ds(0, G)], gath.at[0, 0])
        plsc.subcore_barrier()

        for d in idx_start(0, 0):
            d.wait()
        for d in idx_start(1, 1):
            d.wait()
        idx_start(2, 2)
        idx_start(3, 3)
        if gather_src:
            for s in (0, 1):
                for j in range(GPC):
                    pltpu.async_copy(src_hbm.at[rowv.at[s, j]],
                                     gath.at[s, j], gsem.at[s])

        def chunk(c, carry):
            g_cur = lax.rem(c, 3)
            g_nxt = lax.rem(c + 2, 3)
            g_prv = lax.rem(c + 2, 3)
            i_cur = lax.rem(c, 5)
            i_nxt = lax.rem(c + 2, 5)
            i_prv = lax.rem(c + 4, 5)

            @pl.when(c > 0)
            def _():
                for j in range(GPC):
                    if gather_src:
                        pltpu.make_async_copy(
                            gath.at[g_prv, j], accum.at[colv.at[i_prv, j]],
                            ssem).wait()
                    else:
                        pltpu.make_async_copy(
                            gath.at[0, 0], accum.at[rowv.at[i_prv, j]],
                            ssem).wait()

            @pl.when(c + 2 < CPT)
            def _():
                idx_wait(i_nxt)
                if gather_src:
                    for j in range(GPC):
                        pltpu.async_copy(src_hbm.at[rowv.at[i_nxt, j]],
                                         gath.at[g_nxt, j], gsem.at[g_nxt])

            @pl.when(c + 4 < CPT)
            def _():
                idx_start(c + 4, i_prv)

            for j in range(GPC):
                if gather_src:
                    pltpu.make_async_copy(src_hbm.at[rowv.at[i_cur, j]],
                                          gath.at[g_cur, j],
                                          gsem.at[g_cur]).wait()
                    pltpu.async_copy(gath.at[g_cur, j],
                                     accum.at[colv.at[i_cur, j]],
                                     ssem, add=True)
                else:
                    pltpu.async_copy(gath.at[0, 0],
                                     accum.at[rowv.at[i_cur, j]],
                                     ssem, add=True)
            return carry

        lax.fori_loop(0, CPT, chunk, 0)
        lb = (CPT - 1) % 3
        li = (CPT - 1) % 5
        for j in range(GPC):
            if gather_src:
                pltpu.make_async_copy(gath.at[lb, j],
                                      accum.at[colv.at[li, j]], ssem).wait()
            else:
                pltpu.make_async_copy(gath.at[0, 0],
                                      accum.at[rowv.at[li, j]], ssem).wait()

        plsc.subcore_barrier()
        pltpu.sync_copy(accum.at[pl.ds(sid * R_TILE, R_TILE)],
                        out_hbm.at[cid, pl.ds(sid * R_TILE, R_TILE)])

    return sc_pass


NP8 = N_PAD // 8
BN8 = 256
_GRID = NP8 // BN8


def _node_dinv(d0, d1, i):
    deg = d0 + d1 + 1.0
    r = lax.broadcasted_iota(jnp.int32, (BN8, 8 * H), 0) + i * BN8
    lane = lax.broadcasted_iota(jnp.int32, (BN8, 8 * H), 1)
    nid = 8 * r + lane // H
    return jnp.where(nid < N, lax.rsqrt(deg), 0.0)


def _tc1_body(x_ref, w_ref, b_ref, d0_ref, d1_ref, hs_ref, dinv_ref):
    i = pl.program_id(0)
    dinv = _node_dinv(d0_ref[0], d1_ref[0], i)
    h = jnp.dot(x_ref[...], w_ref[...], preferred_element_type=jnp.float32)
    hs_ref[...] = dinv * (h + b_ref[...])
    dinv_ref[...] = dinv


def _tc2_body(a0_ref, a1_ref, hs_ref, dinv_ref, w_ref, b_ref, out_ref):
    dinv = dinv_ref[...]
    z = jnp.maximum(dinv * (a0_ref[0] + a1_ref[0] + hs_ref[...]), 0.0)
    h = jnp.dot(z, w_ref[...], preferred_element_type=jnp.float32)
    out_ref[...] = dinv * (h + b_ref[...])


def _tc3_body(a0_ref, a1_ref, hs_ref, dinv_ref, bsum_ref, out_ref):
    o = dinv_ref[...] * (a0_ref[0] + a1_ref[0] + hs_ref[...])
    m = jnp.max(o, axis=1, keepdims=True)
    e = jnp.exp(o - m)
    s = jnp.dot(e, bsum_ref[...], preferred_element_type=jnp.float32)
    out_ref[...] = (o - m) - jnp.log(s)


def _blk():
    return pl.BlockSpec((BN8, 8 * H), lambda i: (i, 0))


def _acc_spec(c):
    return pl.BlockSpec((1, BN8, 8 * H), lambda i, c=c: (c, i, 0))


def _const_spec(shape):
    return pl.BlockSpec(shape, lambda i: tuple(0 for _ in shape))


_tc1 = pl.pallas_call(
    _tc1_body,
    grid=(_GRID,),
    in_specs=[pl.BlockSpec((BN8, 8 * D), lambda i: (i, 0)),
              _const_spec((8 * D, 8 * H)), _const_spec((1, 8 * H)),
              _acc_spec(0), _acc_spec(1)],
    out_specs=[_blk(), _blk()],
    out_shape=[jax.ShapeDtypeStruct((NP8, 8 * H), jnp.float32),
               jax.ShapeDtypeStruct((NP8, 8 * H), jnp.float32)],
)

_tc2 = pl.pallas_call(
    _tc2_body,
    grid=(_GRID,),
    in_specs=[_acc_spec(0), _acc_spec(1), _blk(), _blk(),
              _const_spec((8 * H, 8 * H)), _const_spec((1, 8 * H))],
    out_specs=_blk(),
    out_shape=jax.ShapeDtypeStruct((NP8, 8 * H), jnp.float32),
)

_tc3 = pl.pallas_call(
    _tc3_body,
    grid=(_GRID,),
    in_specs=[_acc_spec(0), _acc_spec(1), _blk(), _blk(),
              _const_spec((8 * H, 8 * H))],
    out_specs=_blk(),
    out_shape=jax.ShapeDtypeStruct((NP8, 8 * H), jnp.float32),
)


def kernel(x, edge_index, W1, b1, W2, b2):
    pad_e = E_PAD - E
    row2d = jnp.concatenate(
        [edge_index[0], jnp.full((pad_e,), N, jnp.int32)]).reshape(E_PAD // G, G)
    col2d = jnp.concatenate(
        [edge_index[1], jnp.full((pad_e,), N, jnp.int32)]).reshape(E_PAD // G, G)

    zeros = jnp.zeros((N_PAD, H), jnp.float32)
    ones_blk = jnp.ones((G, H), jnp.float32)
    x8 = x.reshape(N // 8, 8 * D)
    eye8 = jnp.eye(8, dtype=jnp.float32)
    w1big = jnp.kron(eye8, W1.T)
    w2big = jnp.kron(eye8, W2.T)
    bsum = jnp.kron(eye8, jnp.ones((H, H), jnp.float32))
    b1big = jnp.tile(b1, 8).reshape(1, 8 * H)
    b2big = jnp.tile(b2, 8).reshape(1, 8 * H)

    sc_degree = _make_sc_pass(False)
    sc_propagate = _make_sc_pass(True)

    degp = sc_degree(row2d, col2d, ones_blk, zeros)
    degp8 = degp.reshape(NC, NP8, 8 * H)
    hs1, dinv = _tc1(x8, w1big, b1big, degp8, degp8)
    acc1 = sc_propagate(row2d, col2d, hs1.reshape(N_PAD, H), zeros)
    acc1_8 = acc1.reshape(NC, NP8, 8 * H)
    hs2 = _tc2(acc1_8, acc1_8, hs1, dinv, w2big, b2big)
    acc2 = sc_propagate(row2d, col2d, hs2.reshape(N_PAD, H), zeros)
    acc2_8 = acc2.reshape(NC, NP8, 8 * H)
    out = _tc3(acc2_8, acc2_8, hs2, dinv, bsum)
    return out.reshape(N_PAD, H)[:N]

# --- scband reference (transcript-rebuilt; emitter-appended) ---
"""Pipeline reference for scband-gcnnetwork-40673340293824 (READ-ONLY COPY).

The authoritative reference and input builder live on the scoring server;
editing this copy changes nothing except your own understanding.
"""

import jax, jax.numpy as jnp
import numpy as np

N = 100000
E = 3200000
D = 128
H = 16
C = 16


def setup_inputs(seed: int = 0) -> dict:
    key = jax.random.key(seed)
    k1, k2, k3, k4 = jax.random.split(key, 4)
    x = jax.random.normal(k1, (N, D), dtype=jnp.float32)
    edge_index = jax.random.randint(k2, (2, E), 0, N, dtype=jnp.int32)
    W1 = jax.random.normal(k3, (H, D), dtype=jnp.float32) * 0.05
    b1 = jnp.zeros((H,), dtype=jnp.float32)
    W2 = jax.random.normal(k4, (C, H), dtype=jnp.float32) * 0.05
    b2 = jnp.zeros((C,), dtype=jnp.float32)
    return {"x": x, "edge_index": edge_index, "W1": W1, "b1": b1, "W2": W2, "b2": b2}


def _gcn_layer(x, row, col, W, b, n):
    # x = self.linear(x)
    h = x @ W.T + b
    # deg = degree(row, num_nodes)
    deg = jnp.zeros((n,), dtype=h.dtype).at[row].add(1.0)
    # deg_inv_sqrt; with self-loops every node has deg >= 1
    deg_inv_sqrt = jnp.where(deg > 0, deg ** -0.5, 0.0)
    norm = deg_inv_sqrt[row] * deg_inv_sqrt[col]
    # message: norm.view(-1,1) * x_j  (x_j = source nodes = row), aggr='add' at col
    msg = norm[:, None] * h[row]
    out = jnp.zeros_like(h).at[col].add(msg)
    return out


def reference(x, edge_index, W1, b1, W2, b2):
    n = x.shape[0]
    # add_self_loops
    loops = jnp.arange(n, dtype=edge_index.dtype)
    row = jnp.concatenate([edge_index[0], loops])
    col = jnp.concatenate([edge_index[1], loops])
    h = _gcn_layer(x, row, col, W1, b1, n)
    h = jax.nn.relu(h)
    # dropout is identity in eval mode
    h = _gcn_layer(h, row, col, W2, b2, n)
    return jax.nn.log_softmax(h, axis=1)

if __name__ == "__main__":
    import jax
    _d = setup_inputs()
    print(jax.jit(kernel)(*tuple(_d.values())))

</pallas_src>

<mosaic_0001>
#map = affine_map<(d0, d1) -> (0, 0)>
#map1 = affine_map<(d0, d1) -> (0, 0, 0)>
module attributes {stable_mosaic.version = 14 : i64} {
  func.func @sc_pass(%arg0: i32, %arg1: i32, %arg2: memref<25088x128xi32, #tpu.memory_space<hbm>>, %arg3: memref<25088x128xi32, #tpu.memory_space<hbm>>, %arg4: memref<100352x16xf32, #tpu.memory_space<hbm>>, %arg5: memref<100352x16xf32, #tpu.memory_space<hbm>>, %arg6: memref<2x100352x16xf32, #tpu.memory_space<hbm>>, %arg7: memref<5x4x128xi32, #tpu.memory_space<vmem>>, %arg8: memref<5x4x128xi32, #tpu.memory_space<vmem>>, %arg9: memref<3x4x128x16xf32, #tpu.memory_space<vmem>>, %arg10: memref<100352x16xf32, #tpu.memory_space<vmem_shared>>, %arg11: memref<5x!tpu.dma_semaphore, #tpu.memory_space<semaphore_mem>>, %arg12: memref<3x!tpu.dma_semaphore, #tpu.memory_space<semaphore_mem>>, %arg13: memref<!tpu.dma_semaphore, #tpu.memory_space<semaphore_mem>>) attributes {dimension_semantics = [#tpu.dimension_semantics<core_parallel>, #tpu.dimension_semantics<subcore_parallel>], iteration_bounds = array<i64: 2, 16>, scalar_prefetch = 0 : i64, scratch_operands = 7 : i64, tpu.core_type = #tpu.core_type<sc_vector_subcore>, window_params = [{transform_indices = #map}, {transform_indices = #map}, {transform_indices = #map}, {transform_indices = #map}, {transform_indices = #map1}]} {
    %mul3A = arith.constant 2 : i32
    %mul3A_0 = arith.muli %arg1, %mul3A : i32
    %add3A = arith.addi %mul3A_0, %arg0 : i32
    %mul3A_1 = arith.constant 6272 : i32
    %mul3A_2 = arith.muli %arg1, %mul3A_1 : i32
    %mul3A_3 = arith.constant 6272 : i32
    %mul3A_4 = arith.muli %arg1, %mul3A_3 : i32
    "tpu.region"() ({
      %run_scoped3A = tpu.sem_alloc : memref<!tpu.dma_semaphore, #tpu.memory_space<semaphore_mem>>
      %dma_start3A_413 = arith.constant 0 : i32
      %dma_start3A_414 = tpu.memref_slice %arg10[%mul3A_4, %dma_start3A_413] : memref<100352x16xf32, #tpu.memory_space<vmem_shared>> -> memref<6272x16xf32, #tpu.memory_space<vmem_shared>>
      %dma_start3A_415 = arith.constant 0 : i32
      %dma_start3A_416 = tpu.memref_slice %arg5[%mul3A_2, %dma_start3A_415] : memref<100352x16xf32, #tpu.memory_space<hbm>> -> memref<6272x16xf32, #tpu.memory_space<hbm>>
      tpu.enqueue_dma source(%dma_start3A_416 : memref<6272x16xf32, #tpu.memory_space<hbm>>) target(%dma_start3A_414 : memref<6272x16xf32, #tpu.memory_space<vmem_shared>>) target_semaphore(%run_scoped3A : memref<!tpu.dma_semaphore, #tpu.memory_space<semaphore_mem>>)
      %dma_wait3A_417 = arith.constant 0 : i32
      %dma_wait3A_418 = tpu.memref_slice %arg10[%mul3A_4, %dma_wait3A_417] : memref<100352x16xf32, #tpu.memory_space<vmem_shared>> -> memref<6272x16xf32, #tpu.memory_space<vmem_shared>>
      %dma_wait3A_419 = arith.constant 0 : i32
      %dma_wait3A_420 = tpu.memref_slice %arg5[%mul3A_2, %dma_wait3A_419] : memref<100352x16xf32, #tpu.memory_space<hbm>> -> memref<6272x16xf32, #tpu.memory_space<hbm>>
      tpu.wait_dma2 semaphore(%run_scoped3A : memref<!tpu.dma_semaphore, #tpu.memory_space<semaphore_mem>>) src(%dma_wait3A_420 : memref<6272x16xf32, #tpu.memory_space<hbm>>) dst(%dma_wait3A_418 : memref<6272x16xf32, #tpu.memory_space<vmem_shared>>)
      tpu.yield
    }) : () -> ()
    %barrier3A = arith.constant 0 : index
    tpu.barrier barrier_id(%barrier3A)
    %mul3A_5 = arith.constant 784 : i32
    %mul3A_6 = arith.muli %add3A, %mul3A_5 : i32
    %add3A_7 = arith.constant 0 : i32
    %add3A_8 = arith.addi %mul3A_6, %add3A_7 : i32
    %dma_start3A = arith.constant 0 : i32
    %dma_start3A_9 = arith.constant 0 : i32
    %dma_start3A_10 = arith.constant 0 : i32
    %dma_start3A_11 = arith.constant 0 : i32
    %dma_start3A_12 = tpu.memref_slice %arg7[%dma_start3A, %dma_start3A_10, %dma_start3A_11] : memref<5x4x128xi32, #tpu.memory_space<vmem>> -> memref<1x4x128xi32, #tpu.memory_space<vmem>>
    %dma_start3A_13 = tpu.memref_squeeze %dma_start3A_12 : memref<1x4x128xi32, #tpu.memory_space<vmem>> -> memref<4x128xi32, #tpu.memory_space<vmem>>
    %dma_start3A_14 = arith.constant 0 : i32
    %dma_start3A_15 = tpu.memref_slice %arg2[%add3A_8, %dma_start3A_14] : memref<25088x128xi32, #tpu.memory_space<hbm>> -> memref<4x128xi32, #tpu.memory_space<hbm>>
    %dma_start3A_16 = tpu.memref_slice %arg11[%dma_start3A_9] : memref<5x!tpu.dma_semaphore, #tpu.memory_space<semaphore_mem>> -> memref<1x!tpu.dma_semaphore, #tpu.memory_space<semaphore_mem>>
    %dma_start3A_17 = tpu.memref_squeeze %dma_start3A_16 : memref<1x!tpu.dma_semaphore, #tpu.memory_space<semaphore_mem>> -> memref<!tpu.dma_semaphore, #tpu.memory_space<semaphore_mem>>
    %dma_start3A_18 = arith.constant 0 : i32
    %dma_start3A_19 = arith.constant 0 : i32
    %dma_start3A_20 = tpu.memref_slice %arg7[%dma_start3A, %dma_start3A_18, %dma_start3A_19] : memref<5x4x128xi32, #tpu.memory_space<vmem>> -> memref<1x4x128xi32, #tpu.memory_space<vmem>>
    %dma_start3A_21 = tpu.memref_squeeze %dma_start3A_20 : memref<1x4x128xi32, #tpu.memory_space<vmem>> -> memref<4x128xi32, #tpu.memory_space<vmem>>
    %dma_start3A_22 = arith.constant 0 : i32
    %dma_start3A_23 = tpu.memref_slice %arg2[%add3A_8, %dma_start3A_22] : memref<25088x128xi32, #tpu.memory_space<hbm>> -> memref<4x128xi32, #tpu.memory_space<hbm>>
    tpu.enqueue_dma source(%dma_start3A_23 : memref<4x128xi32, #tpu.memory_space<hbm>>) target(%dma_start3A_21 : memref<4x128xi32, #tpu.memory_space<vmem>>) target_semaphore(%dma_start3A_17 : memref<!tpu.dma_semaphore, #tpu.memory_space<semaphore_mem>>)
    %dma_start3A_24 = arith.constant 0 : i32
    %dma_start3A_25 = arith.constant 0 : i32
    %dma_start3A_26 = arith.constant 0 : i32
    %dma_start3A_27 = arith.constant 0 : i32
    %dma_start3A_28 = tpu.memref_slice %arg8[%dma_start3A_24, %dma_start3A_26, %dma_start3A_27] : memref<5x4x128xi32, #tpu.memory_space<vmem>> -> memref<1x4x128xi32, #tpu.memory_space<vmem>>
    %dma_start3A_29 = tpu.memref_squeeze %dma_start3A_28 : memref<1x4x128xi32, #tpu.memory_space<vmem>> -> memref<4x128xi32, #tpu.memory_space<vmem>>
    %dma_start3A_30 = arith.constant 0 : i32
    %dma_start3A_31 = tpu.memref_slice %arg3[%add3A_8, %dma_start3A_30] : memref<25088x128xi32, #tpu.memory_space<hbm>> -> memref<4x128xi32, #tpu.memory_space<hbm>>
    %dma_start3A_32 = tpu.memref_slice %arg11[%dma_start3A_25] : memref<5x!tpu.dma_semaphore, #tpu.memory_space<semaphore_mem>> -> memref<1x!tpu.dma_semaphore, #tpu.memory_space<semaphore_mem>>
    %dma_start3A_33 = tpu.memref_squeeze %dma_start3A_32 : memref<1x!tpu.dma_semaphore, #tpu.memory_space<semaphore_mem>> -> memref<!tpu.dma_semaphore, #tpu.memory_space<semaphore_mem>>
    %dma_start3A_34 = arith.constant 0 : i32
    %dma_start3A_35 = arith.constant 0 : i32
    %dma_start3A_36 = tpu.memref_slice %arg8[%dma_start3A_24, %dma_start3A_34, %dma_start3A_35] : memref<5x4x128xi32, #tpu.memory_space<vmem>> -> memref<1x4x128xi32, #tpu.memory_space<vmem>>
    %dma_start3A_37 = tpu.memref_squeeze %dma_start3A_36 : memref<1x4x128xi32, #tpu.memory_space<vmem>> -> memref<4x128xi32, #tpu.memory_space<vmem>>
    %dma_start3A_38 = arith.constant 0 : i32
    %dma_start3A_39 = tpu.memref_slice %arg3[%add3A_8, %dma_start3A_38] : memref<25088x128xi32, #tpu.memory_space<hbm>> -> memref<4x128xi32, #tpu.memory_space<hbm>>
    tpu.enqueue_dma source(%dma_start3A_39 : memref<4x128xi32, #tpu.memory_space<hbm>>) target(%dma_start3A_37 : memref<4x128xi32, #tpu.memory_space<vmem>>) target_semaphore(%dma_start3A_33 : memref<!tpu.dma_semaphore, #tpu.memory_space<semaphore_mem>>)
    %dma_wait3A = arith.constant 0 : i32
    %dma_wait3A_40 = arith.constant 0 : i32
    %dma_wait3A_41 = arith.constant 0 : i32
    %dma_wait3A_42 = arith.constant 0 : i32
    %dma_wait3A_43 = tpu.memref_slice %arg7[%dma_wait3A, %dma_wait3A_41, %dma_wait3A_42] : memref<5x4x128xi32, #tpu.memory_space<vmem>> -> memref<1x4x128xi32, #tpu.memory_space<vmem>>
    %dma_wait3A_44 = tpu.memref_squeeze %dma_wait3A_43 : memref<1x4x128xi32, #tpu.memory_space<vmem>> -> memref<4x128xi32, #tpu.memory_space<vmem>>
    %dma_wait3A_45 = arith.constant 0 : i32
    %dma_wait3A_46 = tpu.memref_slice %arg2[%add3A_8, %dma_wait3A_45] : memref<25088x128xi32, #tpu.memory_space<hbm>> -> memref<4x128xi32, #tpu.memory_space<hbm>>
    %dma_wait3A_47 = tpu.memref_slice %arg11[%dma_wait3A_40] : memref<5x!tpu.dma_semaphore, #tpu.memory_space<semaphore_mem>> -> memref<1x!tpu.dma_semaphore, #tpu.memory_space<semaphore_mem>>
    %dma_wait3A_48 = tpu.memref_squeeze %dma_wait3A_47 : memref<1x!tpu.dma_semaphore, #tpu.memory_space<semaphore_mem>> -> memref<!tpu.dma_semaphore, #tpu.memory_space<semaphore_mem>>
    %dma_wait3A_49 = arith.constant 0 : i32
    %dma_wait3A_50 = arith.constant 0 : i32
    %dma_wait3A_51 = tpu.memref_slice %arg7[%dma_wait3A, %dma_wait3A_49, %dma_wait3A_50] : memref<5x4x128xi32, #tpu.memory_space<vmem>> -> memref<1x4x128xi32, #tpu.memory_space<vmem>>
    %dma_wait3A_52 = tpu.memref_squeeze %dma_wait3A_51 : memref<1x4x128xi32, #tpu.memory_space<vmem>> -> memref<4x128xi32, #tpu.memory_space<vmem>>
    %dma_wait3A_53 = arith.constant 0 : i32
    %dma_wait3A_54 = tpu.memref_slice %arg2[%add3A_8, %dma_wait3A_53] : memref<25088x128xi32, #tpu.memory_space<hbm>> -> memref<4x128xi32, #tpu.memory_space<hbm>>
    tpu.wait_dma2 semaphore(%dma_wait3A_48 : memref<!tpu.dma_semaphore, #tpu.memory_space<semaphore_mem>>) src(%dma_wait3A_54 : memref<4x128xi32, #tpu.memory_space<hbm>>) dst(%dma_wait3A_52 : memref<4x128xi32, #tpu.memory_space<vmem>>)
    %dma_wait3A_55 = arith.constant 0 : i32
    %dma_wait3A_56 = arith.constant 0 : i32
    %dma_wait3A_57 = arith.constant 0 : i32
    %dma_wait3A_58 = arith.constant 0 : i32
    %dma_wait3A_59 = tpu.memref_slice %arg8[%dma_wait3A_55, %dma_wait3A_57, %dma_wait3A_58] : memref<5x4x128xi32, #tpu.memory_space<vmem>> -> memref<1x4x128xi32, #tpu.memory_space<vmem>>
    %dma_wait3A_60 = tpu.memref_squeeze %dma_wait3A_59 : memref<1x4x128xi32, #tpu.memory_space<vmem>> -> memref<4x128xi32, #tpu.memory_space<vmem>>
    %dma_wait3A_61 = arith.constant 0 : i32
    %dma_wait3A_62 = tpu.memref_slice %arg3[%add3A_8, %dma_wait3A_61] : memref<25088x128xi32, #tpu.memory_space<hbm>> -> memref<4x128xi32, #tpu.memory_space<hbm>>
    %dma_wait3A_63 = tpu.memref_slice %arg11[%dma_wait3A_56] : memref<5x!tpu.dma_semaphore, #tpu.memory_space<semaphore_mem>> -> memref<1x!tpu.dma_semaphore, #tpu.memory_space<semaphore_mem>>
    %dma_wait3A_64 = tpu.memref_squeeze %dma_wait3A_63 : memref<1x!tpu.dma_semaphore, #tpu.memory_space<semaphore_mem>> -> memref<!tpu.dma_semaphore, #tpu.memory_space<semaphore_mem>>
    %dma_wait3A_65 = arith.constant 0 : i32
    %dma_wait3A_66 = arith.constant 0 : i32
    %dma_wait3A_67 = tpu.memref_slice %arg8[%dma_wait3A_55, %dma_wait3A_65, %dma_wait3A_66] : memref<5x4x128xi32, #tpu.memory_space<vmem>> -> memref<1x4x128xi32, #tpu.memory_space<vmem>>
    %dma_wait3A_68 = tpu.memref_squeeze %dma_wait3A_67 : memref<1x4x128xi32, #tpu.memory_space<vmem>> -> memref<4x128xi32, #tpu.memory_space<vmem>>
    %dma_wait3A_69 = arith.constant 0 : i32
    %dma_wait3A_70 = tpu.memref_slice %arg3[%add3A_8, %dma_wait3A_69] : memref<25088x128xi32, #tpu.memory_space<hbm>> -> memref<4x128xi32, #tpu.memory_space<hbm>>
    tpu.wait_dma2 semaphore(%dma_wait3A_64 : memref<!tpu.dma_semaphore, #tpu.memory_space<semaphore_mem>>) src(%dma_wait3A_70 : memref<4x128xi32, #tpu.memory_space<hbm>>) dst(%dma_wait3A_68 : memref<4x128xi32, #tpu.memory_space<vmem>>)
    %mul3A_71 = arith.constant 784 : i32
    %mul3A_72 = arith.muli %add3A, %mul3A_71 : i32
    %add3A_73 = arith.constant 4 : i32
    %add3A_74 = arith.addi %mul3A_72, %add3A_73 : i32
    %dma_start3A_75 = arith.constant 1 : i32
    %dma_start3A_76 = arith.constant 1 : i32
    %dma_start3A_77 = arith.constant 0 : i32
    %dma_start3A_78 = arith.constant 0 : i32
    %dma_start3A_79 = tpu.memref_slice %arg7[%dma_start3A_75, %dma_start3A_77, %dma_start3A_78] : memref<5x4x128xi32, #tpu.memory_space<vmem>> -> memref<1x4x128xi32, #tpu.memory_space<vmem>>
    %dma_start3A_80 = tpu.memref_squeeze %dma_start3A_79 : memref<1x4x128xi32, #tpu.memory_space<vmem>> -> memref<4x128xi32, #tpu.memory_space<vmem>>
    %dma_start3A_81 = arith.constant 0 : i32
    %dma_start3A_82 = tpu.memref_slice %arg2[%add3A_74, %dma_start3A_81] : memref<25088x128xi32, #tpu.memory_space<hbm>> -> memref<4x128xi32, #tpu.memory_space<hbm>>
    %dma_start3A_83 = tpu.memref_slice %arg11[%dma_start3A_76] : memref<5x!tpu.dma_semaphore, #tpu.memory_space<semaphore_mem>> -> memref<1x!tpu.dma_semaphore, #tpu.memory_space<semaphore_mem>>
    %dma_start3A_84 = tpu.memref_squeeze %dma_start3A_83 : memref<1x!tpu.dma_semaphore, #tpu.memory_space<semaphore_mem>> -> memref<!tpu.dma_semaphore, #tpu.memory_space<semaphore_mem>>
    %dma_start3A_85 = arith.constant 0 : i32
    %dma_start3A_86 = arith.constant 0 : i32
    %dma_start3A_87 = tpu.memref_slice %arg7[%dma_start3A_75, %dma_start3A_85, %dma_start3A_86] : memref<5x4x128xi32, #tpu.memory_space<vmem>> -> memref<1x4x128xi32, #tpu.memory_space<vmem>>
    %dma_start3A_88 = tpu.memref_squeeze %dma_start3A_87 : memref<1x4x128xi32, #tpu.memory_space<vmem>> -> memref<4x128xi32, #tpu.memory_space<vmem>>
    %dma_start3A_89 = arith.constant 0 : i32
    %dma_start3A_90 = tpu.memref_slice %arg2[%add3A_74, %dma_start3A_89] : memref<25088x128xi32, #tpu.memory_space<hbm>> -> memref<4x128xi32, #tpu.memory_space<hbm>>
    tpu.enqueue_dma source(%dma_start3A_90 : memref<4x128xi32, #tpu.memory_space<hbm>>) target(%dma_start3A_88 : memref<4x128xi32, #tpu.memory_space<vmem>>) target_semaphore(%dma_start3A_84 : memref<!tpu.dma_semaphore, #tpu.memory_space<semaphore_mem>>)
    %dma_start3A_91 = arith.constant 1 : i32
    %dma_start3A_92 = arith.constant 1 : i32
    %dma_start3A_93 = arith.constant 0 : i32
    %dma_start3A_94 = arith.constant 0 : i32
    %dma_start3A_95 = tpu.memref_slice %arg8[%dma_start3A_91, %dma_start3A_93, %dma_start3A_94] : memref<5x4x128xi32, #tpu.memory_space<vmem>> -> memref<1x4x128xi32, #tpu.memory_space<vmem>>
    %dma_start3A_96 = tpu.memref_squeeze %dma_start3A_95 : memref<1x4x128xi32, #tpu.memory_space<vmem>> -> memref<4x128xi32, #tpu.memory_space<vmem>>
    %dma_start3A_97 = arith.constant 0 : i32
    %dma_start3A_98 = tpu.memref_slice %arg3[%add3A_74, %dma_start3A_97] : memref<25088x128xi32, #tpu.memory_space<hbm>> -> memref<4x128xi32, #tpu.memory_space<hbm>>
    %dma_start3A_99 = tpu.memref_slice %arg11[%dma_start3A_92] : memref<5x!tpu.dma_semaphore, #tpu.memory_space<semaphore_mem>> -> memref<1x!tpu.dma_semaphore, #tpu.memory_space<semaphore_mem>>
    %dma_start3A_100 = tpu.memref_squeeze %dma_start3A_99 : memref<1x!tpu.dma_semaphore, #tpu.memory_space<semaphore_mem>> -> memref<!tpu.dma_semaphore, #tpu.memory_space<semaphore_mem>>
    %dma_start3A_101 = arith.constant 0 : i32
    %dma_start3A_102 = arith.constant 0 : i32
    %dma_start3A_103 = tpu.memref_slice %arg8[%dma_start3A_91, %dma_start3A_101, %dma_start3A_102] : memref<5x4x128xi32, #tpu.memory_space<vmem>> -> memref<1x4x128xi32, #tpu.memory_space<vmem>>
    %dma_start3A_104 = tpu.memref_squeeze %dma_start3A_103 : memref<1x4x128xi32, #tpu.memory_space<vmem>> -> memref<4x128xi32, #tpu.memory_space<vmem>>
    %dma_start3A_105 = arith.constant 0 : i32
    %dma_start3A_106 = tpu.memref_slice %arg3[%add3A_74, %dma_start3A_105] : memref<25088x128xi32, #tpu.memory_space<hbm>> -> memref<4x128xi32, #tpu.memory_space<hbm>>
    tpu.enqueue_dma source(%dma_start3A_106 : memref<4x128xi32, #tpu.memory_space<hbm>>) target(%dma_start3A_104 : memref<4x128xi32, #tpu.memory_space<vmem>>) target_semaphore(%dma_start3A_100 : memref<!tpu.dma_semaphore, #tpu.memory_space<semaphore_mem>>)
    %dma_wait3A_107 = arith.constant 1 : i32
    %dma_wait3A_108 = arith.constant 1 : i32
    %dma_wait3A_109 = arith.constant 0 : i32
    %dma_wait3A_110 = arith.constant 0 : i32
    %dma_wait3A_111 = tpu.memref_slice %arg7[%dma_wait3A_107, %dma_wait3A_109, %dma_wait3A_110] : memref<5x4x128xi32, #tpu.memory_space<vmem>> -> memref<1x4x128xi32, #tpu.memory_space<vmem>>
    %dma_wait3A_112 = tpu.memref_squeeze %dma_wait3A_111 : memref<1x4x128xi32, #tpu.memory_space<vmem>> -> memref<4x128xi32, #tpu.memory_space<vmem>>
    %dma_wait3A_113 = arith.constant 0 : i32
    %dma_wait3A_114 = tpu.memref_slice %arg2[%add3A_74, %dma_wait3A_113] : memref<25088x128xi32, #tpu.memory_space<hbm>> -> memref<4x128xi32, #tpu.memory_space<hbm>>
    %dma_wait3A_115 = tpu.memref_slice %arg11[%dma_wait3A_108] : memref<5x!tpu.dma_semaphore, #tpu.memory_space<semaphore_mem>> -> memref<1x!tpu.dma_semaphore, #tpu.memory_space<semaphore_mem>>
    %dma_wait3A_116 = tpu.memref_squeeze %dma_wait3A_115 : memref<1x!tpu.dma_semaphore, #tpu.memory_space<semaphore_mem>> -> memref<!tpu.dma_semaphore, #tpu.memory_space<semaphore_mem>>
    %dma_wait3A_117 = arith.constant 0 : i32
    %dma_wait3A_118 = arith.constant 0 : i32
    %dma_wait3A_119 = tpu.memref_slice %arg7[%dma_wait3A_107, %dma_wait3A_117, %dma_wait3A_118] : memref<5x4x128xi32, #tpu.memory_space<vmem>> -> memref<1x4x128xi32, #tpu.memory_space<vmem>>
    %dma_wait3A_120 = tpu.memref_squeeze %dma_wait3A_119 : memref<1x4x128xi32, #tpu.memory_space<vmem>> -> memref<4x128xi32, #tpu.memory_space<vmem>>
    %dma_wait3A_121 = arith.constant 0 : i32
    %dma_wait3A_122 = tpu.memref_slice %arg2[%add3A_74, %dma_wait3A_121] : memref<25088x128xi32, #tpu.memory_space<hbm>> -> memref<4x128xi32, #tpu.memory_space<hbm>>
    tpu.wait_dma2 semaphore(%dma_wait3A_116 : memref<!tpu.dma_semaphore, #tpu.memory_space<semaphore_mem>>) src(%dma_wait3A_122 : memref<4x128xi32, #tpu.memory_space<hbm>>) dst(%dma_wait3A_120 : memref<4x128xi32, #tpu.memory_space<vmem>>)
    %dma_wait3A_123 = arith.constant 1 : i32
    %dma_wait3A_124 = arith.constant 1 : i32
    %dma_wait3A_125 = arith.constant 0 : i32
    %dma_wait3A_126 = arith.constant 0 : i32
    %dma_wait3A_127 = tpu.memref_slice %arg8[%dma_wait3A_123, %dma_wait3A_125, %dma_wait3A_126] : memref<5x4x128xi32, #tpu.memory_space<vmem>> -> memref<1x4x128xi32, #tpu.memory_space<vmem>>
    %dma_wait3A_128 = tpu.memref_squeeze %dma_wait3A_127 : memref<1x4x128xi32, #tpu.memory_space<vmem>> -> memref<4x128xi32, #tpu.memory_space<vmem>>
    %dma_wait3A_129 = arith.constant 0 : i32
    %dma_wait3A_130 = tpu.memref_slice %arg3[%add3A_74, %dma_wait3A_129] : memref<25088x128xi32, #tpu.memory_space<hbm>> -> memref<4x128xi32, #tpu.memory_space<hbm>>
    %dma_wait3A_131 = tpu.memref_slice %arg11[%dma_wait3A_124] : memref<5x!tpu.dma_semaphore, #tpu.memory_space<semaphore_mem>> -> memref<1x!tpu.dma_semaphore, #tpu.memory_space<semaphore_mem>>
    %dma_wait3A_132 = tpu.memref_squeeze %dma_wait3A_131 : memref<1x!tpu.dma_semaphore, #tpu.memory_space<semaphore_mem>> -> memref<!tpu.dma_semaphore, #tpu.memory_space<semaphore_mem>>
    %dma_wait3A_133 = arith.constant 0 : i32
    %dma_wait3A_134 = arith.constant 0 : i32
    %dma_wait3A_135 = tpu.memref_slice %arg8[%dma_wait3A_123, %dma_wait3A_133, %dma_wait3A_134] : memref<5x4x128xi32, #tpu.memory_space<vmem>> -> memref<1x4x128xi32, #tpu.memory_space<vmem>>
    %dma_wait3A_136 = tpu.memref_squeeze %dma_wait3A_135 : memref<1x4x128xi32, #tpu.memory_space<vmem>> -> memref<4x128xi32, #tpu.memory_space<vmem>>
    %dma_wait3A_137 = arith.constant 0 : i32
    %dma_wait3A_138 = tpu.memref_slice %arg3[%add3A_74, %dma_wait3A_137] : memref<25088x128xi32, #tpu.memory_space<hbm>> -> memref<4x128xi32, #tpu.memory_space<hbm>>
    tpu.wait_dma2 semaphore(%dma_wait3A_132 : memref<!tpu.dma_semaphore, #tpu.memory_space<semaphore_mem>>) src(%dma_wait3A_138 : memref<4x128xi32, #tpu.memory_space<hbm>>) dst(%dma_wait3A_136 : memref<4x128xi32, #tpu.memory_space<vmem>>)
    %mul3A_139 = arith.constant 784 : i32
    %mul3A_140 = arith.muli %add3A, %mul3A_139 : i32
    %add3A_141 = arith.constant 8 : i32
    %add3A_142 = arith.addi %mul3A_140, %add3A_141 : i32
    %dma_start3A_143 = arith.constant 2 : i32
    %dma_start3A_144 = arith.constant 2 : i32
    %dma_start3A_145 = arith.constant 0 : i32
    %dma_start3A_146 = arith.constant 0 : i32
    %dma_start3A_147 = tpu.memref_slice %arg7[%dma_start3A_143, %dma_start3A_145, %dma_start3A_146] : memref<5x4x128xi32, #tpu.memory_space<vmem>> -> memref<1x4x128xi32, #tpu.memory_space<vmem>>
    %dma_start3A_148 = tpu.memref_squeeze %dma_start3A_147 : memref<1x4x128xi32, #tpu.memory_space<vmem>> -> memref<4x128xi32, #tpu.memory_space<vmem>>
    %dma_start3A_149 = arith.constant 0 : i32
    %dma_start3A_150 = tpu.memref_slice %arg2[%add3A_142, %dma_start3A_149] : memref<25088x128xi32, #tpu.memory_space<hbm>> -> memref<4x128xi32, #tpu.memory_space<hbm>>
    %dma_start3A_151 = tpu.memref_slice %arg11[%dma_start3A_144] : memref<5x!tpu.dma_semaphore, #tpu.memory_space<semaphore_mem>> -> memref<1x!tpu.dma_semaphore, #tpu.memory_space<semaphore_mem>>
    %dma_start3A_152 = tpu.memref_squeeze %dma_start3A_151 : memref<1x!tpu.dma_semaphore, #tpu.memory_space<semaphore_mem>> -> memref<!tpu.dma_semaphore, #tpu.memory_space<semaphore_mem>>
    %dma_start3A_153 = arith.constant 0 : i32
    %dma_start3A_154 = arith.constant 0 : i32
    %dma_start3A_155 = tpu.memref_slice %arg7[%dma_start3A_143, %dma_start3A_153, %dma_start3A_154] : memref<5x4x128xi32, #tpu.memory_space<vmem>> -> memref<1x4x128xi32, #tpu.memory_space<vmem>>
    %dma_start3A_156 = tpu.memref_squeeze %dma_start3A_155 : memref<1x4x128xi32, #tpu.memory_space<vmem>> -> memref<4x128xi32, #tpu.memory_space<vmem>>
    %dma_start3A_157 = arith.constant 0 : i32
    %dma_start3A_158 = tpu.memref_slice %arg2[%add3A_142, %dma_start3A_157] : memref<25088x128xi32, #tpu.memory_space<hbm>> -> memref<4x128xi32, #tpu.memory_space<hbm>>
    tpu.enqueue_dma source(%dma_start3A_158 : memref<4x128xi32, #tpu.memory_space<hbm>>) target(%dma_start3A_156 : memref<4x128xi32, #tpu.memory_space<vmem>>) target_semaphore(%dma_start3A_152 : memref<!tpu.dma_semaphore, #tpu.memory_space<semaphore_mem>>)
    %dma_start3A_159 = arith.constant 2 : i32
    %dma_start3A_160 = arith.constant 2 : i32
    %dma_start3A_161 = arith.constant 0 : i32
    %dma_start3A_162 = arith.constant 0 : i32
    %dma_start3A_163 = tpu.memref_slice %arg8[%dma_start3A_159, %dma_start3A_161, %dma_start3A_162] : memref<5x4x128xi32, #tpu.memory_space<vmem>> -> memref<1x4x128xi32, #tpu.memory_space<vmem>>
    %dma_start3A_164 = tpu.memref_squeeze %dma_start3A_163 : memref<1x4x128xi32, #tpu.memory_space<vmem>> -> memref<4x128xi32, #tpu.memory_space<vmem>>
    %dma_start3A_165 = arith.constant 0 : i32
    %dma_start3A_166 = tpu.memref_slice %arg3[%add3A_142, %dma_start3A_165] : memref<25088x128xi32, #tpu.memory_space<hbm>> -> memref<4x128xi32, #tpu.memory_space<hbm>>
    %dma_start3A_167 = tpu.memref_slice %arg11[%dma_start3A_160] : memref<5x!tpu.dma_semaphore, #tpu.memory_space<semaphore_mem>> -> memref<1x!tpu.dma_semaphore, #tpu.memory_space<semaphore_mem>>
    %dma_start3A_168 = tpu.memref_squeeze %dma_start3A_167 : memref<1x!tpu.dma_semaphore, #tpu.memory_space<semaphore_mem>> -> memref<!tpu.dma_semaphore, #tpu.memory_space<semaphore_mem>>
    %dma_start3A_169 = arith.constant 0 : i32
    %dma_start3A_170 = arith.constant 0 : i32
    %dma_start3A_171 = tpu.memref_slice %arg8[%dma_start3A_159, %dma_start3A_169, %dma_start3A_170] : memref<5x4x128xi32, #tpu.memory_space<vmem>> -> memref<1x4x128xi32, #tpu.memory_space<vmem>>
    %dma_start3A_172 = tpu.memref_squeeze %dma_start3A_171 : memref<1x4x128xi32, #tpu.memory_space<vmem>> -> memref<4x128xi32, #tpu.memory_space<vmem>>
    %dma_start3A_173 = arith.constant 0 : i32
    %dma_start3A_174 = tpu.memref_slice %arg3[%add3A_142, %dma_start3A_173] : memref<25088x128xi32, #tpu.memory_space<hbm>> -> memref<4x128xi32, #tpu.memory_space<hbm>>
    tpu.enqueue_dma source(%dma_start3A_174 : memref<4x128xi32, #tpu.memory_space<hbm>>) target(%dma_start3A_172 : memref<4x128xi32, #tpu.memory_space<vmem>>) target_semaphore(%dma_start3A_168 : memref<!tpu.dma_semaphore, #tpu.memory_space<semaphore_mem>>)
    %mul3A_175 = arith.constant 784 : i32
    %mul3A_176 = arith.muli %add3A, %mul3A_175 : i32
    %add3A_177 = arith.constant 12 : i32
    %add3A_178 = arith.addi %mul3A_176, %add3A_177 : i32
    %dma_start3A_179 = arith.constant 3 : i32
    %dma_start3A_180 = arith.constant 3 : i32
    %dma_start3A_181 = arith.constant 0 : i32
    %dma_start3A_182 = arith.constant 0 : i32
    %dma_start3A_183 = tpu.memref_slice %arg7[%dma_start3A_179, %dma_start3A_181, %dma_start3A_182] : memref<5x4x128xi32, #tpu.memory_space<vmem>> -> memref<1x4x128xi32, #tpu.memory_space<vmem>>
    %dma_start3A_184 = tpu.memref_squeeze %dma_start3A_183 : memref<1x4x128xi32, #tpu.memory_space<vmem>> -> memref<4x128xi32, #tpu.memory_space<vmem>>
    %dma_start3A_185 = arith.constant 0 : i32
    %dma_start3A_186 = tpu.memref_slice %arg2[%add3A_178, %dma_start3A_185] : memref<25088x128xi32, #tpu.memory_space<hbm>> -> memref<4x128xi32, #tpu.memory_space<hbm>>
    %dma_start3A_187 = tpu.memref_slice %arg11[%dma_start3A_180] : memref<5x!tpu.dma_semaphore, #tpu.memory_space<semaphore_mem>> -> memref<1x!tpu.dma_semaphore, #tpu.memory_space<semaphore_mem>>
    %dma_start3A_188 = tpu.memref_squeeze %dma_start3A_187 : memref<1x!tpu.dma_semaphore, #tpu.memory_space<semaphore_mem>> -> memref<!tpu.dma_semaphore, #tpu.memory_space<semaphore_mem>>
    %dma_start3A_189 = arith.constant 0 : i32
    %dma_start3A_190 = arith.constant 0 : i32
    %dma_start3A_191 = tpu.memref_slice %arg7[%dma_start3A_179, %dma_start3A_189, %dma_start3A_190] : memref<5x4x128xi32, #tpu.memory_space<vmem>> -> memref<1x4x128xi32, #tpu.memory_space<vmem>>
    %dma_start3A_192 = tpu.memref_squeeze %dma_start3A_191 : memref<1x4x128xi32, #tpu.memory_space<vmem>> -> memref<4x128xi32, #tpu.memory_space<vmem>>
    %dma_start3A_193 = arith.constant 0 : i32
    %dma_start3A_194 = tpu.memref_slice %arg2[%add3A_178, %dma_start3A_193] : memref<25088x128xi32, #tpu.memory_space<hbm>> -> memref<4x128xi32, #tpu.memory_space<hbm>>
    tpu.enqueue_dma source(%dma_start3A_194 : memref<4x128xi32, #tpu.memory_space<hbm>>) target(%dma_start3A_192 : memref<4x128xi32, #tpu.memory_space<vmem>>) target_semaphore(%dma_start3A_188 : memref<!tpu.dma_semaphore, #tpu.memory_space<semaphore_mem>>)
    %dma_start3A_195 = arith.constant 3 : i32
    %dma_start3A_196 = arith.constant 3 : i32
    %dma_start3A_197 = arith.constant 0 : i32
    %dma_start3A_198 = arith.constant 0 : i32
    %dma_start3A_199 = tpu.memref_slice %arg8[%dma_start3A_195, %dma_start3A_197, %dma_start3A_198] : memref<5x4x128xi32, #tpu.memory_space<vmem>> -> memref<1x4x128xi32, #tpu.memory_space<vmem>>
    %dma_start3A_200 = tpu.memref_squeeze %dma_start3A_199 : memref<1x4x128xi32, #tpu.memory_space<vmem>> -> memref<4x128xi32, #tpu.memory_space<vmem>>
    %dma_start3A_201 = arith.constant 0 : i32
    %dma_start3A_202 = tpu.memref_slice %arg3[%add3A_178, %dma_start3A_201] : memref<25088x128xi32, #tpu.memory_space<hbm>> -> memref<4x128xi32, #tpu.memory_space<hbm>>
    %dma_start3A_203 = tpu.memref_slice %arg11[%dma_start3A_196] : memref<5x!tpu.dma_semaphore, #tpu.memory_space<semaphore_mem>> -> memref<1x!tpu.dma_semaphore, #tpu.memory_space<semaphore_mem>>
    %dma_start3A_204 = tpu.memref_squeeze %dma_start3A_203 : memref<1x!tpu.dma_semaphore, #tpu.memory_space<semaphore_mem>> -> memref<!tpu.dma_semaphore, #tpu.memory_space<semaphore_mem>>
    %dma_start3A_205 = arith.constant 0 : i32
    %dma_start3A_206 = arith.constant 0 : i32
    %dma_start3A_207 = tpu.memref_slice %arg8[%dma_start3A_195, %dma_start3A_205, %dma_start3A_206] : memref<5x4x128xi32, #tpu.memory_space<vmem>> -> memref<1x4x128xi32, #tpu.memory_space<vmem>>
    %dma_start3A_208 = tpu.memref_squeeze %dma_start3A_207 : memref<1x4x128xi32, #tpu.memory_space<vmem>> -> memref<4x128xi32, #tpu.memory_space<vmem>>
    %dma_start3A_209 = arith.constant 0 : i32
    %dma_start3A_210 = tpu.memref_slice %arg3[%add3A_178, %dma_start3A_209] : memref<25088x128xi32, #tpu.memory_space<hbm>> -> memref<4x128xi32, #tpu.memory_space<hbm>>
    tpu.enqueue_dma source(%dma_start3A_210 : memref<4x128xi32, #tpu.memory_space<hbm>>) target(%dma_start3A_208 : memref<4x128xi32, #tpu.memory_space<vmem>>) target_semaphore(%dma_start3A_204 : memref<!tpu.dma_semaphore, #tpu.memory_space<semaphore_mem>>)
    %dma_start3A_211 = arith.constant 0 : i32
    %dma_start3A_212 = arith.constant 0 : i32
    %dma_start3A_213 = arith.constant 0 : i32
    %dma_start3A_214 = arith.constant 0 : i32
    %dma_start3A_215 = arith.constant 0 : i32
    %dma_start3A_216 = arith.constant 0 : i32
    %dma_start3A_217 = arith.constant 0 : i32
    %dma_start3A_218 = tpu.memref_slice %arg9[%dma_start3A_213, %dma_start3A_214, %dma_start3A_216, %dma_start3A_217] : memref<3x4x128x16xf32, #tpu.memory_space<vmem>> -> memref<1x1x128x16xf32, #tpu.memory_space<vmem>>
    %dma_start3A_219 = tpu.memref_squeeze %dma_start3A_218 : memref<1x1x128x16xf32, #tpu.memory_space<vmem>> -> memref<128x16xf32, #tpu.memory_space<vmem>>
    %dma_start3A_220 = arith.constant 0 : i32
    %dma_start3A_221 = tpu.memref_slice %arg7[%dma_start3A_211, %dma_start3A_212, %dma_start3A_220] : memref<5x4x128xi32, #tpu.memory_space<vmem>> -> memref<1x1x128xi32, #tpu.memory_space<vmem>>
    %dma_start3A_222 = tpu.memref_squeeze %dma_start3A_221 : memref<1x1x128xi32, #tpu.memory_space<vmem>> -> memref<128xi32, #tpu.memory_space<vmem>>
    %dma_start3A_223 = arith.constant 0 : i32
    %dma_start3A_224 = arith.constant 0 : i32
    %dma_start3A_225 = tpu.memref_slice %arg4[%dma_start3A_223, %dma_start3A_224] : memref<100352x16xf32, #tpu.memory_space<hbm>> -> memref<100352x16xf32, #tpu.memory_space<hbm>>
    %dma_start3A_226 = tpu.memref_slice %arg12[%dma_start3A_215] : memref<3x!tpu.dma_semaphore, #tpu.memory_space<semaphore_mem>> -> memref<1x!tpu.dma_semaphore, #tpu.memory_space<semaphore_mem>>
    %dma_start3A_227 = tpu.memref_squeeze %dma_start3A_226 : memref<1x!tpu.dma_semaphore, #tpu.memory_space<semaphore_mem>> -> memref<!tpu.dma_semaphore, #tpu.memory_space<semaphore_mem>>
    tpu.enqueue_indirect_dma source(%dma_start3A_225 : memref<100352x16xf32, #tpu.memory_space<hbm>>) target(%dma_start3A_219 : memref<128x16xf32, #tpu.memory_space<vmem>>) offsets(%dma_start3A_222 : memref<128xi32, #tpu.memory_space<vmem>>) semaphore(%dma_start3A_227 : memref<!tpu.dma_semaphore, #tpu.memory_space<semaphore_mem>>)
    %dma_start3A_228 = arith.constant 0 : i32
    %dma_start3A_229 = arith.constant 1 : i32
    %dma_start3A_230 = arith.constant 0 : i32
    %dma_start3A_231 = arith.constant 1 : i32
    %dma_start3A_232 = arith.constant 0 : i32
    %dma_start3A_233 = arith.constant 0 : i32
    %dma_start3A_234 = arith.constant 0 : i32
    %dma_start3A_235 = tpu.memref_slice %arg9[%dma_start3A_230, %dma_start3A_231, %dma_start3A_233, %dma_start3A_234] : memref<3x4x128x16xf32, #tpu.memory_space<vmem>> -> memref<1x1x128x16xf32, #tpu.memory_space<vmem>>
    %dma_start3A_236 = tpu.memref_squeeze %dma_start3A_235 : memref<1x1x128x16xf32, #tpu.memory_space<vmem>> -> memref<128x16xf32, #tpu.memory_space<vmem>>
    %dma_start3A_237 = arith.constant 0 : i32
    %dma_start3A_238 = tpu.memref_slice %arg7[%dma_start3A_228, %dma_start3A_229, %dma_start3A_237] : memref<5x4x128xi32, #tpu.memory_space<vmem>> -> memref<1x1x128xi32, #tpu.memory_space<vmem>>
    %dma_start3A_239 = tpu.memref_squeeze %dma_start3A_238 : memref<1x1x128xi32, #tpu.memory_space<vmem>> -> memref<128xi32, #tpu.memory_space<vmem>>
    %dma_start3A_240 = arith.constant 0 : i32
    %dma_start3A_241 = arith.constant 0 : i32
    %dma_start3A_242 = tpu.memref_slice %arg4[%dma_start3A_240, %dma_start3A_241] : memref<100352x16xf32, #tpu.memory_space<hbm>> -> memref<100352x16xf32, #tpu.memory_space<hbm>>
    %dma_start3A_243 = tpu.memref_slice %arg12[%dma_start3A_232] : memref<3x!tpu.dma_semaphore, #tpu.memory_space<semaphore_mem>> -> memref<1x!tpu.dma_semaphore, #tpu.memory_space<semaphore_mem>>
    %dma_start3A_244 = tpu.memref_squeeze %dma_start3A_243 : memref<1x!tpu.dma_semaphore, #tpu.memory_space<semaphore_mem>> -> memref<!tpu.dma_semaphore, #tpu.memory_space<semaphore_mem>>
    tpu.enqueue_indirect_dma source(%dma_start3A_242 : memref<100352x16xf32, #tpu.memory_space<hbm>>) target(%dma_start3A_236 : memref<128x16xf32, #tpu.memory_space<vmem>>) offsets(%dma_start3A_239 : memref<128xi32, #tpu.memory_space<vmem>>) semaphore(%dma_start3A_244 : memref<!tpu.dma_semaphore, #tpu.memory_space<semaphore_mem>>)
    %dma_start3A_245 = arith.constant 0 : i32
    %dma_start3A_246 = arith.constant 2 : i32
    %dma_start3A_247 = arith.constant 0 : i32
    %dma_start3A_248 = arith.constant 2 : i32
    %dma_start3A_249 = arith.constant 0 : i32
    %dma_start3A_250 = arith.constant 0 : i32
    %dma_start3A_251 = arith.constant 0 : i32
    %dma_start3A_252 = tpu.memref_slice %arg9[%dma_start3A_247, %dma_start3A_248, %dma_start3A_250, %dma_start3A_251] : memref<3x4x128x16xf32, #tpu.memory_space<vmem>> -> memref<1x1x128x16xf32, #tpu.memory_space<vmem>>
    %dma_start3A_253 = tpu.memref_squeeze %dma_start3A_252 : memref<1x1x128x16xf32, #tpu.memory_space<vmem>> -> memref<128x16xf32, #tpu.memory_space<vmem>>
    %dma_start3A_254 = arith.constant 0 : i32
    %dma_start3A_255 = tpu.memref_slice %arg7[%dma_start3A_245, %dma_start3A_246, %dma_start3A_254] : memref<5x4x128xi32, #tpu.memory_space<vmem>> -> memref<1x1x128xi32, #tpu.memory_space<vmem>>
    %dma_start3A_256 = tpu.memref_squeeze %dma_start3A_255 : memref<1x1x128xi32, #tpu.memory_space<vmem>> -> memref<128xi32, #tpu.memory_space<vmem>>
    %dma_start3A_257 = arith.constant 0 : i32
    %dma_start3A_258 = arith.constant 0 : i32
    %dma_start3A_259 = tpu.memref_slice %arg4[%dma_start3A_257, %dma_start3A_258] : memref<100352x16xf32, #tpu.memory_space<hbm>> -> memref<100352x16xf32, #tpu.memory_space<hbm>>
    %dma_start3A_260 = tpu.memref_slice %arg12[%dma_start3A_249] : memref<3x!tpu.dma_semaphore, #tpu.memory_space<semaphore_mem>> -> memref<1x!tpu.dma_semaphore, #tpu.memory_space<semaphore_mem>>
    %dma_start3A_261 = tpu.memref_squeeze %dma_start3A_260 : memref<1x!tpu.dma_semaphore, #tpu.memory_space<semaphore_mem>> -> memref<!tpu.dma_semaphore, #tpu.memory_space<semaphore_mem>>
    tpu.enqueue_indirect_dma source(%dma_start3A_259 : memref<100352x16xf32, #tpu.memory_space<hbm>>) target(%dma_start3A_253 : memref<128x16xf32, #tpu.memory_space<vmem>>) offsets(%dma_start3A_256 : memref<128xi32, #tpu.memory_space<vmem>>) semaphore(%dma_start3A_261 : memref<!tpu.dma_semaphore, #tpu.memory_space<semaphore_mem>>)
    %dma_start3A_262 = arith.constant 0 : i32
    %dma_start3A_263 = arith.constant 3 : i32
    %dma_start3A_264 = arith.constant 0 : i32
    %dma_start3A_265 = arith.constant 3 : i32
    %dma_start3A_266 = arith.constant 0 : i32
    %dma_start3A_267 = arith.constant 0 : i32
    %dma_start3A_268 = arith.constant 0 : i32
    %dma_start3A_269 = tpu.memref_slice %arg9[%dma_start3A_264, %dma_start3A_265, %dma_start3A_267, %dma_start3A_268] : memref<3x4x128x16xf32, #tpu.memory_space<vmem>> -> memref<1x1x128x16xf32, #tpu.memory_space<vmem>>
    %dma_start3A_270 = tpu.memref_squeeze %dma_start3A_269 : memref<1x1x128x16xf32, #tpu.memory_space<vmem>> -> memref<128x16xf32, #tpu.memory_space<vmem>>
    %dma_start3A_271 = arith.constant 0 : i32
    %dma_start3A_272 = tpu.memref_slice %arg7[%dma_start3A_262, %dma_start3A_263, %dma_start3A_271] : memref<5x4x128xi32, #tpu.memory_space<vmem>> -> memref<1x1x128xi32, #tpu.memory_space<vmem>>
    %dma_start3A_273 = tpu.memref_squeeze %dma_start3A_272 : memref<1x1x128xi32, #tpu.memory_space<vmem>> -> memref<128xi32, #tpu.memory_space<vmem>>
    %dma_start3A_274 = arith.constant 0 : i32
    %dma_start3A_275 = arith.constant 0 : i32
    %dma_start3A_276 = tpu.memref_slice %arg4[%dma_start3A_274, %dma_start3A_275] : memref<100352x16xf32, #tpu.memory_space<hbm>> -> memref<100352x16xf32, #tpu.memory_space<hbm>>
    %dma_start3A_277 = tpu.memref_slice %arg12[%dma_start3A_266] : memref<3x!tpu.dma_semaphore, #tpu.memory_space<semaphore_mem>> -> memref<1x!tpu.dma_semaphore, #tpu.memory_space<semaphore_mem>>
    %dma_start3A_278 = tpu.memref_squeeze %dma_start3A_277 : memref<1x!tpu.dma_semaphore, #tpu.memory_space<semaphore_mem>> -> memref<!tpu.dma_semaphore, #tpu.memory_space<semaphore_mem>>
    tpu.enqueue_indirect_dma source(%dma_start3A_276 : memref<100352x16xf32, #tpu.memory_space<hbm>>) target(%dma_start3A_270 : memref<128x16xf32, #tpu.memory_space<vmem>>) offsets(%dma_start3A_273 : memref<128xi32, #tpu.memory_space<vmem>>) semaphore(%dma_start3A_278 : memref<!tpu.dma_semaphore, #tpu.memory_space<semaphore_mem>>)
    %dma_start3A_279 = arith.constant 1 : i32
    %dma_start3A_280 = arith.constant 0 : i32
    %dma_start3A_281 = arith.constant 1 : i32
    %dma_start3A_282 = arith.constant 0 : i32
    %dma_start3A_283 = arith.constant 1 : i32
    %dma_start3A_284 = arith.constant 0 : i32
    %dma_start3A_285 = arith.constant 0 : i32
    %dma_start3A_286 = tpu.memref_slice %arg9[%dma_start3A_281, %dma_start3A_282, %dma_start3A_284, %dma_start3A_285] : memref<3x4x128x16xf32, #tpu.memory_space<vmem>> -> memref<1x1x128x16xf32, #tpu.memory_space<vmem>>
    %dma_start3A_287 = tpu.memref_squeeze %dma_start3A_286 : memref<1x1x128x16xf32, #tpu.memory_space<vmem>> -> memref<128x16xf32, #tpu.memory_space<vmem>>
    %dma_start3A_288 = arith.constant 0 : i32
    %dma_start3A_289 = tpu.memref_slice %arg7[%dma_start3A_279, %dma_start3A_280, %dma_start3A_288] : memref<5x4x128xi32, #tpu.memory_space<vmem>> -> memref<1x1x128xi32, #tpu.memory_space<vmem>>
    %dma_start3A_290 = tpu.memref_squeeze %dma_start3A_289 : memref<1x1x128xi32, #tpu.memory_space<vmem>> -> memref<128xi32, #tpu.memory_space<vmem>>
    %dma_start3A_291 = arith.constant 0 : i32
    %dma_start3A_292 = arith.constant 0 : i32
    %dma_start3A_293 = tpu.memref_slice %arg4[%dma_start3A_291, %dma_start3A_292] : memref<100352x16xf32, #tpu.memory_space<hbm>> -> memref<100352x16xf32, #tpu.memory_space<hbm>>
    %dma_start3A_294 = tpu.memref_slice %arg12[%dma_start3A_283] : memref<3x!tpu.dma_semaphore, #tpu.memory_space<semaphore_mem>> -> memref<1x!tpu.dma_semaphore, #tpu.memory_space<semaphore_mem>>
    %dma_start3A_295 = tpu.memref_squeeze %dma_start3A_294 : memref<1x!tpu.dma_semaphore, #tpu.memory_space<semaphore_mem>> -> memref<!tpu.dma_semaphore, #tpu.memory_space<semaphore_mem>>
    tpu.enqueue_indirect_dma source(%dma_start3A_293 : memref<100352x16xf32, #tpu.memory_space<hbm>>) target(%dma_start3A_287 : memref<128x16xf32, #tpu.memory_space<vmem>>) offsets(%dma_start3A_290 : memref<128xi32, #tpu.memory_space<vmem>>) semaphore(%dma_start3A_295 : memref<!tpu.dma_semaphore, #tpu.memory_space<semaphore_mem>>)
    %dma_start3A_296 = arith.constant 1 : i32
    %dma_start3A_297 = arith.constant 1 : i32
    %dma_start3A_298 = arith.constant 1 : i32
    %dma_start3A_299 = arith.constant 1 : i32
    %dma_start3A_300 = arith.constant 1 : i32
    %dma_start3A_301 = arith.constant 0 : i32
    %dma_start3A_302 = arith.constant 0 : i32
    %dma_start3A_303 = tpu.memref_slice %arg9[%dma_start3A_298, %dma_start3A_299, %dma_start3A_301, %dma_start3A_302] : memref<3x4x128x16xf32, #tpu.memory_space<vmem>> -> memref<1x1x128x16xf32, #tpu.memory_space<vmem>>
    %dma_start3A_304 = tpu.memref_squeeze %dma_start3A_303 : memref<1x1x128x16xf32, #tpu.memory_space<vmem>> -> memref<128x16xf32, #tpu.memory_space<vmem>>
    %dma_start3A_305 = arith.constant 0 : i32
    %dma_start3A_306 = tpu.memref_slice %arg7[%dma_start3A_296, %dma_start3A_297, %dma_start3A_305] : memref<5x4x128xi32, #tpu.memory_space<vmem>> -> memref<1x1x128xi32, #tpu.memory_space<vmem>>
    %dma_start3A_307 = tpu.memref_squeeze %dma_start3A_306 : memref<1x1x128xi32, #tpu.memory_space<vmem>> -> memref<128xi32, #tpu.memory_space<vmem>>
    %dma_start3A_308 = arith.constant 0 : i32
    %dma_start3A_309 = arith.constant 0 : i32
    %dma_start3A_310 = tpu.memref_slice %arg4[%dma_start3A_308, %dma_start3A_309] : memref<100352x16xf32, #tpu.memory_space<hbm>> -> memref<100352x16xf32, #tpu.memory_space<hbm>>
    %dma_start3A_311 = tpu.memref_slice %arg12[%dma_start3A_300] : memref<3x!tpu.dma_semaphore, #tpu.memory_space<semaphore_mem>> -> memref<1x!tpu.dma_semaphore, #tpu.memory_space<semaphore_mem>>
    %dma_start3A_312 = tpu.memref_squeeze %dma_start3A_311 : memref<1x!tpu.dma_semaphore, #tpu.memory_space<semaphore_mem>> -> memref<!tpu.dma_semaphore, #tpu.memory_space<semaphore_mem>>
    tpu.enqueue_indirect_dma source(%dma_start3A_310 : memref<100352x16xf32, #tpu.memory_space<hbm>>) target(%dma_start3A_304 : memref<128x16xf32, #tpu.memory_space<vmem>>) offsets(%dma_start3A_307 : memref<128xi32, #tpu.memory_space<vmem>>) semaphore(%dma_start3A_312 : memref<!tpu.dma_semaphore, #tpu.memory_space<semaphore_mem>>)
    %dma_start3A_313 = arith.constant 1 : i32
    %dma_start3A_314 = arith.constant 2 : i32
    %dma_start3A_315 = arith.constant 1 : i32
    %dma_start3A_316 = arith.constant 2 : i32
    %dma_start3A_317 = arith.constant 1 : i32
    %dma_start3A_318 = arith.constant 0 : i32
    %dma_start3A_319 = arith.constant 0 : i32
    %dma_start3A_320 = tpu.memref_slice %arg9[%dma_start3A_315, %dma_start3A_316, %dma_start3A_318, %dma_start3A_319] : memref<3x4x128x16xf32, #tpu.memory_space<vmem>> -> memref<1x1x128x16xf32, #tpu.memory_space<vmem>>
    %dma_start3A_321 = tpu.memref_squeeze %dma_start3A_320 : memref<1x1x128x16xf32, #tpu.memory_space<vmem>> -> memref<128x16xf32, #tpu.memory_space<vmem>>
    %dma_start3A_322 = arith.constant 0 : i32
    %dma_start3A_323 = tpu.memref_slice %arg7[%dma_start3A_313, %dma_start3A_314, %dma_start3A_322] : memref<5x4x128xi32, #tpu.memory_space<vmem>> -> memref<1x1x128xi32, #tpu.memory_space<vmem>>
    %dma_start3A_324 = tpu.memref_squeeze %dma_start3A_323 : memref<1x1x128xi32, #tpu.memory_space<vmem>> -> memref<128xi32, #tpu.memory_space<vmem>>
    %dma_start3A_325 = arith.constant 0 : i32
    %dma_start3A_326 = arith.constant 0 : i32
    %dma_start3A_327 = tpu.memref_slice %arg4[%dma_start3A_325, %dma_start3A_326] : memref<100352x16xf32, #tpu.memory_space<hbm>> -> memref<100352x16xf32, #tpu.memory_space<hbm>>
    %dma_start3A_328 = tpu.memref_slice %arg12[%dma_start3A_317] : memref<3x!tpu.dma_semaphore, #tpu.memory_space<semaphore_mem>> -> memref<1x!tpu.dma_semaphore, #tpu.memory_space<semaphore_mem>>
    %dma_start3A_329 = tpu.memref_squeeze %dma_start3A_328 : memref<1x!tpu.dma_semaphore, #tpu.memory_space<semaphore_mem>> -> memref<!tpu.dma_semaphore, #tpu.memory_space<semaphore_mem>>
    tpu.enqueue_indirect_dma source(%dma_start3A_327 : memref<100352x16xf32, #tpu.memory_space<hbm>>) target(%dma_start3A_321 : memref<128x16xf32, #tpu.memory_space<vmem>>) offsets(%dma_start3A_324 : memref<128xi32, #tpu.memory_space<vmem>>) semaphore(%dma_start3A_329 : memref<!tpu.dma_semaphore, #tpu.memory_space<semaphore_mem>>)
    %dma_start3A_330 = arith.constant 1 : i32
    %dma_start3A_331 = arith.constant 3 : i32
    %dma_start3A_332 = arith.constant 1 : i32
    %dma_start3A_333 = arith.constant 3 : i32
    %dma_start3A_334 = arith.constant 1 : i32
    %dma_start3A_335 = arith.constant 0 : i32
    %dma_start3A_336 = arith.constant 0 : i32
    %dma_start3A_337 = tpu.memref_slice %arg9[%dma_start3A_332, %dma_start3A_333, %dma_start3A_335, %dma_start3A_336] : memref<3x4x128x16xf32, #tpu.memory_space<vmem>> -> memref<1x1x128x16xf32, #tpu.memory_space<vmem>>
    %dma_start3A_338 = tpu.memref_squeeze %dma_start3A_337 : memref<1x1x128x16xf32, #tpu.memory_space<vmem>> -> memref<128x16xf32, #tpu.memory_space<vmem>>
    %dma_start3A_339 = arith.constant 0 : i32
    %dma_start3A_340 = tpu.memref_slice %arg7[%dma_start3A_330, %dma_start3A_331, %dma_start3A_339] : memref<5x4x128xi32, #tpu.memory_space<vmem>> -> memref<1x1x128xi32, #tpu.memory_space<vmem>>
    %dma_start3A_341 = tpu.memref_squeeze %dma_start3A_340 : memref<1x1x128xi32, #tpu.memory_space<vmem>> -> memref<128xi32, #tpu.memory_space<vmem>>
    %dma_start3A_342 = arith.constant 0 : i32
    %dma_start3A_343 = arith.constant 0 : i32
    %dma_start3A_344 = tpu.memref_slice %arg4[%dma_start3A_342, %dma_start3A_343] : memref<100352x16xf32, #tpu.memory_space<hbm>> -> memref<100352x16xf32, #tpu.memory_space<hbm>>
    %dma_start3A_345 = tpu.memref_slice %arg12[%dma_start3A_334] : memref<3x!tpu.dma_semaphore, #tpu.memory_space<semaphore_mem>> -> memref<1x!tpu.dma_semaphore, #tpu.memory_space<semaphore_mem>>
    %dma_start3A_346 = tpu.memref_squeeze %dma_start3A_345 : memref<1x!tpu.dma_semaphore, #tpu.memory_space<semaphore_mem>> -> memref<!tpu.dma_semaphore, #tpu.memory_space<semaphore_mem>>
    tpu.enqueue_indirect_dma source(%dma_start3A_344 : memref<100352x16xf32, #tpu.memory_space<hbm>>) target(%dma_start3A_338 : memref<128x16xf32, #tpu.memory_space<vmem>>) offsets(%dma_start3A_341 : memref<128xi32, #tpu.memory_space<vmem>>) semaphore(%dma_start3A_346 : memref<!tpu.dma_semaphore, #tpu.memory_space<semaphore_mem>>)
    %scan3A = arith.constant 0 : i32
    %scan3A_347 = arith.constant 0 : i32
    %scan3A_348 = arith.constant 196 : i32
    %scan3A_349 = arith.addi %scan3A_347, %scan3A_348 : i32
    %scan3A_350 = arith.constant 1 : i32
    scf.for %scan3A_413 = %scan3A_347 to %scan3A_349 step %scan3A_350  : i32 {
      %rem3A = arith.constant 3 : i32
      %rem3A_414 = arith.remsi %scan3A_413, %rem3A : i32
      %add3A_415 = arith.constant 2 : i32
      %add3A_416 = arith.addi %scan3A_413, %add3A_415 : i32
      %rem3A_417 = arith.constant 3 : i32
      %rem3A_418 = arith.remsi %add3A_416, %rem3A_417 : i32
      %add3A_419 = arith.constant 2 : i32
      %add3A_420 = arith.addi %scan3A_413, %add3A_419 : i32
      %rem3A_421 = arith.constant 3 : i32
      %rem3A_422 = arith.remsi %add3A_420, %rem3A_421 : i32
      %rem3A_423 = arith.constant 5 : i32
      %rem3A_424 = arith.remsi %scan3A_413, %rem3A_423 : i32
      %add3A_425 = arith.constant 2 : i32
      %add3A_426 = arith.addi %scan3A_413, %add3A_425 : i32
      %rem3A_427 = arith.constant 5 : i32
      %rem3A_428 = arith.remsi %add3A_426, %rem3A_427 : i32
      %add3A_429 = arith.constant 4 : i32
      %add3A_430 = arith.addi %scan3A_413, %add3A_429 : i32
      %rem3A_431 = arith.constant 5 : i32
      %rem3A_432 = arith.remsi %add3A_430, %rem3A_431 : i32
      %gt3A = arith.constant 0 : i32
      %gt3A_433 = arith.cmpi sgt, %scan3A_413, %gt3A : i32
      %convert_element_type3A = arith.extui %gt3A_433 : i1 to i32
      %cond3A = arith.constant 0 : i32
      %cond3A_434 = arith.cmpi ne, %convert_element_type3A, %cond3A : i32
      scf.if %cond3A_434 {
        %dma_wait3A_552 = arith.constant 0 : i32
        %dma_wait3A_553 = arith.constant 0 : i32
        %dma_wait3A_554 = arith.constant 0 : i32
        %dma_wait3A_555 = arith.constant 0 : i32
        %dma_wait3A_556 = tpu.memref_slice %arg9[%rem3A_422, %dma_wait3A_552, %dma_wait3A_554, %dma_wait3A_555] : memref<3x4x128x16xf32, #tpu.memory_space<vmem>> -> memref<1x1x128x16xf32, #tpu.memory_space<vmem>>
        %dma_wait3A_557 = tpu.memref_squeeze %dma_wait3A_556 : memref<1x1x128x16xf32, #tpu.memory_space<vmem>> -> memref<128x16xf32, #tpu.memory_space<vmem>>
        %dma_wait3A_558 = arith.constant 0 : i32
        %dma_wait3A_559 = tpu.memref_slice %arg8[%rem3A_432, %dma_wait3A_553, %dma_wait3A_558] : memref<5x4x128xi32, #tpu.memory_space<vmem>> -> memref<1x1x128xi32, #tpu.memory_space<vmem>>
        %dma_wait3A_560 = tpu.memref_squeeze %dma_wait3A_559 : memref<1x1x128xi32, #tpu.memory_space<vmem>> -> memref<128xi32, #tpu.memory_space<vmem>>
        %dma_wait3A_561 = arith.constant 0 : i32
        %dma_wait3A_562 = arith.constant 0 : i32
        %dma_wait3A_563 = tpu.memref_slice %arg10[%dma_wait3A_561, %dma_wait3A_562] : memref<100352x16xf32, #tpu.memory_space<vmem_shared>> -> memref<100352x16xf32, #tpu.memory_space<vmem_shared>>
        tpu.wait_indirect_dma semaphore(%arg13 : memref<!tpu.dma_semaphore, #tpu.memory_space<semaphore_mem>>) src(%dma_wait3A_557 : memref<128x16xf32, #tpu.memory_space<vmem>>) dst(%dma_wait3A_563 : memref<100352x16xf32, #tpu.memory_space<vmem_shared>>)
        %dma_wait3A_564 = arith.constant 1 : i32
        %dma_wait3A_565 = arith.constant 1 : i32
        %dma_wait3A_566 = arith.constant 0 : i32
        %dma_wait3A_567 = arith.constant 0 : i32
        %dma_wait3A_568 = tpu.memref_slice %arg9[%rem3A_422, %dma_wait3A_564, %dma_wait3A_566, %dma_wait3A_567] : memref<3x4x128x16xf32, #tpu.memory_space<vmem>> -> memref<1x1x128x16xf32, #tpu.memory_space<vmem>>
        %dma_wait3A_569 = tpu.memref_squeeze %dma_wait3A_568 : memref<1x1x128x16xf32, #tpu.memory_space<vmem>> -> memref<128x16xf32, #tpu.memory_space<vmem>>
        %dma_wait3A_570 = arith.constant 0 : i32
        %dma_wait3A_571 = tpu.memref_slice %arg8[%rem3A_432, %dma_wait3A_565, %dma_wait3A_570] : memref<5x4x128xi32, #tpu.memory_space<vmem>> -> memref<1x1x128xi32, #tpu.memory_space<vmem>>
        %dma_wait3A_572 = tpu.memref_squeeze %dma_wait3A_571 : memref<1x1x128xi32, #tpu.memory_space<vmem>> -> memref<128xi32, #tpu.memory_space<vmem>>
        %dma_wait3A_573 = arith.constant 0 : i32
        %dma_wait3A_574 = arith.constant 0 : i32
        %dma_wait3A_575 = tpu.memref_slice %arg10[%dma_wait3A_573, %dma_wait3A_574] : memref<100352x16xf32, #tpu.memory_space<vmem_shared>> -> memref<100352x16xf32, #tpu.memory_space<vmem_shared>>
        tpu.wait_indirect_dma semaphore(%arg13 : memref<!tpu.dma_semaphore, #tpu.memory_space<semaphore_mem>>) src(%dma_wait3A_569 : memref<128x16xf32, #tpu.memory_space<vmem>>) dst(%dma_wait3A_575 : memref<100352x16xf32, #tpu.memory_space<vmem_shared>>)
        %dma_wait3A_576 = arith.constant 2 : i32
        %dma_wait3A_577 = arith.constant 2 : i32
        %dma_wait3A_578 = arith.constant 0 : i32
        %dma_wait3A_579 = arith.constant 0 : i32
        %dma_wait3A_580 = tpu.memref_slice %arg9[%rem3A_422, %dma_wait3A_576, %dma_wait3A_578, %dma_wait3A_579] : memref<3x4x128x16xf32, #tpu.memory_space<vmem>> -> memref<1x1x128x16xf32, #tpu.memory_space<vmem>>
        %dma_wait3A_581 = tpu.memref_squeeze %dma_wait3A_580 : memref<1x1x128x16xf32, #tpu.memory_space<vmem>> -> memref<128x16xf32, #tpu.memory_space<vmem>>
        %dma_wait3A_582 = arith.constant 0 : i32
        %dma_wait3A_583 = tpu.memref_slice %arg8[%rem3A_432, %dma_wait3A_577, %dma_wait3A_582] : memref<5x4x128xi32, #tpu.memory_space<vmem>> -> memref<1x1x128xi32, #tpu.memory_space<vmem>>
        %dma_wait3A_584 = tpu.memref_squeeze %dma_wait3A_583 : memref<1x1x128xi32, #tpu.memory_space<vmem>> -> memref<128xi32, #tpu.memory_space<vmem>>
        %dma_wait3A_585 = arith.constant 0 : i32
        %dma_wait3A_586 = arith.constant 0 : i32
        %dma_wait3A_587 = tpu.memref_slice %arg10[%dma_wait3A_585, %dma_wait3A_586] : memref<100352x16xf32, #tpu.memory_space<vmem_shared>> -> memref<100352x16xf32, #tpu.memory_space<vmem_shared>>
        tpu.wait_indirect_dma semaphore(%arg13 : memref<!tpu.dma_semaphore, #tpu.memory_space<semaphore_mem>>) src(%dma_wait3A_581 : memref<128x16xf32, #tpu.memory_space<vmem>>) dst(%dma_wait3A_587 : memref<100352x16xf32, #tpu.memory_space<vmem_shared>>)
        %dma_wait3A_588 = arith.constant 3 : i32
        %dma_wait3A_589 = arith.constant 3 : i32
        %dma_wait3A_590 = arith.constant 0 : i32
        %dma_wait3A_591 = arith.constant 0 : i32
        %dma_wait3A_592 = tpu.memref_slice %arg9[%rem3A_422, %dma_wait3A_588, %dma_wait3A_590, %dma_wait3A_591] : memref<3x4x128x16xf32, #tpu.memory_space<vmem>> -> memref<1x1x128x16xf32, #tpu.memory_space<vmem>>
        %dma_wait3A_593 = tpu.memref_squeeze %dma_wait3A_592 : memref<1x1x128x16xf32, #tpu.memory_space<vmem>> -> memref<128x16xf32, #tpu.memory_space<vmem>>
        %dma_wait3A_594 = arith.constant 0 : i32
        %dma_wait3A_595 = tpu.memref_slice %arg8[%rem3A_432, %dma_wait3A_589, %dma_wait3A_594] : memref<5x4x128xi32, #tpu.memory_space<vmem>> -> memref<1x1x128xi32, #tpu.memory_space<vmem>>
        %dma_wait3A_596 = tpu.memref_squeeze %dma_wait3A_595 : memref<1x1x128xi32, #tpu.memory_space<vmem>> -> memref<128xi32, #tpu.memory_space<vmem>>
        %dma_wait3A_597 = arith.constant 0 : i32
        %dma_wait3A_598 = arith.constant 0 : i32
        %dma_wait3A_599 = tpu.memref_slice %arg10[%dma_wait3A_597, %dma_wait3A_598] : memref<100352x16xf32, #tpu.memory_space<vmem_shared>> -> memref<100352x16xf32, #tpu.memory_space<vmem_shared>>
        tpu.wait_indirect_dma semaphore(%arg13 : memref<!tpu.dma_semaphore, #tpu.memory_space<semaphore_mem>>) src(%dma_wait3A_593 : memref<128x16xf32, #tpu.memory_space<vmem>>) dst(%dma_wait3A_599 : memref<100352x16xf32, #tpu.memory_space<vmem_shared>>)
      } else {
      }
      %add3A_435 = arith.constant 2 : i32
      %add3A_436 = arith.addi %scan3A_413, %add3A_435 : i32
      %lt3A = arith.constant 196 : i32
      %lt3A_437 = arith.cmpi slt, %add3A_436, %lt3A : i32
      %convert_element_type3A_438 = arith.extui %lt3A_437 : i1 to i32
      %cond3A_439 = arith.constant 0 : i32
      %cond3A_440 = arith.cmpi ne, %convert_element_type3A_438, %cond3A_439 : i32
      scf.if %cond3A_440 {
        %dma_wait3A_552 = arith.constant 0 : i32
        %dma_wait3A_553 = arith.constant 0 : i32
        %dma_wait3A_554 = tpu.memref_slice %arg7[%rem3A_428, %dma_wait3A_552, %dma_wait3A_553] : memref<5x4x128xi32, #tpu.memory_space<vmem>> -> memref<1x4x128xi32, #tpu.memory_space<vmem>>
        %dma_wait3A_555 = tpu.memref_squeeze %dma_wait3A_554 : memref<1x4x128xi32, #tpu.memory_space<vmem>> -> memref<4x128xi32, #tpu.memory_space<vmem>>
        %dma_wait3A_556 = arith.constant 0 : i32
        %dma_wait3A_557 = arith.constant 0 : i32
        %dma_wait3A_558 = tpu.memref_slice %arg2[%dma_wait3A_556, %dma_wait3A_557] : memref<25088x128xi32, #tpu.memory_space<hbm>> -> memref<4x128xi32, #tpu.memory_space<hbm>>
        %dma_wait3A_559 = tpu.memref_slice %arg11[%rem3A_428] : memref<5x!tpu.dma_semaphore, #tpu.memory_space<semaphore_mem>> -> memref<1x!tpu.dma_semaphore, #tpu.memory_space<semaphore_mem>>
        %dma_wait3A_560 = tpu.memref_squeeze %dma_wait3A_559 : memref<1x!tpu.dma_semaphore, #tpu.memory_space<semaphore_mem>> -> memref<!tpu.dma_semaphore, #tpu.memory_space<semaphore_mem>>
        %dma_wait3A_561 = arith.constant 0 : i32
        %dma_wait3A_562 = arith.constant 0 : i32
        %dma_wait3A_563 = tpu.memref_slice %arg7[%rem3A_428, %dma_wait3A_561, %dma_wait3A_562] : memref<5x4x128xi32, #tpu.memory_space<vmem>> -> memref<1x4x128xi32, #tpu.memory_space<vmem>>
        %dma_wait3A_564 = tpu.memref_squeeze %dma_wait3A_563 : memref<1x4x128xi32, #tpu.memory_space<vmem>> -> memref<4x128xi32, #tpu.memory_space<vmem>>
        %dma_wait3A_565 = arith.constant 0 : i32
        %dma_wait3A_566 = arith.constant 0 : i32
        %dma_wait3A_567 = tpu.memref_slice %arg2[%dma_wait3A_565, %dma_wait3A_566] : memref<25088x128xi32, #tpu.memory_space<hbm>> -> memref<4x128xi32, #tpu.memory_space<hbm>>
        tpu.wait_dma2 semaphore(%dma_wait3A_560 : memref<!tpu.dma_semaphore, #tpu.memory_space<semaphore_mem>>) src(%dma_wait3A_567 : memref<4x128xi32, #tpu.memory_space<hbm>>) dst(%dma_wait3A_564 : memref<4x128xi32, #tpu.memory_space<vmem>>)
        %dma_wait3A_568 = arith.constant 0 : i32
        %dma_wait3A_569 = arith.constant 0 : i32
        %dma_wait3A_570 = tpu.memref_slice %arg8[%rem3A_428, %dma_wait3A_568, %dma_wait3A_569] : memref<5x4x128xi32, #tpu.memory_space<vmem>> -> memref<1x4x128xi32, #tpu.memory_space<vmem>>
        %dma_wait3A_571 = tpu.memref_squeeze %dma_wait3A_570 : memref<1x4x128xi32, #tpu.memory_space<vmem>> -> memref<4x128xi32, #tpu.memory_space<vmem>>
        %dma_wait3A_572 = arith.constant 0 : i32
        %dma_wait3A_573 = arith.constant 0 : i32
        %dma_wait3A_574 = tpu.memref_slice %arg3[%dma_wait3A_572, %dma_wait3A_573] : memref<25088x128xi32, #tpu.memory_space<hbm>> -> memref<4x128xi32, #tpu.memory_space<hbm>>
        %dma_wait3A_575 = tpu.memref_slice %arg11[%rem3A_428] : memref<5x!tpu.dma_semaphore, #tpu.memory_space<semaphore_mem>> -> memref<1x!tpu.dma_semaphore, #tpu.memory_space<semaphore_mem>>
        %dma_wait3A_576 = tpu.memref_squeeze %dma_wait3A_575 : memref<1x!tpu.dma_semaphore, #tpu.memory_space<semaphore_mem>> -> memref<!tpu.dma_semaphore, #tpu.memory_space<semaphore_mem>>
        %dma_wait3A_577 = arith.constant 0 : i32
        %dma_wait3A_578 = arith.constant 0 : i32
        %dma_wait3A_579 = tpu.memref_slice %arg8[%rem3A_428, %dma_wait3A_577, %dma_wait3A_578] : memref<5x4x128xi32, #tpu.memory_space<vmem>> -> memref<1x4x128xi32, #tpu.memory_space<vmem>>
        %dma_wait3A_580 = tpu.memref_squeeze %dma_wait3A_579 : memref<1x4x128xi32, #tpu.memory_space<vmem>> -> memref<4x128xi32, #tpu.memory_space<vmem>>
        %dma_wait3A_581 = arith.constant 0 : i32
        %dma_wait3A_582 = arith.constant 0 : i32
        %dma_wait3A_583 = tpu.memref_slice %arg3[%dma_wait3A_581, %dma_wait3A_582] : memref<25088x128xi32, #tpu.memory_space<hbm>> -> memref<4x128xi32, #tpu.memory_space<hbm>>
        tpu.wait_dma2 semaphore(%dma_wait3A_576 : memref<!tpu.dma_semaphore, #tpu.memory_space<semaphore_mem>>) src(%dma_wait3A_583 : memref<4x128xi32, #tpu.memory_space<hbm>>) dst(%dma_wait3A_580 : memref<4x128xi32, #tpu.memory_space<vmem>>)
        %dma_start3A_584 = arith.constant 0 : i32
        %dma_start3A_585 = arith.constant 0 : i32
        %dma_start3A_586 = arith.constant 0 : i32
        %dma_start3A_587 = arith.constant 0 : i32
        %dma_start3A_588 = tpu.memref_slice %arg9[%rem3A_418, %dma_start3A_585, %dma_start3A_586, %dma_start3A_587] : memref<3x4x128x16xf32, #tpu.memory_space<vmem>> -> memref<1x1x128x16xf32, #tpu.memory_space<vmem>>
        %dma_start3A_589 = tpu.memref_squeeze %dma_start3A_588 : memref<1x1x128x16xf32, #tpu.memory_space<vmem>> -> memref<128x16xf32, #tpu.memory_space<vmem>>
        %dma_start3A_590 = arith.constant 0 : i32
        %dma_start3A_591 = tpu.memref_slice %arg7[%rem3A_428, %dma_start3A_584, %dma_start3A_590] : memref<5x4x128xi32, #tpu.memory_space<vmem>> -> memref<1x1x128xi32, #tpu.memory_space<vmem>>
        %dma_start3A_592 = tpu.memref_squeeze %dma_start3A_591 : memref<1x1x128xi32, #tpu.memory_space<vmem>> -> memref<128xi32, #tpu.memory_space<vmem>>
        %dma_start3A_593 = arith.constant 0 : i32
        %dma_start3A_594 = arith.constant 0 : i32
        %dma_start3A_595 = tpu.memref_slice %arg4[%dma_start3A_593, %dma_start3A_594] : memref<100352x16xf32, #tpu.memory_space<hbm>> -> memref<100352x16xf32, #tpu.memory_space<hbm>>
        %dma_start3A_596 = tpu.memref_slice %arg12[%rem3A_418] : memref<3x!tpu.dma_semaphore, #tpu.memory_space<semaphore_mem>> -> memref<1x!tpu.dma_semaphore, #tpu.memory_space<semaphore_mem>>
        %dma_start3A_597 = tpu.memref_squeeze %dma_start3A_596 : memref<1x!tpu.dma_semaphore, #tpu.memory_space<semaphore_mem>> -> memref<!tpu.dma_semaphore, #tpu.memory_space<semaphore_mem>>
        tpu.enqueue_indirect_dma source(%dma_start3A_595 : memref<100352x16xf32, #tpu.memory_space<hbm>>) target(%dma_start3A_589 : memref<128x16xf32, #tpu.memory_space<vmem>>) offsets(%dma_start3A_592 : memref<128xi32, #tpu.memory_space<vmem>>) semaphore(%dma_start3A_597 : memref<!tpu.dma_semaphore, #tpu.memory_space<semaphore_mem>>)
        %dma_start3A_598 = arith.constant 1 : i32
        %dma_start3A_599 = arith.constant 1 : i32
        %dma_start3A_600 = arith.constant 0 : i32
        %dma_start3A_601 = arith.constant 0 : i32
        %dma_start3A_602 = tpu.memref_slice %arg9[%rem3A_418, %dma_start3A_599, %dma_start3A_600, %dma_start3A_601] : memref<3x4x128x16xf32, #tpu.memory_space<vmem>> -> memref<1x1x128x16xf32, #tpu.memory_space<vmem>>
        %dma_start3A_603 = tpu.memref_squeeze %dma_start3A_602 : memref<1x1x128x16xf32, #tpu.memory_space<vmem>> -> memref<128x16xf32, #tpu.memory_space<vmem>>
        %dma_start3A_604 = arith.constant 0 : i32
        %dma_start3A_605 = tpu.memref_slice %arg7[%rem3A_428, %dma_start3A_598, %dma_start3A_604] : memref<5x4x128xi32, #tpu.memory_space<vmem>> -> memref<1x1x128xi32, #tpu.memory_space<vmem>>
        %dma_start3A_606 = tpu.memref_squeeze %dma_start3A_605 : memref<1x1x128xi32, #tpu.memory_space<vmem>> -> memref<128xi32, #tpu.memory_space<vmem>>
        %dma_start3A_607 = arith.constant 0 : i32
        %dma_start3A_608 = arith.constant 0 : i32
        %dma_start3A_609 = tpu.memref_slice %arg4[%dma_start3A_607, %dma_start3A_608] : memref<100352x16xf32, #tpu.memory_space<hbm>> -> memref<100352x16xf32, #tpu.memory_space<hbm>>
        %dma_start3A_610 = tpu.memref_slice %arg12[%rem3A_418] : memref<3x!tpu.dma_semaphore, #tpu.memory_space<semaphore_mem>> -> memref<1x!tpu.dma_semaphore, #tpu.memory_space<semaphore_mem>>
        %dma_start3A_611 = tpu.memref_squeeze %dma_start3A_610 : memref<1x!tpu.dma_semaphore, #tpu.memory_space<semaphore_mem>> -> memref<!tpu.dma_semaphore, #tpu.memory_space<semaphore_mem>>
        tpu.enqueue_indirect_dma source(%dma_start3A_609 : memref<100352x16xf32, #tpu.memory_space<hbm>>) target(%dma_start3A_603 : memref<128x16xf32, #tpu.memory_space<vmem>>) offsets(%dma_start3A_606 : memref<128xi32, #tpu.memory_space<vmem>>) semaphore(%dma_start3A_611 : memref<!tpu.dma_semaphore, #tpu.memory_space<semaphore_mem>>)
        %dma_start3A_612 = arith.constant 2 : i32
        %dma_start3A_613 = arith.constant 2 : i32
        %dma_start3A_614 = arith.constant 0 : i32
        %dma_start3A_615 = arith.constant 0 : i32
        %dma_start3A_616 = tpu.memref_slice %arg9[%rem3A_418, %dma_start3A_613, %dma_start3A_614, %dma_start3A_615] : memref<3x4x128x16xf32, #tpu.memory_space<vmem>> -> memref<1x1x128x16xf32, #tpu.memory_space<vmem>>
        %dma_start3A_617 = tpu.memref_squeeze %dma_start3A_616 : memref<1x1x128x16xf32, #tpu.memory_space<vmem>> -> memref<128x16xf32, #tpu.memory_space<vmem>>
        %dma_start3A_618 = arith.constant 0 : i32
        %dma_start3A_619 = tpu.memref_slice %arg7[%rem3A_428, %dma_start3A_612, %dma_start3A_618] : memref<5x4x128xi32, #tpu.memory_space<vmem>> -> memref<1x1x128xi32, #tpu.memory_space<vmem>>
        %dma_start3A_620 = tpu.memref_squeeze %dma_start3A_619 : memref<1x1x128xi32, #tpu.memory_space<vmem>> -> memref<128xi32, #tpu.memory_space<vmem>>
        %dma_start3A_621 = arith.constant 0 : i32
        %dma_start3A_622 = arith.constant 0 : i32
        %dma_start3A_623 = tpu.memref_slice %arg4[%dma_start3A_621, %dma_start3A_622] : memref<100352x16xf32, #tpu.memory_space<hbm>> -> memref<100352x16xf32, #tpu.memory_space<hbm>>
        %dma_start3A_624 = tpu.memref_slice %arg12[%rem3A_418] : memref<3x!tpu.dma_semaphore, #tpu.memory_space<semaphore_mem>> -> memref<1x!tpu.dma_semaphore, #tpu.memory_space<semaphore_mem>>
        %dma_start3A_625 = tpu.memref_squeeze %dma_start3A_624 : memref<1x!tpu.dma_semaphore, #tpu.memory_space<semaphore_mem>> -> memref<!tpu.dma_semaphore, #tpu.memory_space<semaphore_mem>>
        tpu.enqueue_indirect_dma source(%dma_start3A_623 : memref<100352x16xf32, #tpu.memory_space<hbm>>) target(%dma_start3A_617 : memref<128x16xf32, #tpu.memory_space<vmem>>) offsets(%dma_start3A_620 : memref<128xi32, #tpu.memory_space<vmem>>) semaphore(%dma_start3A_625 : memref<!tpu.dma_semaphore, #tpu.memory_space<semaphore_mem>>)
        %dma_start3A_626 = arith.constant 3 : i32
        %dma_start3A_627 = arith.constant 3 : i32
        %dma_start3A_628 = arith.constant 0 : i32
        %dma_start3A_629 = arith.constant 0 : i32
        %dma_start3A_630 = tpu.memref_slice %arg9[%rem3A_418, %dma_start3A_627, %dma_start3A_628, %dma_start3A_629] : memref<3x4x128x16xf32, #tpu.memory_space<vmem>> -> memref<1x1x128x16xf32, #tpu.memory_space<vmem>>
        %dma_start3A_631 = tpu.memref_squeeze %dma_start3A_630 : memref<1x1x128x16xf32, #tpu.memory_space<vmem>> -> memref<128x16xf32, #tpu.memory_space<vmem>>
        %dma_start3A_632 = arith.constant 0 : i32
        %dma_start3A_633 = tpu.memref_slice %arg7[%rem3A_428, %dma_start3A_626, %dma_start3A_632] : memref<5x4x128xi32, #tpu.memory_space<vmem>> -> memref<1x1x128xi32, #tpu.memory_space<vmem>>
        %dma_start3A_634 = tpu.memref_squeeze %dma_start3A_633 : memref<1x1x128xi32, #tpu.memory_space<vmem>> -> memref<128xi32, #tpu.memory_space<vmem>>
        %dma_start3A_635 = arith.constant 0 : i32
        %dma_start3A_636 = arith.constant 0 : i32
        %dma_start3A_637 = tpu.memref_slice %arg4[%dma_start3A_635, %dma_start3A_636] : memref<100352x16xf32, #tpu.memory_space<hbm>> -> memref<100352x16xf32, #tpu.memory_space<hbm>>
        %dma_start3A_638 = tpu.memref_slice %arg12[%rem3A_418] : memref<3x!tpu.dma_semaphore, #tpu.memory_space<semaphore_mem>> -> memref<1x!tpu.dma_semaphore, #tpu.memory_space<semaphore_mem>>
        %dma_start3A_639 = tpu.memref_squeeze %dma_start3A_638 : memref<1x!tpu.dma_semaphore, #tpu.memory_space<semaphore_mem>> -> memref<!tpu.dma_semaphore, #tpu.memory_space<semaphore_mem>>
        tpu.enqueue_indirect_dma source(%dma_start3A_637 : memref<100352x16xf32, #tpu.memory_space<hbm>>) target(%dma_start3A_631 : memref<128x16xf32, #tpu.memory_space<vmem>>) offsets(%dma_start3A_634 : memref<128xi32, #tpu.memory_space<vmem>>) semaphore(%dma_start3A_639 : memref<!tpu.dma_semaphore, #tpu.memory_space<semaphore_mem>>)
      } else {
      }
      %add3A_441 = arith.constant 4 : i32
      %add3A_442 = arith.addi %scan3A_413, %add3A_441 : i32
      %lt3A_443 = arith.constant 196 : i32
      %lt3A_444 = arith.cmpi slt, %add3A_442, %lt3A_443 : i32
      %convert_element_type3A_445 = arith.extui %lt3A_444 : i1 to i32
      %cond3A_446 = arith.constant 0 : i32
      %cond3A_447 = arith.cmpi ne, %convert_element_type3A_445, %cond3A_446 : i32
      scf.if %cond3A_447 {
        %add3A_552 = arith.constant 4 : i32
        %add3A_553 = arith.addi %scan3A_413, %add3A_552 : i32
        %mul3A_554 = arith.constant 784 : i32
        %mul3A_555 = arith.muli %add3A, %mul3A_554 : i32
        %mul3A_556 = arith.constant 4 : i32
        %mul3A_557 = arith.muli %add3A_553, %mul3A_556 : i32
        %add3A_558 = arith.addi %mul3A_555, %mul3A_557 : i32
        %dma_start3A_559 = arith.constant 0 : i32
        %dma_start3A_560 = arith.constant 0 : i32
        %dma_start3A_561 = tpu.memref_slice %arg7[%rem3A_432, %dma_start3A_559, %dma_start3A_560] : memref<5x4x128xi32, #tpu.memory_space<vmem>> -> memref<1x4x128xi32, #tpu.memory_space<vmem>>
        %dma_start3A_562 = tpu.memref_squeeze %dma_start3A_561 : memref<1x4x128xi32, #tpu.memory_space<vmem>> -> memref<4x128xi32, #tpu.memory_space<vmem>>
        %dma_start3A_563 = arith.constant 0 : i32
        %dma_start3A_564 = tpu.memref_slice %arg2[%add3A_558, %dma_start3A_563] : memref<25088x128xi32, #tpu.memory_space<hbm>> -> memref<4x128xi32, #tpu.memory_space<hbm>>
        %dma_start3A_565 = tpu.memref_slice %arg11[%rem3A_432] : memref<5x!tpu.dma_semaphore, #tpu.memory_space<semaphore_mem>> -> memref<1x!tpu.dma_semaphore, #tpu.memory_space<semaphore_mem>>
        %dma_start3A_566 = tpu.memref_squeeze %dma_start3A_565 : memref<1x!tpu.dma_semaphore, #tpu.memory_space<semaphore_mem>> -> memref<!tpu.dma_semaphore, #tpu.memory_space<semaphore_mem>>
        %dma_start3A_567 = arith.constant 0 : i32
        %dma_start3A_568 = arith.constant 0 : i32
        %dma_start3A_569 = tpu.memref_slice %arg7[%rem3A_432, %dma_start3A_567, %dma_start3A_568] : memref<5x4x128xi32, #tpu.memory_space<vmem>> -> memref<1x4x128xi32, #tpu.memory_space<vmem>>
        %dma_start3A_570 = tpu.memref_squeeze %dma_start3A_569 : memref<1x4x128xi32, #tpu.memory_space<vmem>> -> memref<4x128xi32, #tpu.memory_space<vmem>>
        %dma_start3A_571 = arith.constant 0 : i32
        %dma_start3A_572 = tpu.memref_slice %arg2[%add3A_558, %dma_start3A_571] : memref<25088x128xi32, #tpu.memory_space<hbm>> -> memref<4x128xi32, #tpu.memory_space<hbm>>
        tpu.enqueue_dma source(%dma_start3A_572 : memref<4x128xi32, #tpu.memory_space<hbm>>) target(%dma_start3A_570 : memref<4x128xi32, #tpu.memory_space<vmem>>) target_semaphore(%dma_start3A_566 : memref<!tpu.dma_semaphore, #tpu.memory_space<semaphore_mem>>)
        %dma_start3A_573 = arith.constant 0 : i32
        %dma_start3A_574 = arith.constant 0 : i32
        %dma_start3A_575 = tpu.memref_slice %arg8[%rem3A_432, %dma_start3A_573, %dma_start3A_574] : memref<5x4x128xi32, #tpu.memory_space<vmem>> -> memref<1x4x128xi32, #tpu.memory_space<vmem>>
        %dma_start3A_576 = tpu.memref_squeeze %dma_start3A_575 : memref<1x4x128xi32, #tpu.memory_space<vmem>> -> memref<4x128xi32, #tpu.memory_space<vmem>>
        %dma_start3A_577 = arith.constant 0 : i32
        %dma_start3A_578 = tpu.memref_slice %arg3[%add3A_558, %dma_start3A_577] : memref<25088x128xi32, #tpu.memory_space<hbm>> -> memref<4x128xi32, #tpu.memory_space<hbm>>
        %dma_start3A_579 = tpu.memref_slice %arg11[%rem3A_432] : memref<5x!tpu.dma_semaphore, #tpu.memory_space<semaphore_mem>> -> memref<1x!tpu.dma_semaphore, #tpu.memory_space<semaphore_mem>>
        %dma_start3A_580 = tpu.memref_squeeze %dma_start3A_579 : memref<1x!tpu.dma_semaphore, #tpu.memory_space<semaphore_mem>> -> memref<!tpu.dma_semaphore, #tpu.memory_space<semaphore_mem>>
        %dma_start3A_581 = arith.constant 0 : i32
        %dma_start3A_582 = arith.constant 0 : i32
        %dma_start3A_583 = tpu.memref_slice %arg8[%rem3A_432, %dma_start3A_581, %dma_start3A_582] : memref<5x4x128xi32, #tpu.memory_space<vmem>> -> memref<1x4x128xi32, #tpu.memory_space<vmem>>
        %dma_start3A_584 = tpu.memref_squeeze %dma_start3A_583 : memref<1x4x128xi32, #tpu.memory_space<vmem>> -> memref<4x128xi32, #tpu.memory_space<vmem>>
        %dma_start3A_585 = arith.constant 0 : i32
        %dma_start3A_586 = tpu.memref_slice %arg3[%add3A_558, %dma_start3A_585] : memref<25088x128xi32, #tpu.memory_space<hbm>> -> memref<4x128xi32, #tpu.memory_space<hbm>>
        tpu.enqueue_dma source(%dma_start3A_586 : memref<4x128xi32, #tpu.memory_space<hbm>>) target(%dma_start3A_584 : memref<4x128xi32, #tpu.memory_space<vmem>>) target_semaphore(%dma_start3A_580 : memref<!tpu.dma_semaphore, #tpu.memory_space<semaphore_mem>>)
      } else {
      }
      %dma_wait3A_448 = arith.constant 0 : i32
      %dma_wait3A_449 = arith.constant 0 : i32
      %dma_wait3A_450 = arith.constant 0 : i32
      %dma_wait3A_451 = arith.constant 0 : i32
      %dma_wait3A_452 = tpu.memref_slice %arg9[%rem3A_414, %dma_wait3A_449, %dma_wait3A_450, %dma_wait3A_451] : memref<3x4x128x16xf32, #tpu.memory_space<vmem>> -> memref<1x1x128x16xf32, #tpu.memory_space<vmem>>
      %dma_wait3A_453 = tpu.memref_squeeze %dma_wait3A_452 : memref<1x1x128x16xf32, #tpu.memory_space<vmem>> -> memref<128x16xf32, #tpu.memory_space<vmem>>
      %dma_wait3A_454 = arith.constant 0 : i32
      %dma_wait3A_455 = tpu.memref_slice %arg7[%rem3A_424, %dma_wait3A_448, %dma_wait3A_454] : memref<5x4x128xi32, #tpu.memory_space<vmem>> -> memref<1x1x128xi32, #tpu.memory_space<vmem>>
      %dma_wait3A_456 = tpu.memref_squeeze %dma_wait3A_455 : memref<1x1x128xi32, #tpu.memory_space<vmem>> -> memref<128xi32, #tpu.memory_space<vmem>>
      %dma_wait3A_457 = arith.constant 0 : i32
      %dma_wait3A_458 = arith.constant 0 : i32
      %dma_wait3A_459 = tpu.memref_slice %arg4[%dma_wait3A_457, %dma_wait3A_458] : memref<100352x16xf32, #tpu.memory_space<hbm>> -> memref<100352x16xf32, #tpu.memory_space<hbm>>
      %dma_wait3A_460 = tpu.memref_slice %arg12[%rem3A_414] : memref<3x!tpu.dma_semaphore, #tpu.memory_space<semaphore_mem>> -> memref<1x!tpu.dma_semaphore, #tpu.memory_space<semaphore_mem>>
      %dma_wait3A_461 = tpu.memref_squeeze %dma_wait3A_460 : memref<1x!tpu.dma_semaphore, #tpu.memory_space<semaphore_mem>> -> memref<!tpu.dma_semaphore, #tpu.memory_space<semaphore_mem>>
      tpu.wait_indirect_dma semaphore(%dma_wait3A_461 : memref<!tpu.dma_semaphore, #tpu.memory_space<semaphore_mem>>) src(%dma_wait3A_459 : memref<100352x16xf32, #tpu.memory_space<hbm>>) dst(%dma_wait3A_453 : memref<128x16xf32, #tpu.memory_space<vmem>>)
      %dma_start3A_462 = arith.constant 0 : i32
      %dma_start3A_463 = arith.constant 0 : i32
      %dma_start3A_464 = arith.constant 0 : i32
      %dma_start3A_465 = arith.constant 0 : i32
      %dma_start3A_466 = tpu.memref_slice %arg9[%rem3A_414, %dma_start3A_462, %dma_start3A_464, %dma_start3A_465] : memref<3x4x128x16xf32, #tpu.memory_space<vmem>> -> memref<1x1x128x16xf32, #tpu.memory_space<vmem>>
      %dma_start3A_467 = tpu.memref_squeeze %dma_start3A_466 : memref<1x1x128x16xf32, #tpu.memory_space<vmem>> -> memref<128x16xf32, #tpu.memory_space<vmem>>
      %dma_start3A_468 = arith.constant 0 : i32
      %dma_start3A_469 = tpu.memref_slice %arg8[%rem3A_424, %dma_start3A_463, %dma_start3A_468] : memref<5x4x128xi32, #tpu.memory_space<vmem>> -> memref<1x1x128xi32, #tpu.memory_space<vmem>>
      %dma_start3A_470 = tpu.memref_squeeze %dma_start3A_469 : memref<1x1x128xi32, #tpu.memory_space<vmem>> -> memref<128xi32, #tpu.memory_space<vmem>>
      %dma_start3A_471 = arith.constant 0 : i32
      %dma_start3A_472 = arith.constant 0 : i32
      %dma_start3A_473 = tpu.memref_slice %arg10[%dma_start3A_471, %dma_start3A_472] : memref<100352x16xf32, #tpu.memory_space<vmem_shared>> -> memref<100352x16xf32, #tpu.memory_space<vmem_shared>>
      tpu.enqueue_indirect_dma source(%dma_start3A_467 : memref<128x16xf32, #tpu.memory_space<vmem>>) target(%dma_start3A_473 : memref<100352x16xf32, #tpu.memory_space<vmem_shared>>) offsets(%dma_start3A_470 : memref<128xi32, #tpu.memory_space<vmem>>) semaphore(%arg13 : memref<!tpu.dma_semaphore, #tpu.memory_space<semaphore_mem>>) {add = true}
      %dma_wait3A_474 = arith.constant 1 : i32
      %dma_wait3A_475 = arith.constant 1 : i32
      %dma_wait3A_476 = arith.constant 0 : i32
      %dma_wait3A_477 = arith.constant 0 : i32
      %dma_wait3A_478 = tpu.memref_slice %arg9[%rem3A_414, %dma_wait3A_475, %dma_wait3A_476, %dma_wait3A_477] : memref<3x4x128x16xf32, #tpu.memory_space<vmem>> -> memref<1x1x128x16xf32, #tpu.memory_space<vmem>>
      %dma_wait3A_479 = tpu.memref_squeeze %dma_wait3A_478 : memref<1x1x128x16xf32, #tpu.memory_space<vmem>> -> memref<128x16xf32, #tpu.memory_space<vmem>>
      %dma_wait3A_480 = arith.constant 0 : i32
      %dma_wait3A_481 = tpu.memref_slice %arg7[%rem3A_424, %dma_wait3A_474, %dma_wait3A_480] : memref<5x4x128xi32, #tpu.memory_space<vmem>> -> memref<1x1x128xi32, #tpu.memory_space<vmem>>
      %dma_wait3A_482 = tpu.memref_squeeze %dma_wait3A_481 : memref<1x1x128xi32, #tpu.memory_space<vmem>> -> memref<128xi32, #tpu.memory_space<vmem>>
      %dma_wait3A_483 = arith.constant 0 : i32
      %dma_wait3A_484 = arith.constant 0 : i32
      %dma_wait3A_485 = tpu.memref_slice %arg4[%dma_wait3A_483, %dma_wait3A_484] : memref<100352x16xf32, #tpu.memory_space<hbm>> -> memref<100352x16xf32, #tpu.memory_space<hbm>>
      %dma_wait3A_486 = tpu.memref_slice %arg12[%rem3A_414] : memref<3x!tpu.dma_semaphore, #tpu.memory_space<semaphore_mem>> -> memref<1x!tpu.dma_semaphore, #tpu.memory_space<semaphore_mem>>
      %dma_wait3A_487 = tpu.memref_squeeze %dma_wait3A_486 : memref<1x!tpu.dma_semaphore, #tpu.memory_space<semaphore_mem>> -> memref<!tpu.dma_semaphore, #tpu.memory_space<semaphore_mem>>
      tpu.wait_indirect_dma semaphore(%dma_wait3A_487 : memref<!tpu.dma_semaphore, #tpu.memory_space<semaphore_mem>>) src(%dma_wait3A_485 : memref<100352x16xf32, #tpu.memory_space<hbm>>) dst(%dma_wait3A_479 : memref<128x16xf32, #tpu.memory_space<vmem>>)
      %dma_start3A_488 = arith.constant 1 : i32
      %dma_start3A_489 = arith.constant 1 : i32
      %dma_start3A_490 = arith.constant 0 : i32
      %dma_start3A_491 = arith.constant 0 : i32
      %dma_start3A_492 = tpu.memref_slice %arg9[%rem3A_414, %dma_start3A_488, %dma_start3A_490, %dma_start3A_491] : memref<3x4x128x16xf32, #tpu.memory_space<vmem>> -> memref<1x1x128x16xf32, #tpu.memory_space<vmem>>
      %dma_start3A_493 = tpu.memref_squeeze %dma_start3A_492 : memref<1x1x128x16xf32, #tpu.memory_space<vmem>> -> memref<128x16xf32, #tpu.memory_space<vmem>>
      %dma_start3A_494 = arith.constant 0 : i32
      %dma_start3A_495 = tpu.memref_slice %arg8[%rem3A_424, %dma_start3A_489, %dma_start3A_494] : memref<5x4x128xi32, #tpu.memory_space<vmem>> -> memref<1x1x128xi32, #tpu.memory_space<vmem>>
      %dma_start3A_496 = tpu.memref_squeeze %dma_start3A_495 : memref<1x1x128xi32, #tpu.memory_space<vmem>> -> memref<128xi32, #tpu.memory_space<vmem>>
      %dma_start3A_497 = arith.constant 0 : i32
      %dma_start3A_498 = arith.constant 0 : i32
      %dma_start3A_499 = tpu.memref_slice %arg10[%dma_start3A_497, %dma_start3A_498] : memref<100352x16xf32, #tpu.memory_space<vmem_shared>> -> memref<100352x16xf32, #tpu.memory_space<vmem_shared>>
      tpu.enqueue_indirect_dma source(%dma_start3A_493 : memref<128x16xf32, #tpu.memory_space<vmem>>) target(%dma_start3A_499 : memref<100352x16xf32, #tpu.memory_space<vmem_shared>>) offsets(%dma_start3A_496 : memref<128xi32, #tpu.memory_space<vmem>>) semaphore(%arg13 : memref<!tpu.dma_semaphore, #tpu.memory_space<semaphore_mem>>) {add = true}
      %dma_wait3A_500 = arith.constant 2 : i32
      %dma_wait3A_501 = arith.constant 2 : i32
      %dma_wait3A_502 = arith.constant 0 : i32
      %dma_wait3A_503 = arith.constant 0 : i32
      %dma_wait3A_504 = tpu.memref_slice %arg9[%rem3A_414, %dma_wait3A_501, %dma_wait3A_502, %dma_wait3A_503] : memref<3x4x128x16xf32, #tpu.memory_space<vmem>> -> memref<1x1x128x16xf32, #tpu.memory_space<vmem>>
      %dma_wait3A_505 = tpu.memref_squeeze %dma_wait3A_504 : memref<1x1x128x16xf32, #tpu.memory_space<vmem>> -> memref<128x16xf32, #tpu.memory_space<vmem>>
      %dma_wait3A_506 = arith.constant 0 : i32
      %dma_wait3A_507 = tpu.memref_slice %arg7[%rem3A_424, %dma_wait3A_500, %dma_wait3A_506] : memref<5x4x128xi32, #tpu.memory_space<vmem>> -> memref<1x1x128xi32, #tpu.memory_space<vmem>>
      %dma_wait3A_508 = tpu.memref_squeeze %dma_wait3A_507 : memref<1x1x128xi32, #tpu.memory_space<vmem>> -> memref<128xi32, #tpu.memory_space<vmem>>
      %dma_wait3A_509 = arith.constant 0 : i32
      %dma_wait3A_510 = arith.constant 0 : i32
      %dma_wait3A_511 = tpu.memref_slice %arg4[%dma_wait3A_509, %dma_wait3A_510] : memref<100352x16xf32, #tpu.memory_space<hbm>> -> memref<100352x16xf32, #tpu.memory_space<hbm>>
      %dma_wait3A_512 = tpu.memref_slice %arg12[%rem3A_414] : memref<3x!tpu.dma_semaphore, #tpu.memory_space<semaphore_mem>> -> memref<1x!tpu.dma_semaphore, #tpu.memory_space<semaphore_mem>>
      %dma_wait3A_513 = tpu.memref_squeeze %dma_wait3A_512 : memref<1x!tpu.dma_semaphore, #tpu.memory_space<semaphore_mem>> -> memref<!tpu.dma_semaphore, #tpu.memory_space<semaphore_mem>>
      tpu.wait_indirect_dma semaphore(%dma_wait3A_513 : memref<!tpu.dma_semaphore, #tpu.memory_space<semaphore_mem>>) src(%dma_wait3A_511 : memref<100352x16xf32, #tpu.memory_space<hbm>>) dst(%dma_wait3A_505 : memref<128x16xf32, #tpu.memory_space<vmem>>)
      %dma_start3A_514 = arith.constant 2 : i32
      %dma_start3A_515 = arith.constant 2 : i32
      %dma_start3A_516 = arith.constant 0 : i32
      %dma_start3A_517 = arith.constant 0 : i32
      %dma_start3A_518 = tpu.memref_slice %arg9[%rem3A_414, %dma_start3A_514, %dma_start3A_516, %dma_start3A_517] : memref<3x4x128x16xf32, #tpu.memory_space<vmem>> -> memref<1x1x128x16xf32, #tpu.memory_space<vmem>>
      %dma_start3A_519 = tpu.memref_squeeze %dma_start3A_518 : memref<1x1x128x16xf32, #tpu.memory_space<vmem>> -> memref<128x16xf32, #tpu.memory_space<vmem>>
      %dma_start3A_520 = arith.constant 0 : i32
      %dma_start3A_521 = tpu.memref_slice %arg8[%rem3A_424, %dma_start3A_515, %dma_start3A_520] : memref<5x4x128xi32, #tpu.memory_space<vmem>> -> memref<1x1x128xi32, #tpu.memory_space<vmem>>
      %dma_start3A_522 = tpu.memref_squeeze %dma_start3A_521 : memref<1x1x128xi32, #tpu.memory_space<vmem>> -> memref<128xi32, #tpu.memory_space<vmem>>
      %dma_start3A_523 = arith.constant 0 : i32
      %dma_start3A_524 = arith.constant 0 : i32
      %dma_start3A_525 = tpu.memref_slice %arg10[%dma_start3A_523, %dma_start3A_524] : memref<100352x16xf32, #tpu.memory_space<vmem_shared>> -> memref<100352x16xf32, #tpu.memory_space<vmem_shared>>
      tpu.enqueue_indirect_dma source(%dma_start3A_519 : memref<128x16xf32, #tpu.memory_space<vmem>>) target(%dma_start3A_525 : memref<100352x16xf32, #tpu.memory_space<vmem_shared>>) offsets(%dma_start3A_522 : memref<128xi32, #tpu.memory_space<vmem>>) semaphore(%arg13 : memref<!tpu.dma_semaphore, #tpu.memory_space<semaphore_mem>>) {add = true}
      %dma_wait3A_526 = arith.constant 3 : i32
      %dma_wait3A_527 = arith.constant 3 : i32
      %dma_wait3A_528 = arith.constant 0 : i32
      %dma_wait3A_529 = arith.constant 0 : i32
      %dma_wait3A_530 = tpu.memref_slice %arg9[%rem3A_414, %dma_wait3A_527, %dma_wait3A_528, %dma_wait3A_529] : memref<3x4x128x16xf32, #tpu.memory_space<vmem>> -> memref<1x1x128x16xf32, #tpu.memory_space<vmem>>
      %dma_wait3A_531 = tpu.memref_squeeze %dma_wait3A_530 : memref<1x1x128x16xf32, #tpu.memory_space<vmem>> -> memref<128x16xf32, #tpu.memory_space<vmem>>
      %dma_wait3A_532 = arith.constant 0 : i32
      %dma_wait3A_533 = tpu.memref_slice %arg7[%rem3A_424, %dma_wait3A_526, %dma_wait3A_532] : memref<5x4x128xi32, #tpu.memory_space<vmem>> -> memref<1x1x128xi32, #tpu.memory_space<vmem>>
      %dma_wait3A_534 = tpu.memref_squeeze %dma_wait3A_533 : memref<1x1x128xi32, #tpu.memory_space<vmem>> -> memref<128xi32, #tpu.memory_space<vmem>>
      %dma_wait3A_535 = arith.constant 0 : i32
      %dma_wait3A_536 = arith.constant 0 : i32
      %dma_wait3A_537 = tpu.memref_slice %arg4[%dma_wait3A_535, %dma_wait3A_536] : memref<100352x16xf32, #tpu.memory_space<hbm>> -> memref<100352x16xf32, #tpu.memory_space<hbm>>
      %dma_wait3A_538 = tpu.memref_slice %arg12[%rem3A_414] : memref<3x!tpu.dma_semaphore, #tpu.memory_space<semaphore_mem>> -> memref<1x!tpu.dma_semaphore, #tpu.memory_space<semaphore_mem>>
      %dma_wait3A_539 = tpu.memref_squeeze %dma_wait3A_538 : memref<1x!tpu.dma_semaphore, #tpu.memory_space<semaphore_mem>> -> memref<!tpu.dma_semaphore, #tpu.memory_space<semaphore_mem>>
      tpu.wait_indirect_dma semaphore(%dma_wait3A_539 : memref<!tpu.dma_semaphore, #tpu.memory_space<semaphore_mem>>) src(%dma_wait3A_537 : memref<100352x16xf32, #tpu.memory_space<hbm>>) dst(%dma_wait3A_531 : memref<128x16xf32, #tpu.memory_space<vmem>>)
      %dma_start3A_540 = arith.constant 3 : i32
      %dma_start3A_541 = arith.constant 3 : i32
      %dma_start3A_542 = arith.constant 0 : i32
      %dma_start3A_543 = arith.constant 0 : i32
      %dma_start3A_544 = tpu.memref_slice %arg9[%rem3A_414, %dma_start3A_540, %dma_start3A_542, %dma_start3A_543] : memref<3x4x128x16xf32, #tpu.memory_space<vmem>> -> memref<1x1x128x16xf32, #tpu.memory_space<vmem>>
      %dma_start3A_545 = tpu.memref_squeeze %dma_start3A_544 : memref<1x1x128x16xf32, #tpu.memory_space<vmem>> -> memref<128x16xf32, #tpu.memory_space<vmem>>
      %dma_start3A_546 = arith.constant 0 : i32
      %dma_start3A_547 = tpu.memref_slice %arg8[%rem3A_424, %dma_start3A_541, %dma_start3A_546] : memref<5x4x128xi32, #tpu.memory_space<vmem>> -> memref<1x1x128xi32, #tpu.memory_space<vmem>>
      %dma_start3A_548 = tpu.memref_squeeze %dma_start3A_547 : memref<1x1x128xi32, #tpu.memory_space<vmem>> -> memref<128xi32, #tpu.memory_space<vmem>>
      %dma_start3A_549 = arith.constant 0 : i32
      %dma_start3A_550 = arith.constant 0 : i32
      %dma_start3A_551 = tpu.memref_slice %arg10[%dma_start3A_549, %dma_start3A_550] : memref<100352x16xf32, #tpu.memory_space<vmem_shared>> -> memref<100352x16xf32, #tpu.memory_space<vmem_shared>>
      tpu.enqueue_indirect_dma source(%dma_start3A_545 : memref<128x16xf32, #tpu.memory_space<vmem>>) target(%dma_start3A_551 : memref<100352x16xf32, #tpu.memory_space<vmem_shared>>) offsets(%dma_start3A_548 : memref<128xi32, #tpu.memory_space<vmem>>) semaphore(%arg13 : memref<!tpu.dma_semaphore, #tpu.memory_space<semaphore_mem>>) {add = true}
    }
    %scan3A_351 = arith.constant 196 : i32
    %dma_wait3A_352 = arith.constant 0 : i32
    %dma_wait3A_353 = arith.constant 0 : i32
    %dma_wait3A_354 = arith.constant 0 : i32
    %dma_wait3A_355 = arith.constant 0 : i32
    %dma_wait3A_356 = arith.constant 0 : i32
    %dma_wait3A_357 = arith.constant 0 : i32
    %dma_wait3A_358 = tpu.memref_slice %arg9[%dma_wait3A_352, %dma_wait3A_353, %dma_wait3A_356, %dma_wait3A_357] : memref<3x4x128x16xf32, #tpu.memory_space<vmem>> -> memref<1x1x128x16xf32, #tpu.memory_space<vmem>>
    %dma_wait3A_359 = tpu.memref_squeeze %dma_wait3A_358 : memref<1x1x128x16xf32, #tpu.memory_space<vmem>> -> memref<128x16xf32, #tpu.memory_space<vmem>>
    %dma_wait3A_360 = arith.constant 0 : i32
    %dma_wait3A_361 = tpu.memref_slice %arg8[%dma_wait3A_354, %dma_wait3A_355, %dma_wait3A_360] : memref<5x4x128xi32, #tpu.memory_space<vmem>> -> memref<1x1x128xi32, #tpu.memory_space<vmem>>
    %dma_wait3A_362 = tpu.memref_squeeze %dma_wait3A_361 : memref<1x1x128xi32, #tpu.memory_space<vmem>> -> memref<128xi32, #tpu.memory_space<vmem>>
    %dma_wait3A_363 = arith.constant 0 : i32
    %dma_wait3A_364 = arith.constant 0 : i32
    %dma_wait3A_365 = tpu.memref_slice %arg10[%dma_wait3A_363, %dma_wait3A_364] : memref<100352x16xf32, #tpu.memory_space<vmem_shared>> -> memref<100352x16xf32, #tpu.memory_space<vmem_shared>>
    tpu.wait_indirect_dma semaphore(%arg13 : memref<!tpu.dma_semaphore, #tpu.memory_space<semaphore_mem>>) src(%dma_wait3A_359 : memref<128x16xf32, #tpu.memory_space<vmem>>) dst(%dma_wait3A_365 : memref<100352x16xf32, #tpu.memory_space<vmem_shared>>)
    %dma_wait3A_366 = arith.constant 0 : i32
    %dma_wait3A_367 = arith.constant 1 : i32
    %dma_wait3A_368 = arith.constant 0 : i32
    %dma_wait3A_369 = arith.constant 1 : i32
    %dma_wait3A_370 = arith.constant 0 : i32
    %dma_wait3A_371 = arith.constant 0 : i32
    %dma_wait3A_372 = tpu.memref_slice %arg9[%dma_wait3A_366, %dma_wait3A_367, %dma_wait3A_370, %dma_wait3A_371] : memref<3x4x128x16xf32, #tpu.memory_space<vmem>> -> memref<1x1x128x16xf32, #tpu.memory_space<vmem>>
    %dma_wait3A_373 = tpu.memref_squeeze %dma_wait3A_372 : memref<1x1x128x16xf32, #tpu.memory_space<vmem>> -> memref<128x16xf32, #tpu.memory_space<vmem>>
    %dma_wait3A_374 = arith.constant 0 : i32
    %dma_wait3A_375 = tpu.memref_slice %arg8[%dma_wait3A_368, %dma_wait3A_369, %dma_wait3A_374] : memref<5x4x128xi32, #tpu.memory_space<vmem>> -> memref<1x1x128xi32, #tpu.memory_space<vmem>>
    %dma_wait3A_376 = tpu.memref_squeeze %dma_wait3A_375 : memref<1x1x128xi32, #tpu.memory_space<vmem>> -> memref<128xi32, #tpu.memory_space<vmem>>
    %dma_wait3A_377 = arith.constant 0 : i32
    %dma_wait3A_378 = arith.constant 0 : i32
    %dma_wait3A_379 = tpu.memref_slice %arg10[%dma_wait3A_377, %dma_wait3A_378] : memref<100352x16xf32, #tpu.memory_space<vmem_shared>> -> memref<100352x16xf32, #tpu.memory_space<vmem_shared>>
    tpu.wait_indirect_dma semaphore(%arg13 : memref<!tpu.dma_semaphore, #tpu.memory_space<semaphore_mem>>) src(%dma_wait3A_373 : memref<128x16xf32, #tpu.memory_space<vmem>>) dst(%dma_wait3A_379 : memref<100352x16xf32, #tpu.memory_space<vmem_shared>>)
    %dma_wait3A_380 = arith.constant 0 : i32
    %dma_wait3A_381 = arith.constant 2 : i32
    %dma_wait3A_382 = arith.constant 0 : i32
    %dma_wait3A_383 = arith.constant 2 : i32
    %dma_wait3A_384 = arith.constant 0 : i32
    %dma_wait3A_385 = arith.constant 0 : i32
    %dma_wait3A_386 = tpu.memref_slice %arg9[%dma_wait3A_380, %dma_wait3A_381, %dma_wait3A_384, %dma_wait3A_385] : memref<3x4x128x16xf32, #tpu.memory_space<vmem>> -> memref<1x1x128x16xf32, #tpu.memory_space<vmem>>
    %dma_wait3A_387 = tpu.memref_squeeze %dma_wait3A_386 : memref<1x1x128x16xf32, #tpu.memory_space<vmem>> -> memref<128x16xf32, #tpu.memory_space<vmem>>
    %dma_wait3A_388 = arith.constant 0 : i32
    %dma_wait3A_389 = tpu.memref_slice %arg8[%dma_wait3A_382, %dma_wait3A_383, %dma_wait3A_388] : memref<5x4x128xi32, #tpu.memory_space<vmem>> -> memref<1x1x128xi32, #tpu.memory_space<vmem>>
    %dma_wait3A_390 = tpu.memref_squeeze %dma_wait3A_389 : memref<1x1x128xi32, #tpu.memory_space<vmem>> -> memref<128xi32, #tpu.memory_space<vmem>>
    %dma_wait3A_391 = arith.constant 0 : i32
    %dma_wait3A_392 = arith.constant 0 : i32
    %dma_wait3A_393 = tpu.memref_slice %arg10[%dma_wait3A_391, %dma_wait3A_392] : memref<100352x16xf32, #tpu.memory_space<vmem_shared>> -> memref<100352x16xf32, #tpu.memory_space<vmem_shared>>
    tpu.wait_indirect_dma semaphore(%arg13 : memref<!tpu.dma_semaphore, #tpu.memory_space<semaphore_mem>>) src(%dma_wait3A_387 : memref<128x16xf32, #tpu.memory_space<vmem>>) dst(%dma_wait3A_393 : memref<100352x16xf32, #tpu.memory_space<vmem_shared>>)
    %dma_wait3A_394 = arith.constant 0 : i32
    %dma_wait3A_395 = arith.constant 3 : i32
    %dma_wait3A_396 = arith.constant 0 : i32
    %dma_wait3A_397 = arith.constant 3 : i32
    %dma_wait3A_398 = arith.constant 0 : i32
    %dma_wait3A_399 = arith.constant 0 : i32
    %dma_wait3A_400 = tpu.memref_slice %arg9[%dma_wait3A_394, %dma_wait3A_395, %dma_wait3A_398, %dma_wait3A_399] : memref<3x4x128x16xf32, #tpu.memory_space<vmem>> -> memref<1x1x128x16xf32, #tpu.memory_space<vmem>>
    %dma_wait3A_401 = tpu.memref_squeeze %dma_wait3A_400 : memref<1x1x128x16xf32, #tpu.memory_space<vmem>> -> memref<128x16xf32, #tpu.memory_space<vmem>>
    %dma_wait3A_402 = arith.constant 0 : i32
    %dma_wait3A_403 = tpu.memref_slice %arg8[%dma_wait3A_396, %dma_wait3A_397, %dma_wait3A_402] : memref<5x4x128xi32, #tpu.memory_space<vmem>> -> memref<1x1x128xi32, #tpu.memory_space<vmem>>
    %dma_wait3A_404 = tpu.memref_squeeze %dma_wait3A_403 : memref<1x1x128xi32, #tpu.memory_space<vmem>> -> memref<128xi32, #tpu.memory_space<vmem>>
    %dma_wait3A_405 = arith.constant 0 : i32
    %dma_wait3A_406 = arith.constant 0 : i32
    %dma_wait3A_407 = tpu.memref_slice %arg10[%dma_wait3A_405, %dma_wait3A_406] : memref<100352x16xf32, #tpu.memory_space<vmem_shared>> -> memref<100352x16xf32, #tpu.memory_space<vmem_shared>>
    tpu.wait_indirect_dma semaphore(%arg13 : memref<!tpu.dma_semaphore, #tpu.memory_space<semaphore_mem>>) src(%dma_wait3A_401 : memref<128x16xf32, #tpu.memory_space<vmem>>) dst(%dma_wait3A_407 : memref<100352x16xf32, #tpu.memory_space<vmem_shared>>)
    %barrier3A_408 = arith.constant 0 : index
    tpu.barrier barrier_id(%barrier3A_408)
    %mul3A_409 = arith.constant 6272 : i32
    %mul3A_410 = arith.muli %arg1, %mul3A_409 : i32
    %mul3A_411 = arith.constant 6272 : i32
    %mul3A_412 = arith.muli %arg1, %mul3A_411 : i32
    "tpu.region"() ({
      %run_scoped3A = tpu.sem_alloc : memref<!tpu.dma_semaphore, #tpu.memory_space<semaphore_mem>>
      %dma_start3A_413 = arith.constant 0 : i32
      %dma_start3A_414 = tpu.memref_slice %arg6[%arg0, %mul3A_412, %dma_start3A_413] : memref<2x100352x16xf32, #tpu.memory_space<hbm>> -> memref<1x6272x16xf32, #tpu.memory_space<hbm>>
      %dma_start3A_415 = tpu.memref_squeeze %dma_start3A_414 : memref<1x6272x16xf32, #tpu.memory_space<hbm>> -> memref<6272x16xf32, #tpu.memory_space<hbm>>
      %dma_start3A_416 = arith.constant 0 : i32
      %dma_start3A_417 = tpu.memref_slice %arg10[%mul3A_410, %dma_start3A_416] : memref<100352x16xf32, #tpu.memory_space<vmem_shared>> -> memref<6272x16xf32, #tpu.memory_space<vmem_shared>>
      tpu.enqueue_dma source(%dma_start3A_417 : memref<6272x16xf32, #tpu.memory_space<vmem_shared>>) target(%dma_start3A_415 : memref<6272x16xf32, #tpu.memory_space<hbm>>) target_semaphore(%run_scoped3A : memref<!tpu.dma_semaphore, #tpu.memory_space<semaphore_mem>>)
      %dma_wait3A_418 = arith.constant 0 : i32
      %dma_wait3A_419 = tpu.memref_slice %arg6[%arg0, %mul3A_412, %dma_wait3A_418] : memref<2x100352x16xf32, #tpu.memory_space<hbm>> -> memref<1x6272x16xf32, #tpu.memory_space<hbm>>
      %dma_wait3A_420 = tpu.memref_squeeze %dma_wait3A_419 : memref<1x6272x16xf32, #tpu.memory_space<hbm>> -> memref<6272x16xf32, #tpu.memory_space<hbm>>
      %dma_wait3A_421 = arith.constant 0 : i32
      %dma_wait3A_422 = tpu.memref_slice %arg10[%mul3A_410, %dma_wait3A_421] : memref<100352x16xf32, #tpu.memory_space<vmem_shared>> -> memref<6272x16xf32, #tpu.memory_space<vmem_shared>>
      tpu.wait_dma2 semaphore(%run_scoped3A : memref<!tpu.dma_semaphore, #tpu.memory_space<semaphore_mem>>) src(%dma_wait3A_422 : memref<6272x16xf32, #tpu.memory_space<vmem_shared>>) dst(%dma_wait3A_420 : memref<6272x16xf32, #tpu.memory_space<hbm>>)
      tpu.yield
    }) : () -> ()
    return
  }
}

#map = affine_map<(d0, d1) -> (0, 0)>
#map1 = affine_map<(d0, d1) -> (0, 0, 0)>
module attributes {stable_mosaic.version = 14 : i64} {
  func.func @sc_pass(%arg0: i32, %arg1: i32, %arg2: memref<25088x128xi32, #tpu.memory_space<hbm>>, %arg3: memref<25088x128xi32, #tpu.memory_space<hbm>>, %arg4: memref<128x16xf32, #tpu.memory_space<hbm>>, %arg5: memref<100352x16xf32, #tpu.memory_space<hbm>>, %arg6: memref<2x100352x16xf32, #tpu.memory_space<hbm>>, %arg7: memref<5x4x128xi32, #tpu.memory_space<vmem>>, %arg8: memref<5x4x128xi32, #tpu.memory_space<vmem>>, %arg9: memref<3x4x128x16xf32, #tpu.memory_space<vmem>>, %arg10: memref<100352x16xf32, #tpu.memory_space<vmem_shared>>, %arg11: memref<5x!tpu.dma_semaphore, #tpu.memory_space<semaphore_mem>>, %arg12: memref<3x!tpu.dma_semaphore, #tpu.memory_space<semaphore_mem>>, %arg13: memref<!tpu.dma_semaphore, #tpu.memory_space<semaphore_mem>>) attributes {dimension_semantics = [#tpu.dimension_semantics<core_parallel>, #tpu.dimension_semantics<subcore_parallel>], iteration_bounds = array<i64: 2, 16>, scalar_prefetch = 0 : i64, scratch_operands = 7 : i64, tpu.core_type = #tpu.core_type<sc_vector_subcore>, window_params = [{transform_indices = #map}, {transform_indices = #map}, {transform_indices = #map}, {transform_indices = #map}, {transform_indices = #map1}]} {
    %mul3A = arith.constant 2 : i32
    %mul3A_0 = arith.muli %arg1, %mul3A : i32
    %add3A = arith.addi %mul3A_0, %arg0 : i32
    %mul3A_1 = arith.constant 6272 : i32
    %mul3A_2 = arith.muli %arg1, %mul3A_1 : i32
    %mul3A_3 = arith.constant 6272 : i32
    %mul3A_4 = arith.muli %arg1, %mul3A_3 : i32
    "tpu.region"() ({
      %run_scoped3A_182 = tpu.sem_alloc : memref<!tpu.dma_semaphore, #tpu.memory_space<semaphore_mem>>
      %dma_start3A_183 = arith.constant 0 : i32
      %dma_start3A_184 = tpu.memref_slice %arg10[%mul3A_4, %dma_start3A_183] : memref<100352x16xf32, #tpu.memory_space<vmem_shared>> -> memref<6272x16xf32, #tpu.memory_space<vmem_shared>>
      %dma_start3A_185 = arith.constant 0 : i32
      %dma_start3A_186 = tpu.memref_slice %arg5[%mul3A_2, %dma_start3A_185] : memref<100352x16xf32, #tpu.memory_space<hbm>> -> memref<6272x16xf32, #tpu.memory_space<hbm>>
      tpu.enqueue_dma source(%dma_start3A_186 : memref<6272x16xf32, #tpu.memory_space<hbm>>) target(%dma_start3A_184 : memref<6272x16xf32, #tpu.memory_space<vmem_shared>>) target_semaphore(%run_scoped3A_182 : memref<!tpu.dma_semaphore, #tpu.memory_space<semaphore_mem>>)
      %dma_wait3A_187 = arith.constant 0 : i32
      %dma_wait3A_188 = tpu.memref_slice %arg10[%mul3A_4, %dma_wait3A_187] : memref<100352x16xf32, #tpu.memory_space<vmem_shared>> -> memref<6272x16xf32, #tpu.memory_space<vmem_shared>>
      %dma_wait3A_189 = arith.constant 0 : i32
      %dma_wait3A_190 = tpu.memref_slice %arg5[%mul3A_2, %dma_wait3A_189] : memref<100352x16xf32, #tpu.memory_space<hbm>> -> memref<6272x16xf32, #tpu.memory_space<hbm>>
      tpu.wait_dma2 semaphore(%run_scoped3A_182 : memref<!tpu.dma_semaphore, #tpu.memory_space<semaphore_mem>>) src(%dma_wait3A_190 : memref<6272x16xf32, #tpu.memory_space<hbm>>) dst(%dma_wait3A_188 : memref<6272x16xf32, #tpu.memory_space<vmem_shared>>)
      tpu.yield
    }) : () -> ()
    %run_scoped3A = arith.constant 0 : i32
    %run_scoped3A_5 = arith.constant 0 : i32
    "tpu.region"() ({
      %run_scoped3A_182 = tpu.sem_alloc : memref<!tpu.dma_semaphore, #tpu.memory_space<semaphore_mem>>
      %dma_start3A_183 = arith.constant 0 : i32
      %dma_start3A_184 = arith.constant 0 : i32
      %dma_start3A_185 = tpu.memref_slice %arg9[%run_scoped3A, %run_scoped3A_5, %dma_start3A_183, %dma_start3A_184] : memref<3x4x128x16xf32, #tpu.memory_space<vmem>> -> memref<1x1x128x16xf32, #tpu.memory_space<vmem>>
      %dma_start3A_186 = tpu.memref_squeeze %dma_start3A_185 : memref<1x1x128x16xf32, #tpu.memory_space<vmem>> -> memref<128x16xf32, #tpu.memory_space<vmem>>
      %dma_start3A_187 = arith.constant 0 : i32
      %dma_start3A_188 = arith.constant 0 : i32
      %dma_start3A_189 = tpu.memref_slice %arg4[%dma_start3A_187, %dma_start3A_188] : memref<128x16xf32, #tpu.memory_space<hbm>> -> memref<128x16xf32, #tpu.memory_space<hbm>>
      %dma_start3A_190 = arith.constant 0 : i32
      %dma_start3A_191 = arith.constant 0 : i32
      %dma_start3A_192 = tpu.memref_slice %arg9[%run_scoped3A, %run_scoped3A_5, %dma_start3A_190, %dma_start3A_191] : memref<3x4x128x16xf32, #tpu.memory_space<vmem>> -> memref<1x1x128x16xf32, #tpu.memory_space<vmem>>
      %dma_start3A_193 = tpu.memref_squeeze %dma_start3A_192 : memref<1x1x128x16xf32, #tpu.memory_space<vmem>> -> memref<128x16xf32, #tpu.memory_space<vmem>>
      %dma_start3A_194 = arith.constant 0 : i32
      %dma_start3A_195 = arith.constant 0 : i32
      %dma_start3A_196 = tpu.memref_slice %arg4[%dma_start3A_194, %dma_start3A_195] : memref<128x16xf32, #tpu.memory_space<hbm>> -> memref<128x16xf32, #tpu.memory_space<hbm>>
      tpu.enqueue_dma source(%dma_start3A_196 : memref<128x16xf32, #tpu.memory_space<hbm>>) target(%dma_start3A_193 : memref<128x16xf32, #tpu.memory_space<vmem>>) target_semaphore(%run_scoped3A_182 : memref<!tpu.dma_semaphore, #tpu.memory_space<semaphore_mem>>)
      %dma_wait3A_197 = arith.constant 0 : i32
      %dma_wait3A_198 = arith.constant 0 : i32
      %dma_wait3A_199 = tpu.memref_slice %arg9[%run_scoped3A, %run_scoped3A_5, %dma_wait3A_197, %dma_wait3A_198] : memref<3x4x128x16xf32, #tpu.memory_space<vmem>> -> memref<1x1x128x16xf32, #tpu.memory_space<vmem>>
      %dma_wait3A_200 = tpu.memref_squeeze %dma_wait3A_199 : memref<1x1x128x16xf32, #tpu.memory_space<vmem>> -> memref<128x16xf32, #tpu.memory_space<vmem>>
      %dma_wait3A_201 = arith.constant 0 : i32
      %dma_wait3A_202 = arith.constant 0 : i32
      %dma_wait3A_203 = tpu.memref_slice %arg4[%dma_wait3A_201, %dma_wait3A_202] : memref<128x16xf32, #tpu.memory_space<hbm>> -> memref<128x16xf32, #tpu.memory_space<hbm>>
      %dma_wait3A_204 = arith.constant 0 : i32
      %dma_wait3A_205 = arith.constant 0 : i32
      %dma_wait3A_206 = tpu.memref_slice %arg9[%run_scoped3A, %run_scoped3A_5, %dma_wait3A_204, %dma_wait3A_205] : memref<3x4x128x16xf32, #tpu.memory_space<vmem>> -> memref<1x1x128x16xf32, #tpu.memory_space<vmem>>
      %dma_wait3A_207 = tpu.memref_squeeze %dma_wait3A_206 : memref<1x1x128x16xf32, #tpu.memory_space<vmem>> -> memref<128x16xf32, #tpu.memory_space<vmem>>
      %dma_wait3A_208 = arith.constant 0 : i32
      %dma_wait3A_209 = arith.constant 0 : i32
      %dma_wait3A_210 = tpu.memref_slice %arg4[%dma_wait3A_208, %dma_wait3A_209] : memref<128x16xf32, #tpu.memory_space<hbm>> -> memref<128x16xf32, #tpu.memory_space<hbm>>
      tpu.wait_dma2 semaphore(%run_scoped3A_182 : memref<!tpu.dma_semaphore, #tpu.memory_space<semaphore_mem>>) src(%dma_wait3A_210 : memref<128x16xf32, #tpu.memory_space<hbm>>) dst(%dma_wait3A_207 : memref<128x16xf32, #tpu.memory_space<vmem>>)
      tpu.yield
    }) : () -> ()
    %barrier3A = arith.constant 0 : index
    tpu.barrier barrier_id(%barrier3A)
    %mul3A_6 = arith.constant 784 : i32
    %mul3A_7 = arith.muli %add3A, %mul3A_6 : i32
    %add3A_8 = arith.constant 0 : i32
    %add3A_9 = arith.addi %mul3A_7, %add3A_8 : i32
    %dma_start3A = arith.constant 0 : i32
    %dma_start3A_10 = arith.constant 0 : i32
    %dma_start3A_11 = arith.constant 0 : i32
    %dma_start3A_12 = arith.constant 0 : i32
    %dma_start3A_13 = tpu.memref_slice %arg7[%dma_start3A, %dma_start3A_11, %dma_start3A_12] : memref<5x4x128xi32, #tpu.memory_space<vmem>> -> memref<1x4x128xi32, #tpu.memory_space<vmem>>
    %dma_start3A_14 = tpu.memref_squeeze %dma_start3A_13 : memref<1x4x128xi32, #tpu.memory_space<vmem>> -> memref<4x128xi32, #tpu.memory_space<vmem>>
    %dma_start3A_15 = arith.constant 0 : i32
    %dma_start3A_16 = tpu.memref_slice %arg2[%add3A_9, %dma_start3A_15] : memref<25088x128xi32, #tpu.memory_space<hbm>> -> memref<4x128xi32, #tpu.memory_space<hbm>>
    %dma_start3A_17 = tpu.memref_slice %arg11[%dma_start3A_10] : memref<5x!tpu.dma_semaphore, #tpu.memory_space<semaphore_mem>> -> memref<1x!tpu.dma_semaphore, #tpu.memory_space<semaphore_mem>>
    %dma_start3A_18 = tpu.memref_squeeze %dma_start3A_17 : memref<1x!tpu.dma_semaphore, #tpu.memory_space<semaphore_mem>> -> memref<!tpu.dma_semaphore, #tpu.memory_space<semaphore_mem>>
    %dma_start3A_19 = arith.constant 0 : i32
    %dma_start3A_20 = arith.constant 0 : i32
    %dma_start3A_21 = tpu.memref_slice %arg7[%dma_start3A, %dma_start3A_19, %dma_start3A_20] : memref<5x4x128xi32, #tpu.memory_space<vmem>> -> memref<1x4x128xi32, #tpu.memory_space<vmem>>
    %dma_start3A_22 = tpu.memref_squeeze %dma_start3A_21 : memref<1x4x128xi32, #tpu.memory_space<vmem>> -> memref<4x128xi32, #tpu.memory_space<vmem>>
    %dma_start3A_23 = arith.constant 0 : i32
    %dma_start3A_24 = tpu.memref_slice %arg2[%add3A_9, %dma_start3A_23] : memref<25088x128xi32, #tpu.memory_space<hbm>> -> memref<4x128xi32, #tpu.memory_space<hbm>>
    tpu.enqueue_dma source(%dma_start3A_24 : memref<4x128xi32, #tpu.memory_space<hbm>>) target(%dma_start3A_22 : memref<4x128xi32, #tpu.memory_space<vmem>>) target_semaphore(%dma_start3A_18 : memref<!tpu.dma_semaphore, #tpu.memory_space<semaphore_mem>>)
    %dma_wait3A = arith.constant 0 : i32
    %dma_wait3A_25 = arith.constant 0 : i32
    %dma_wait3A_26 = arith.constant 0 : i32
    %dma_wait3A_27 = arith.constant 0 : i32
    %dma_wait3A_28 = tpu.memref_slice %arg7[%dma_wait3A, %dma_wait3A_26, %dma_wait3A_27] : memref<5x4x128xi32, #tpu.memory_space<vmem>> -> memref<1x4x128xi32, #tpu.memory_space<vmem>>
    %dma_wait3A_29 = tpu.memref_squeeze %dma_wait3A_28 : memref<1x4x128xi32, #tpu.memory_space<vmem>> -> memref<4x128xi32, #tpu.memory_space<vmem>>
    %dma_wait3A_30 = arith.constant 0 : i32
    %dma_wait3A_31 = tpu.memref_slice %arg2[%add3A_9, %dma_wait3A_30] : memref<25088x128xi32, #tpu.memory_space<hbm>> -> memref<4x128xi32, #tpu.memory_space<hbm>>
    %dma_wait3A_32 = tpu.memref_slice %arg11[%dma_wait3A_25] : memref<5x!tpu.dma_semaphore, #tpu.memory_space<semaphore_mem>> -> memref<1x!tpu.dma_semaphore, #tpu.memory_space<semaphore_mem>>
    %dma_wait3A_33 = tpu.memref_squeeze %dma_wait3A_32 : memref<1x!tpu.dma_semaphore, #tpu.memory_space<semaphore_mem>> -> memref<!tpu.dma_semaphore, #tpu.memory_space<semaphore_mem>>
    %dma_wait3A_34 = arith.constant 0 : i32
    %dma_wait3A_35 = arith.constant 0 : i32
    %dma_wait3A_36 = tpu.memref_slice %arg7[%dma_wait3A, %dma_wait3A_34, %dma_wait3A_35] : memref<5x4x128xi32, #tpu.memory_space<vmem>> -> memref<1x4x128xi32, #tpu.memory_space<vmem>>
    %dma_wait3A_37 = tpu.memref_squeeze %dma_wait3A_36 : memref<1x4x128xi32, #tpu.memory_space<vmem>> -> memref<4x128xi32, #tpu.memory_space<vmem>>
    %dma_wait3A_38 = arith.constant 0 : i32
    %dma_wait3A_39 = tpu.memref_slice %arg2[%add3A_9, %dma_wait3A_38] : memref<25088x128xi32, #tpu.memory_space<hbm>> -> memref<4x128xi32, #tpu.memory_space<hbm>>
    tpu.wait_dma2 semaphore(%dma_wait3A_33 : memref<!tpu.dma_semaphore, #tpu.memory_space<semaphore_mem>>) src(%dma_wait3A_39 : memref<4x128xi32, #tpu.memory_space<hbm>>) dst(%dma_wait3A_37 : memref<4x128xi32, #tpu.memory_space<vmem>>)
    %mul3A_40 = arith.constant 784 : i32
    %mul3A_41 = arith.muli %add3A, %mul3A_40 : i32
    %add3A_42 = arith.constant 4 : i32
    %add3A_43 = arith.addi %mul3A_41, %add3A_42 : i32
    %dma_start3A_44 = arith.constant 1 : i32
    %dma_start3A_45 = arith.constant 1 : i32
    %dma_start3A_46 = arith.constant 0 : i32
    %dma_start3A_47 = arith.constant 0 : i32
    %dma_start3A_48 = tpu.memref_slice %arg7[%dma_start3A_44, %dma_start3A_46, %dma_start3A_47] : memref<5x4x128xi32, #tpu.memory_space<vmem>> -> memref<1x4x128xi32, #tpu.memory_space<vmem>>
    %dma_start3A_49 = tpu.memref_squeeze %dma_start3A_48 : memref<1x4x128xi32, #tpu.memory_space<vmem>> -> memref<4x128xi32, #tpu.memory_space<vmem>>
    %dma_start3A_50 = arith.constant 0 : i32
    %dma_start3A_51 = tpu.memref_slice %arg2[%add3A_43, %dma_start3A_50] : memref<25088x128xi32, #tpu.memory_space<hbm>> -> memref<4x128xi32, #tpu.memory_space<hbm>>
    %dma_start3A_52 = tpu.memref_slice %arg11[%dma_start3A_45] : memref<5x!tpu.dma_semaphore, #tpu.memory_space<semaphore_mem>> -> memref<1x!tpu.dma_semaphore, #tpu.memory_space<semaphore_mem>>
    %dma_start3A_53 = tpu.memref_squeeze %dma_start3A_52 : memref<1x!tpu.dma_semaphore, #tpu.memory_space<semaphore_mem>> -> memref<!tpu.dma_semaphore, #tpu.memory_space<semaphore_mem>>
    %dma_start3A_54 = arith.constant 0 : i32
    %dma_start3A_55 = arith.constant 0 : i32
    %dma_start3A_56 = tpu.memref_slice %arg7[%dma_start3A_44, %dma_start3A_54, %dma_start3A_55] : memref<5x4x128xi32, #tpu.memory_space<vmem>> -> memref<1x4x128xi32, #tpu.memory_space<vmem>>
    %dma_start3A_57 = tpu.memref_squeeze %dma_start3A_56 : memref<1x4x128xi32, #tpu.memory_space<vmem>> -> memref<4x128xi32, #tpu.memory_space<vmem>>
    %dma_start3A_58 = arith.constant 0 : i32
    %dma_start3A_59 = tpu.memref_slice %arg2[%add3A_43, %dma_start3A_58] : memref<25088x128xi32, #tpu.memory_space<hbm>> -> memref<4x128xi32, #tpu.memory_space<hbm>>
    tpu.enqueue_dma source(%dma_start3A_59 : memref<4x128xi32, #tpu.memory_space<hbm>>) target(%dma_start3A_57 : memref<4x128xi32, #tpu.memory_space<vmem>>) target_semaphore(%dma_start3A_53 : memref<!tpu.dma_semaphore, #tpu.memory_space<semaphore_mem>>)
    %dma_wait3A_60 = arith.constant 1 : i32
    %dma_wait3A_61 = arith.constant 1 : i32
    %dma_wait3A_62 = arith.constant 0 : i32
    %dma_wait3A_63 = arith.constant 0 : i32
    %dma_wait3A_64 = tpu.memref_slice %arg7[%dma_wait3A_60, %dma_wait3A_62, %dma_wait3A_63] : memref<5x4x128xi32, #tpu.memory_space<vmem>> -> memref<1x4x128xi32, #tpu.memory_space<vmem>>
    %dma_wait3A_65 = tpu.memref_squeeze %dma_wait3A_64 : memref<1x4x128xi32, #tpu.memory_space<vmem>> -> memref<4x128xi32, #tpu.memory_space<vmem>>
    %dma_wait3A_66 = arith.constant 0 : i32
    %dma_wait3A_67 = tpu.memref_slice %arg2[%add3A_43, %dma_wait3A_66] : memref<25088x128xi32, #tpu.memory_space<hbm>> -> memref<4x128xi32, #tpu.memory_space<hbm>>
    %dma_wait3A_68 = tpu.memref_slice %arg11[%dma_wait3A_61] : memref<5x!tpu.dma_semaphore, #tpu.memory_space<semaphore_mem>> -> memref<1x!tpu.dma_semaphore, #tpu.memory_space<semaphore_mem>>
    %dma_wait3A_69 = tpu.memref_squeeze %dma_wait3A_68 : memref<1x!tpu.dma_semaphore, #tpu.memory_space<semaphore_mem>> -> memref<!tpu.dma_semaphore, #tpu.memory_space<semaphore_mem>>
    %dma_wait3A_70 = arith.constant 0 : i32
    %dma_wait3A_71 = arith.constant 0 : i32
    %dma_wait3A_72 = tpu.memref_slice %arg7[%dma_wait3A_60, %dma_wait3A_70, %dma_wait3A_71] : memref<5x4x128xi32, #tpu.memory_space<vmem>> -> memref<1x4x128xi32, #tpu.memory_space<vmem>>
    %dma_wait3A_73 = tpu.memref_squeeze %dma_wait3A_72 : memref<1x4x128xi32, #tpu.memory_space<vmem>> -> memref<4x128xi32, #tpu.memory_space<vmem>>
    %dma_wait3A_74 = arith.constant 0 : i32
    %dma_wait3A_75 = tpu.memref_slice %arg2[%add3A_43, %dma_wait3A_74] : memref<25088x128xi32, #tpu.memory_space<hbm>> -> memref<4x128xi32, #tpu.memory_space<hbm>>
    tpu.wait_dma2 semaphore(%dma_wait3A_69 : memref<!tpu.dma_semaphore, #tpu.memory_space<semaphore_mem>>) src(%dma_wait3A_75 : memref<4x128xi32, #tpu.memory_space<hbm>>) dst(%dma_wait3A_73 : memref<4x128xi32, #tpu.memory_space<vmem>>)
    %mul3A_76 = arith.constant 784 : i32
    %mul3A_77 = arith.muli %add3A, %mul3A_76 : i32
    %add3A_78 = arith.constant 8 : i32
    %add3A_79 = arith.addi %mul3A_77, %add3A_78 : i32
    %dma_start3A_80 = arith.constant 2 : i32
    %dma_start3A_81 = arith.constant 2 : i32
    %dma_start3A_82 = arith.constant 0 : i32
    %dma_start3A_83 = arith.constant 0 : i32
    %dma_start3A_84 = tpu.memref_slice %arg7[%dma_start3A_80, %dma_start3A_82, %dma_start3A_83] : memref<5x4x128xi32, #tpu.memory_space<vmem>> -> memref<1x4x128xi32, #tpu.memory_space<vmem>>
    %dma_start3A_85 = tpu.memref_squeeze %dma_start3A_84 : memref<1x4x128xi32, #tpu.memory_space<vmem>> -> memref<4x128xi32, #tpu.memory_space<vmem>>
    %dma_start3A_86 = arith.constant 0 : i32
    %dma_start3A_87 = tpu.memref_slice %arg2[%add3A_79, %dma_start3A_86] : memref<25088x128xi32, #tpu.memory_space<hbm>> -> memref<4x128xi32, #tpu.memory_space<hbm>>
    %dma_start3A_88 = tpu.memref_slice %arg11[%dma_start3A_81] : memref<5x!tpu.dma_semaphore, #tpu.memory_space<semaphore_mem>> -> memref<1x!tpu.dma_semaphore, #tpu.memory_space<semaphore_mem>>
    %dma_start3A_89 = tpu.memref_squeeze %dma_start3A_88 : memref<1x!tpu.dma_semaphore, #tpu.memory_space<semaphore_mem>> -> memref<!tpu.dma_semaphore, #tpu.memory_space<semaphore_mem>>
    %dma_start3A_90 = arith.constant 0 : i32
    %dma_start3A_91 = arith.constant 0 : i32
    %dma_start3A_92 = tpu.memref_slice %arg7[%dma_start3A_80, %dma_start3A_90, %dma_start3A_91] : memref<5x4x128xi32, #tpu.memory_space<vmem>> -> memref<1x4x128xi32, #tpu.memory_space<vmem>>
    %dma_start3A_93 = tpu.memref_squeeze %dma_start3A_92 : memref<1x4x128xi32, #tpu.memory_space<vmem>> -> memref<4x128xi32, #tpu.memory_space<vmem>>
    %dma_start3A_94 = arith.constant 0 : i32
    %dma_start3A_95 = tpu.memref_slice %arg2[%add3A_79, %dma_start3A_94] : memref<25088x128xi32, #tpu.memory_space<hbm>> -> memref<4x128xi32, #tpu.memory_space<hbm>>
    tpu.enqueue_dma source(%dma_start3A_95 : memref<4x128xi32, #tpu.memory_space<hbm>>) target(%dma_start3A_93 : memref<4x128xi32, #tpu.memory_space<vmem>>) target_semaphore(%dma_start3A_89 : memref<!tpu.dma_semaphore, #tpu.memory_space<semaphore_mem>>)
    %mul3A_96 = arith.constant 784 : i32
    %mul3A_97 = arith.muli %add3A, %mul3A_96 : i32
    %add3A_98 = arith.constant 12 : i32
    %add3A_99 = arith.addi %mul3A_97, %add3A_98 : i32
    %dma_start3A_100 = arith.constant 3 : i32
    %dma_start3A_101 = arith.constant 3 : i32
    %dma_start3A_102 = arith.constant 0 : i32
    %dma_start3A_103 = arith.constant 0 : i32
    %dma_start3A_104 = tpu.memref_slice %arg7[%dma_start3A_100, %dma_start3A_102, %dma_start3A_103] : memref<5x4x128xi32, #tpu.memory_space<vmem>> -> memref<1x4x128xi32, #tpu.memory_space<vmem>>
    %dma_start3A_105 = tpu.memref_squeeze %dma_start3A_104 : memref<1x4x128xi32, #tpu.memory_space<vmem>> -> memref<4x128xi32, #tpu.memory_space<vmem>>
    %dma_start3A_106 = arith.constant 0 : i32
    %dma_start3A_107 = tpu.memref_slice %arg2[%add3A_99, %dma_start3A_106] : memref<25088x128xi32, #tpu.memory_space<hbm>> -> memref<4x128xi32, #tpu.memory_space<hbm>>
    %dma_start3A_108 = tpu.memref_slice %arg11[%dma_start3A_101] : memref<5x!tpu.dma_semaphore, #tpu.memory_space<semaphore_mem>> -> memref<1x!tpu.dma_semaphore, #tpu.memory_space<semaphore_mem>>
    %dma_start3A_109 = tpu.memref_squeeze %dma_start3A_108 : memref<1x!tpu.dma_semaphore, #tpu.memory_space<semaphore_mem>> -> memref<!tpu.dma_semaphore, #tpu.memory_space<semaphore_mem>>
    %dma_start3A_110 = arith.constant 0 : i32
    %dma_start3A_111 = arith.constant 0 : i32
    %dma_start3A_112 = tpu.memref_slice %arg7[%dma_start3A_100, %dma_start3A_110, %dma_start3A_111] : memref<5x4x128xi32, #tpu.memory_space<vmem>> -> memref<1x4x128xi32, #tpu.memory_space<vmem>>
    %dma_start3A_113 = tpu.memref_squeeze %dma_start3A_112 : memref<1x4x128xi32, #tpu.memory_space<vmem>> -> memref<4x128xi32, #tpu.memory_space<vmem>>
    %dma_start3A_114 = arith.constant 0 : i32
    %dma_start3A_115 = tpu.memref_slice %arg2[%add3A_99, %dma_start3A_114] : memref<25088x128xi32, #tpu.memory_space<hbm>> -> memref<4x128xi32, #tpu.memory_space<hbm>>
    tpu.enqueue_dma source(%dma_start3A_115 : memref<4x128xi32, #tpu.memory_space<hbm>>) target(%dma_start3A_113 : memref<4x128xi32, #tpu.memory_space<vmem>>) target_semaphore(%dma_start3A_109 : memref<!tpu.dma_semaphore, #tpu.memory_space<semaphore_mem>>)
    %scan3A = arith.constant 0 : i32
    %scan3A_116 = arith.constant 0 : i32
    %scan3A_117 = arith.constant 196 : i32
    %scan3A_118 = arith.addi %scan3A_116, %scan3A_117 : i32
    %scan3A_119 = arith.constant 1 : i32
    scf.for %scan3A_182 = %scan3A_116 to %scan3A_118 step %scan3A_119  : i32 {
      %rem3A = arith.constant 3 : i32
      %rem3A_183 = arith.remsi %scan3A_182, %rem3A : i32
      %add3A_184 = arith.constant 2 : i32
      %add3A_185 = arith.addi %scan3A_182, %add3A_184 : i32
      %rem3A_186 = arith.constant 3 : i32
      %rem3A_187 = arith.remsi %add3A_185, %rem3A_186 : i32
      %add3A_188 = arith.constant 2 : i32
      %add3A_189 = arith.addi %scan3A_182, %add3A_188 : i32
      %rem3A_190 = arith.constant 3 : i32
      %rem3A_191 = arith.remsi %add3A_189, %rem3A_190 : i32
      %rem3A_192 = arith.constant 5 : i32
      %rem3A_193 = arith.remsi %scan3A_182, %rem3A_192 : i32
      %add3A_194 = arith.constant 2 : i32
      %add3A_195 = arith.addi %scan3A_182, %add3A_194 : i32
      %rem3A_196 = arith.constant 5 : i32
      %rem3A_197 = arith.remsi %add3A_195, %rem3A_196 : i32
      %add3A_198 = arith.constant 4 : i32
      %add3A_199 = arith.addi %scan3A_182, %add3A_198 : i32
      %rem3A_200 = arith.constant 5 : i32
      %rem3A_201 = arith.remsi %add3A_199, %rem3A_200 : i32
      %gt3A = arith.constant 0 : i32
      %gt3A_202 = arith.cmpi sgt, %scan3A_182, %gt3A : i32
      %convert_element_type3A = arith.extui %gt3A_202 : i1 to i32
      %cond3A = arith.constant 0 : i32
      %cond3A_203 = arith.cmpi ne, %convert_element_type3A, %cond3A : i32
      scf.if %cond3A_203 {
        %dma_wait3A_269 = arith.constant 0 : i32
        %dma_wait3A_270 = arith.constant 0 : i32
        %dma_wait3A_271 = arith.constant 0 : i32
        %dma_wait3A_272 = arith.constant 0 : i32
        %dma_wait3A_273 = arith.constant 0 : i32
        %dma_wait3A_274 = tpu.memref_slice %arg9[%dma_wait3A_269, %dma_wait3A_270, %dma_wait3A_272, %dma_wait3A_273] : memref<3x4x128x16xf32, #tpu.memory_space<vmem>> -> memref<1x1x128x16xf32, #tpu.memory_space<vmem>>
        %dma_wait3A_275 = tpu.memref_squeeze %dma_wait3A_274 : memref<1x1x128x16xf32, #tpu.memory_space<vmem>> -> memref<128x16xf32, #tpu.memory_space<vmem>>
        %dma_wait3A_276 = arith.constant 0 : i32
        %dma_wait3A_277 = tpu.memref_slice %arg7[%rem3A_201, %dma_wait3A_271, %dma_wait3A_276] : memref<5x4x128xi32, #tpu.memory_space<vmem>> -> memref<1x1x128xi32, #tpu.memory_space<vmem>>
        %dma_wait3A_278 = tpu.memref_squeeze %dma_wait3A_277 : memref<1x1x128xi32, #tpu.memory_space<vmem>> -> memref<128xi32, #tpu.memory_space<vmem>>
        %dma_wait3A_279 = arith.constant 0 : i32
        %dma_wait3A_280 = arith.constant 0 : i32
        %dma_wait3A_281 = tpu.memref_slice %arg10[%dma_wait3A_279, %dma_wait3A_280] : memref<100352x16xf32, #tpu.memory_space<vmem_shared>> -> memref<100352x16xf32, #tpu.memory_space<vmem_shared>>
        tpu.wait_indirect_dma semaphore(%arg13 : memref<!tpu.dma_semaphore, #tpu.memory_space<semaphore_mem>>) src(%dma_wait3A_275 : memref<128x16xf32, #tpu.memory_space<vmem>>) dst(%dma_wait3A_281 : memref<100352x16xf32, #tpu.memory_space<vmem_shared>>)
        %dma_wait3A_282 = arith.constant 0 : i32
        %dma_wait3A_283 = arith.constant 0 : i32
        %dma_wait3A_284 = arith.constant 1 : i32
        %dma_wait3A_285 = arith.constant 0 : i32
        %dma_wait3A_286 = arith.constant 0 : i32
        %dma_wait3A_287 = tpu.memref_slice %arg9[%dma_wait3A_282, %dma_wait3A_283, %dma_wait3A_285, %dma_wait3A_286] : memref<3x4x128x16xf32, #tpu.memory_space<vmem>> -> memref<1x1x128x16xf32, #tpu.memory_space<vmem>>
        %dma_wait3A_288 = tpu.memref_squeeze %dma_wait3A_287 : memref<1x1x128x16xf32, #tpu.memory_space<vmem>> -> memref<128x16xf32, #tpu.memory_space<vmem>>
        %dma_wait3A_289 = arith.constant 0 : i32
        %dma_wait3A_290 = tpu.memref_slice %arg7[%rem3A_201, %dma_wait3A_284, %dma_wait3A_289] : memref<5x4x128xi32, #tpu.memory_space<vmem>> -> memref<1x1x128xi32, #tpu.memory_space<vmem>>
        %dma_wait3A_291 = tpu.memref_squeeze %dma_wait3A_290 : memref<1x1x128xi32, #tpu.memory_space<vmem>> -> memref<128xi32, #tpu.memory_space<vmem>>
        %dma_wait3A_292 = arith.constant 0 : i32
        %dma_wait3A_293 = arith.constant 0 : i32
        %dma_wait3A_294 = tpu.memref_slice %arg10[%dma_wait3A_292, %dma_wait3A_293] : memref<100352x16xf32, #tpu.memory_space<vmem_shared>> -> memref<100352x16xf32, #tpu.memory_space<vmem_shared>>
        tpu.wait_indirect_dma semaphore(%arg13 : memref<!tpu.dma_semaphore, #tpu.memory_space<semaphore_mem>>) src(%dma_wait3A_288 : memref<128x16xf32, #tpu.memory_space<vmem>>) dst(%dma_wait3A_294 : memref<100352x16xf32, #tpu.memory_space<vmem_shared>>)
        %dma_wait3A_295 = arith.constant 0 : i32
        %dma_wait3A_296 = arith.constant 0 : i32
        %dma_wait3A_297 = arith.constant 2 : i32
        %dma_wait3A_298 = arith.constant 0 : i32
        %dma_wait3A_299 = arith.constant 0 : i32
        %dma_wait3A_300 = tpu.memref_slice %arg9[%dma_wait3A_295, %dma_wait3A_296, %dma_wait3A_298, %dma_wait3A_299] : memref<3x4x128x16xf32, #tpu.memory_space<vmem>> -> memref<1x1x128x16xf32, #tpu.memory_space<vmem>>
        %dma_wait3A_301 = tpu.memref_squeeze %dma_wait3A_300 : memref<1x1x128x16xf32, #tpu.memory_space<vmem>> -> memref<128x16xf32, #tpu.memory_space<vmem>>
        %dma_wait3A_302 = arith.constant 0 : i32
        %dma_wait3A_303 = tpu.memref_slice %arg7[%rem3A_201, %dma_wait3A_297, %dma_wait3A_302] : memref<5x4x128xi32, #tpu.memory_space<vmem>> -> memref<1x1x128xi32, #tpu.memory_space<vmem>>
        %dma_wait3A_304 = tpu.memref_squeeze %dma_wait3A_303 : memref<1x1x128xi32, #tpu.memory_space<vmem>> -> memref<128xi32, #tpu.memory_space<vmem>>
        %dma_wait3A_305 = arith.constant 0 : i32
        %dma_wait3A_306 = arith.constant 0 : i32
        %dma_wait3A_307 = tpu.memref_slice %arg10[%dma_wait3A_305, %dma_wait3A_306] : memref<100352x16xf32, #tpu.memory_space<vmem_shared>> -> memref<100352x16xf32, #tpu.memory_space<vmem_shared>>
        tpu.wait_indirect_dma semaphore(%arg13 : memref<!tpu.dma_semaphore, #tpu.memory_space<semaphore_mem>>) src(%dma_wait3A_301 : memref<128x16xf32, #tpu.memory_space<vmem>>) dst(%dma_wait3A_307 : memref<100352x16xf32, #tpu.memory_space<vmem_shared>>)
        %dma_wait3A_308 = arith.constant 0 : i32
        %dma_wait3A_309 = arith.constant 0 : i32
        %dma_wait3A_310 = arith.constant 3 : i32
        %dma_wait3A_311 = arith.constant 0 : i32
        %dma_wait3A_312 = arith.constant 0 : i32
        %dma_wait3A_313 = tpu.memref_slice %arg9[%dma_wait3A_308, %dma_wait3A_309, %dma_wait3A_311, %dma_wait3A_312] : memref<3x4x128x16xf32, #tpu.memory_space<vmem>> -> memref<1x1x128x16xf32, #tpu.memory_space<vmem>>
        %dma_wait3A_314 = tpu.memref_squeeze %dma_wait3A_313 : memref<1x1x128x16xf32, #tpu.memory_space<vmem>> -> memref<128x16xf32, #tpu.memory_space<vmem>>
        %dma_wait3A_315 = arith.constant 0 : i32
        %dma_wait3A_316 = tpu.memref_slice %arg7[%rem3A_201, %dma_wait3A_310, %dma_wait3A_315] : memref<5x4x128xi32, #tpu.memory_space<vmem>> -> memref<1x1x128xi32, #tpu.memory_space<vmem>>
        %dma_wait3A_317 = tpu.memref_squeeze %dma_wait3A_316 : memref<1x1x128xi32, #tpu.memory_space<vmem>> -> memref<128xi32, #tpu.memory_space<vmem>>
        %dma_wait3A_318 = arith.constant 0 : i32
        %dma_wait3A_319 = arith.constant 0 : i32
        %dma_wait3A_320 = tpu.memref_slice %arg10[%dma_wait3A_318, %dma_wait3A_319] : memref<100352x16xf32, #tpu.memory_space<vmem_shared>> -> memref<100352x16xf32, #tpu.memory_space<vmem_shared>>
        tpu.wait_indirect_dma semaphore(%arg13 : memref<!tpu.dma_semaphore, #tpu.memory_space<semaphore_mem>>) src(%dma_wait3A_314 : memref<128x16xf32, #tpu.memory_space<vmem>>) dst(%dma_wait3A_320 : memref<100352x16xf32, #tpu.memory_space<vmem_shared>>)
      } else {
      }
      %add3A_204 = arith.constant 2 : i32
      %add3A_205 = arith.addi %scan3A_182, %add3A_204 : i32
      %lt3A = arith.constant 196 : i32
      %lt3A_206 = arith.cmpi slt, %add3A_205, %lt3A : i32
      %convert_element_type3A_207 = arith.extui %lt3A_206 : i1 to i32
      %cond3A_208 = arith.constant 0 : i32
      %cond3A_209 = arith.cmpi ne, %convert_element_type3A_207, %cond3A_208 : i32
      scf.if %cond3A_209 {
        %dma_wait3A_269 = arith.constant 0 : i32
        %dma_wait3A_270 = arith.constant 0 : i32
        %dma_wait3A_271 = tpu.memref_slice %arg7[%rem3A_197, %dma_wait3A_269, %dma_wait3A_270] : memref<5x4x128xi32, #tpu.memory_space<vmem>> -> memref<1x4x128xi32, #tpu.memory_space<vmem>>
        %dma_wait3A_272 = tpu.memref_squeeze %dma_wait3A_271 : memref<1x4x128xi32, #tpu.memory_space<vmem>> -> memref<4x128xi32, #tpu.memory_space<vmem>>
        %dma_wait3A_273 = arith.constant 0 : i32
        %dma_wait3A_274 = arith.constant 0 : i32
        %dma_wait3A_275 = tpu.memref_slice %arg2[%dma_wait3A_273, %dma_wait3A_274] : memref<25088x128xi32, #tpu.memory_space<hbm>> -> memref<4x128xi32, #tpu.memory_space<hbm>>
        %dma_wait3A_276 = tpu.memref_slice %arg11[%rem3A_197] : memref<5x!tpu.dma_semaphore, #tpu.memory_space<semaphore_mem>> -> memref<1x!tpu.dma_semaphore, #tpu.memory_space<semaphore_mem>>
        %dma_wait3A_277 = tpu.memref_squeeze %dma_wait3A_276 : memref<1x!tpu.dma_semaphore, #tpu.memory_space<semaphore_mem>> -> memref<!tpu.dma_semaphore, #tpu.memory_space<semaphore_mem>>
        %dma_wait3A_278 = arith.constant 0 : i32
        %dma_wait3A_279 = arith.constant 0 : i32
        %dma_wait3A_280 = tpu.memref_slice %arg7[%rem3A_197, %dma_wait3A_278, %dma_wait3A_279] : memref<5x4x128xi32, #tpu.memory_space<vmem>> -> memref<1x4x128xi32, #tpu.memory_space<vmem>>
        %dma_wait3A_281 = tpu.memref_squeeze %dma_wait3A_280 : memref<1x4x128xi32, #tpu.memory_space<vmem>> -> memref<4x128xi32, #tpu.memory_space<vmem>>
        %dma_wait3A_282 = arith.constant 0 : i32
        %dma_wait3A_283 = arith.constant 0 : i32
        %dma_wait3A_284 = tpu.memref_slice %arg2[%dma_wait3A_282, %dma_wait3A_283] : memref<25088x128xi32, #tpu.memory_space<hbm>> -> memref<4x128xi32, #tpu.memory_space<hbm>>
        tpu.wait_dma2 semaphore(%dma_wait3A_277 : memref<!tpu.dma_semaphore, #tpu.memory_space<semaphore_mem>>) src(%dma_wait3A_284 : memref<4x128xi32, #tpu.memory_space<hbm>>) dst(%dma_wait3A_281 : memref<4x128xi32, #tpu.memory_space<vmem>>)
      } else {
      }
      %add3A_210 = arith.constant 4 : i32
      %add3A_211 = arith.addi %scan3A_182, %add3A_210 : i32
      %lt3A_212 = arith.constant 196 : i32
      %lt3A_213 = arith.cmpi slt, %add3A_211, %lt3A_212 : i32
      %convert_element_type3A_214 = arith.extui %lt3A_213 : i1 to i32
      %cond3A_215 = arith.constant 0 : i32
      %cond3A_216 = arith.cmpi ne, %convert_element_type3A_214, %cond3A_215 : i32
      scf.if %cond3A_216 {
        %add3A_269 = arith.constant 4 : i32
        %add3A_270 = arith.addi %scan3A_182, %add3A_269 : i32
        %mul3A_271 = arith.constant 784 : i32
        %mul3A_272 = arith.muli %add3A, %mul3A_271 : i32
        %mul3A_273 = arith.constant 4 : i32
        %mul3A_274 = arith.muli %add3A_270, %mul3A_273 : i32
        %add3A_275 = arith.addi %mul3A_272, %mul3A_274 : i32
        %dma_start3A_276 = arith.constant 0 : i32
        %dma_start3A_277 = arith.constant 0 : i32
        %dma_start3A_278 = tpu.memref_slice %arg7[%rem3A_201, %dma_start3A_276, %dma_start3A_277] : memref<5x4x128xi32, #tpu.memory_space<vmem>> -> memref<1x4x128xi32, #tpu.memory_space<vmem>>
        %dma_start3A_279 = tpu.memref_squeeze %dma_start3A_278 : memref<1x4x128xi32, #tpu.memory_space<vmem>> -> memref<4x128xi32, #tpu.memory_space<vmem>>
        %dma_start3A_280 = arith.constant 0 : i32
        %dma_start3A_281 = tpu.memref_slice %arg2[%add3A_275, %dma_start3A_280] : memref<25088x128xi32, #tpu.memory_space<hbm>> -> memref<4x128xi32, #tpu.memory_space<hbm>>
        %dma_start3A_282 = tpu.memref_slice %arg11[%rem3A_201] : memref<5x!tpu.dma_semaphore, #tpu.memory_space<semaphore_mem>> -> memref<1x!tpu.dma_semaphore, #tpu.memory_space<semaphore_mem>>
        %dma_start3A_283 = tpu.memref_squeeze %dma_start3A_282 : memref<1x!tpu.dma_semaphore, #tpu.memory_space<semaphore_mem>> -> memref<!tpu.dma_semaphore, #tpu.memory_space<semaphore_mem>>
        %dma_start3A_284 = arith.constant 0 : i32
        %dma_start3A_285 = arith.constant 0 : i32
        %dma_start3A_286 = tpu.memref_slice %arg7[%rem3A_201, %dma_start3A_284, %dma_start3A_285] : memref<5x4x128xi32, #tpu.memory_space<vmem>> -> memref<1x4x128xi32, #tpu.memory_space<vmem>>
        %dma_start3A_287 = tpu.memref_squeeze %dma_start3A_286 : memref<1x4x128xi32, #tpu.memory_space<vmem>> -> memref<4x128xi32, #tpu.memory_space<vmem>>
        %dma_start3A_288 = arith.constant 0 : i32
        %dma_start3A_289 = tpu.memref_slice %arg2[%add3A_275, %dma_start3A_288] : memref<25088x128xi32, #tpu.memory_space<hbm>> -> memref<4x128xi32, #tpu.memory_space<hbm>>
        tpu.enqueue_dma source(%dma_start3A_289 : memref<4x128xi32, #tpu.memory_space<hbm>>) target(%dma_start3A_287 : memref<4x128xi32, #tpu.memory_space<vmem>>) target_semaphore(%dma_start3A_283 : memref<!tpu.dma_semaphore, #tpu.memory_space<semaphore_mem>>)
      } else {
      }
      %dma_start3A_217 = arith.constant 0 : i32
      %dma_start3A_218 = arith.constant 0 : i32
      %dma_start3A_219 = arith.constant 0 : i32
      %dma_start3A_220 = arith.constant 0 : i32
      %dma_start3A_221 = arith.constant 0 : i32
      %dma_start3A_222 = tpu.memref_slice %arg9[%dma_start3A_217, %dma_start3A_218, %dma_start3A_220, %dma_start3A_221] : memref<3x4x128x16xf32, #tpu.memory_space<vmem>> -> memref<1x1x128x16xf32, #tpu.memory_space<vmem>>
      %dma_start3A_223 = tpu.memref_squeeze %dma_start3A_222 : memref<1x1x128x16xf32, #tpu.memory_space<vmem>> -> memref<128x16xf32, #tpu.memory_space<vmem>>
      %dma_start3A_224 = arith.constant 0 : i32
      %dma_start3A_225 = tpu.memref_slice %arg7[%rem3A_193, %dma_start3A_219, %dma_start3A_224] : memref<5x4x128xi32, #tpu.memory_space<vmem>> -> memref<1x1x128xi32, #tpu.memory_space<vmem>>
      %dma_start3A_226 = tpu.memref_squeeze %dma_start3A_225 : memref<1x1x128xi32, #tpu.memory_space<vmem>> -> memref<128xi32, #tpu.memory_space<vmem>>
      %dma_start3A_227 = arith.constant 0 : i32
      %dma_start3A_228 = arith.constant 0 : i32
      %dma_start3A_229 = tpu.memref_slice %arg10[%dma_start3A_227, %dma_start3A_228] : memref<100352x16xf32, #tpu.memory_space<vmem_shared>> -> memref<100352x16xf32, #tpu.memory_space<vmem_shared>>
      tpu.enqueue_indirect_dma source(%dma_start3A_223 : memref<128x16xf32, #tpu.memory_space<vmem>>) target(%dma_start3A_229 : memref<100352x16xf32, #tpu.memory_space<vmem_shared>>) offsets(%dma_start3A_226 : memref<128xi32, #tpu.memory_space<vmem>>) semaphore(%arg13 : memref<!tpu.dma_semaphore, #tpu.memory_space<semaphore_mem>>) {add = true}
      %dma_start3A_230 = arith.constant 0 : i32
      %dma_start3A_231 = arith.constant 0 : i32
      %dma_start3A_232 = arith.constant 1 : i32
      %dma_start3A_233 = arith.constant 0 : i32
      %dma_start3A_234 = arith.constant 0 : i32
      %dma_start3A_235 = tpu.memref_slice %arg9[%dma_start3A_230, %dma_start3A_231, %dma_start3A_233, %dma_start3A_234] : memref<3x4x128x16xf32, #tpu.memory_space<vmem>> -> memref<1x1x128x16xf32, #tpu.memory_space<vmem>>
      %dma_start3A_236 = tpu.memref_squeeze %dma_start3A_235 : memref<1x1x128x16xf32, #tpu.memory_space<vmem>> -> memref<128x16xf32, #tpu.memory_space<vmem>>
      %dma_start3A_237 = arith.constant 0 : i32
      %dma_start3A_238 = tpu.memref_slice %arg7[%rem3A_193, %dma_start3A_232, %dma_start3A_237] : memref<5x4x128xi32, #tpu.memory_space<vmem>> -> memref<1x1x128xi32, #tpu.memory_space<vmem>>
      %dma_start3A_239 = tpu.memref_squeeze %dma_start3A_238 : memref<1x1x128xi32, #tpu.memory_space<vmem>> -> memref<128xi32, #tpu.memory_space<vmem>>
      %dma_start3A_240 = arith.constant 0 : i32
      %dma_start3A_241 = arith.constant 0 : i32
      %dma_start3A_242 = tpu.memref_slice %arg10[%dma_start3A_240, %dma_start3A_241] : memref<100352x16xf32, #tpu.memory_space<vmem_shared>> -> memref<100352x16xf32, #tpu.memory_space<vmem_shared>>
      tpu.enqueue_indirect_dma source(%dma_start3A_236 : memref<128x16xf32, #tpu.memory_space<vmem>>) target(%dma_start3A_242 : memref<100352x16xf32, #tpu.memory_space<vmem_shared>>) offsets(%dma_start3A_239 : memref<128xi32, #tpu.memory_space<vmem>>) semaphore(%arg13 : memref<!tpu.dma_semaphore, #tpu.memory_space<semaphore_mem>>) {add = true}
      %dma_start3A_243 = arith.constant 0 : i32
      %dma_start3A_244 = arith.constant 0 : i32
      %dma_start3A_245 = arith.constant 2 : i32
      %dma_start3A_246 = arith.constant 0 : i32
      %dma_start3A_247 = arith.constant 0 : i32
      %dma_start3A_248 = tpu.memref_slice %arg9[%dma_start3A_243, %dma_start3A_244, %dma_start3A_246, %dma_start3A_247] : memref<3x4x128x16xf32, #tpu.memory_space<vmem>> -> memref<1x1x128x16xf32, #tpu.memory_space<vmem>>
      %dma_start3A_249 = tpu.memref_squeeze %dma_start3A_248 : memref<1x1x128x16xf32, #tpu.memory_space<vmem>> -> memref<128x16xf32, #tpu.memory_space<vmem>>
      %dma_start3A_250 = arith.constant 0 : i32
      %dma_start3A_251 = tpu.memref_slice %arg7[%rem3A_193, %dma_start3A_245, %dma_start3A_250] : memref<5x4x128xi32, #tpu.memory_space<vmem>> -> memref<1x1x128xi32, #tpu.memory_space<vmem>>
      %dma_start3A_252 = tpu.memref_squeeze %dma_start3A_251 : memref<1x1x128xi32, #tpu.memory_space<vmem>> -> memref<128xi32, #tpu.memory_space<vmem>>
      %dma_start3A_253 = arith.constant 0 : i32
      %dma_start3A_254 = arith.constant 0 : i32
      %dma_start3A_255 = tpu.memref_slice %arg10[%dma_start3A_253, %dma_start3A_254] : memref<100352x16xf32, #tpu.memory_space<vmem_shared>> -> memref<100352x16xf32, #tpu.memory_space<vmem_shared>>
      tpu.enqueue_indirect_dma source(%dma_start3A_249 : memref<128x16xf32, #tpu.memory_space<vmem>>) target(%dma_start3A_255 : memref<100352x16xf32, #tpu.memory_space<vmem_shared>>) offsets(%dma_start3A_252 : memref<128xi32, #tpu.memory_space<vmem>>) semaphore(%arg13 : memref<!tpu.dma_semaphore, #tpu.memory_space<semaphore_mem>>) {add = true}
      %dma_start3A_256 = arith.constant 0 : i32
      %dma_start3A_257 = arith.constant 0 : i32
      %dma_start3A_258 = arith.constant 3 : i32
      %dma_start3A_259 = arith.constant 0 : i32
      %dma_start3A_260 = arith.constant 0 : i32
      %dma_start3A_261 = tpu.memref_slice %arg9[%dma_start3A_256, %dma_start3A_257, %dma_start3A_259, %dma_start3A_260] : memref<3x4x128x16xf32, #tpu.memory_space<vmem>> -> memref<1x1x128x16xf32, #tpu.memory_space<vmem>>
      %dma_start3A_262 = tpu.memref_squeeze %dma_start3A_261 : memref<1x1x128x16xf32, #tpu.memory_space<vmem>> -> memref<128x16xf32, #tpu.memory_space<vmem>>
      %dma_start3A_263 = arith.constant 0 : i32
      %dma_start3A_264 = tpu.memref_slice %arg7[%rem3A_193, %dma_start3A_258, %dma_start3A_263] : memref<5x4x128xi32, #tpu.memory_space<vmem>> -> memref<1x1x128xi32, #tpu.memory_space<vmem>>
      %dma_start3A_265 = tpu.memref_squeeze %dma_start3A_264 : memref<1x1x128xi32, #tpu.memory_space<vmem>> -> memref<128xi32, #tpu.memory_space<vmem>>
      %dma_start3A_266 = arith.constant 0 : i32
      %dma_start3A_267 = arith.constant 0 : i32
      %dma_start3A_268 = tpu.memref_slice %arg10[%dma_start3A_266, %dma_start3A_267] : memref<100352x16xf32, #tpu.memory_space<vmem_shared>> -> memref<100352x16xf32, #tpu.memory_space<vmem_shared>>
      tpu.enqueue_indirect_dma source(%dma_start3A_262 : memref<128x16xf32, #tpu.memory_space<vmem>>) target(%dma_start3A_268 : memref<100352x16xf32, #tpu.memory_space<vmem_shared>>) offsets(%dma_start3A_265 : memref<128xi32, #tpu.memory_space<vmem>>) semaphore(%arg13 : memref<!tpu.dma_semaphore, #tpu.memory_space<semaphore_mem>>) {add = true}
    }
    %scan3A_120 = arith.constant 196 : i32
    %dma_wait3A_121 = arith.constant 0 : i32
    %dma_wait3A_122 = arith.constant 0 : i32
    %dma_wait3A_123 = arith.constant 0 : i32
    %dma_wait3A_124 = arith.constant 0 : i32
    %dma_wait3A_125 = arith.constant 0 : i32
    %dma_wait3A_126 = arith.constant 0 : i32
    %dma_wait3A_127 = tpu.memref_slice %arg9[%dma_wait3A_121, %dma_wait3A_122, %dma_wait3A_125, %dma_wait3A_126] : memref<3x4x128x16xf32, #tpu.memory_space<vmem>> -> memref<1x1x128x16xf32, #tpu.memory_space<vmem>>
    %dma_wait3A_128 = tpu.memref_squeeze %dma_wait3A_127 : memref<1x1x128x16xf32, #tpu.memory_space<vmem>> -> memref<128x16xf32, #tpu.memory_space<vmem>>
    %dma_wait3A_129 = arith.constant 0 : i32
    %dma_wait3A_130 = tpu.memref_slice %arg7[%dma_wait3A_123, %dma_wait3A_124, %dma_wait3A_129] : memref<5x4x128xi32, #tpu.memory_space<vmem>> -> memref<1x1x128xi32, #tpu.memory_space<vmem>>
    %dma_wait3A_131 = tpu.memref_squeeze %dma_wait3A_130 : memref<1x1x128xi32, #tpu.memory_space<vmem>> -> memref<128xi32, #tpu.memory_space<vmem>>
    %dma_wait3A_132 = arith.constant 0 : i32
    %dma_wait3A_133 = arith.constant 0 : i32
    %dma_wait3A_134 = tpu.memref_slice %arg10[%dma_wait3A_132, %dma_wait3A_133] : memref<100352x16xf32, #tpu.memory_space<vmem_shared>> -> memref<100352x16xf32, #tpu.memory_space<vmem_shared>>
    tpu.wait_indirect_dma semaphore(%arg13 : memref<!tpu.dma_semaphore, #tpu.memory_space<semaphore_mem>>) src(%dma_wait3A_128 : memref<128x16xf32, #tpu.memory_space<vmem>>) dst(%dma_wait3A_134 : memref<100352x16xf32, #tpu.memory_space<vmem_shared>>)
    %dma_wait3A_135 = arith.constant 0 : i32
    %dma_wait3A_136 = arith.constant 0 : i32
    %dma_wait3A_137 = arith.constant 0 : i32
    %dma_wait3A_138 = arith.constant 1 : i32
    %dma_wait3A_139 = arith.constant 0 : i32
    %dma_wait3A_140 = arith.constant 0 : i32
    %dma_wait3A_141 = tpu.memref_slice %arg9[%dma_wait3A_135, %dma_wait3A_136, %dma_wait3A_139, %dma_wait3A_140] : memref<3x4x128x16xf32, #tpu.memory_space<vmem>> -> memref<1x1x128x16xf32, #tpu.memory_space<vmem>>
    %dma_wait3A_142 = tpu.memref_squeeze %dma_wait3A_141 : memref<1x1x128x16xf32, #tpu.memory_space<vmem>> -> memref<128x16xf32, #tpu.memory_space<vmem>>
    %dma_wait3A_143 = arith.constant 0 : i32
    %dma_wait3A_144 = tpu.memref_slice %arg7[%dma_wait3A_137, %dma_wait3A_138, %dma_wait3A_143] : memref<5x4x128xi32, #tpu.memory_space<vmem>> -> memref<1x1x128xi32, #tpu.memory_space<vmem>>
    %dma_wait3A_145 = tpu.memref_squeeze %dma_wait3A_144 : memref<1x1x128xi32, #tpu.memory_space<vmem>> -> memref<128xi32, #tpu.memory_space<vmem>>
    %dma_wait3A_146 = arith.constant 0 : i32
    %dma_wait3A_147 = arith.constant 0 : i32
    %dma_wait3A_148 = tpu.memref_slice %arg10[%dma_wait3A_146, %dma_wait3A_147] : memref<100352x16xf32, #tpu.memory_space<vmem_shared>> -> memref<100352x16xf32, #tpu.memory_space<vmem_shared>>
    tpu.wait_indirect_dma semaphore(%arg13 : memref<!tpu.dma_semaphore, #tpu.memory_space<semaphore_mem>>) src(%dma_wait3A_142 : memref<128x16xf32, #tpu.memory_space<vmem>>) dst(%dma_wait3A_148 : memref<100352x16xf32, #tpu.memory_space<vmem_shared>>)
    %dma_wait3A_149 = arith.constant 0 : i32
    %dma_wait3A_150 = arith.constant 0 : i32
    %dma_wait3A_151 = arith.constant 0 : i32
    %dma_wait3A_152 = arith.constant 2 : i32
    %dma_wait3A_153 = arith.constant 0 : i32
    %dma_wait3A_154 = arith.constant 0 : i32
    %dma_wait3A_155 = tpu.memref_slice %arg9[%dma_wait3A_149, %dma_wait3A_150, %dma_wait3A_153, %dma_wait3A_154] : memref<3x4x128x16xf32, #tpu.memory_space<vmem>> -> memref<1x1x128x16xf32, #tpu.memory_space<vmem>>
    %dma_wait3A_156 = tpu.memref_squeeze %dma_wait3A_155 : memref<1x1x128x16xf32, #tpu.memory_space<vmem>> -> memref<128x16xf32, #tpu.memory_space<vmem>>
    %dma_wait3A_157 = arith.constant 0 : i32
    %dma_wait3A_158 = tpu.memref_slice %arg7[%dma_wait3A_151, %dma_wait3A_152, %dma_wait3A_157] : memref<5x4x128xi32, #tpu.memory_space<vmem>> -> memref<1x1x128xi32, #tpu.memory_space<vmem>>
    %dma_wait3A_159 = tpu.memref_squeeze %dma_wait3A_158 : memref<1x1x128xi32, #tpu.memory_space<vmem>> -> memref<128xi32, #tpu.memory_space<vmem>>
    %dma_wait3A_160 = arith.constant 0 : i32
    %dma_wait3A_161 = arith.constant 0 : i32
    %dma_wait3A_162 = tpu.memref_slice %arg10[%dma_wait3A_160, %dma_wait3A_161] : memref<100352x16xf32, #tpu.memory_space<vmem_shared>> -> memref<100352x16xf32, #tpu.memory_space<vmem_shared>>
    tpu.wait_indirect_dma semaphore(%arg13 : memref<!tpu.dma_semaphore, #tpu.memory_space<semaphore_mem>>) src(%dma_wait3A_156 : memref<128x16xf32, #tpu.memory_space<vmem>>) dst(%dma_wait3A_162 : memref<100352x16xf32, #tpu.memory_space<vmem_shared>>)
    %dma_wait3A_163 = arith.constant 0 : i32
    %dma_wait3A_164 = arith.constant 0 : i32
    %dma_wait3A_165 = arith.constant 0 : i32
    %dma_wait3A_166 = arith.constant 3 : i32
    %dma_wait3A_167 = arith.constant 0 : i32
    %dma_wait3A_168 = arith.constant 0 : i32
    %dma_wait3A_169 = tpu.memref_slice %arg9[%dma_wait3A_163, %dma_wait3A_164, %dma_wait3A_167, %dma_wait3A_168] : memref<3x4x128x16xf32, #tpu.memory_space<vmem>> -> memref<1x1x128x16xf32, #tpu.memory_space<vmem>>
    %dma_wait3A_170 = tpu.memref_squeeze %dma_wait3A_169 : memref<1x1x128x16xf32, #tpu.memory_space<vmem>> -> memref<128x16xf32, #tpu.memory_space<vmem>>
    %dma_wait3A_171 = arith.constant 0 : i32
    %dma_wait3A_172 = tpu.memref_slice %arg7[%dma_wait3A_165, %dma_wait3A_166, %dma_wait3A_171] : memref<5x4x128xi32, #tpu.memory_space<vmem>> -> memref<1x1x128xi32, #tpu.memory_space<vmem>>
    %dma_wait3A_173 = tpu.memref_squeeze %dma_wait3A_172 : memref<1x1x128xi32, #tpu.memory_space<vmem>> -> memref<128xi32, #tpu.memory_space<vmem>>
    %dma_wait3A_174 = arith.constant 0 : i32
    %dma_wait3A_175 = arith.constant 0 : i32
    %dma_wait3A_176 = tpu.memref_slice %arg10[%dma_wait3A_174, %dma_wait3A_175] : memref<100352x16xf32, #tpu.memory_space<vmem_shared>> -> memref<100352x16xf32, #tpu.memory_space<vmem_shared>>
    tpu.wait_indirect_dma semaphore(%arg13 : memref<!tpu.dma_semaphore, #tpu.memory_space<semaphore_mem>>) src(%dma_wait3A_170 : memref<128x16xf32, #tpu.memory_space<vmem>>) dst(%dma_wait3A_176 : memref<100352x16xf32, #tpu.memory_space<vmem_shared>>)
    %barrier3A_177 = arith.constant 0 : index
    tpu.barrier barrier_id(%barrier3A_177)
    %mul3A_178 = arith.constant 6272 : i32
    %mul3A_179 = arith.muli %arg1, %mul3A_178 : i32
    %mul3A_180 = arith.constant 6272 : i32
    %mul3A_181 = arith.muli %arg1, %mul3A_180 : i32
    "tpu.region"() ({
      %run_scoped3A_182 = tpu.sem_alloc : memref<!tpu.dma_semaphore, #tpu.memory_space<semaphore_mem>>
      %dma_start3A_183 = arith.constant 0 : i32
      %dma_start3A_184 = tpu.memref_slice %arg6[%arg0, %mul3A_181, %dma_start3A_183] : memref<2x100352x16xf32, #tpu.memory_space<hbm>> -> memref<1x6272x16xf32, #tpu.memory_space<hbm>>
      %dma_start3A_185 = tpu.memref_squeeze %dma_start3A_184 : memref<1x6272x16xf32, #tpu.memory_space<hbm>> -> memref<6272x16xf32, #tpu.memory_space<hbm>>
      %dma_start3A_186 = arith.constant 0 : i32
      %dma_start3A_187 = tpu.memref_slice %arg10[%mul3A_179, %dma_start3A_186] : memref<100352x16xf32, #tpu.memory_space<vmem_shared>> -> memref<6272x16xf32, #tpu.memory_space<vmem_shared>>
      tpu.enqueue_dma source(%dma_start3A_187 : memref<6272x16xf32, #tpu.memory_space<vmem_shared>>) target(%dma_start3A_185 : memref<6272x16xf32, #tpu.memory_space<hbm>>) target_semaphore(%run_scoped3A_182 : memref<!tpu.dma_semaphore, #tpu.memory_space<semaphore_mem>>)
      %dma_wait3A_188 = arith.constant 0 : i32
      %dma_wait3A_189 = tpu.memref_slice %arg6[%arg0, %mul3A_181, %dma_wait3A_188] : memref<2x100352x16xf32, #tpu.memory_space<hbm>> -> memref<1x6272x16xf32, #tpu.memory_space<hbm>>
      %dma_wait3A_190 = tpu.memref_squeeze %dma_wait3A_189 : memref<1x6272x16xf32, #tpu.memory_space<hbm>> -> memref<6272x16xf32, #tpu.memory_space<hbm>>
      %dma_wait3A_191 = arith.constant 0 : i32
      %dma_wait3A_192 = tpu.memref_slice %arg10[%mul3A_179, %dma_wait3A_191] : memref<100352x16xf32, #tpu.memory_space<vmem_shared>> -> memref<6272x16xf32, #tpu.memory_space<vmem_shared>>
      tpu.wait_dma2 semaphore(%run_scoped3A_182 : memref<!tpu.dma_semaphore, #tpu.memory_space<semaphore_mem>>) src(%dma_wait3A_192 : memref<6272x16xf32, #tpu.memory_space<vmem_shared>>) dst(%dma_wait3A_190 : memref<6272x16xf32, #tpu.memory_space<hbm>>)
      tpu.yield
    }) : () -> ()
    return
  }
}

#map = affine_map<(d0, d1) -> (0, 0)>
#map1 = affine_map<(d0, d1) -> (0, 0, 0)>
module attributes {stable_mosaic.version = 14 : i64} {
  func.func @sc_pass(%arg0: i32, %arg1: i32, %arg2: memref<25088x128xi32, #tpu.memory_space<hbm>>, %arg3: memref<25088x128xi32, #tpu.memory_space<hbm>>, %arg4: memref<100352x16xf32, #tpu.memory_space<hbm>>, %arg5: memref<100352x16xf32, #tpu.memory_space<hbm>>, %arg6: memref<2x100352x16xf32, #tpu.memory_space<hbm>>, %arg7: memref<5x4x128xi32, #tpu.memory_space<vmem>>, %arg8: memref<5x4x128xi32, #tpu.memory_space<vmem>>, %arg9: memref<3x4x128x16xf32, #tpu.memory_space<vmem>>, %arg10: memref<100352x16xf32, #tpu.memory_space<vmem_shared>>, %arg11: memref<5x!tpu.dma_semaphore, #tpu.memory_space<semaphore_mem>>, %arg12: memref<3x!tpu.dma_semaphore, #tpu.memory_space<semaphore_mem>>, %arg13: memref<!tpu.dma_semaphore, #tpu.memory_space<semaphore_mem>>) attributes {dimension_semantics = [#tpu.dimension_semantics<core_parallel>, #tpu.dimension_semantics<subcore_parallel>], iteration_bounds = array<i64: 2, 16>, scalar_prefetch = 0 : i64, scratch_operands = 7 : i64, tpu.core_type = #tpu.core_type<sc_vector_subcore>, window_params = [{transform_indices = #map}, {transform_indices = #map}, {transform_indices = #map}, {transform_indices = #map}, {transform_indices = #map1}]} {
    %mul3A = arith.constant 2 : i32
    %mul3A_0 = arith.muli %arg1, %mul3A : i32
    %add3A = arith.addi %mul3A_0, %arg0 : i32
    %mul3A_1 = arith.constant 6272 : i32
    %mul3A_2 = arith.muli %arg1, %mul3A_1 : i32
    %mul3A_3 = arith.constant 6272 : i32
    %mul3A_4 = arith.muli %arg1, %mul3A_3 : i32
    "tpu.region"() ({
      %run_scoped3A = tpu.sem_alloc : memref<!tpu.dma_semaphore, #tpu.memory_space<semaphore_mem>>
      %dma_start3A_413 = arith.constant 0 : i32
      %dma_start3A_414 = tpu.memref_slice %arg10[%mul3A_4, %dma_start3A_413] : memref<100352x16xf32, #tpu.memory_space<vmem_shared>> -> memref<6272x16xf32, #tpu.memory_space<vmem_shared>>
      %dma_start3A_415 = arith.constant 0 : i32
      %dma_start3A_416 = tpu.memref_slice %arg5[%mul3A_2, %dma_start3A_415] : memref<100352x16xf32, #tpu.memory_space<hbm>> -> memref<6272x16xf32, #tpu.memory_space<hbm>>
      tpu.enqueue_dma source(%dma_start3A_416 : memref<6272x16xf32, #tpu.memory_space<hbm>>) target(%dma_start3A_414 : memref<6272x16xf32, #tpu.memory_space<vmem_shared>>) target_semaphore(%run_scoped3A : memref<!tpu.dma_semaphore, #tpu.memory_space<semaphore_mem>>)
      %dma_wait3A_417 = arith.constant 0 : i32
      %dma_wait3A_418 = tpu.memref_slice %arg10[%mul3A_4, %dma_wait3A_417] : memref<100352x16xf32, #tpu.memory_space<vmem_shared>> -> memref<6272x16xf32, #tpu.memory_space<vmem_shared>>
      %dma_wait3A_419 = arith.constant 0 : i32
      %dma_wait3A_420 = tpu.memref_slice %arg5[%mul3A_2, %dma_wait3A_419] : memref<100352x16xf32, #tpu.memory_space<hbm>> -> memref<6272x16xf32, #tpu.memory_space<hbm>>
      tpu.wait_dma2 semaphore(%run_scoped3A : memref<!tpu.dma_semaphore, #tpu.memory_space<semaphore_mem>>) src(%dma_wait3A_420 : memref<6272x16xf32, #tpu.memory_space<hbm>>) dst(%dma_wait3A_418 : memref<6272x16xf32, #tpu.memory_space<vmem_shared>>)
      tpu.yield
    }) : () -> ()
    %barrier3A = arith.constant 0 : index
    tpu.barrier barrier_id(%barrier3A)
    %mul3A_5 = arith.constant 784 : i32
    %mul3A_6 = arith.muli %add3A, %mul3A_5 : i32
    %add3A_7 = arith.constant 0 : i32
    %add3A_8 = arith.addi %mul3A_6, %add3A_7 : i32
    %dma_start3A = arith.constant 0 : i32
    %dma_start3A_9 = arith.constant 0 : i32
    %dma_start3A_10 = arith.constant 0 : i32
    %dma_start3A_11 = arith.constant 0 : i32
    %dma_start3A_12 = tpu.memref_slice %arg7[%dma_start3A, %dma_start3A_10, %dma_start3A_11] : memref<5x4x128xi32, #tpu.memory_space<vmem>> -> memref<1x4x128xi32, #tpu.memory_space<vmem>>
    %dma_start3A_13 = tpu.memref_squeeze %dma_start3A_12 : memref<1x4x128xi32, #tpu.memory_space<vmem>> -> memref<4x128xi32, #tpu.memory_space<vmem>>
    %dma_start3A_14 = arith.constant 0 : i32
    %dma_start3A_15 = tpu.memref_slice %arg2[%add3A_8, %dma_start3A_14] : memref<25088x128xi32, #tpu.memory_space<hbm>> -> memref<4x128xi32, #tpu.memory_space<hbm>>
    %dma_start3A_16 = tpu.memref_slice %arg11[%dma_start3A_9] : memref<5x!tpu.dma_semaphore, #tpu.memory_space<semaphore_mem>> -> memref<1x!tpu.dma_semaphore, #tpu.memory_space<semaphore_mem>>
    %dma_start3A_17 = tpu.memref_squeeze %dma_start3A_16 : memref<1x!tpu.dma_semaphore, #tpu.memory_space<semaphore_mem>> -> memref<!tpu.dma_semaphore, #tpu.memory_space<semaphore_mem>>
    %dma_start3A_18 = arith.constant 0 : i32
    %dma_start3A_19 = arith.constant 0 : i32
    %dma_start3A_20 = tpu.memref_slice %arg7[%dma_start3A, %dma_start3A_18, %dma_start3A_19] : memref<5x4x128xi32, #tpu.memory_space<vmem>> -> memref<1x4x128xi32, #tpu.memory_space<vmem>>
    %dma_start3A_21 = tpu.memref_squeeze %dma_start3A_20 : memref<1x4x128xi32, #tpu.memory_space<vmem>> -> memref<4x128xi32, #tpu.memory_space<vmem>>
    %dma_start3A_22 = arith.constant 0 : i32
    %dma_start3A_23 = tpu.memref_slice %arg2[%add3A_8, %dma_start3A_22] : memref<25088x128xi32, #tpu.memory_space<hbm>> -> memref<4x128xi32, #tpu.memory_space<hbm>>
    tpu.enqueue_dma source(%dma_start3A_23 : memref<4x128xi32, #tpu.memory_space<hbm>>) target(%dma_start3A_21 : memref<4x128xi32, #tpu.memory_space<vmem>>) target_semaphore(%dma_start3A_17 : memref<!tpu.dma_semaphore, #tpu.memory_space<semaphore_mem>>)
    %dma_start3A_24 = arith.constant 0 : i32
    %dma_start3A_25 = arith.constant 0 : i32
    %dma_start3A_26 = arith.constant 0 : i32
    %dma_start3A_27 = arith.constant 0 : i32
    %dma_start3A_28 = tpu.memref_slice %arg8[%dma_start3A_24, %dma_start3A_26, %dma_start3A_27] : memref<5x4x128xi32, #tpu.memory_space<vmem>> -> memref<1x4x128xi32, #tpu.memory_space<vmem>>
    %dma_start3A_29 = tpu.memref_squeeze %dma_start3A_28 : memref<1x4x128xi32, #tpu.memory_space<vmem>> -> memref<4x128xi32, #tpu.memory_space<vmem>>
    %dma_start3A_30 = arith.constant 0 : i32
    %dma_start3A_31 = tpu.memref_slice %arg3[%add3A_8, %dma_start3A_30] : memref<25088x128xi32, #tpu.memory_space<hbm>> -> memref<4x128xi32, #tpu.memory_space<hbm>>
    %dma_start3A_32 = tpu.memref_slice %arg11[%dma_start3A_25] : memref<5x!tpu.dma_semaphore, #tpu.memory_space<semaphore_mem>> -> memref<1x!tpu.dma_semaphore, #tpu.memory_space<semaphore_mem>>
    %dma_start3A_33 = tpu.memref_squeeze %dma_start3A_32 : memref<1x!tpu.dma_semaphore, #tpu.memory_space<semaphore_mem>> -> memref<!tpu.dma_semaphore, #tpu.memory_space<semaphore_mem>>
    %dma_start3A_34 = arith.constant 0 : i32
    %dma_start3A_35 = arith.constant 0 : i32
    %dma_start3A_36 = tpu.memref_slice %arg8[%dma_start3A_24, %dma_start3A_34, %dma_start3A_35] : memref<5x4x128xi32, #tpu.memory_space<vmem>> -> memref<1x4x128xi32, #tpu.memory_space<vmem>>
    %dma_start3A_37 = tpu.memref_squeeze %dma_start3A_36 : memref<1x4x128xi32, #tpu.memory_space<vmem>> -> memref<4x128xi32, #tpu.memory_space<vmem>>
    %dma_start3A_38 = arith.constant 0 : i32
    %dma_start3A_39 = tpu.memref_slice %arg3[%add3A_8, %dma_start3A_38] : memref<25088x128xi32, #tpu.memory_space<hbm>> -> memref<4x128xi32, #tpu.memory_space<hbm>>
    tpu.enqueue_dma source(%dma_start3A_39 : memref<4x128xi32, #tpu.memory_space<hbm>>) target(%dma_start3A_37 : memref<4x128xi32, #tpu.memory_space<vmem>>) target_semaphore(%dma_start3A_33 : memref<!tpu.dma_semaphore, #tpu.memory_space<semaphore_mem>>)
    %dma_wait3A = arith.constant 0 : i32
    %dma_wait3A_40 = arith.constant 0 : i32
    %dma_wait3A_41 = arith.constant 0 : i32
    %dma_wait3A_42 = arith.constant 0 : i32
    %dma_wait3A_43 = tpu.memref_slice %arg7[%dma_wait3A, %dma_wait3A_41, %dma_wait3A_42] : memref<5x4x128xi32, #tpu.memory_space<vmem>> -> memref<1x4x128xi32, #tpu.memory_space<vmem>>
    %dma_wait3A_44 = tpu.memref_squeeze %dma_wait3A_43 : memref<1x4x128xi32, #tpu.memory_space<vmem>> -> memref<4x128xi32, #tpu.memory_space<vmem>>
    %dma_wait3A_45 = arith.constant 0 : i32
    %dma_wait3A_46 = tpu.memref_slice %arg2[%add3A_8, %dma_wait3A_45] : memref<25088x128xi32, #tpu.memory_space<hbm>> -> memref<4x128xi32, #tpu.memory_space<hbm>>
    %dma_wait3A_47 = tpu.memref_slice %arg11[%dma_wait3A_40] : memref<5x!tpu.dma_semaphore, #tpu.memory_space<semaphore_mem>> -> memref<1x!tpu.dma_semaphore, #tpu.memory_space<semaphore_mem>>
    %dma_wait3A_48 = tpu.memref_squeeze %dma_wait3A_47 : memref<1x!tpu.dma_semaphore, #tpu.memory_space<semaphore_mem>> -> memref<!tpu.dma_semaphore, #tpu.memory_space<semaphore_mem>>
    %dma_wait3A_49 = arith.constant 0 : i32
    %dma_wait3A_50 = arith.constant 0 : i32
    %dma_wait3A_51 = tpu.memref_slice %arg7[%dma_wait3A, %dma_wait3A_49, %dma_wait3A_50] : memref<5x4x128xi32, #tpu.memory_space<vmem>> -> memref<1x4x128xi32, #tpu.memory_space<vmem>>
    %dma_wait3A_52 = tpu.memref_squeeze %dma_wait3A_51 : memref<1x4x128xi32, #tpu.memory_space<vmem>> -> memref<4x128xi32, #tpu.memory_space<vmem>>
    %dma_wait3A_53 = arith.constant 0 : i32
    %dma_wait3A_54 = tpu.memref_slice %arg2[%add3A_8, %dma_wait3A_53] : memref<25088x128xi32, #tpu.memory_space<hbm>> -> memref<4x128xi32, #tpu.memory_space<hbm>>
    tpu.wait_dma2 semaphore(%dma_wait3A_48 : memref<!tpu.dma_semaphore, #tpu.memory_space<semaphore_mem>>) src(%dma_wait3A_54 : memref<4x128xi32, #tpu.memory_space<hbm>>) dst(%dma_wait3A_52 : memref<4x128xi32, #tpu.memory_space<vmem>>)
    %dma_wait3A_55 = arith.constant 0 : i32
    %dma_wait3A_56 = arith.constant 0 : i32
    %dma_wait3A_57 = arith.constant 0 : i32
    %dma_wait3A_58 = arith.constant 0 : i32
    %dma_wait3A_59 = tpu.memref_slice %arg8[%dma_wait3A_55, %dma_wait3A_57, %dma_wait3A_58] : memref<5x4x128xi32, #tpu.memory_space<vmem>> -> memref<1x4x128xi32, #tpu.memory_space<vmem>>
    %dma_wait3A_60 = tpu.memref_squeeze %dma_wait3A_59 : memref<1x4x128xi32, #tpu.memory_space<vmem>> -> memref<4x128xi32, #tpu.memory_space<vmem>>
    %dma_wait3A_61 = arith.constant 0 : i32
    %dma_wait3A_62 = tpu.memref_slice %arg3[%add3A_8, %dma_wait3A_61] : memref<25088x128xi32, #tpu.memory_space<hbm>> -> memref<4x128xi32, #tpu.memory_space<hbm>>
    %dma_wait3A_63 = tpu.memref_slice %arg11[%dma_wait3A_56] : memref<5x!tpu.dma_semaphore, #tpu.memory_space<semaphore_mem>> -> memref<1x!tpu.dma_semaphore, #tpu.memory_space<semaphore_mem>>
    %dma_wait3A_64 = tpu.memref_squeeze %dma_wait3A_63 : memref<1x!tpu.dma_semaphore, #tpu.memory_space<semaphore_mem>> -> memref<!tpu.dma_semaphore, #tpu.memory_space<semaphore_mem>>
    %dma_wait3A_65 = arith.constant 0 : i32
    %dma_wait3A_66 = arith.constant 0 : i32
    %dma_wait3A_67 = tpu.memref_slice %arg8[%dma_wait3A_55, %dma_wait3A_65, %dma_wait3A_66] : memref<5x4x128xi32, #tpu.memory_space<vmem>> -> memref<1x4x128xi32, #tpu.memory_space<vmem>>
    %dma_wait3A_68 = tpu.memref_squeeze %dma_wait3A_67 : memref<1x4x128xi32, #tpu.memory_space<vmem>> -> memref<4x128xi32, #tpu.memory_space<vmem>>
    %dma_wait3A_69 = arith.constant 0 : i32
    %dma_wait3A_70 = tpu.memref_slice %arg3[%add3A_8, %dma_wait3A_69] : memref<25088x128xi32, #tpu.memory_space<hbm>> -> memref<4x128xi32, #tpu.memory_space<hbm>>
    tpu.wait_dma2 semaphore(%dma_wait3A_64 : memref<!tpu.dma_semaphore, #tpu.memory_space<semaphore_mem>>) src(%dma_wait3A_70 : memref<4x128xi32, #tpu.memory_space<hbm>>) dst(%dma_wait3A_68 : memref<4x128xi32, #tpu.memory_space<vmem>>)
    %mul3A_71 = arith.constant 784 : i32
    %mul3A_72 = arith.muli %add3A, %mul3A_71 : i32
    %add3A_73 = arith.constant 4 : i32
    %add3A_74 = arith.addi %mul3A_72, %add3A_73 : i32
    %dma_start3A_75 = arith.constant 1 : i32
    %dma_start3A_76 = arith.constant 1 : i32
    %dma_start3A_77 = arith.constant 0 : i32
    %dma_start3A_78 = arith.constant 0 : i32
    %dma_start3A_79 = tpu.memref_slice %arg7[%dma_start3A_75, %dma_start3A_77, %dma_start3A_78] : memref<5x4x128xi32, #tpu.memory_space<vmem>> -> memref<1x4x128xi32, #tpu.memory_space<vmem>>
    %dma_start3A_80 = tpu.memref_squeeze %dma_start3A_79 : memref<1x4x128xi32, #tpu.memory_space<vmem>> -> memref<4x128xi32, #tpu.memory_space<vmem>>
    %dma_start3A_81 = arith.constant 0 : i32
    %dma_start3A_82 = tpu.memref_slice %arg2[%add3A_74, %dma_start3A_81] : memref<25088x128xi32, #tpu.memory_space<hbm>> -> memref<4x128xi32, #tpu.memory_space<hbm>>
    %dma_start3A_83 = tpu.memref_slice %arg11[%dma_start3A_76] : memref<5x!tpu.dma_semaphore, #tpu.memory_space<semaphore_mem>> -> memref<1x!tpu.dma_semaphore, #tpu.memory_space<semaphore_mem>>
    %dma_start3A_84 = tpu.memref_squeeze %dma_start3A_83 : memref<1x!tpu.dma_semaphore, #tpu.memory_space<semaphore_mem>> -> memref<!tpu.dma_semaphore, #tpu.memory_space<semaphore_mem>>
    %dma_start3A_85 = arith.constant 0 : i32
    %dma_start3A_86 = arith.constant 0 : i32
    %dma_start3A_87 = tpu.memref_slice %arg7[%dma_start3A_75, %dma_start3A_85, %dma_start3A_86] : memref<5x4x128xi32, #tpu.memory_space<vmem>> -> memref<1x4x128xi32, #tpu.memory_space<vmem>>
    %dma_start3A_88 = tpu.memref_squeeze %dma_start3A_87 : memref<1x4x128xi32, #tpu.memory_space<vmem>> -> memref<4x128xi32, #tpu.memory_space<vmem>>
    %dma_start3A_89 = arith.constant 0 : i32
    %dma_start3A_90 = tpu.memref_slice %arg2[%add3A_74, %dma_start3A_89] : memref<25088x128xi32, #tpu.memory_space<hbm>> -> memref<4x128xi32, #tpu.memory_space<hbm>>
    tpu.enqueue_dma source(%dma_start3A_90 : memref<4x128xi32, #tpu.memory_space<hbm>>) target(%dma_start3A_88 : memref<4x128xi32, #tpu.memory_space<vmem>>) target_semaphore(%dma_start3A_84 : memref<!tpu.dma_semaphore, #tpu.memory_space<semaphore_mem>>)
    %dma_start3A_91 = arith.constant 1 : i32
    %dma_start3A_92 = arith.constant 1 : i32
    %dma_start3A_93 = arith.constant 0 : i32
    %dma_start3A_94 = arith.constant 0 : i32
    %dma_start3A_95 = tpu.memref_slice %arg8[%dma_start3A_91, %dma_start3A_93, %dma_start3A_94] : memref<5x4x128xi32, #tpu.memory_space<vmem>> -> memref<1x4x128xi32, #tpu.memory_space<vmem>>
    %dma_start3A_96 = tpu.memref_squeeze %dma_start3A_95 : memref<1x4x128xi32, #tpu.memory_space<vmem>> -> memref<4x128xi32, #tpu.memory_space<vmem>>
    %dma_start3A_97 = arith.constant 0 : i32
    %dma_start3A_98 = tpu.memref_slice %arg3[%add3A_74, %dma_start3A_97] : memref<25088x128xi32, #tpu.memory_space<hbm>> -> memref<4x128xi32, #tpu.memory_space<hbm>>
    %dma_start3A_99 = tpu.memref_slice %arg11[%dma_start3A_92] : memref<5x!tpu.dma_semaphore, #tpu.memory_space<semaphore_mem>> -> memref<1x!tpu.dma_semaphore, #tpu.memory_space<semaphore_mem>>
    %dma_start3A_100 = tpu.memref_squeeze %dma_start3A_99 : memref<1x!tpu.dma_semaphore, #tpu.memory_space<semaphore_mem>> -> memref<!tpu.dma_semaphore, #tpu.memory_space<semaphore_mem>>
    %dma_start3A_101 = arith.constant 0 : i32
    %dma_start3A_102 = arith.constant 0 : i32
    %dma_start3A_103 = tpu.memref_slice %arg8[%dma_start3A_91, %dma_start3A_101, %dma_start3A_102] : memref<5x4x128xi32, #tpu.memory_space<vmem>> -> memref<1x4x128xi32, #tpu.memory_space<vmem>>
    %dma_start3A_104 = tpu.memref_squeeze %dma_start3A_103 : memref<1x4x128xi32, #tpu.memory_space<vmem>> -> memref<4x128xi32, #tpu.memory_space<vmem>>
    %dma_start3A_105 = arith.constant 0 : i32
    %dma_start3A_106 = tpu.memref_slice %arg3[%add3A_74, %dma_start3A_105] : memref<25088x128xi32, #tpu.memory_space<hbm>> -> memref<4x128xi32, #tpu.memory_space<hbm>>
    tpu.enqueue_dma source(%dma_start3A_106 : memref<4x128xi32, #tpu.memory_space<hbm>>) target(%dma_start3A_104 : memref<4x128xi32, #tpu.memory_space<vmem>>) target_semaphore(%dma_start3A_100 : memref<!tpu.dma_semaphore, #tpu.memory_space<semaphore_mem>>)
    %dma_wait3A_107 = arith.constant 1 : i32
    %dma_wait3A_108 = arith.constant 1 : i32
    %dma_wait3A_109 = arith.constant 0 : i32
    %dma_wait3A_110 = arith.constant 0 : i32
    %dma_wait3A_111 = tpu.memref_slice %arg7[%dma_wait3A_107, %dma_wait3A_109, %dma_wait3A_110] : memref<5x4x128xi32, #tpu.memory_space<vmem>> -> memref<1x4x128xi32, #tpu.memory_space<vmem>>
    %dma_wait3A_112 = tpu.memref_squeeze %dma_wait3A_111 : memref<1x4x128xi32, #tpu.memory_space<vmem>> -> memref<4x128xi32, #tpu.memory_space<vmem>>
    %dma_wait3A_113 = arith.constant 0 : i32
    %dma_wait3A_114 = tpu.memref_slice %arg2[%add3A_74, %dma_wait3A_113] : memref<25088x128xi32, #tpu.memory_space<hbm>> -> memref<4x128xi32, #tpu.memory_space<hbm>>
    %dma_wait3A_115 = tpu.memref_slice %arg11[%dma_wait3A_108] : memref<5x!tpu.dma_semaphore, #tpu.memory_space<semaphore_mem>> -> memref<1x!tpu.dma_semaphore, #tpu.memory_space<semaphore_mem>>
    %dma_wait3A_116 = tpu.memref_squeeze %dma_wait3A_115 : memref<1x!tpu.dma_semaphore, #tpu.memory_space<semaphore_mem>> -> memref<!tpu.dma_semaphore, #tpu.memory_space<semaphore_mem>>
    %dma_wait3A_117 = arith.constant 0 : i32
    %dma_wait3A_118 = arith.constant 0 : i32
    %dma_wait3A_119 = tpu.memref_slice %arg7[%dma_wait3A_107, %dma_wait3A_117, %dma_wait3A_118] : memref<5x4x128xi32, #tpu.memory_space<vmem>> -> memref<1x4x128xi32, #tpu.memory_space<vmem>>
    %dma_wait3A_120 = tpu.memref_squeeze %dma_wait3A_119 : memref<1x4x128xi32, #tpu.memory_space<vmem>> -> memref<4x128xi32, #tpu.memory_space<vmem>>
    %dma_wait3A_121 = arith.constant 0 : i32
    %dma_wait3A_122 = tpu.memref_slice %arg2[%add3A_74, %dma_wait3A_121] : memref<25088x128xi32, #tpu.memory_space<hbm>> -> memref<4x128xi32, #tpu.memory_space<hbm>>
    tpu.wait_dma2 semaphore(%dma_wait3A_116 : memref<!tpu.dma_semaphore, #tpu.memory_space<semaphore_mem>>) src(%dma_wait3A_122 : memref<4x128xi32, #tpu.memory_space<hbm>>) dst(%dma_wait3A_120 : memref<4x128xi32, #tpu.memory_space<vmem>>)
    %dma_wait3A_123 = arith.constant 1 : i32
    %dma_wait3A_124 = arith.constant 1 : i32
    %dma_wait3A_125 = arith.constant 0 : i32
    %dma_wait3A_126 = arith.constant 0 : i32
    %dma_wait3A_127 = tpu.memref_slice %arg8[%dma_wait3A_123, %dma_wait3A_125, %dma_wait3A_126] : memref<5x4x128xi32, #tpu.memory_space<vmem>> -> memref<1x4x128xi32, #tpu.memory_space<vmem>>
    %dma_wait3A_128 = tpu.memref_squeeze %dma_wait3A_127 : memref<1x4x128xi32, #tpu.memory_space<vmem>> -> memref<4x128xi32, #tpu.memory_space<vmem>>
    %dma_wait3A_129 = arith.constant 0 : i32
    %dma_wait3A_130 = tpu.memref_slice %arg3[%add3A_74, %dma_wait3A_129] : memref<25088x128xi32, #tpu.memory_space<hbm>> -> memref<4x128xi32, #tpu.memory_space<hbm>>
    %dma_wait3A_131 = tpu.memref_slice %arg11[%dma_wait3A_124] : memref<5x!tpu.dma_semaphore, #tpu.memory_space<semaphore_mem>> -> memref<1x!tpu.dma_semaphore, #tpu.memory_space<semaphore_mem>>
    %dma_wait3A_132 = tpu.memref_squeeze %dma_wait3A_131 : memref<1x!tpu.dma_semaphore, #tpu.memory_space<semaphore_mem>> -> memref<!tpu.dma_semaphore, #tpu.memory_space<semaphore_mem>>
    %dma_wait3A_133 = arith.constant 0 : i32
    %dma_wait3A_134 = arith.constant 0 : i32
    %dma_wait3A_135 = tpu.memref_slice %arg8[%dma_wait3A_123, %dma_wait3A_133, %dma_wait3A_134] : memref<5x4x128xi32, #tpu.memory_space<vmem>> -> memref<1x4x128xi32, #tpu.memory_space<vmem>>
    %dma_wait3A_136 = tpu.memref_squeeze %dma_wait3A_135 : memref<1x4x128xi32, #tpu.memory_space<vmem>> -> memref<4x128xi32, #tpu.memory_space<vmem>>
    %dma_wait3A_137 = arith.constant 0 : i32
    %dma_wait3A_138 = tpu.memref_slice %arg3[%add3A_74, %dma_wait3A_137] : memref<25088x128xi32, #tpu.memory_space<hbm>> -> memref<4x128xi32, #tpu.memory_space<hbm>>
    tpu.wait_dma2 semaphore(%dma_wait3A_132 : memref<!tpu.dma_semaphore, #tpu.memory_space<semaphore_mem>>) src(%dma_wait3A_138 : memref<4x128xi32, #tpu.memory_space<hbm>>) dst(%dma_wait3A_136 : memref<4x128xi32, #tpu.memory_space<vmem>>)
    %mul3A_139 = arith.constant 784 : i32
    %mul3A_140 = arith.muli %add3A, %mul3A_139 : i32
    %add3A_141 = arith.constant 8 : i32
    %add3A_142 = arith.addi %mul3A_140, %add3A_141 : i32
    %dma_start3A_143 = arith.constant 2 : i32
    %dma_start3A_144 = arith.constant 2 : i32
    %dma_start3A_145 = arith.constant 0 : i32
    %dma_start3A_146 = arith.constant 0 : i32
    %dma_start3A_147 = tpu.memref_slice %arg7[%dma_start3A_143, %dma_start3A_145, %dma_start3A_146] : memref<5x4x128xi32, #tpu.memory_space<vmem>> -> memref<1x4x128xi32, #tpu.memory_space<vmem>>
    %dma_start3A_148 = tpu.memref_squeeze %dma_start3A_147 : memref<1x4x128xi32, #tpu.memory_space<vmem>> -> memref<4x128xi32, #tpu.memory_space<vmem>>
    %dma_start3A_149 = arith.constant 0 : i32
    %dma_start3A_150 = tpu.memref_slice %arg2[%add3A_142, %dma_start3A_149] : memref<25088x128xi32, #tpu.memory_space<hbm>> -> memref<4x128xi32, #tpu.memory_space<hbm>>
    %dma_start3A_151 = tpu.memref_slice %arg11[%dma_start3A_144] : memref<5x!tpu.dma_semaphore, #tpu.memory_space<semaphore_mem>> -> memref<1x!tpu.dma_semaphore, #tpu.memory_space<semaphore_mem>>
    %dma_start3A_152 = tpu.memref_squeeze %dma_start3A_151 : memref<1x!tpu.dma_semaphore, #tpu.memory_space<semaphore_mem>> -> memref<!tpu.dma_semaphore, #tpu.memory_space<semaphore_mem>>
    %dma_start3A_153 = arith.constant 0 : i32
    %dma_start3A_154 = arith.constant 0 : i32
    %dma_start3A_155 = tpu.memref_slice %arg7[%dma_start3A_143, %dma_start3A_153, %dma_start3A_154] : memref<5x4x128xi32, #tpu.memory_space<vmem>> -> memref<1x4x128xi32, #tpu.memory_space<vmem>>
    %dma_start3A_156 = tpu.memref_squeeze %dma_start3A_155 : memref<1x4x128xi32, #tpu.memory_space<vmem>> -> memref<4x128xi32, #tpu.memory_space<vmem>>
    %dma_start3A_157 = arith.constant 0 : i32
    %dma_start3A_158 = tpu.memref_slice %arg2[%add3A_142, %dma_start3A_157] : memref<25088x128xi32, #tpu.memory_space<hbm>> -> memref<4x128xi32, #tpu.memory_space<hbm>>
    tpu.enqueue_dma source(%dma_start3A_158 : memref<4x128xi32, #tpu.memory_space<hbm>>) target(%dma_start3A_156 : memref<4x128xi32, #tpu.memory_space<vmem>>) target_semaphore(%dma_start3A_152 : memref<!tpu.dma_semaphore, #tpu.memory_space<semaphore_mem>>)
    %dma_start3A_159 = arith.constant 2 : i32
    %dma_start3A_160 = arith.constant 2 : i32
    %dma_start3A_161 = arith.constant 0 : i32
    %dma_start3A_162 = arith.constant 0 : i32
    %dma_start3A_163 = tpu.memref_slice %arg8[%dma_start3A_159, %dma_start3A_161, %dma_start3A_162] : memref<5x4x128xi32, #tpu.memory_space<vmem>> -> memref<1x4x128xi32, #tpu.memory_space<vmem>>
    %dma_start3A_164 = tpu.memref_squeeze %dma_start3A_163 : memref<1x4x128xi32, #tpu.memory_space<vmem>> -> memref<4x128xi32, #tpu.memory_space<vmem>>
    %dma_start3A_165 = arith.constant 0 : i32
    %dma_start3A_166 = tpu.memref_slice %arg3[%add3A_142, %dma_start3A_165] : memref<25088x128xi32, #tpu.memory_space<hbm>> -> memref<4x128xi32, #tpu.memory_space<hbm>>
    %dma_start3A_167 = tpu.memref_slice %arg11[%dma_start3A_160] : memref<5x!tpu.dma_semaphore, #tpu.memory_space<semaphore_mem>> -> memref<1x!tpu.dma_semaphore, #tpu.memory_space<semaphore_mem>>
    %dma_start3A_168 = tpu.memref_squeeze %dma_start3A_167 : memref<1x!tpu.dma_semaphore, #tpu.memory_space<semaphore_mem>> -> memref<!tpu.dma_semaphore, #tpu.memory_space<semaphore_mem>>
    %dma_start3A_169 = arith.constant 0 : i32
    %dma_start3A_170 = arith.constant 0 : i32
    %dma_start3A_171 = tpu.memref_slice %arg8[%dma_start3A_159, %dma_start3A_169, %dma_start3A_170] : memref<5x4x128xi32, #tpu.memory_space<vmem>> -> memref<1x4x128xi32, #tpu.memory_space<vmem>>
    %dma_start3A_172 = tpu.memref_squeeze %dma_start3A_171 : memref<1x4x128xi32, #tpu.memory_space<vmem>> -> memref<4x128xi32, #tpu.memory_space<vmem>>
    %dma_start3A_173 = arith.constant 0 : i32
    %dma_start3A_174 = tpu.memref_slice %arg3[%add3A_142, %dma_start3A_173] : memref<25088x128xi32, #tpu.memory_space<hbm>> -> memref<4x128xi32, #tpu.memory_space<hbm>>
    tpu.enqueue_dma source(%dma_start3A_174 : memref<4x128xi32, #tpu.memory_space<hbm>>) target(%dma_start3A_172 : memref<4x128xi32, #tpu.memory_space<vmem>>) target_semaphore(%dma_start3A_168 : memref<!tpu.dma_semaphore, #tpu.memory_space<semaphore_mem>>)
    %mul3A_175 = arith.constant 784 : i32
    %mul3A_176 = arith.muli %add3A, %mul3A_175 : i32
    %add3A_177 = arith.constant 12 : i32
    %add3A_178 = arith.addi %mul3A_176, %add3A_177 : i32
    %dma_start3A_179 = arith.constant 3 : i32
    %dma_start3A_180 = arith.constant 3 : i32
    %dma_start3A_181 = arith.constant 0 : i32
    %dma_start3A_182 = arith.constant 0 : i32
    %dma_start3A_183 = tpu.memref_slice %arg7[%dma_start3A_179, %dma_start3A_181, %dma_start3A_182] : memref<5x4x128xi32, #tpu.memory_space<vmem>> -> memref<1x4x128xi32, #tpu.memory_space<vmem>>
    %dma_start3A_184 = tpu.memref_squeeze %dma_start3A_183 : memref<1x4x128xi32, #tpu.memory_space<vmem>> -> memref<4x128xi32, #tpu.memory_space<vmem>>
    %dma_start3A_185 = arith.constant 0 : i32
    %dma_start3A_186 = tpu.memref_slice %arg2[%add3A_178, %dma_start3A_185] : memref<25088x128xi32, #tpu.memory_space<hbm>> -> memref<4x128xi32, #tpu.memory_space<hbm>>
    %dma_start3A_187 = tpu.memref_slice %arg11[%dma_start3A_180] : memref<5x!tpu.dma_semaphore, #tpu.memory_space<semaphore_mem>> -> memref<1x!tpu.dma_semaphore, #tpu.memory_space<semaphore_mem>>
    %dma_start3A_188 = tpu.memref_squeeze %dma_start3A_187 : memref<1x!tpu.dma_semaphore, #tpu.memory_space<semaphore_mem>> -> memref<!tpu.dma_semaphore, #tpu.memory_space<semaphore_mem>>
    %dma_start3A_189 = arith.constant 0 : i32
    %dma_start3A_190 = arith.constant 0 : i32
    %dma_start3A_191 = tpu.memref_slice %arg7[%dma_start3A_179, %dma_start3A_189, %dma_start3A_190] : memref<5x4x128xi32, #tpu.memory_space<vmem>> -> memref<1x4x128xi32, #tpu.memory_space<vmem>>
    %dma_start3A_192 = tpu.memref_squeeze %dma_start3A_191 : memref<1x4x128xi32, #tpu.memory_space<vmem>> -> memref<4x128xi32, #tpu.memory_space<vmem>>
    %dma_start3A_193 = arith.constant 0 : i32
    %dma_start3A_194 = tpu.memref_slice %arg2[%add3A_178, %dma_start3A_193] : memref<25088x128xi32, #tpu.memory_space<hbm>> -> memref<4x128xi32, #tpu.memory_space<hbm>>
    tpu.enqueue_dma source(%dma_start3A_194 : memref<4x128xi32, #tpu.memory_space<hbm>>) target(%dma_start3A_192 : memref<4x128xi32, #tpu.memory_space<vmem>>) target_semaphore(%dma_start3A_188 : memref<!tpu.dma_semaphore, #tpu.memory_space<semaphore_mem>>)
    %dma_start3A_195 = arith.constant 3 : i32
    %dma_start3A_196 = arith.constant 3 : i32
    %dma_start3A_197 = arith.constant 0 : i32
    %dma_start3A_198 = arith.constant 0 : i32
    %dma_start3A_199 = tpu.memref_slice %arg8[%dma_start3A_195, %dma_start3A_197, %dma_start3A_198] : memref<5x4x128xi32, #tpu.memory_space<vmem>> -> memref<1x4x128xi32, #tpu.memory_space<vmem>>
    %dma_start3A_200 = tpu.memref_squeeze %dma_start3A_199 : memref<1x4x128xi32, #tpu.memory_space<vmem>> -> memref<4x128xi32, #tpu.memory_space<vmem>>
    %dma_start3A_201 = arith.constant 0 : i32
    %dma_start3A_202 = tpu.memref_slice %arg3[%add3A_178, %dma_start3A_201] : memref<25088x128xi32, #tpu.memory_space<hbm>> -> memref<4x128xi32, #tpu.memory_space<hbm>>
    %dma_start3A_203 = tpu.memref_slice %arg11[%dma_start3A_196] : memref<5x!tpu.dma_semaphore, #tpu.memory_space<semaphore_mem>> -> memref<1x!tpu.dma_semaphore, #tpu.memory_space<semaphore_mem>>
    %dma_start3A_204 = tpu.memref_squeeze %dma_start3A_203 : memref<1x!tpu.dma_semaphore, #tpu.memory_space<semaphore_mem>> -> memref<!tpu.dma_semaphore, #tpu.memory_space<semaphore_mem>>
    %dma_start3A_205 = arith.constant 0 : i32
    %dma_start3A_206 = arith.constant 0 : i32
    %dma_start3A_207 = tpu.memref_slice %arg8[%dma_start3A_195, %dma_start3A_205, %dma_start3A_206] : memref<5x4x128xi32, #tpu.memory_space<vmem>> -> memref<1x4x128xi32, #tpu.memory_space<vmem>>
    %dma_start3A_208 = tpu.memref_squeeze %dma_start3A_207 : memref<1x4x128xi32, #tpu.memory_space<vmem>> -> memref<4x128xi32, #tpu.memory_space<vmem>>
    %dma_start3A_209 = arith.constant 0 : i32
    %dma_start3A_210 = tpu.memref_slice %arg3[%add3A_178, %dma_start3A_209] : memref<25088x128xi32, #tpu.memory_space<hbm>> -> memref<4x128xi32, #tpu.memory_space<hbm>>
    tpu.enqueue_dma source(%dma_start3A_210 : memref<4x128xi32, #tpu.memory_space<hbm>>) target(%dma_start3A_208 : memref<4x128xi32, #tpu.memory_space<vmem>>) target_semaphore(%dma_start3A_204 : memref<!tpu.dma_semaphore, #tpu.memory_space<semaphore_mem>>)
    %dma_start3A_211 = arith.constant 0 : i32
    %dma_start3A_212 = arith.constant 0 : i32
    %dma_start3A_213 = arith.constant 0 : i32
    %dma_start3A_214 = arith.constant 0 : i32
    %dma_start3A_215 = arith.constant 0 : i32
    %dma_start3A_216 = arith.constant 0 : i32
    %dma_start3A_217 = arith.constant 0 : i32
    %dma_start3A_218 = tpu.memref_slice %arg9[%dma_start3A_213, %dma_start3A_214, %dma_start3A_216, %dma_start3A_217] : memref<3x4x128x16xf32, #tpu.memory_space<vmem>> -> memref<1x1x128x16xf32, #tpu.memory_space<vmem>>
    %dma_start3A_219 = tpu.memref_squeeze %dma_start3A_218 : memref<1x1x128x16xf32, #tpu.memory_space<vmem>> -> memref<128x16xf32, #tpu.memory_space<vmem>>
    %dma_start3A_220 = arith.constant 0 : i32
    %dma_start3A_221 = tpu.memref_slice %arg7[%dma_start3A_211, %dma_start3A_212, %dma_start3A_220] : memref<5x4x128xi32, #tpu.memory_space<vmem>> -> memref<1x1x128xi32, #tpu.memory_space<vmem>>
    %dma_start3A_222 = tpu.memref_squeeze %dma_start3A_221 : memref<1x1x128xi32, #tpu.memory_space<vmem>> -> memref<128xi32, #tpu.memory_space<vmem>>
    %dma_start3A_223 = arith.constant 0 : i32
    %dma_start3A_224 = arith.constant 0 : i32
    %dma_start3A_225 = tpu.memref_slice %arg4[%dma_start3A_223, %dma_start3A_224] : memref<100352x16xf32, #tpu.memory_space<hbm>> -> memref<100352x16xf32, #tpu.memory_space<hbm>>
    %dma_start3A_226 = tpu.memref_slice %arg12[%dma_start3A_215] : memref<3x!tpu.dma_semaphore, #tpu.memory_space<semaphore_mem>> -> memref<1x!tpu.dma_semaphore, #tpu.memory_space<semaphore_mem>>
    %dma_start3A_227 = tpu.memref_squeeze %dma_start3A_226 : memref<1x!tpu.dma_semaphore, #tpu.memory_space<semaphore_mem>> -> memref<!tpu.dma_semaphore, #tpu.memory_space<semaphore_mem>>
    tpu.enqueue_indirect_dma source(%dma_start3A_225 : memref<100352x16xf32, #tpu.memory_space<hbm>>) target(%dma_start3A_219 : memref<128x16xf32, #tpu.memory_space<vmem>>) offsets(%dma_start3A_222 : memref<128xi32, #tpu.memory_space<vmem>>) semaphore(%dma_start3A_227 : memref<!tpu.dma_semaphore, #tpu.memory_space<semaphore_mem>>)
    %dma_start3A_228 = arith.constant 0 : i32
    %dma_start3A_229 = arith.constant 1 : i32
    %dma_start3A_230 = arith.constant 0 : i32
    %dma_start3A_231 = arith.constant 1 : i32
    %dma_start3A_232 = arith.constant 0 : i32
    %dma_start3A_233 = arith.constant 0 : i32
    %dma_start3A_234 = arith.constant 0 : i32
    %dma_start3A_235 = tpu.memref_slice %arg9[%dma_start3A_230, %dma_start3A_231, %dma_start3A_233, %dma_start3A_234] : memref<3x4x128x16xf32, #tpu.memory_space<vmem>> -> memref<1x1x128x16xf32, #tpu.memory_space<vmem>>
    %dma_start3A_236 = tpu.memref_squeeze %dma_start3A_235 : memref<1x1x128x16xf32, #tpu.memory_space<vmem>> -> memref<128x16xf32, #tpu.memory_space<vmem>>
    %dma_start3A_237 = arith.constant 0 : i32
    %dma_start3A_238 = tpu.memref_slice %arg7[%dma_start3A_228, %dma_start3A_229, %dma_start3A_237] : memref<5x4x128xi32, #tpu.memory_space<vmem>> -> memref<1x1x128xi32, #tpu.memory_space<vmem>>
    %dma_start3A_239 = tpu.memref_squeeze %dma_start3A_238 : memref<1x1x128xi32, #tpu.memory_space<vmem>> -> memref<128xi32, #tpu.memory_space<vmem>>
    %dma_start3A_240 = arith.constant 0 : i32
    %dma_start3A_241 = arith.constant 0 : i32
    %dma_start3A_242 = tpu.memref_slice %arg4[%dma_start3A_240, %dma_start3A_241] : memref<100352x16xf32, #tpu.memory_space<hbm>> -> memref<100352x16xf32, #tpu.memory_space<hbm>>
    %dma_start3A_243 = tpu.memref_slice %arg12[%dma_start3A_232] : memref<3x!tpu.dma_semaphore, #tpu.memory_space<semaphore_mem>> -> memref<1x!tpu.dma_semaphore, #tpu.memory_space<semaphore_mem>>
    %dma_start3A_244 = tpu.memref_squeeze %dma_start3A_243 : memref<1x!tpu.dma_semaphore, #tpu.memory_space<semaphore_mem>> -> memref<!tpu.dma_semaphore, #tpu.memory_space<semaphore_mem>>
    tpu.enqueue_indirect_dma source(%dma_start3A_242 : memref<100352x16xf32, #tpu.memory_space<hbm>>) target(%dma_start3A_236 : memref<128x16xf32, #tpu.memory_space<vmem>>) offsets(%dma_start3A_239 : memref<128xi32, #tpu.memory_space<vmem>>) semaphore(%dma_start3A_244 : memref<!tpu.dma_semaphore, #tpu.memory_space<semaphore_mem>>)
    %dma_start3A_245 = arith.constant 0 : i32
    %dma_start3A_246 = arith.constant 2 : i32
    %dma_start3A_247 = arith.constant 0 : i32
    %dma_start3A_248 = arith.constant 2 : i32
    %dma_start3A_249 = arith.constant 0 : i32
    %dma_start3A_250 = arith.constant 0 : i32
    %dma_start3A_251 = arith.constant 0 : i32
    %dma_start3A_252 = tpu.memref_slice %arg9[%dma_start3A_247, %dma_start3A_248, %dma_start3A_250, %dma_start3A_251] : memref<3x4x128x16xf32, #tpu.memory_space<vmem>> -> memref<1x1x128x16xf32, #tpu.memory_space<vmem>>
    %dma_start3A_253 = tpu.memref_squeeze %dma_start3A_252 : memref<1x1x128x16xf32, #tpu.memory_space<vmem>> -> memref<128x16xf32, #tpu.memory_space<vmem>>
    %dma_start3A_254 = arith.constant 0 : i32
    %dma_start3A_255 = tpu.memref_slice %arg7[%dma_start3A_245, %dma_start3A_246, %dma_start3A_254] : memref<5x4x128xi32, #tpu.memory_space<vmem>> -> memref<1x1x128xi32, #tpu.memory_space<vmem>>
    %dma_start3A_256 = tpu.memref_squeeze %dma_start3A_255 : memref<1x1x128xi32, #tpu.memory_space<vmem>> -> memref<128xi32, #tpu.memory_space<vmem>>
    %dma_start3A_257 = arith.constant 0 : i32
    %dma_start3A_258 = arith.constant 0 : i32
    %dma_start3A_259 = tpu.memref_slice %arg4[%dma_start3A_257, %dma_start3A_258] : memref<100352x16xf32, #tpu.memory_space<hbm>> -> memref<100352x16xf32, #tpu.memory_space<hbm>>
    %dma_start3A_260 = tpu.memref_slice %arg12[%dma_start3A_249] : memref<3x!tpu.dma_semaphore, #tpu.memory_space<semaphore_mem>> -> memref<1x!tpu.dma_semaphore, #tpu.memory_space<semaphore_mem>>
    %dma_start3A_261 = tpu.memref_squeeze %dma_start3A_260 : memref<1x!tpu.dma_semaphore, #tpu.memory_space<semaphore_mem>> -> memref<!tpu.dma_semaphore, #tpu.memory_space<semaphore_mem>>
    tpu.enqueue_indirect_dma source(%dma_start3A_259 : memref<100352x16xf32, #tpu.memory_space<hbm>>) target(%dma_start3A_253 : memref<128x16xf32, #tpu.memory_space<vmem>>) offsets(%dma_start3A_256 : memref<128xi32, #tpu.memory_space<vmem>>) semaphore(%dma_start3A_261 : memref<!tpu.dma_semaphore, #tpu.memory_space<semaphore_mem>>)
    %dma_start3A_262 = arith.constant 0 : i32
    %dma_start3A_263 = arith.constant 3 : i32
    %dma_start3A_264 = arith.constant 0 : i32
    %dma_start3A_265 = arith.constant 3 : i32
    %dma_start3A_266 = arith.constant 0 : i32
    %dma_start3A_267 = arith.constant 0 : i32
    %dma_start3A_268 = arith.constant 0 : i32
    %dma_start3A_269 = tpu.memref_slice %arg9[%dma_start3A_264, %dma_start3A_265, %dma_start3A_267, %dma_start3A_268] : memref<3x4x128x16xf32, #tpu.memory_space<vmem>> -> memref<1x1x128x16xf32, #tpu.memory_space<vmem>>
    %dma_start3A_270 = tpu.memref_squeeze %dma_start3A_269 : memref<1x1x128x16xf32, #tpu.memory_space<vmem>> -> memref<128x16xf32, #tpu.memory_space<vmem>>
    %dma_start3A_271 = arith.constant 0 : i32
    %dma_start3A_272 = tpu.memref_slice %arg7[%dma_start3A_262, %dma_start3A_263, %dma_start3A_271] : memref<5x4x128xi32, #tpu.memory_space<vmem>> -> memref<1x1x128xi32, #tpu.memory_space<vmem>>
    %dma_start3A_273 = tpu.memref_squeeze %dma_start3A_272 : memref<1x1x128xi32, #tpu.memory_space<vmem>> -> memref<128xi32, #tpu.memory_space<vmem>>
    %dma_start3A_274 = arith.constant 0 : i32
    %dma_start3A_275 = arith.constant 0 : i32
    %dma_start3A_276 = tpu.memref_slice %arg4[%dma_start3A_274, %dma_start3A_275] : memref<100352x16xf32, #tpu.memory_space<hbm>> -> memref<100352x16xf32, #tpu.memory_space<hbm>>
    %dma_start3A_277 = tpu.memref_slice %arg12[%dma_start3A_266] : memref<3x!tpu.dma_semaphore, #tpu.memory_space<semaphore_mem>> -> memref<1x!tpu.dma_semaphore, #tpu.memory_space<semaphore_mem>>
    %dma_start3A_278 = tpu.memref_squeeze %dma_start3A_277 : memref<1x!tpu.dma_semaphore, #tpu.memory_space<semaphore_mem>> -> memref<!tpu.dma_semaphore, #tpu.memory_space<semaphore_mem>>
    tpu.enqueue_indirect_dma source(%dma_start3A_276 : memref<100352x16xf32, #tpu.memory_space<hbm>>) target(%dma_start3A_270 : memref<128x16xf32, #tpu.memory_space<vmem>>) offsets(%dma_start3A_273 : memref<128xi32, #tpu.memory_space<vmem>>) semaphore(%dma_start3A_278 : memref<!tpu.dma_semaphore, #tpu.memory_space<semaphore_mem>>)
    %dma_start3A_279 = arith.constant 1 : i32
    %dma_start3A_280 = arith.constant 0 : i32
    %dma_start3A_281 = arith.constant 1 : i32
    %dma_start3A_282 = arith.constant 0 : i32
    %dma_start3A_283 = arith.constant 1 : i32
    %dma_start3A_284 = arith.constant 0 : i32
    %dma_start3A_285 = arith.constant 0 : i32
    %dma_start3A_286 = tpu.memref_slice %arg9[%dma_start3A_281, %dma_start3A_282, %dma_start3A_284, %dma_start3A_285] : memref<3x4x128x16xf32, #tpu.memory_space<vmem>> -> memref<1x1x128x16xf32, #tpu.memory_space<vmem>>
    %dma_start3A_287 = tpu.memref_squeeze %dma_start3A_286 : memref<1x1x128x16xf32, #tpu.memory_space<vmem>> -> memref<128x16xf32, #tpu.memory_space<vmem>>
    %dma_start3A_288 = arith.constant 0 : i32
    %dma_start3A_289 = tpu.memref_slice %arg7[%dma_start3A_279, %dma_start3A_280, %dma_start3A_288] : memref<5x4x128xi32, #tpu.memory_space<vmem>> -> memref<1x1x128xi32, #tpu.memory_space<vmem>>
    %dma_start3A_290 = tpu.memref_squeeze %dma_start3A_289 : memref<1x1x128xi32, #tpu.memory_space<vmem>> -> memref<128xi32, #tpu.memory_space<vmem>>
    %dma_start3A_291 = arith.constant 0 : i32
    %dma_start3A_292 = arith.constant 0 : i32
    %dma_start3A_293 = tpu.memref_slice %arg4[%dma_start3A_291, %dma_start3A_292] : memref<100352x16xf32, #tpu.memory_space<hbm>> -> memref<100352x16xf32, #tpu.memory_space<hbm>>
    %dma_start3A_294 = tpu.memref_slice %arg12[%dma_start3A_283] : memref<3x!tpu.dma_semaphore, #tpu.memory_space<semaphore_mem>> -> memref<1x!tpu.dma_semaphore, #tpu.memory_space<semaphore_mem>>
    %dma_start3A_295 = tpu.memref_squeeze %dma_start3A_294 : memref<1x!tpu.dma_semaphore, #tpu.memory_space<semaphore_mem>> -> memref<!tpu.dma_semaphore, #tpu.memory_space<semaphore_mem>>
    tpu.enqueue_indirect_dma source(%dma_start3A_293 : memref<100352x16xf32, #tpu.memory_space<hbm>>) target(%dma_start3A_287 : memref<128x16xf32, #tpu.memory_space<vmem>>) offsets(%dma_start3A_290 : memref<128xi32, #tpu.memory_space<vmem>>) semaphore(%dma_start3A_295 : memref<!tpu.dma_semaphore, #tpu.memory_space<semaphore_mem>>)
    %dma_start3A_296 = arith.constant 1 : i32
    %dma_start3A_297 = arith.constant 1 : i32
    %dma_start3A_298 = arith.constant 1 : i32
    %dma_start3A_299 = arith.constant 1 : i32
    %dma_start3A_300 = arith.constant 1 : i32
    %dma_start3A_301 = arith.constant 0 : i32
    %dma_start3A_302 = arith.constant 0 : i32
    %dma_start3A_303 = tpu.memref_slice %arg9[%dma_start3A_298, %dma_start3A_299, %dma_start3A_301, %dma_start3A_302] : memref<3x4x128x16xf32, #tpu.memory_space<vmem>> -> memref<1x1x128x16xf32, #tpu.memory_space<vmem>>
    %dma_start3A_304 = tpu.memref_squeeze %dma_start3A_303 : memref<1x1x128x16xf32, #tpu.memory_space<vmem>> -> memref<128x16xf32, #tpu.memory_space<vmem>>
    %dma_start3A_305 = arith.constant 0 : i32
    %dma_start3A_306 = tpu.memref_slice %arg7[%dma_start3A_296, %dma_start3A_297, %dma_start3A_305] : memref<5x4x128xi32, #tpu.memory_space<vmem>> -> memref<1x1x128xi32, #tpu.memory_space<vmem>>
    %dma_start3A_307 = tpu.memref_squeeze %dma_start3A_306 : memref<1x1x128xi32, #tpu.memory_space<vmem>> -> memref<128xi32, #tpu.memory_space<vmem>>
    %dma_start3A_308 = arith.constant 0 : i32
    %dma_start3A_309 = arith.constant 0 : i32
    %dma_start3A_310 = tpu.memref_slice %arg4[%dma_start3A_308, %dma_start3A_309] : memref<100352x16xf32, #tpu.memory_space<hbm>> -> memref<100352x16xf32, #tpu.memory_space<hbm>>
    %dma_start3A_311 = tpu.memref_slice %arg12[%dma_start3A_300] : memref<3x!tpu.dma_semaphore, #tpu.memory_space<semaphore_mem>> -> memref<1x!tpu.dma_semaphore, #tpu.memory_space<semaphore_mem>>
    %dma_start3A_312 = tpu.memref_squeeze %dma_start3A_311 : memref<1x!tpu.dma_semaphore, #tpu.memory_space<semaphore_mem>> -> memref<!tpu.dma_semaphore, #tpu.memory_space<semaphore_mem>>
    tpu.enqueue_indirect_dma source(%dma_start3A_310 : memref<100352x16xf32, #tpu.memory_space<hbm>>) target(%dma_start3A_304 : memref<128x16xf32, #tpu.memory_space<vmem>>) offsets(%dma_start3A_307 : memref<128xi32, #tpu.memory_space<vmem>>) semaphore(%dma_start3A_312 : memref<!tpu.dma_semaphore, #tpu.memory_space<semaphore_mem>>)
    %dma_start3A_313 = arith.constant 1 : i32
    %dma_start3A_314 = arith.constant 2 : i32
    %dma_start3A_315 = arith.constant 1 : i32
    %dma_start3A_316 = arith.constant 2 : i32
    %dma_start3A_317 = arith.constant 1 : i32
    %dma_start3A_318 = arith.constant 0 : i32
    %dma_start3A_319 = arith.constant 0 : i32
    %dma_start3A_320 = tpu.memref_slice %arg9[%dma_start3A_315, %dma_start3A_316, %dma_start3A_318, %dma_start3A_319] : memref<3x4x128x16xf32, #tpu.memory_space<vmem>> -> memref<1x1x128x16xf32, #tpu.memory_space<vmem>>
    %dma_start3A_321 = tpu.memref_squeeze %dma_start3A_320 : memref<1x1x128x16xf32, #tpu.memory_space<vmem>> -> memref<128x16xf32, #tpu.memory_space<vmem>>
    %dma_start3A_322 = arith.constant 0 : i32
    %dma_start3A_323 = tpu.memref_slice %arg7[%dma_start3A_313, %dma_start3A_314, %dma_start3A_322] : memref<5x4x128xi32, #tpu.memory_space<vmem>> -> memref<1x1x128xi32, #tpu.memory_space<vmem>>
    %dma_start3A_324 = tpu.memref_squeeze %dma_start3A_323 : memref<1x1x128xi32, #tpu.memory_space<vmem>> -> memref<128xi32, #tpu.memory_space<vmem>>
    %dma_start3A_325 = arith.constant 0 : i32
    %dma_start3A_326 = arith.constant 0 : i32
    %dma_start3A_327 = tpu.memref_slice %arg4[%dma_start3A_325, %dma_start3A_326] : memref<100352x16xf32, #tpu.memory_space<hbm>> -> memref<100352x16xf32, #tpu.memory_space<hbm>>
    %dma_start3A_328 = tpu.memref_slice %arg12[%dma_start3A_317] : memref<3x!tpu.dma_semaphore, #tpu.memory_space<semaphore_mem>> -> memref<1x!tpu.dma_semaphore, #tpu.memory_space<semaphore_mem>>
    %dma_start3A_329 = tpu.memref_squeeze %dma_start3A_328 : memref<1x!tpu.dma_semaphore, #tpu.memory_space<semaphore_mem>> -> memref<!tpu.dma_semaphore, #tpu.memory_space<semaphore_mem>>
    tpu.enqueue_indirect_dma source(%dma_start3A_327 : memref<100352x16xf32, #tpu.memory_space<hbm>>) target(%dma_start3A_321 : memref<128x16xf32, #tpu.memory_space<vmem>>) offsets(%dma_start3A_324 : memref<128xi32, #tpu.memory_space<vmem>>) semaphore(%dma_start3A_329 : memref<!tpu.dma_semaphore, #tpu.memory_space<semaphore_mem>>)
    %dma_start3A_330 = arith.constant 1 : i32
    %dma_start3A_331 = arith.constant 3 : i32
    %dma_start3A_332 = arith.constant 1 : i32
    %dma_start3A_333 = arith.constant 3 : i32
    %dma_start3A_334 = arith.constant 1 : i32
    %dma_start3A_335 = arith.constant 0 : i32
    %dma_start3A_336 = arith.constant 0 : i32
    %dma_start3A_337 = tpu.memref_slice %arg9[%dma_start3A_332, %dma_start3A_333, %dma_start3A_335, %dma_start3A_336] : memref<3x4x128x16xf32, #tpu.memory_space<vmem>> -> memref<1x1x128x16xf32, #tpu.memory_space<vmem>>
    %dma_start3A_338 = tpu.memref_squeeze %dma_start3A_337 : memref<1x1x128x16xf32, #tpu.memory_space<vmem>> -> memref<128x16xf32, #tpu.memory_space<vmem>>
    %dma_start3A_339 = arith.constant 0 : i32
    %dma_start3A_340 = tpu.memref_slice %arg7[%dma_start3A_330, %dma_start3A_331, %dma_start3A_339] : memref<5x4x128xi32, #tpu.memory_space<vmem>> -> memref<1x1x128xi32, #tpu.memory_space<vmem>>
    %dma_start3A_341 = tpu.memref_squeeze %dma_start3A_340 : memref<1x1x128xi32, #tpu.memory_space<vmem>> -> memref<128xi32, #tpu.memory_space<vmem>>
    %dma_start3A_342 = arith.constant 0 : i32
    %dma_start3A_343 = arith.constant 0 : i32
    %dma_start3A_344 = tpu.memref_slice %arg4[%dma_start3A_342, %dma_start3A_343] : memref<100352x16xf32, #tpu.memory_space<hbm>> -> memref<100352x16xf32, #tpu.memory_space<hbm>>
    %dma_start3A_345 = tpu.memref_slice %arg12[%dma_start3A_334] : memref<3x!tpu.dma_semaphore, #tpu.memory_space<semaphore_mem>> -> memref<1x!tpu.dma_semaphore, #tpu.memory_space<semaphore_mem>>
    %dma_start3A_346 = tpu.memref_squeeze %dma_start3A_345 : memref<1x!tpu.dma_semaphore, #tpu.memory_space<semaphore_mem>> -> memref<!tpu.dma_semaphore, #tpu.memory_space<semaphore_mem>>
    tpu.enqueue_indirect_dma source(%dma_start3A_344 : memref<100352x16xf32, #tpu.memory_space<hbm>>) target(%dma_start3A_338 : memref<128x16xf32, #tpu.memory_space<vmem>>) offsets(%dma_start3A_341 : memref<128xi32, #tpu.memory_space<vmem>>) semaphore(%dma_start3A_346 : memref<!tpu.dma_semaphore, #tpu.memory_space<semaphore_mem>>)
    %scan3A = arith.constant 0 : i32
    %scan3A_347 = arith.constant 0 : i32
    %scan3A_348 = arith.constant 196 : i32
    %scan3A_349 = arith.addi %scan3A_347, %scan3A_348 : i32
    %scan3A_350 = arith.constant 1 : i32
    scf.for %scan3A_413 = %scan3A_347 to %scan3A_349 step %scan3A_350  : i32 {
      %rem3A = arith.constant 3 : i32
      %rem3A_414 = arith.remsi %scan3A_413, %rem3A : i32
      %add3A_415 = arith.constant 2 : i32
      %add3A_416 = arith.addi %scan3A_413, %add3A_415 : i32
      %rem3A_417 = arith.constant 3 : i32
      %rem3A_418 = arith.remsi %add3A_416, %rem3A_417 : i32
      %add3A_419 = arith.constant 2 : i32
      %add3A_420 = arith.addi %scan3A_413, %add3A_419 : i32
      %rem3A_421 = arith.constant 3 : i32
      %rem3A_422 = arith.remsi %add3A_420, %rem3A_421 : i32
      %rem3A_423 = arith.constant 5 : i32
      %rem3A_424 = arith.remsi %scan3A_413, %rem3A_423 : i32
      %add3A_425 = arith.constant 2 : i32
      %add3A_426 = arith.addi %scan3A_413, %add3A_425 : i32
      %rem3A_427 = arith.constant 5 : i32
      %rem3A_428 = arith.remsi %add3A_426, %rem3A_427 : i32
      %add3A_429 = arith.constant 4 : i32
      %add3A_430 = arith.addi %scan3A_413, %add3A_429 : i32
      %rem3A_431 = arith.constant 5 : i32
      %rem3A_432 = arith.remsi %add3A_430, %rem3A_431 : i32
      %gt3A = arith.constant 0 : i32
      %gt3A_433 = arith.cmpi sgt, %scan3A_413, %gt3A : i32
      %convert_element_type3A = arith.extui %gt3A_433 : i1 to i32
      %cond3A = arith.constant 0 : i32
      %cond3A_434 = arith.cmpi ne, %convert_element_type3A, %cond3A : i32
      scf.if %cond3A_434 {
        %dma_wait3A_552 = arith.constant 0 : i32
        %dma_wait3A_553 = arith.constant 0 : i32
        %dma_wait3A_554 = arith.constant 0 : i32
        %dma_wait3A_555 = arith.constant 0 : i32
        %dma_wait3A_556 = tpu.memref_slice %arg9[%rem3A_422, %dma_wait3A_552, %dma_wait3A_554, %dma_wait3A_555] : memref<3x4x128x16xf32, #tpu.memory_space<vmem>> -> memref<1x1x128x16xf32, #tpu.memory_space<vmem>>
        %dma_wait3A_557 = tpu.memref_squeeze %dma_wait3A_556 : memref<1x1x128x16xf32, #tpu.memory_space<vmem>> -> memref<128x16xf32, #tpu.memory_space<vmem>>
        %dma_wait3A_558 = arith.constant 0 : i32
        %dma_wait3A_559 = tpu.memref_slice %arg8[%rem3A_432, %dma_wait3A_553, %dma_wait3A_558] : memref<5x4x128xi32, #tpu.memory_space<vmem>> -> memref<1x1x128xi32, #tpu.memory_space<vmem>>
        %dma_wait3A_560 = tpu.memref_squeeze %dma_wait3A_559 : memref<1x1x128xi32, #tpu.memory_space<vmem>> -> memref<128xi32, #tpu.memory_space<vmem>>
        %dma_wait3A_561 = arith.constant 0 : i32
        %dma_wait3A_562 = arith.constant 0 : i32
        %dma_wait3A_563 = tpu.memref_slice %arg10[%dma_wait3A_561, %dma_wait3A_562] : memref<100352x16xf32, #tpu.memory_space<vmem_shared>> -> memref<100352x16xf32, #tpu.memory_space<vmem_shared>>
        tpu.wait_indirect_dma semaphore(%arg13 : memref<!tpu.dma_semaphore, #tpu.memory_space<semaphore_mem>>) src(%dma_wait3A_557 : memref<128x16xf32, #tpu.memory_space<vmem>>) dst(%dma_wait3A_563 : memref<100352x16xf32, #tpu.memory_space<vmem_shared>>)
        %dma_wait3A_564 = arith.constant 1 : i32
        %dma_wait3A_565 = arith.constant 1 : i32
        %dma_wait3A_566 = arith.constant 0 : i32
        %dma_wait3A_567 = arith.constant 0 : i32
        %dma_wait3A_568 = tpu.memref_slice %arg9[%rem3A_422, %dma_wait3A_564, %dma_wait3A_566, %dma_wait3A_567] : memref<3x4x128x16xf32, #tpu.memory_space<vmem>> -> memref<1x1x128x16xf32, #tpu.memory_space<vmem>>
        %dma_wait3A_569 = tpu.memref_squeeze %dma_wait3A_568 : memref<1x1x128x16xf32, #tpu.memory_space<vmem>> -> memref<128x16xf32, #tpu.memory_space<vmem>>
        %dma_wait3A_570 = arith.constant 0 : i32
        %dma_wait3A_571 = tpu.memref_slice %arg8[%rem3A_432, %dma_wait3A_565, %dma_wait3A_570] : memref<5x4x128xi32, #tpu.memory_space<vmem>> -> memref<1x1x128xi32, #tpu.memory_space<vmem>>
        %dma_wait3A_572 = tpu.memref_squeeze %dma_wait3A_571 : memref<1x1x128xi32, #tpu.memory_space<vmem>> -> memref<128xi32, #tpu.memory_space<vmem>>
        %dma_wait3A_573 = arith.constant 0 : i32
        %dma_wait3A_574 = arith.constant 0 : i32
        %dma_wait3A_575 = tpu.memref_slice %arg10[%dma_wait3A_573, %dma_wait3A_574] : memref<100352x16xf32, #tpu.memory_space<vmem_shared>> -> memref<100352x16xf32, #tpu.memory_space<vmem_shared>>
        tpu.wait_indirect_dma semaphore(%arg13 : memref<!tpu.dma_semaphore, #tpu.memory_space<semaphore_mem>>) src(%dma_wait3A_569 : memref<128x16xf32, #tpu.memory_space<vmem>>) dst(%dma_wait3A_575 : memref<100352x16xf32, #tpu.memory_space<vmem_shared>>)
        %dma_wait3A_576 = arith.constant 2 : i32
        %dma_wait3A_577 = arith.constant 2 : i32
        %dma_wait3A_578 = arith.constant 0 : i32
        %dma_wait3A_579 = arith.constant 0 : i32
        %dma_wait3A_580 = tpu.memref_slice %arg9[%rem3A_422, %dma_wait3A_576, %dma_wait3A_578, %dma_wait3A_579] : memref<3x4x128x16xf32, #tpu.memory_space<vmem>> -> memref<1x1x128x16xf32, #tpu.memory_space<vmem>>
        %dma_wait3A_581 = tpu.memref_squeeze %dma_wait3A_580 : memref<1x1x128x16xf32, #tpu.memory_space<vmem>> -> memref<128x16xf32, #tpu.memory_space<vmem>>
        %dma_wait3A_582 = arith.constant 0 : i32
        %dma_wait3A_583 = tpu.memref_slice %arg8[%rem3A_432, %dma_wait3A_577, %dma_wait3A_582] : memref<5x4x128xi32, #tpu.memory_space<vmem>> -> memref<1x1x128xi32, #tpu.memory_space<vmem>>
        %dma_wait3A_584 = tpu.memref_squeeze %dma_wait3A_583 : memref<1x1x128xi32, #tpu.memory_space<vmem>> -> memref<128xi32, #tpu.memory_space<vmem>>
        %dma_wait3A_585 = arith.constant 0 : i32
        %dma_wait3A_586 = arith.constant 0 : i32
        %dma_wait3A_587 = tpu.memref_slice %arg10[%dma_wait3A_585, %dma_wait3A_586] : memref<100352x16xf32, #tpu.memory_space<vmem_shared>> -> memref<100352x16xf32, #tpu.memory_space<vmem_shared>>
        tpu.wait_indirect_dma semaphore(%arg13 : memref<!tpu.dma_semaphore, #tpu.memory_space<semaphore_mem>>) src(%dma_wait3A_581 : memref<128x16xf32, #tpu.memory_space<vmem>>) dst(%dma_wait3A_587 : memref<100352x16xf32, #tpu.memory_space<vmem_shared>>)
        %dma_wait3A_588 = arith.constant 3 : i32
        %dma_wait3A_589 = arith.constant 3 : i32
        %dma_wait3A_590 = arith.constant 0 : i32
        %dma_wait3A_591 = arith.constant 0 : i32
        %dma_wait3A_592 = tpu.memref_slice %arg9[%rem3A_422, %dma_wait3A_588, %dma_wait3A_590, %dma_wait3A_591] : memref<3x4x128x16xf32, #tpu.memory_space<vmem>> -> memref<1x1x128x16xf32, #tpu.memory_space<vmem>>
        %dma_wait3A_593 = tpu.memref_squeeze %dma_wait3A_592 : memref<1x1x128x16xf32, #tpu.memory_space<vmem>> -> memref<128x16xf32, #tpu.memory_space<vmem>>
        %dma_wait3A_594 = arith.constant 0 : i32
        %dma_wait3A_595 = tpu.memref_slice %arg8[%rem3A_432, %dma_wait3A_589, %dma_wait3A_594] : memref<5x4x128xi32, #tpu.memory_space<vmem>> -> memref<1x1x128xi32, #tpu.memory_space<vmem>>
        %dma_wait3A_596 = tpu.memref_squeeze %dma_wait3A_595 : memref<1x1x128xi32, #tpu.memory_space<vmem>> -> memref<128xi32, #tpu.memory_space<vmem>>
        %dma_wait3A_597 = arith.constant 0 : i32
        %dma_wait3A_598 = arith.constant 0 : i32
        %dma_wait3A_599 = tpu.memref_slice %arg10[%dma_wait3A_597, %dma_wait3A_598] : memref<100352x16xf32, #tpu.memory_space<vmem_shared>> -> memref<100352x16xf32, #tpu.memory_space<vmem_shared>>
        tpu.wait_indirect_dma semaphore(%arg13 : memref<!tpu.dma_semaphore, #tpu.memory_space<semaphore_mem>>) src(%dma_wait3A_593 : memref<128x16xf32, #tpu.memory_space<vmem>>) dst(%dma_wait3A_599 : memref<100352x16xf32, #tpu.memory_space<vmem_shared>>)
      } else {
      }
      %add3A_435 = arith.constant 2 : i32
      %add3A_436 = arith.addi %scan3A_413, %add3A_435 : i32
      %lt3A = arith.constant 196 : i32
      %lt3A_437 = arith.cmpi slt, %add3A_436, %lt3A : i32
      %convert_element_type3A_438 = arith.extui %lt3A_437 : i1 to i32
      %cond3A_439 = arith.constant 0 : i32
      %cond3A_440 = arith.cmpi ne, %convert_element_type3A_438, %cond3A_439 : i32
      scf.if %cond3A_440 {
        %dma_wait3A_552 = arith.constant 0 : i32
        %dma_wait3A_553 = arith.constant 0 : i32
        %dma_wait3A_554 = tpu.memref_slice %arg7[%rem3A_428, %dma_wait3A_552, %dma_wait3A_553] : memref<5x4x128xi32, #tpu.memory_space<vmem>> -> memref<1x4x128xi32, #tpu.memory_space<vmem>>
        %dma_wait3A_555 = tpu.memref_squeeze %dma_wait3A_554 : memref<1x4x128xi32, #tpu.memory_space<vmem>> -> memref<4x128xi32, #tpu.memory_space<vmem>>
        %dma_wait3A_556 = arith.constant 0 : i32
        %dma_wait3A_557 = arith.constant 0 : i32
        %dma_wait3A_558 = tpu.memref_slice %arg2[%dma_wait3A_556, %dma_wait3A_557] : memref<25088x128xi32, #tpu.memory_space<hbm>> -> memref<4x128xi32, #tpu.memory_space<hbm>>
        %dma_wait3A_559 = tpu.memref_slice %arg11[%rem3A_428] : memref<5x!tpu.dma_semaphore, #tpu.memory_space<semaphore_mem>> -> memref<1x!tpu.dma_semaphore, #tpu.memory_space<semaphore_mem>>
        %dma_wait3A_560 = tpu.memref_squeeze %dma_wait3A_559 : memref<1x!tpu.dma_semaphore, #tpu.memory_space<semaphore_mem>> -> memref<!tpu.dma_semaphore, #tpu.memory_space<semaphore_mem>>
        %dma_wait3A_561 = arith.constant 0 : i32
        %dma_wait3A_562 = arith.constant 0 : i32
        %dma_wait3A_563 = tpu.memref_slice %arg7[%rem3A_428, %dma_wait3A_561, %dma_wait3A_562] : memref<5x4x128xi32, #tpu.memory_space<vmem>> -> memref<1x4x128xi32, #tpu.memory_space<vmem>>
        %dma_wait3A_564 = tpu.memref_squeeze %dma_wait3A_563 : memref<1x4x128xi32, #tpu.memory_space<vmem>> -> memref<4x128xi32, #tpu.memory_space<vmem>>
        %dma_wait3A_565 = arith.constant 0 : i32
        %dma_wait3A_566 = arith.constant 0 : i32
        %dma_wait3A_567 = tpu.memref_slice %arg2[%dma_wait3A_565, %dma_wait3A_566] : memref<25088x128xi32, #tpu.memory_space<hbm>> -> memref<4x128xi32, #tpu.memory_space<hbm>>
        tpu.wait_dma2 semaphore(%dma_wait3A_560 : memref<!tpu.dma_semaphore, #tpu.memory_space<semaphore_mem>>) src(%dma_wait3A_567 : memref<4x128xi32, #tpu.memory_space<hbm>>) dst(%dma_wait3A_564 : memref<4x128xi32, #tpu.memory_space<vmem>>)
        %dma_wait3A_568 = arith.constant 0 : i32
        %dma_wait3A_569 = arith.constant 0 : i32
        %dma_wait3A_570 = tpu.memref_slice %arg8[%rem3A_428, %dma_wait3A_568, %dma_wait3A_569] : memref<5x4x128xi32, #tpu.memory_space<vmem>> -> memref<1x4x128xi32, #tpu.memory_space<vmem>>
        %dma_wait3A_571 = tpu.memref_squeeze %dma_wait3A_570 : memref<1x4x128xi32, #tpu.memory_space<vmem>> -> memref<4x128xi32, #tpu.memory_space<vmem>>
        %dma_wait3A_572 = arith.constant 0 : i32
        %dma_wait3A_573 = arith.constant 0 : i32
        %dma_wait3A_574 = tpu.memref_slice %arg3[%dma_wait3A_572, %dma_wait3A_573] : memref<25088x128xi32, #tpu.memory_space<hbm>> -> memref<4x128xi32, #tpu.memory_space<hbm>>
        %dma_wait3A_575 = tpu.memref_slice %arg11[%rem3A_428] : memref<5x!tpu.dma_semaphore, #tpu.memory_space<semaphore_mem>> -> memref<1x!tpu.dma_semaphore, #tpu.memory_space<semaphore_mem>>
        %dma_wait3A_576 = tpu.memref_squeeze %dma_wait3A_575 : memref<1x!tpu.dma_semaphore, #tpu.memory_space<semaphore_mem>> -> memref<!tpu.dma_semaphore, #tpu.memory_space<semaphore_mem>>
        %dma_wait3A_577 = arith.constant 0 : i32
        %dma_wait3A_578 = arith.constant 0 : i32
        %dma_wait3A_579 = tpu.memref_slice %arg8[%rem3A_428, %dma_wait3A_577, %dma_wait3A_578] : memref<5x4x128xi32, #tpu.memory_space<vmem>> -> memref<1x4x128xi32, #tpu.memory_space<vmem>>
        %dma_wait3A_580 = tpu.memref_squeeze %dma_wait3A_579 : memref<1x4x128xi32, #tpu.memory_space<vmem>> -> memref<4x128xi32, #tpu.memory_space<vmem>>
        %dma_wait3A_581 = arith.constant 0 : i32
        %dma_wait3A_582 = arith.constant 0 : i32
        %dma_wait3A_583 = tpu.memref_slice %arg3[%dma_wait3A_581, %dma_wait3A_582] : memref<25088x128xi32, #tpu.memory_space<hbm>> -> memref<4x128xi32, #tpu.memory_space<hbm>>
        tpu.wait_dma2 semaphore(%dma_wait3A_576 : memref<!tpu.dma_semaphore, #tpu.memory_space<semaphore_mem>>) src(%dma_wait3A_583 : memref<4x128xi32, #tpu.memory_space<hbm>>) dst(%dma_wait3A_580 : memref<4x128xi32, #tpu.memory_space<vmem>>)
        %dma_start3A_584 = arith.constant 0 : i32
        %dma_start3A_585 = arith.constant 0 : i32
        %dma_start3A_586 = arith.constant 0 : i32
        %dma_start3A_587 = arith.constant 0 : i32
        %dma_start3A_588 = tpu.memref_slice %arg9[%rem3A_418, %dma_start3A_585, %dma_start3A_586, %dma_start3A_587] : memref<3x4x128x16xf32, #tpu.memory_space<vmem>> -> memref<1x1x128x16xf32, #tpu.memory_space<vmem>>
        %dma_start3A_589 = tpu.memref_squeeze %dma_start3A_588 : memref<1x1x128x16xf32, #tpu.memory_space<vmem>> -> memref<128x16xf32, #tpu.memory_space<vmem>>
        %dma_start3A_590 = arith.constant 0 : i32
        %dma_start3A_591 = tpu.memref_slice %arg7[%rem3A_428, %dma_start3A_584, %dma_start3A_590] : memref<5x4x128xi32, #tpu.memory_space<vmem>> -> memref<1x1x128xi32, #tpu.memory_space<vmem>>
        %dma_start3A_592 = tpu.memref_squeeze %dma_start3A_591 : memref<1x1x128xi32, #tpu.memory_space<vmem>> -> memref<128xi32, #tpu.memory_space<vmem>>
        %dma_start3A_593 = arith.constant 0 : i32
        %dma_start3A_594 = arith.constant 0 : i32
        %dma_start3A_595 = tpu.memref_slice %arg4[%dma_start3A_593, %dma_start3A_594] : memref<100352x16xf32, #tpu.memory_space<hbm>> -> memref<100352x16xf32, #tpu.memory_space<hbm>>
        %dma_start3A_596 = tpu.memref_slice %arg12[%rem3A_418] : memref<3x!tpu.dma_semaphore, #tpu.memory_space<semaphore_mem>> -> memref<1x!tpu.dma_semaphore, #tpu.memory_space<semaphore_mem>>
        %dma_start3A_597 = tpu.memref_squeeze %dma_start3A_596 : memref<1x!tpu.dma_semaphore, #tpu.memory_space<semaphore_mem>> -> memref<!tpu.dma_semaphore, #tpu.memory_space<semaphore_mem>>
        tpu.enqueue_indirect_dma source(%dma_start3A_595 : memref<100352x16xf32, #tpu.memory_space<hbm>>) target(%dma_start3A_589 : memref<128x16xf32, #tpu.memory_space<vmem>>) offsets(%dma_start3A_592 : memref<128xi32, #tpu.memory_space<vmem>>) semaphore(%dma_start3A_597 : memref<!tpu.dma_semaphore, #tpu.memory_space<semaphore_mem>>)
        %dma_start3A_598 = arith.constant 1 : i32
        %dma_start3A_599 = arith.constant 1 : i32
        %dma_start3A_600 = arith.constant 0 : i32
        %dma_start3A_601 = arith.constant 0 : i32
        %dma_start3A_602 = tpu.memref_slice %arg9[%rem3A_418, %dma_start3A_599, %dma_start3A_600, %dma_start3A_601] : memref<3x4x128x16xf32, #tpu.memory_space<vmem>> -> memref<1x1x128x16xf32, #tpu.memory_space<vmem>>
        %dma_start3A_603 = tpu.memref_squeeze %dma_start3A_602 : memref<1x1x128x16xf32, #tpu.memory_space<vmem>> -> memref<128x16xf32, #tpu.memory_space<vmem>>
        %dma_start3A_604 = arith.constant 0 : i32
        %dma_start3A_605 = tpu.memref_slice %arg7[%rem3A_428, %dma_start3A_598, %dma_start3A_604] : memref<5x4x128xi32, #tpu.memory_space<vmem>> -> memref<1x1x128xi32, #tpu.memory_space<vmem>>
        %dma_start3A_606 = tpu.memref_squeeze %dma_start3A_605 : memref<1x1x128xi32, #tpu.memory_space<vmem>> -> memref<128xi32, #tpu.memory_space<vmem>>
        %dma_start3A_607 = arith.constant 0 : i32
        %dma_start3A_608 = arith.constant 0 : i32
        %dma_start3A_609 = tpu.memref_slice %arg4[%dma_start3A_607, %dma_start3A_608] : memref<100352x16xf32, #tpu.memory_space<hbm>> -> memref<100352x16xf32, #tpu.memory_space<hbm>>
        %dma_start3A_610 = tpu.memref_slice %arg12[%rem3A_418] : memref<3x!tpu.dma_semaphore, #tpu.memory_space<semaphore_mem>> -> memref<1x!tpu.dma_semaphore, #tpu.memory_space<semaphore_mem>>
        %dma_start3A_611 = tpu.memref_squeeze %dma_start3A_610 : memref<1x!tpu.dma_semaphore, #tpu.memory_space<semaphore_mem>> -> memref<!tpu.dma_semaphore, #tpu.memory_space<semaphore_mem>>
        tpu.enqueue_indirect_dma source(%dma_start3A_609 : memref<100352x16xf32, #tpu.memory_space<hbm>>) target(%dma_start3A_603 : memref<128x16xf32, #tpu.memory_space<vmem>>) offsets(%dma_start3A_606 : memref<128xi32, #tpu.memory_space<vmem>>) semaphore(%dma_start3A_611 : memref<!tpu.dma_semaphore, #tpu.memory_space<semaphore_mem>>)
        %dma_start3A_612 = arith.constant 2 : i32
        %dma_start3A_613 = arith.constant 2 : i32
        %dma_start3A_614 = arith.constant 0 : i32
        %dma_start3A_615 = arith.constant 0 : i32
        %dma_start3A_616 = tpu.memref_slice %arg9[%rem3A_418, %dma_start3A_613, %dma_start3A_614, %dma_start3A_615] : memref<3x4x128x16xf32, #tpu.memory_space<vmem>> -> memref<1x1x128x16xf32, #tpu.memory_space<vmem>>
        %dma_start3A_617 = tpu.memref_squeeze %dma_start3A_616 : memref<1x1x128x16xf32, #tpu.memory_space<vmem>> -> memref<128x16xf32, #tpu.memory_space<vmem>>
        %dma_start3A_618 = arith.constant 0 : i32
        %dma_start3A_619 = tpu.memref_slice %arg7[%rem3A_428, %dma_start3A_612, %dma_start3A_618] : memref<5x4x128xi32, #tpu.memory_space<vmem>> -> memref<1x1x128xi32, #tpu.memory_space<vmem>>
        %dma_start3A_620 = tpu.memref_squeeze %dma_start3A_619 : memref<1x1x128xi32, #tpu.memory_space<vmem>> -> memref<128xi32, #tpu.memory_space<vmem>>
        %dma_start3A_621 = arith.constant 0 : i32
        %dma_start3A_622 = arith.constant 0 : i32
        %dma_start3A_623 = tpu.memref_slice %arg4[%dma_start3A_621, %dma_start3A_622] : memref<100352x16xf32, #tpu.memory_space<hbm>> -> memref<100352x16xf32, #tpu.memory_space<hbm>>
        %dma_start3A_624 = tpu.memref_slice %arg12[%rem3A_418] : memref<3x!tpu.dma_semaphore, #tpu.memory_space<semaphore_mem>> -> memref<1x!tpu.dma_semaphore, #tpu.memory_space<semaphore_mem>>
        %dma_start3A_625 = tpu.memref_squeeze %dma_start3A_624 : memref<1x!tpu.dma_semaphore, #tpu.memory_space<semaphore_mem>> -> memref<!tpu.dma_semaphore, #tpu.memory_space<semaphore_mem>>
        tpu.enqueue_indirect_dma source(%dma_start3A_623 : memref<100352x16xf32, #tpu.memory_space<hbm>>) target(%dma_start3A_617 : memref<128x16xf32, #tpu.memory_space<vmem>>) offsets(%dma_start3A_620 : memref<128xi32, #tpu.memory_space<vmem>>) semaphore(%dma_start3A_625 : memref<!tpu.dma_semaphore, #tpu.memory_space<semaphore_mem>>)
        %dma_start3A_626 = arith.constant 3 : i32
        %dma_start3A_627 = arith.constant 3 : i32
        %dma_start3A_628 = arith.constant 0 : i32
        %dma_start3A_629 = arith.constant 0 : i32
        %dma_start3A_630 = tpu.memref_slice %arg9[%rem3A_418, %dma_start3A_627, %dma_start3A_628, %dma_start3A_629] : memref<3x4x128x16xf32, #tpu.memory_space<vmem>> -> memref<1x1x128x16xf32, #tpu.memory_space<vmem>>
        %dma_start3A_631 = tpu.memref_squeeze %dma_start3A_630 : memref<1x1x128x16xf32, #tpu.memory_space<vmem>> -> memref<128x16xf32, #tpu.memory_space<vmem>>
        %dma_start3A_632 = arith.constant 0 : i32
        %dma_start3A_633 = tpu.memref_slice %arg7[%rem3A_428, %dma_start3A_626, %dma_start3A_632] : memref<5x4x128xi32, #tpu.memory_space<vmem>> -> memref<1x1x128xi32, #tpu.memory_space<vmem>>
        %dma_start3A_634 = tpu.memref_squeeze %dma_start3A_633 : memref<1x1x128xi32, #tpu.memory_space<vmem>> -> memref<128xi32, #tpu.memory_space<vmem>>
        %dma_start3A_635 = arith.constant 0 : i32
        %dma_start3A_636 = arith.constant 0 : i32
        %dma_start3A_637 = tpu.memref_slice %arg4[%dma_start3A_635, %dma_start3A_636] : memref<100352x16xf32, #tpu.memory_space<hbm>> -> memref<100352x16xf32, #tpu.memory_space<hbm>>
        %dma_start3A_638 = tpu.memref_slice %arg12[%rem3A_418] : memref<3x!tpu.dma_semaphore, #tpu.memory_space<semaphore_mem>> -> memref<1x!tpu.dma_semaphore, #tpu.memory_space<semaphore_mem>>
        %dma_start3A_639 = tpu.memref_squeeze %dma_start3A_638 : memref<1x!tpu.dma_semaphore, #tpu.memory_space<semaphore_mem>> -> memref<!tpu.dma_semaphore, #tpu.memory_space<semaphore_mem>>
        tpu.enqueue_indirect_dma source(%dma_start3A_637 : memref<100352x16xf32, #tpu.memory_space<hbm>>) target(%dma_start3A_631 : memref<128x16xf32, #tpu.memory_space<vmem>>) offsets(%dma_start3A_634 : memref<128xi32, #tpu.memory_space<vmem>>) semaphore(%dma_start3A_639 : memref<!tpu.dma_semaphore, #tpu.memory_space<semaphore_mem>>)
      } else {
      }
      %add3A_441 = arith.constant 4 : i32
      %add3A_442 = arith.addi %scan3A_413, %add3A_441 : i32
      %lt3A_443 = arith.constant 196 : i32
      %lt3A_444 = arith.cmpi slt, %add3A_442, %lt3A_443 : i32
      %convert_element_type3A_445 = arith.extui %lt3A_444 : i1 to i32
      %cond3A_446 = arith.constant 0 : i32
      %cond3A_447 = arith.cmpi ne, %convert_element_type3A_445, %cond3A_446 : i32
      scf.if %cond3A_447 {
        %add3A_552 = arith.constant 4 : i32
        %add3A_553 = arith.addi %scan3A_413, %add3A_552 : i32
        %mul3A_554 = arith.constant 784 : i32
        %mul3A_555 = arith.muli %add3A, %mul3A_554 : i32
        %mul3A_556 = arith.constant 4 : i32
        %mul3A_557 = arith.muli %add3A_553, %mul3A_556 : i32
        %add3A_558 = arith.addi %mul3A_555, %mul3A_557 : i32
        %dma_start3A_559 = arith.constant 0 : i32
        %dma_start3A_560 = arith.constant 0 : i32
        %dma_start3A_561 = tpu.memref_slice %arg7[%rem3A_432, %dma_start3A_559, %dma_start3A_560] : memref<5x4x128xi32, #tpu.memory_space<vmem>> -> memref<1x4x128xi32, #tpu.memory_space<vmem>>
        %dma_start3A_562 = tpu.memref_squeeze %dma_start3A_561 : memref<1x4x128xi32, #tpu.memory_space<vmem>> -> memref<4x128xi32, #tpu.memory_space<vmem>>
        %dma_start3A_563 = arith.constant 0 : i32
        %dma_start3A_564 = tpu.memref_slice %arg2[%add3A_558, %dma_start3A_563] : memref<25088x128xi32, #tpu.memory_space<hbm>> -> memref<4x128xi32, #tpu.memory_space<hbm>>
        %dma_start3A_565 = tpu.memref_slice %arg11[%rem3A_432] : memref<5x!tpu.dma_semaphore, #tpu.memory_space<semaphore_mem>> -> memref<1x!tpu.dma_semaphore, #tpu.memory_space<semaphore_mem>>
        %dma_start3A_566 = tpu.memref_squeeze %dma_start3A_565 : memref<1x!tpu.dma_semaphore, #tpu.memory_space<semaphore_mem>> -> memref<!tpu.dma_semaphore, #tpu.memory_space<semaphore_mem>>
        %dma_start3A_567 = arith.constant 0 : i32
        %dma_start3A_568 = arith.constant 0 : i32
        %dma_start3A_569 = tpu.memref_slice %arg7[%rem3A_432, %dma_start3A_567, %dma_start3A_568] : memref<5x4x128xi32, #tpu.memory_space<vmem>> -> memref<1x4x128xi32, #tpu.memory_space<vmem>>
        %dma_start3A_570 = tpu.memref_squeeze %dma_start3A_569 : memref<1x4x128xi32, #tpu.memory_space<vmem>> -> memref<4x128xi32, #tpu.memory_space<vmem>>
        %dma_start3A_571 = arith.constant 0 : i32
        %dma_start3A_572 = tpu.memref_slice %arg2[%add3A_558, %dma_start3A_571] : memref<25088x128xi32, #tpu.memory_space<hbm>> -> memref<4x128xi32, #tpu.memory_space<hbm>>
        tpu.enqueue_dma source(%dma_start3A_572 : memref<4x128xi32, #tpu.memory_space<hbm>>) target(%dma_start3A_570 : memref<4x128xi32, #tpu.memory_space<vmem>>) target_semaphore(%dma_start3A_566 : memref<!tpu.dma_semaphore, #tpu.memory_space<semaphore_mem>>)
        %dma_start3A_573 = arith.constant 0 : i32
        %dma_start3A_574 = arith.constant 0 : i32
        %dma_start3A_575 = tpu.memref_slice %arg8[%rem3A_432, %dma_start3A_573, %dma_start3A_574] : memref<5x4x128xi32, #tpu.memory_space<vmem>> -> memref<1x4x128xi32, #tpu.memory_space<vmem>>
        %dma_start3A_576 = tpu.memref_squeeze %dma_start3A_575 : memref<1x4x128xi32, #tpu.memory_space<vmem>> -> memref<4x128xi32, #tpu.memory_space<vmem>>
        %dma_start3A_577 = arith.constant 0 : i32
        %dma_start3A_578 = tpu.memref_slice %arg3[%add3A_558, %dma_start3A_577] : memref<25088x128xi32, #tpu.memory_space<hbm>> -> memref<4x128xi32, #tpu.memory_space<hbm>>
        %dma_start3A_579 = tpu.memref_slice %arg11[%rem3A_432] : memref<5x!tpu.dma_semaphore, #tpu.memory_space<semaphore_mem>> -> memref<1x!tpu.dma_semaphore, #tpu.memory_space<semaphore_mem>>
        %dma_start3A_580 = tpu.memref_squeeze %dma_start3A_579 : memref<1x!tpu.dma_semaphore, #tpu.memory_space<semaphore_mem>> -> memref<!tpu.dma_semaphore, #tpu.memory_space<semaphore_mem>>
        %dma_start3A_581 = arith.constant 0 : i32
        %dma_start3A_582 = arith.constant 0 : i32
        %dma_start3A_583 = tpu.memref_slice %arg8[%rem3A_432, %dma_start3A_581, %dma_start3A_582] : memref<5x4x128xi32, #tpu.memory_space<vmem>> -> memref<1x4x128xi32, #tpu.memory_space<vmem>>
        %dma_start3A_584 = tpu.memref_squeeze %dma_start3A_583 : memref<1x4x128xi32, #tpu.memory_space<vmem>> -> memref<4x128xi32, #tpu.memory_space<vmem>>
        %dma_start3A_585 = arith.constant 0 : i32
        %dma_start3A_586 = tpu.memref_slice %arg3[%add3A_558, %dma_start3A_585] : memref<25088x128xi32, #tpu.memory_space<hbm>> -> memref<4x128xi32, #tpu.memory_space<hbm>>
        tpu.enqueue_dma source(%dma_start3A_586 : memref<4x128xi32, #tpu.memory_space<hbm>>) target(%dma_start3A_584 : memref<4x128xi32, #tpu.memory_space<vmem>>) target_semaphore(%dma_start3A_580 : memref<!tpu.dma_semaphore, #tpu.memory_space<semaphore_mem>>)
      } else {
      }
      %dma_wait3A_448 = arith.constant 0 : i32
      %dma_wait3A_449 = arith.constant 0 : i32
      %dma_wait3A_450 = arith.constant 0 : i32
      %dma_wait3A_451 = arith.constant 0 : i32
      %dma_wait3A_452 = tpu.memref_slice %arg9[%rem3A_414, %dma_wait3A_449, %dma_wait3A_450, %dma_wait3A_451] : memref<3x4x128x16xf32, #tpu.memory_space<vmem>> -> memref<1x1x128x16xf32, #tpu.memory_space<vmem>>
      %dma_wait3A_453 = tpu.memref_squeeze %dma_wait3A_452 : memref<1x1x128x16xf32, #tpu.memory_space<vmem>> -> memref<128x16xf32, #tpu.memory_space<vmem>>
      %dma_wait3A_454 = arith.constant 0 : i32
      %dma_wait3A_455 = tpu.memref_slice %arg7[%rem3A_424, %dma_wait3A_448, %dma_wait3A_454] : memref<5x4x128xi32, #tpu.memory_space<vmem>> -> memref<1x1x128xi32, #tpu.memory_space<vmem>>
      %dma_wait3A_456 = tpu.memref_squeeze %dma_wait3A_455 : memref<1x1x128xi32, #tpu.memory_space<vmem>> -> memref<128xi32, #tpu.memory_space<vmem>>
      %dma_wait3A_457 = arith.constant 0 : i32
      %dma_wait3A_458 = arith.constant 0 : i32
      %dma_wait3A_459 = tpu.memref_slice %arg4[%dma_wait3A_457, %dma_wait3A_458] : memref<100352x16xf32, #tpu.memory_space<hbm>> -> memref<100352x16xf32, #tpu.memory_space<hbm>>
      %dma_wait3A_460 = tpu.memref_slice %arg12[%rem3A_414] : memref<3x!tpu.dma_semaphore, #tpu.memory_space<semaphore_mem>> -> memref<1x!tpu.dma_semaphore, #tpu.memory_space<semaphore_mem>>
      %dma_wait3A_461 = tpu.memref_squeeze %dma_wait3A_460 : memref<1x!tpu.dma_semaphore, #tpu.memory_space<semaphore_mem>> -> memref<!tpu.dma_semaphore, #tpu.memory_space<semaphore_mem>>
      tpu.wait_indirect_dma semaphore(%dma_wait3A_461 : memref<!tpu.dma_semaphore, #tpu.memory_space<semaphore_mem>>) src(%dma_wait3A_459 : memref<100352x16xf32, #tpu.memory_space<hbm>>) dst(%dma_wait3A_453 : memref<128x16xf32, #tpu.memory_space<vmem>>)
      %dma_start3A_462 = arith.constant 0 : i32
      %dma_start3A_463 = arith.constant 0 : i32
      %dma_start3A_464 = arith.constant 0 : i32
      %dma_start3A_465 = arith.constant 0 : i32
      %dma_start3A_466 = tpu.memref_slice %arg9[%rem3A_414, %dma_start3A_462, %dma_start3A_464, %dma_start3A_465] : memref<3x4x128x16xf32, #tpu.memory_space<vmem>> -> memref<1x1x128x16xf32, #tpu.memory_space<vmem>>
      %dma_start3A_467 = tpu.memref_squeeze %dma_start3A_466 : memref<1x1x128x16xf32, #tpu.memory_space<vmem>> -> memref<128x16xf32, #tpu.memory_space<vmem>>
      %dma_start3A_468 = arith.constant 0 : i32
      %dma_start3A_469 = tpu.memref_slice %arg8[%rem3A_424, %dma_start3A_463, %dma_start3A_468] : memref<5x4x128xi32, #tpu.memory_space<vmem>> -> memref<1x1x128xi32, #tpu.memory_space<vmem>>
      %dma_start3A_470 = tpu.memref_squeeze %dma_start3A_469 : memref<1x1x128xi32, #tpu.memory_space<vmem>> -> memref<128xi32, #tpu.memory_space<vmem>>
      %dma_start3A_471 = arith.constant 0 : i32
      %dma_start3A_472 = arith.constant 0 : i32
      %dma_start3A_473 = tpu.memref_slice %arg10[%dma_start3A_471, %dma_start3A_472] : memref<100352x16xf32, #tpu.memory_space<vmem_shared>> -> memref<100352x16xf32, #tpu.memory_space<vmem_shared>>
      tpu.enqueue_indirect_dma source(%dma_start3A_467 : memref<128x16xf32, #tpu.memory_space<vmem>>) target(%dma_start3A_473 : memref<100352x16xf32, #tpu.memory_space<vmem_shared>>) offsets(%dma_start3A_470 : memref<128xi32, #tpu.memory_space<vmem>>) semaphore(%arg13 : memref<!tpu.dma_semaphore, #tpu.memory_space<semaphore_mem>>) {add = true}
      %dma_wait3A_474 = arith.constant 1 : i32
      %dma_wait3A_475 = arith.constant 1 : i32
      %dma_wait3A_476 = arith.constant 0 : i32
      %dma_wait3A_477 = arith.constant 0 : i32
      %dma_wait3A_478 = tpu.memref_slice %arg9[%rem3A_414, %dma_wait3A_475, %dma_wait3A_476, %dma_wait3A_477] : memref<3x4x128x16xf32, #tpu.memory_space<vmem>> -> memref<1x1x128x16xf32, #tpu.memory_space<vmem>>
      %dma_wait3A_479 = tpu.memref_squeeze %dma_wait3A_478 : memref<1x1x128x16xf32, #tpu.memory_space<vmem>> -> memref<128x16xf32, #tpu.memory_space<vmem>>
      %dma_wait3A_480 = arith.constant 0 : i32
      %dma_wait3A_481 = tpu.memref_slice %arg7[%rem3A_424, %dma_wait3A_474, %dma_wait3A_480] : memref<5x4x128xi32, #tpu.memory_space<vmem>> -> memref<1x1x128xi32, #tpu.memory_space<vmem>>
      %dma_wait3A_482 = tpu.memref_squeeze %dma_wait3A_481 : memref<1x1x128xi32, #tpu.memory_space<vmem>> -> memref<128xi32, #tpu.memory_space<vmem>>
      %dma_wait3A_483 = arith.constant 0 : i32
      %dma_wait3A_484 = arith.constant 0 : i32
      %dma_wait3A_485 = tpu.memref_slice %arg4[%dma_wait3A_483, %dma_wait3A_484] : memref<100352x16xf32, #tpu.memory_space<hbm>> -> memref<100352x16xf32, #tpu.memory_space<hbm>>
      %dma_wait3A_486 = tpu.memref_slice %arg12[%rem3A_414] : memref<3x!tpu.dma_semaphore, #tpu.memory_space<semaphore_mem>> -> memref<1x!tpu.dma_semaphore, #tpu.memory_space<semaphore_mem>>
      %dma_wait3A_487 = tpu.memref_squeeze %dma_wait3A_486 : memref<1x!tpu.dma_semaphore, #tpu.memory_space<semaphore_mem>> -> memref<!tpu.dma_semaphore, #tpu.memory_space<semaphore_mem>>
      tpu.wait_indirect_dma semaphore(%dma_wait3A_487 : memref<!tpu.dma_semaphore, #tpu.memory_space<semaphore_mem>>) src(%dma_wait3A_485 : memref<100352x16xf32, #tpu.memory_space<hbm>>) dst(%dma_wait3A_479 : memref<128x16xf32, #tpu.memory_space<vmem>>)
      %dma_start3A_488 = arith.constant 1 : i32
      %dma_start3A_489 = arith.constant 1 : i32
      %dma_start3A_490 = arith.constant 0 : i32
      %dma_start3A_491 = arith.constant 0 : i32
      %dma_start3A_492 = tpu.memref_slice %arg9[%rem3A_414, %dma_start3A_488, %dma_start3A_490, %dma_start3A_491] : memref<3x4x128x16xf32, #tpu.memory_space<vmem>> -> memref<1x1x128x16xf32, #tpu.memory_space<vmem>>
      %dma_start3A_493 = tpu.memref_squeeze %dma_start3A_492 : memref<1x1x128x16xf32, #tpu.memory_space<vmem>> -> memref<128x16xf32, #tpu.memory_space<vmem>>
      %dma_start3A_494 = arith.constant 0 : i32
      %dma_start3A_495 = tpu.memref_slice %arg8[%rem3A_424, %dma_start3A_489, %dma_start3A_494] : memref<5x4x128xi32, #tpu.memory_space<vmem>> -> memref<1x1x128xi32, #tpu.memory_space<vmem>>
      %dma_start3A_496 = tpu.memref_squeeze %dma_start3A_495 : memref<1x1x128xi32, #tpu.memory_space<vmem>> -> memref<128xi32, #tpu.memory_space<vmem>>
      %dma_start3A_497 = arith.constant 0 : i32
      %dma_start3A_498 = arith.constant 0 : i32
      %dma_start3A_499 = tpu.memref_slice %arg10[%dma_start3A_497, %dma_start3A_498] : memref<100352x16xf32, #tpu.memory_space<vmem_shared>> -> memref<100352x16xf32, #tpu.memory_space<vmem_shared>>
      tpu.enqueue_indirect_dma source(%dma_start3A_493 : memref<128x16xf32, #tpu.memory_space<vmem>>) target(%dma_start3A_499 : memref<100352x16xf32, #tpu.memory_space<vmem_shared>>) offsets(%dma_start3A_496 : memref<128xi32, #tpu.memory_space<vmem>>) semaphore(%arg13 : memref<!tpu.dma_semaphore, #tpu.memory_space<semaphore_mem>>) {add = true}
      %dma_wait3A_500 = arith.constant 2 : i32
      %dma_wait3A_501 = arith.constant 2 : i32
      %dma_wait3A_502 = arith.constant 0 : i32
      %dma_wait3A_503 = arith.constant 0 : i32
      %dma_wait3A_504 = tpu.memref_slice %arg9[%rem3A_414, %dma_wait3A_501, %dma_wait3A_502, %dma_wait3A_503] : memref<3x4x128x16xf32, #tpu.memory_space<vmem>> -> memref<1x1x128x16xf32, #tpu.memory_space<vmem>>
      %dma_wait3A_505 = tpu.memref_squeeze %dma_wait3A_504 : memref<1x1x128x16xf32, #tpu.memory_space<vmem>> -> memref<128x16xf32, #tpu.memory_space<vmem>>
      %dma_wait3A_506 = arith.constant 0 : i32
      %dma_wait3A_507 = tpu.memref_slice %arg7[%rem3A_424, %dma_wait3A_500, %dma_wait3A_506] : memref<5x4x128xi32, #tpu.memory_space<vmem>> -> memref<1x1x128xi32, #tpu.memory_space<vmem>>
      %dma_wait3A_508 = tpu.memref_squeeze %dma_wait3A_507 : memref<1x1x128xi32, #tpu.memory_space<vmem>> -> memref<128xi32, #tpu.memory_space<vmem>>
      %dma_wait3A_509 = arith.constant 0 : i32
      %dma_wait3A_510 = arith.constant 0 : i32
      %dma_wait3A_511 = tpu.memref_slice %arg4[%dma_wait3A_509, %dma_wait3A_510] : memref<100352x16xf32, #tpu.memory_space<hbm>> -> memref<100352x16xf32, #tpu.memory_space<hbm>>
      %dma_wait3A_512 = tpu.memref_slice %arg12[%rem3A_414] : memref<3x!tpu.dma_semaphore, #tpu.memory_space<semaphore_mem>> -> memref<1x!tpu.dma_semaphore, #tpu.memory_space<semaphore_mem>>
      %dma_wait3A_513 = tpu.memref_squeeze %dma_wait3A_512 : memref<1x!tpu.dma_semaphore, #tpu.memory_space<semaphore_mem>> -> memref<!tpu.dma_semaphore, #tpu.memory_space<semaphore_mem>>
      tpu.wait_indirect_dma semaphore(%dma_wait3A_513 : memref<!tpu.dma_semaphore, #tpu.memory_space<semaphore_mem>>) src(%dma_wait3A_511 : memref<100352x16xf32, #tpu.memory_space<hbm>>) dst(%dma_wait3A_505 : memref<128x16xf32, #tpu.memory_space<vmem>>)
      %dma_start3A_514 = arith.constant 2 : i32
      %dma_start3A_515 = arith.constant 2 : i32
      %dma_start3A_516 = arith.constant 0 : i32
      %dma_start3A_517 = arith.constant 0 : i32
      %dma_start3A_518 = tpu.memref_slice %arg9[%rem3A_414, %dma_start3A_514, %dma_start3A_516, %dma_start3A_517] : memref<3x4x128x16xf32, #tpu.memory_space<vmem>> -> memref<1x1x128x16xf32, #tpu.memory_space<vmem>>
      %dma_start3A_519 = tpu.memref_squeeze %dma_start3A_518 : memref<1x1x128x16xf32, #tpu.memory_space<vmem>> -> memref<128x16xf32, #tpu.memory_space<vmem>>
      %dma_start3A_520 = arith.constant 0 : i32
      %dma_start3A_521 = tpu.memref_slice %arg8[%rem3A_424, %dma_start3A_515, %dma_start3A_520] : memref<5x4x128xi32, #tpu.memory_space<vmem>> -> memref<1x1x128xi32, #tpu.memory_space<vmem>>
      %dma_start3A_522 = tpu.memref_squeeze %dma_start3A_521 : memref<1x1x128xi32, #tpu.memory_space<vmem>> -> memref<128xi32, #tpu.memory_space<vmem>>
      %dma_start3A_523 = arith.constant 0 : i32
      %dma_start3A_524 = arith.constant 0 : i32
      %dma_start3A_525 = tpu.memref_slice %arg10[%dma_start3A_523, %dma_start3A_524] : memref<100352x16xf32, #tpu.memory_space<vmem_shared>> -> memref<100352x16xf32, #tpu.memory_space<vmem_shared>>
      tpu.enqueue_indirect_dma source(%dma_start3A_519 : memref<128x16xf32, #tpu.memory_space<vmem>>) target(%dma_start3A_525 : memref<100352x16xf32, #tpu.memory_space<vmem_shared>>) offsets(%dma_start3A_522 : memref<128xi32, #tpu.memory_space<vmem>>) semaphore(%arg13 : memref<!tpu.dma_semaphore, #tpu.memory_space<semaphore_mem>>) {add = true}
      %dma_wait3A_526 = arith.constant 3 : i32
      %dma_wait3A_527 = arith.constant 3 : i32
      %dma_wait3A_528 = arith.constant 0 : i32
      %dma_wait3A_529 = arith.constant 0 : i32
      %dma_wait3A_530 = tpu.memref_slice %arg9[%rem3A_414, %dma_wait3A_527, %dma_wait3A_528, %dma_wait3A_529] : memref<3x4x128x16xf32, #tpu.memory_space<vmem>> -> memref<1x1x128x16xf32, #tpu.memory_space<vmem>>
      %dma_wait3A_531 = tpu.memref_squeeze %dma_wait3A_530 : memref<1x1x128x16xf32, #tpu.memory_space<vmem>> -> memref<128x16xf32, #tpu.memory_space<vmem>>
      %dma_wait3A_532 = arith.constant 0 : i32
      %dma_wait3A_533 = tpu.memref_slice %arg7[%rem3A_424, %dma_wait3A_526, %dma_wait3A_532] : memref<5x4x128xi32, #tpu.memory_space<vmem>> -> memref<1x1x128xi32, #tpu.memory_space<vmem>>
      %dma_wait3A_534 = tpu.memref_squeeze %dma_wait3A_533 : memref<1x1x128xi32, #tpu.memory_space<vmem>> -> memref<128xi32, #tpu.memory_space<vmem>>
      %dma_wait3A_535 = arith.constant 0 : i32
      %dma_wait3A_536 = arith.constant 0 : i32
      %dma_wait3A_537 = tpu.memref_slice %arg4[%dma_wait3A_535, %dma_wait3A_536] : memref<100352x16xf32, #tpu.memory_space<hbm>> -> memref<100352x16xf32, #tpu.memory_space<hbm>>
      %dma_wait3A_538 = tpu.memref_slice %arg12[%rem3A_414] : memref<3x!tpu.dma_semaphore, #tpu.memory_space<semaphore_mem>> -> memref<1x!tpu.dma_semaphore, #tpu.memory_space<semaphore_mem>>
      %dma_wait3A_539 = tpu.memref_squeeze %dma_wait3A_538 : memref<1x!tpu.dma_semaphore, #tpu.memory_space<semaphore_mem>> -> memref<!tpu.dma_semaphore, #tpu.memory_space<semaphore_mem>>
      tpu.wait_indirect_dma semaphore(%dma_wait3A_539 : memref<!tpu.dma_semaphore, #tpu.memory_space<semaphore_mem>>) src(%dma_wait3A_537 : memref<100352x16xf32, #tpu.memory_space<hbm>>) dst(%dma_wait3A_531 : memref<128x16xf32, #tpu.memory_space<vmem>>)
      %dma_start3A_540 = arith.constant 3 : i32
      %dma_start3A_541 = arith.constant 3 : i32
      %dma_start3A_542 = arith.constant 0 : i32
      %dma_start3A_543 = arith.constant 0 : i32
      %dma_start3A_544 = tpu.memref_slice %arg9[%rem3A_414, %dma_start3A_540, %dma_start3A_542, %dma_start3A_543] : memref<3x4x128x16xf32, #tpu.memory_space<vmem>> -> memref<1x1x128x16xf32, #tpu.memory_space<vmem>>
      %dma_start3A_545 = tpu.memref_squeeze %dma_start3A_544 : memref<1x1x128x16xf32, #tpu.memory_space<vmem>> -> memref<128x16xf32, #tpu.memory_space<vmem>>
      %dma_start3A_546 = arith.constant 0 : i32
      %dma_start3A_547 = tpu.memref_slice %arg8[%rem3A_424, %dma_start3A_541, %dma_start3A_546] : memref<5x4x128xi32, #tpu.memory_space<vmem>> -> memref<1x1x128xi32, #tpu.memory_space<vmem>>
      %dma_start3A_548 = tpu.memref_squeeze %dma_start3A_547 : memref<1x1x128xi32, #tpu.memory_space<vmem>> -> memref<128xi32, #tpu.memory_space<vmem>>
      %dma_start3A_549 = arith.constant 0 : i32
      %dma_start3A_550 = arith.constant 0 : i32
      %dma_start3A_551 = tpu.memref_slice %arg10[%dma_start3A_549, %dma_start3A_550] : memref<100352x16xf32, #tpu.memory_space<vmem_shared>> -> memref<100352x16xf32, #tpu.memory_space<vmem_shared>>
      tpu.enqueue_indirect_dma source(%dma_start3A_545 : memref<128x16xf32, #tpu.memory_space<vmem>>) target(%dma_start3A_551 : memref<100352x16xf32, #tpu.memory_space<vmem_shared>>) offsets(%dma_start3A_548 : memref<128xi32, #tpu.memory_space<vmem>>) semaphore(%arg13 : memref<!tpu.dma_semaphore, #tpu.memory_space<semaphore_mem>>) {add = true}
    }
    %scan3A_351 = arith.constant 196 : i32
    %dma_wait3A_352 = arith.constant 0 : i32
    %dma_wait3A_353 = arith.constant 0 : i32
    %dma_wait3A_354 = arith.constant 0 : i32
    %dma_wait3A_355 = arith.constant 0 : i32
    %dma_wait3A_356 = arith.constant 0 : i32
    %dma_wait3A_357 = arith.constant 0 : i32
    %dma_wait3A_358 = tpu.memref_slice %arg9[%dma_wait3A_352, %dma_wait3A_353, %dma_wait3A_356, %dma_wait3A_357] : memref<3x4x128x16xf32, #tpu.memory_space<vmem>> -> memref<1x1x128x16xf32, #tpu.memory_space<vmem>>
    %dma_wait3A_359 = tpu.memref_squeeze %dma_wait3A_358 : memref<1x1x128x16xf32, #tpu.memory_space<vmem>> -> memref<128x16xf32, #tpu.memory_space<vmem>>
    %dma_wait3A_360 = arith.constant 0 : i32
    %dma_wait3A_361 = tpu.memref_slice %arg8[%dma_wait3A_354, %dma_wait3A_355, %dma_wait3A_360] : memref<5x4x128xi32, #tpu.memory_space<vmem>> -> memref<1x1x128xi32, #tpu.memory_space<vmem>>
    %dma_wait3A_362 = tpu.memref_squeeze %dma_wait3A_361 : memref<1x1x128xi32, #tpu.memory_space<vmem>> -> memref<128xi32, #tpu.memory_space<vmem>>
    %dma_wait3A_363 = arith.constant 0 : i32
    %dma_wait3A_364 = arith.constant 0 : i32
    %dma_wait3A_365 = tpu.memref_slice %arg10[%dma_wait3A_363, %dma_wait3A_364] : memref<100352x16xf32, #tpu.memory_space<vmem_shared>> -> memref<100352x16xf32, #tpu.memory_space<vmem_shared>>
    tpu.wait_indirect_dma semaphore(%arg13 : memref<!tpu.dma_semaphore, #tpu.memory_space<semaphore_mem>>) src(%dma_wait3A_359 : memref<128x16xf32, #tpu.memory_space<vmem>>) dst(%dma_wait3A_365 : memref<100352x16xf32, #tpu.memory_space<vmem_shared>>)
    %dma_wait3A_366 = arith.constant 0 : i32
    %dma_wait3A_367 = arith.constant 1 : i32
    %dma_wait3A_368 = arith.constant 0 : i32
    %dma_wait3A_369 = arith.constant 1 : i32
    %dma_wait3A_370 = arith.constant 0 : i32
    %dma_wait3A_371 = arith.constant 0 : i32
    %dma_wait3A_372 = tpu.memref_slice %arg9[%dma_wait3A_366, %dma_wait3A_367, %dma_wait3A_370, %dma_wait3A_371] : memref<3x4x128x16xf32, #tpu.memory_space<vmem>> -> memref<1x1x128x16xf32, #tpu.memory_space<vmem>>
    %dma_wait3A_373 = tpu.memref_squeeze %dma_wait3A_372 : memref<1x1x128x16xf32, #tpu.memory_space<vmem>> -> memref<128x16xf32, #tpu.memory_space<vmem>>
    %dma_wait3A_374 = arith.constant 0 : i32
    %dma_wait3A_375 = tpu.memref_slice %arg8[%dma_wait3A_368, %dma_wait3A_369, %dma_wait3A_374] : memref<5x4x128xi32, #tpu.memory_space<vmem>> -> memref<1x1x128xi32, #tpu.memory_space<vmem>>
    %dma_wait3A_376 = tpu.memref_squeeze %dma_wait3A_375 : memref<1x1x128xi32, #tpu.memory_space<vmem>> -> memref<128xi32, #tpu.memory_space<vmem>>
    %dma_wait3A_377 = arith.constant 0 : i32
    %dma_wait3A_378 = arith.constant 0 : i32
    %dma_wait3A_379 = tpu.memref_slice %arg10[%dma_wait3A_377, %dma_wait3A_378] : memref<100352x16xf32, #tpu.memory_space<vmem_shared>> -> memref<100352x16xf32, #tpu.memory_space<vmem_shared>>
    tpu.wait_indirect_dma semaphore(%arg13 : memref<!tpu.dma_semaphore, #tpu.memory_space<semaphore_mem>>) src(%dma_wait3A_373 : memref<128x16xf32, #tpu.memory_space<vmem>>) dst(%dma_wait3A_379 : memref<100352x16xf32, #tpu.memory_space<vmem_shared>>)
    %dma_wait3A_380 = arith.constant 0 : i32
    %dma_wait3A_381 = arith.constant 2 : i32
    %dma_wait3A_382 = arith.constant 0 : i32
    %dma_wait3A_383 = arith.constant 2 : i32
    %dma_wait3A_384 = arith.constant 0 : i32
    %dma_wait3A_385 = arith.constant 0 : i32
    %dma_wait3A_386 = tpu.memref_slice %arg9[%dma_wait3A_380, %dma_wait3A_381, %dma_wait3A_384, %dma_wait3A_385] : memref<3x4x128x16xf32, #tpu.memory_space<vmem>> -> memref<1x1x128x16xf32, #tpu.memory_space<vmem>>
    %dma_wait3A_387 = tpu.memref_squeeze %dma_wait3A_386 : memref<1x1x128x16xf32, #tpu.memory_space<vmem>> -> memref<128x16xf32, #tpu.memory_space<vmem>>
    %dma_wait3A_388 = arith.constant 0 : i32
    %dma_wait3A_389 = tpu.memref_slice %arg8[%dma_wait3A_382, %dma_wait3A_383, %dma_wait3A_388] : memref<5x4x128xi32, #tpu.memory_space<vmem>> -> memref<1x1x128xi32, #tpu.memory_space<vmem>>
    %dma_wait3A_390 = tpu.memref_squeeze %dma_wait3A_389 : memref<1x1x128xi32, #tpu.memory_space<vmem>> -> memref<128xi32, #tpu.memory_space<vmem>>
    %dma_wait3A_391 = arith.constant 0 : i32
    %dma_wait3A_392 = arith.constant 0 : i32
    %dma_wait3A_393 = tpu.memref_slice %arg10[%dma_wait3A_391, %dma_wait3A_392] : memref<100352x16xf32, #tpu.memory_space<vmem_shared>> -> memref<100352x16xf32, #tpu.memory_space<vmem_shared>>
    tpu.wait_indirect_dma semaphore(%arg13 : memref<!tpu.dma_semaphore, #tpu.memory_space<semaphore_mem>>) src(%dma_wait3A_387 : memref<128x16xf32, #tpu.memory_space<vmem>>) dst(%dma_wait3A_393 : memref<100352x16xf32, #tpu.memory_space<vmem_shared>>)
    %dma_wait3A_394 = arith.constant 0 : i32
    %dma_wait3A_395 = arith.constant 3 : i32
    %dma_wait3A_396 = arith.constant 0 : i32
    %dma_wait3A_397 = arith.constant 3 : i32
    %dma_wait3A_398 = arith.constant 0 : i32
    %dma_wait3A_399 = arith.constant 0 : i32
    %dma_wait3A_400 = tpu.memref_slice %arg9[%dma_wait3A_394, %dma_wait3A_395, %dma_wait3A_398, %dma_wait3A_399] : memref<3x4x128x16xf32, #tpu.memory_space<vmem>> -> memref<1x1x128x16xf32, #tpu.memory_space<vmem>>
    %dma_wait3A_401 = tpu.memref_squeeze %dma_wait3A_400 : memref<1x1x128x16xf32, #tpu.memory_space<vmem>> -> memref<128x16xf32, #tpu.memory_space<vmem>>
    %dma_wait3A_402 = arith.constant 0 : i32
    %dma_wait3A_403 = tpu.memref_slice %arg8[%dma_wait3A_396, %dma_wait3A_397, %dma_wait3A_402] : memref<5x4x128xi32, #tpu.memory_space<vmem>> -> memref<1x1x128xi32, #tpu.memory_space<vmem>>
    %dma_wait3A_404 = tpu.memref_squeeze %dma_wait3A_403 : memref<1x1x128xi32, #tpu.memory_space<vmem>> -> memref<128xi32, #tpu.memory_space<vmem>>
    %dma_wait3A_405 = arith.constant 0 : i32
    %dma_wait3A_406 = arith.constant 0 : i32
    %dma_wait3A_407 = tpu.memref_slice %arg10[%dma_wait3A_405, %dma_wait3A_406] : memref<100352x16xf32, #tpu.memory_space<vmem_shared>> -> memref<100352x16xf32, #tpu.memory_space<vmem_shared>>
    tpu.wait_indirect_dma semaphore(%arg13 : memref<!tpu.dma_semaphore, #tpu.memory_space<semaphore_mem>>) src(%dma_wait3A_401 : memref<128x16xf32, #tpu.memory_space<vmem>>) dst(%dma_wait3A_407 : memref<100352x16xf32, #tpu.memory_space<vmem_shared>>)
    %barrier3A_408 = arith.constant 0 : index
    tpu.barrier barrier_id(%barrier3A_408)
    %mul3A_409 = arith.constant 6272 : i32
    %mul3A_410 = arith.muli %arg1, %mul3A_409 : i32
    %mul3A_411 = arith.constant 6272 : i32
    %mul3A_412 = arith.muli %arg1, %mul3A_411 : i32
    "tpu.region"() ({
      %run_scoped3A = tpu.sem_alloc : memref<!tpu.dma_semaphore, #tpu.memory_space<semaphore_mem>>
      %dma_start3A_413 = arith.constant 0 : i32
      %dma_start3A_414 = tpu.memref_slice %arg6[%arg0, %mul3A_412, %dma_start3A_413] : memref<2x100352x16xf32, #tpu.memory_space<hbm>> -> memref<1x6272x16xf32, #tpu.memory_space<hbm>>
      %dma_start3A_415 = tpu.memref_squeeze %dma_start3A_414 : memref<1x6272x16xf32, #tpu.memory_space<hbm>> -> memref<6272x16xf32, #tpu.memory_space<hbm>>
      %dma_start3A_416 = arith.constant 0 : i32
      %dma_start3A_417 = tpu.memref_slice %arg10[%mul3A_410, %dma_start3A_416] : memref<100352x16xf32, #tpu.memory_space<vmem_shared>> -> memref<6272x16xf32, #tpu.memory_space<vmem_shared>>
      tpu.enqueue_dma source(%dma_start3A_417 : memref<6272x16xf32, #tpu.memory_space<vmem_shared>>) target(%dma_start3A_415 : memref<6272x16xf32, #tpu.memory_space<hbm>>) target_semaphore(%run_scoped3A : memref<!tpu.dma_semaphore, #tpu.memory_space<semaphore_mem>>)
      %dma_wait3A_418 = arith.constant 0 : i32
      %dma_wait3A_419 = tpu.memref_slice %arg6[%arg0, %mul3A_412, %dma_wait3A_418] : memref<2x100352x16xf32, #tpu.memory_space<hbm>> -> memref<1x6272x16xf32, #tpu.memory_space<hbm>>
      %dma_wait3A_420 = tpu.memref_squeeze %dma_wait3A_419 : memref<1x6272x16xf32, #tpu.memory_space<hbm>> -> memref<6272x16xf32, #tpu.memory_space<hbm>>
      %dma_wait3A_421 = arith.constant 0 : i32
      %dma_wait3A_422 = tpu.memref_slice %arg10[%mul3A_410, %dma_wait3A_421] : memref<100352x16xf32, #tpu.memory_space<vmem_shared>> -> memref<6272x16xf32, #tpu.memory_space<vmem_shared>>
      tpu.wait_dma2 semaphore(%run_scoped3A : memref<!tpu.dma_semaphore, #tpu.memory_space<semaphore_mem>>) src(%dma_wait3A_422 : memref<6272x16xf32, #tpu.memory_space<vmem_shared>>) dst(%dma_wait3A_420 : memref<6272x16xf32, #tpu.memory_space<hbm>>)
      tpu.yield
    }) : () -> ()
    return
  }
}

module attributes {stable_mosaic.version = 14 : i64} {
  func.func @_tc1_body(%arg0: i32, %arg1: memref<256x1024xf32, #tpu.memory_space<vmem>>, %arg2: memref<1024x128xf32, #tpu.memory_space<vmem>>, %arg3: memref<1x128xf32, #tpu.memory_space<vmem>>, %arg4: memref<1x256x128xf32, #tpu.memory_space<vmem>>, %arg5: memref<1x256x128xf32, #tpu.memory_space<vmem>>, %arg6: memref<256x128xf32, #tpu.memory_space<vmem>>, %arg7: memref<256x128xf32, #tpu.memory_space<vmem>>) attributes {dimension_semantics = [#tpu.dimension_semantics<arbitrary>], iteration_bounds = array<i64: 49>, scalar_prefetch = 0 : i64, scratch_operands = 0 : i64, tpu.core_type = #tpu.core_type<tc>, window_params = [{transform_indices = @transform_0, window_bounds = array<i64: 256, 1024>}, {pipeline_mode = #tpu.pipeline_mode<synchronous>, transform_indices = @transform_1, window_bounds = array<i64: 1024, 128>}, {pipeline_mode = #tpu.pipeline_mode<synchronous>, transform_indices = @transform_2, window_bounds = array<i64: 1, 128>}, {transform_indices = @transform_3, window_bounds = array<i64: 1, 256, 128>}, {transform_indices = @transform_4, window_bounds = array<i64: 1, 256, 128>}, {transform_indices = @transform_5, window_bounds = array<i64: 256, 128>}, {transform_indices = @transform_6, window_bounds = array<i64: 256, 128>}]} {
    %get3A = arith.constant 0 : index
    %get3A_0 = arith.constant 0 : index
    %get3A_1 = arith.constant 0 : index
    %get3A_2 = vector.load %arg4[%get3A, %get3A_0, %get3A_1] : memref<1x256x128xf32, #tpu.memory_space<vmem>>, vector<1x256x128xf32>
    %get3A_3 = vector.shape_cast %get3A_2 : vector<1x256x128xf32> to vector<256x128xf32>
    %get3A_4 = arith.constant 0 : index
    %get3A_5 = arith.constant 0 : index
    %get3A_6 = arith.constant 0 : index
    %get3A_7 = vector.load %arg5[%get3A_4, %get3A_5, %get3A_6] : memref<1x256x128xf32, #tpu.memory_space<vmem>>, vector<1x256x128xf32>
    %get3A_8 = vector.shape_cast %get3A_7 : vector<1x256x128xf32> to vector<256x128xf32>
    %add3A = arith.addf %get3A_3, %get3A_8 : vector<256x128xf32>
    %add3A_9 = arith.constant 1.000000e+00 : f32
    %add3A_10 = vector.broadcast %add3A_9 : f32 to vector<256x128xf32>
    %add3A_11 = arith.addf %add3A, %add3A_10 : vector<256x128xf32>
    %iota3A = tpu.iota {dimensions = array<i32: 0>} : vector<256x128xi32>
    %mul3A = arith.constant 256 : i32
    %mul3A_12 = arith.muli %arg0, %mul3A : i32
    %add3A_13 = vector.broadcast %mul3A_12 : i32 to vector<256x128xi32>
    %add3A_14 = arith.addi %iota3A, %add3A_13 : vector<256x128xi32>
    %iota3A_15 = tpu.iota {dimensions = array<i32: 1>} : vector<256x128xi32>
    %mul3A_16 = arith.constant 8 : i32
    %mul3A_17 = vector.broadcast %mul3A_16 : i32 to vector<256x128xi32>
    %mul3A_18 = arith.muli %mul3A_17, %add3A_14 : vector<256x128xi32>
    %jit3A = arith.constant 16 : i32
    %div3A = vector.broadcast %jit3A : i32 to vector<256x128xi32>
    %div3A_19 = arith.divsi %iota3A_15, %div3A : vector<256x128xi32>
    %sign3A = arith.constant 0 : i32
    %sign3A_20 = vector.broadcast %sign3A : i32 to vector<256x128xi32>
    %sign3A_21 = arith.cmpi sgt, %iota3A_15, %sign3A_20 : vector<256x128xi32>
    %sign3A_22 = arith.extui %sign3A_21 : vector<256x128xi1> to vector<256x128xi32>
    %sign3A_23 = arith.constant 0 : i32
    %sign3A_24 = vector.broadcast %sign3A_23 : i32 to vector<256x128xi32>
    %sign3A_25 = arith.cmpi slt, %iota3A_15, %sign3A_24 : vector<256x128xi32>
    %sign3A_26 = arith.extui %sign3A_25 : vector<256x128xi1> to vector<256x128xi32>
    %sign3A_27 = arith.subi %sign3A_22, %sign3A_26 : vector<256x128xi32>
    %sign3A_28 = arith.constant 0 : i32
    %sign3A_29 = arith.cmpi sgt, %jit3A, %sign3A_28 : i32
    %sign3A_30 = arith.extui %sign3A_29 : i1 to i32
    %sign3A_31 = arith.constant 0 : i32
    %sign3A_32 = arith.cmpi slt, %jit3A, %sign3A_31 : i32
    %sign3A_33 = arith.extui %sign3A_32 : i1 to i32
    %sign3A_34 = arith.subi %sign3A_30, %sign3A_33 : i32
    %ne3A = vector.broadcast %sign3A_34 : i32 to vector<256x128xi32>
    %ne3A_35 = arith.cmpi ne, %sign3A_27, %ne3A : vector<256x128xi32>
    %rem3A = vector.broadcast %jit3A : i32 to vector<256x128xi32>
    %rem3A_36 = arith.remsi %iota3A_15, %rem3A : vector<256x128xi32>
    %ne3A_37 = arith.constant 0 : i32
    %ne3A_38 = vector.broadcast %ne3A_37 : i32 to vector<256x128xi32>
    %ne3A_39 = arith.cmpi ne, %rem3A_36, %ne3A_38 : vector<256x128xi32>
    %and3A = arith.andi %ne3A_35, %ne3A_39 : vector<256x128xi1>
    %sub3A = arith.constant 1 : i32
    %sub3A_40 = vector.broadcast %sub3A : i32 to vector<256x128xi32>
    %sub3A_41 = arith.subi %div3A_19, %sub3A_40 : vector<256x128xi32>
    %select_n3A = arith.select %and3A, %sub3A_41, %div3A_19 : vector<256x128xi1>, vector<256x128xi32>
    %add3A_42 = arith.addi %mul3A_18, %select_n3A : vector<256x128xi32>
    %lt3A = arith.constant 100000 : i32
    %lt3A_43 = vector.broadcast %lt3A : i32 to vector<256x128xi32>
    %lt3A_44 = arith.cmpi slt, %add3A_42, %lt3A_43 : vector<256x128xi32>
    %rsqrt3A = math.rsqrt %add3A_11 : vector<256x128xf32>
    %jit3A_45 = arith.constant 0.000000e+00 : f32
    %broadcast_in_dim3A = vector.broadcast %jit3A_45 : f32 to vector<256x128xf32>
    %select_n3A_46 = arith.select %lt3A_44, %rsqrt3A, %broadcast_in_dim3A : vector<256x128xi1>, vector<256x128xf32>
    %get3A_47 = arith.constant 0 : index
    %get3A_48 = arith.constant 0 : index
    %get3A_49 = vector.load %arg1[%get3A_47, %get3A_48] : memref<256x1024xf32, #tpu.memory_space<vmem>>, vector<256x1024xf32>
    %get3A_50 = arith.constant 0 : index
    %get3A_51 = arith.constant 0 : index
    %get3A_52 = vector.load %arg2[%get3A_50, %get3A_51] : memref<1024x128xf32, #tpu.memory_space<vmem>>, vector<1024x128xf32>
    %dot_general3A = arith.constant dense<0.000000e+00> : vector<256x128xf32>
    %dot_general3A_53 = tpu.matmul %get3A_49, %get3A_52, %dot_general3A {dimension_numbers = #tpu.dot_dimension_numbers<[1], [0], [0], [1], [0, 0, 1, 1], [], []>, transpose_lhs_hint = false} : vector<256x1024xf32>, vector<1024x128xf32>, vector<256x128xf32> -> vector<256x128xf32>
    %get3A_54 = arith.constant 0 : index
    %get3A_55 = arith.constant 0 : index
    %get3A_56 = vector.load %arg3[%get3A_54, %get3A_55] : memref<1x128xf32, #tpu.memory_space<vmem>>, vector<1x128xf32>
    %add3A_57 = vector.broadcast %get3A_56 : vector<1x128xf32> to vector<256x128xf32>
    %add3A_58 = arith.addf %dot_general3A_53, %add3A_57 : vector<256x128xf32>
    %mul3A_59 = arith.mulf %select_n3A_46, %add3A_58 : vector<256x128xf32>
    %swap3A = arith.constant 0 : index
    %swap3A_60 = arith.constant 0 : index
    %swap3A_61 = vector.load %arg6[%swap3A, %swap3A_60] : memref<256x128xf32, #tpu.memory_space<vmem>>, vector<256x128xf32>
    tpu.vector_store %arg6[%swap3A, %swap3A_60], %mul3A_59 {strides = array<i32>} : memref<256x128xf32, #tpu.memory_space<vmem>>, vector<256x128xf32>,
    %swap3A_62 = arith.constant 0 : index
    %swap3A_63 = arith.constant 0 : index
    %swap3A_64 = vector.load %arg7[%swap3A_62, %swap3A_63] : memref<256x128xf32, #tpu.memory_space<vmem>>, vector<256x128xf32>
    tpu.vector_store %arg7[%swap3A_62, %swap3A_63], %select_n3A_46 {strides = array<i32>} : memref<256x128xf32, #tpu.memory_space<vmem>>, vector<256x128xf32>,
    return
  }
  func.func @transform_0(%arg0: i32) -> (i32, i32) {
    %c0_i32 = arith.constant 0 : i32
    %c0_i32_0 = arith.constant 0 : i32
    return %arg0, %c0_i32 : i32, i32
  }
  func.func @transform_1(%arg0: i32) -> (i32, i32) {
    %c0_i32 = arith.constant 0 : i32
    %c0_i32_0 = arith.constant 0 : i32
    %c0_i32_1 = arith.constant 0 : i32
    return %c0_i32, %c0_i32_0 : i32, i32
  }
  func.func @transform_2(%arg0: i32) -> (i32, i32) {
    %c0_i32 = arith.constant 0 : i32
    %c0_i32_0 = arith.constant 0 : i32
    %c0_i32_1 = arith.constant 0 : i32
    return %c0_i32, %c0_i32_0 : i32, i32
  }
  func.func @transform_3(%arg0: i32) -> (i32, i32, i32) {
    %c0_i32 = arith.constant 0 : i32
    %c0_i32_0 = arith.constant 0 : i32
    %c0_i32_1 = arith.constant 0 : i32
    return %c0_i32, %arg0, %c0_i32_0 : i32, i32, i32
  }
  func.func @transform_4(%arg0: i32) -> (i32, i32, i32) {
    %c1_i32 = arith.constant 1 : i32
    %c0_i32 = arith.constant 0 : i32
    %c0_i32_0 = arith.constant 0 : i32
    return %c1_i32, %arg0, %c0_i32 : i32, i32, i32
  }
  func.func @transform_5(%arg0: i32) -> (i32, i32) {
    %c0_i32 = arith.constant 0 : i32
    %c0_i32_0 = arith.constant 0 : i32
    return %arg0, %c0_i32 : i32, i32
  }
  func.func @transform_6(%arg0: i32) -> (i32, i32) {
    %c0_i32 = arith.constant 0 : i32
    %c0_i32_0 = arith.constant 0 : i32
    return %arg0, %c0_i32 : i32, i32
  }
}

module attributes {stable_mosaic.version = 14 : i64} {
  func.func @_tc2_body(%arg0: i32, %arg1: memref<1x256x128xf32, #tpu.memory_space<vmem>>, %arg2: memref<1x256x128xf32, #tpu.memory_space<vmem>>, %arg3: memref<256x128xf32, #tpu.memory_space<vmem>>, %arg4: memref<256x128xf32, #tpu.memory_space<vmem>>, %arg5: memref<128x128xf32, #tpu.memory_space<vmem>>, %arg6: memref<1x128xf32, #tpu.memory_space<vmem>>, %arg7: memref<256x128xf32, #tpu.memory_space<vmem>>) attributes {dimension_semantics = [#tpu.dimension_semantics<arbitrary>], iteration_bounds = array<i64: 49>, scalar_prefetch = 0 : i64, scratch_operands = 0 : i64, tpu.core_type = #tpu.core_type<tc>, window_params = [{transform_indices = @transform_0, window_bounds = array<i64: 1, 256, 128>}, {transform_indices = @transform_1, window_bounds = array<i64: 1, 256, 128>}, {transform_indices = @transform_2, window_bounds = array<i64: 256, 128>}, {transform_indices = @transform_3, window_bounds = array<i64: 256, 128>}, {pipeline_mode = #tpu.pipeline_mode<synchronous>, transform_indices = @transform_4, window_bounds = array<i64: 128, 128>}, {pipeline_mode = #tpu.pipeline_mode<synchronous>, transform_indices = @transform_5, window_bounds = array<i64: 1, 128>}, {transform_indices = @transform_6, window_bounds = array<i64: 256, 128>}]} {
    %get3A = arith.constant 0 : index
    %get3A_0 = arith.constant 0 : index
    %get3A_1 = vector.load %arg4[%get3A, %get3A_0] : memref<256x128xf32, #tpu.memory_space<vmem>>, vector<256x128xf32>
    %get3A_2 = arith.constant 0 : index
    %get3A_3 = arith.constant 0 : index
    %get3A_4 = arith.constant 0 : index
    %get3A_5 = vector.load %arg1[%get3A_2, %get3A_3, %get3A_4] : memref<1x256x128xf32, #tpu.memory_space<vmem>>, vector<1x256x128xf32>
    %get3A_6 = vector.shape_cast %get3A_5 : vector<1x256x128xf32> to vector<256x128xf32>
    %get3A_7 = arith.constant 0 : index
    %get3A_8 = arith.constant 0 : index
    %get3A_9 = arith.constant 0 : index
    %get3A_10 = vector.load %arg2[%get3A_7, %get3A_8, %get3A_9] : memref<1x256x128xf32, #tpu.memory_space<vmem>>, vector<1x256x128xf32>
    %get3A_11 = vector.shape_cast %get3A_10 : vector<1x256x128xf32> to vector<256x128xf32>
    %add3A = arith.addf %get3A_6, %get3A_11 : vector<256x128xf32>
    %get3A_12 = arith.constant 0 : index
    %get3A_13 = arith.constant 0 : index
    %get3A_14 = vector.load %arg3[%get3A_12, %get3A_13] : memref<256x128xf32, #tpu.memory_space<vmem>>, vector<256x128xf32>
    %add3A_15 = arith.addf %add3A, %get3A_14 : vector<256x128xf32>
    %mul3A = arith.mulf %get3A_1, %add3A_15 : vector<256x128xf32>
    %max3A = arith.constant 0.000000e+00 : f32
    %max3A_16 = vector.broadcast %max3A : f32 to vector<256x128xf32>
    %max3A_17 = arith.maximumf %mul3A, %max3A_16 : vector<256x128xf32>
    %get3A_18 = arith.constant 0 : index
    %get3A_19 = arith.constant 0 : index
    %get3A_20 = vector.load %arg5[%get3A_18, %get3A_19] : memref<128x128xf32, #tpu.memory_space<vmem>>, vector<128x128xf32>
    %dot_general3A = arith.constant dense<0.000000e+00> : vector<256x128xf32>
    %dot_general3A_21 = tpu.matmul %max3A_17, %get3A_20, %dot_general3A {dimension_numbers = #tpu.dot_dimension_numbers<[1], [0], [0], [1], [0, 0, 1, 1], [], []>, transpose_lhs_hint = false} : vector<256x128xf32>, vector<128x128xf32>, vector<256x128xf32> -> vector<256x128xf32>
    %get3A_22 = arith.constant 0 : index
    %get3A_23 = arith.constant 0 : index
    %get3A_24 = vector.load %arg6[%get3A_22, %get3A_23] : memref<1x128xf32, #tpu.memory_space<vmem>>, vector<1x128xf32>
    %add3A_25 = vector.broadcast %get3A_24 : vector<1x128xf32> to vector<256x128xf32>
    %add3A_26 = arith.addf %dot_general3A_21, %add3A_25 : vector<256x128xf32>
    %mul3A_27 = arith.mulf %get3A_1, %add3A_26 : vector<256x128xf32>
    %swap3A = arith.constant 0 : index
    %swap3A_28 = arith.constant 0 : index
    %swap3A_29 = vector.load %arg7[%swap3A, %swap3A_28] : memref<256x128xf32, #tpu.memory_space<vmem>>, vector<256x128xf32>
    tpu.vector_store %arg7[%swap3A, %swap3A_28], %mul3A_27 {strides = array<i32>} : memref<256x128xf32, #tpu.memory_space<vmem>>, vector<256x128xf32>,
    return
  }
  func.func @transform_0(%arg0: i32) -> (i32, i32, i32) {
    %c0_i32 = arith.constant 0 : i32
    %c0_i32_0 = arith.constant 0 : i32
    %c0_i32_1 = arith.constant 0 : i32
    return %c0_i32, %arg0, %c0_i32_0 : i32, i32, i32
  }
  func.func @transform_1(%arg0: i32) -> (i32, i32, i32) {
    %c1_i32 = arith.constant 1 : i32
    %c0_i32 = arith.constant 0 : i32
    %c0_i32_0 = arith.constant 0 : i32
    return %c1_i32, %arg0, %c0_i32 : i32, i32, i32
  }
  func.func @transform_2(%arg0: i32) -> (i32, i32) {
    %c0_i32 = arith.constant 0 : i32
    %c0_i32_0 = arith.constant 0 : i32
    return %arg0, %c0_i32 : i32, i32
  }
  func.func @transform_3(%arg0: i32) -> (i32, i32) {
    %c0_i32 = arith.constant 0 : i32
    %c0_i32_0 = arith.constant 0 : i32
    return %arg0, %c0_i32 : i32, i32
  }
  func.func @transform_4(%arg0: i32) -> (i32, i32) {
    %c0_i32 = arith.constant 0 : i32
    %c0_i32_0 = arith.constant 0 : i32
    %c0_i32_1 = arith.constant 0 : i32
    return %c0_i32, %c0_i32_0 : i32, i32
  }
  func.func @transform_5(%arg0: i32) -> (i32, i32) {
    %c0_i32 = arith.constant 0 : i32
    %c0_i32_0 = arith.constant 0 : i32
    %c0_i32_1 = arith.constant 0 : i32
    return %c0_i32, %c0_i32_0 : i32, i32
  }
  func.func @transform_6(%arg0: i32) -> (i32, i32) {
    %c0_i32 = arith.constant 0 : i32
    %c0_i32_0 = arith.constant 0 : i32
    return %arg0, %c0_i32 : i32, i32
  }
}

module attributes {stable_mosaic.version = 14 : i64} {
  func.func @_tc3_body(%arg0: i32, %arg1: memref<1x256x128xf32, #tpu.memory_space<vmem>>, %arg2: memref<1x256x128xf32, #tpu.memory_space<vmem>>, %arg3: memref<256x128xf32, #tpu.memory_space<vmem>>, %arg4: memref<256x128xf32, #tpu.memory_space<vmem>>, %arg5: memref<128x128xf32, #tpu.memory_space<vmem>>, %arg6: memref<256x128xf32, #tpu.memory_space<vmem>>) attributes {dimension_semantics = [#tpu.dimension_semantics<arbitrary>], iteration_bounds = array<i64: 49>, scalar_prefetch = 0 : i64, scratch_operands = 0 : i64, tpu.core_type = #tpu.core_type<tc>, window_params = [{transform_indices = @transform_0, window_bounds = array<i64: 1, 256, 128>}, {transform_indices = @transform_1, window_bounds = array<i64: 1, 256, 128>}, {transform_indices = @transform_2, window_bounds = array<i64: 256, 128>}, {transform_indices = @transform_3, window_bounds = array<i64: 256, 128>}, {pipeline_mode = #tpu.pipeline_mode<synchronous>, transform_indices = @transform_4, window_bounds = array<i64: 128, 128>}, {transform_indices = @transform_5, window_bounds = array<i64: 256, 128>}]} {
    %get3A = arith.constant 0 : index
    %get3A_0 = arith.constant 0 : index
    %get3A_1 = vector.load %arg4[%get3A, %get3A_0] : memref<256x128xf32, #tpu.memory_space<vmem>>, vector<256x128xf32>
    %get3A_2 = arith.constant 0 : index
    %get3A_3 = arith.constant 0 : index
    %get3A_4 = arith.constant 0 : index
    %get3A_5 = vector.load %arg1[%get3A_2, %get3A_3, %get3A_4] : memref<1x256x128xf32, #tpu.memory_space<vmem>>, vector<1x256x128xf32>
    %get3A_6 = vector.shape_cast %get3A_5 : vector<1x256x128xf32> to vector<256x128xf32>
    %get3A_7 = arith.constant 0 : index
    %get3A_8 = arith.constant 0 : index
    %get3A_9 = arith.constant 0 : index
    %get3A_10 = vector.load %arg2[%get3A_7, %get3A_8, %get3A_9] : memref<1x256x128xf32, #tpu.memory_space<vmem>>, vector<1x256x128xf32>
    %get3A_11 = vector.shape_cast %get3A_10 : vector<1x256x128xf32> to vector<256x128xf32>
    %add3A = arith.addf %get3A_6, %get3A_11 : vector<256x128xf32>
    %get3A_12 = arith.constant 0 : index
    %get3A_13 = arith.constant 0 : index
    %get3A_14 = vector.load %arg3[%get3A_12, %get3A_13] : memref<256x128xf32, #tpu.memory_space<vmem>>, vector<256x128xf32>
    %add3A_15 = arith.addf %add3A, %get3A_14 : vector<256x128xf32>
    %mul3A = arith.mulf %get3A_1, %add3A_15 : vector<256x128xf32>
    %reduce_max3A = arith.constant dense<0xFF800000> : vector<256xf32>
    %reduce_max3A_16 = vector.multi_reduction <maximumf>, %mul3A, %reduce_max3A [1] : vector<256x128xf32> to vector<256xf32>
    %broadcast_in_dim3A = vector.shape_cast %reduce_max3A_16 : vector<256xf32> to vector<256x1xf32>
    %sub3A = vector.broadcast %broadcast_in_dim3A : vector<256x1xf32> to vector<256x128xf32>
    %sub3A_17 = arith.subf %mul3A, %sub3A : vector<256x128xf32>
    %exp3A = math.exp %sub3A_17 : vector<256x128xf32>
    %get3A_18 = arith.constant 0 : index
    %get3A_19 = arith.constant 0 : index
    %get3A_20 = vector.load %arg5[%get3A_18, %get3A_19] : memref<128x128xf32, #tpu.memory_space<vmem>>, vector<128x128xf32>
    %dot_general3A = arith.constant dense<0.000000e+00> : vector<256x128xf32>
    %dot_general3A_21 = tpu.matmul %exp3A, %get3A_20, %dot_general3A {dimension_numbers = #tpu.dot_dimension_numbers<[1], [0], [0], [1], [0, 0, 1, 1], [], []>, transpose_lhs_hint = false} : vector<256x128xf32>, vector<128x128xf32>, vector<256x128xf32> -> vector<256x128xf32>
    %sub3A_22 = vector.broadcast %broadcast_in_dim3A : vector<256x1xf32> to vector<256x128xf32>
    %sub3A_23 = arith.subf %mul3A, %sub3A_22 : vector<256x128xf32>
    %log3A = math.log %dot_general3A_21 : vector<256x128xf32>
    %sub3A_24 = arith.subf %sub3A_23, %log3A : vector<256x128xf32>
    %swap3A = arith.constant 0 : index
    %swap3A_25 = arith.constant 0 : index
    %swap3A_26 = vector.load %arg6[%swap3A, %swap3A_25] : memref<256x128xf32, #tpu.memory_space<vmem>>, vector<256x128xf32>
    tpu.vector_store %arg6[%swap3A, %swap3A_25], %sub3A_24 {strides = array<i32>} : memref<256x128xf32, #tpu.memory_space<vmem>>, vector<256x128xf32>,
    return
  }
  func.func @transform_0(%arg0: i32) -> (i32, i32, i32) {
    %c0_i32 = arith.constant 0 : i32
    %c0_i32_0 = arith.constant 0 : i32
    %c0_i32_1 = arith.constant 0 : i32
    return %c0_i32, %arg0, %c0_i32_0 : i32, i32, i32
  }
  func.func @transform_1(%arg0: i32) -> (i32, i32, i32) {
    %c1_i32 = arith.constant 1 : i32
    %c0_i32 = arith.constant 0 : i32
    %c0_i32_0 = arith.constant 0 : i32
    return %c1_i32, %arg0, %c0_i32 : i32, i32, i32
  }
  func.func @transform_2(%arg0: i32) -> (i32, i32) {
    %c0_i32 = arith.constant 0 : i32
    %c0_i32_0 = arith.constant 0 : i32
    return %arg0, %c0_i32 : i32, i32
  }
  func.func @transform_3(%arg0: i32) -> (i32, i32) {
    %c0_i32 = arith.constant 0 : i32
    %c0_i32_0 = arith.constant 0 : i32
    return %arg0, %c0_i32 : i32, i32
  }
  func.func @transform_4(%arg0: i32) -> (i32, i32) {
    %c0_i32 = arith.constant 0 : i32
    %c0_i32_0 = arith.constant 0 : i32
    %c0_i32_1 = arith.constant 0 : i32
    return %c0_i32, %c0_i32_0 : i32, i32
  }
  func.func @transform_5(%arg0: i32) -> (i32, i32) {
    %c0_i32 = arith.constant 0 : i32
    %c0_i32_0 = arith.constant 0 : i32
    return %arg0, %c0_i32 : i32, i32
  }
}

</mosaic_0001>

<sc_bundles>
// kernel: kernel.11.cloned.1.call-start
scs
__scs_entry_jumppad:
0x0: {  	(pc) =	sbr.rel $0x88, $3  }
0x1: {  	(tag) =	ssettag $0x0;
	lr =	simm.s32 $0x1  }
0x2: {  	[smem:$0x3F9B] =	sst lr;
	_ =	strace $0xD0000000  }
0x3: {  	_ = 	snop  }
0x4: {  	_ = 	snop  }
0x5: {  	_ = 	snop  }
0x6: {  	_ = 	snop  }
0x7: {  	_ = 	snop  }
__scs_overlays_trampoline_lowered:
0x8: {  	[smem:$0x3FAA] =	sst s0  }
0x9: {  	[smem:$0x3FAB] =	sst s1  }
0xa: {  	[smem:$0x3FAC] =	sst s2  }
0xb: {  	[smem:$0x3FAD] =	sst s3  }
0xc: {  	[smem:$0x3FAE] =	sst s4  }
0xd: {  	[smem:$0x3FAF] =	sst s5  }
0xe: {  	[smem:$0x3FB0] =	sst s6  }
0xf: {  	[smem:$0x3FB1] =	sst s7  }
0x10: {  	[smem:$0x3FB2] =	sst s8  }
0x11: {  	[smem:$0x3FB3] =	sst s9;
	s0 =	simm.s32 @!p0 $0x0  }
0x12: {  	s1 =	sld [smem:$0x3F99];
	s0 =	simm.s32 @p0 $0x1  }
0x13: {  	[smem:$0x3FB4] =	sst s0;
	s0 =	simm.s32 @!p1 $0x0  }
0x14: {  	s2 =	sld [smem:$0x3F98];
	s0 =	simm.s32 @p1 $0x1  }
0x15: {  	[smem:$0x3FB5] =	sst s0;
	s0 =	simm.s32 @!p2 $0x0  }
0x16: {  	s3 =	sld [smem:$0x3FDB];
	s0 =	simm.s32 @p2 $0x1  }
0x17: {  	s4 =	simm.s32 $0x1BF5;
	[smem:$0x3FB7] =	sst s0  }
0x18: {  	s0 =	sld [smem:$0x3F9A];
	_ =	swait.ge [sflag:s4], $0x0  }
0x19: {  	s7 =	sld [smem:$0x3F9B]  }
0x1a: {  	s8 =	sadd.s32 $0xFFFFE003, lr  }
0x1b: {  	s9 =	sadd.s32 $0xFFFFFEF7, lr;
	s5 =	simm.s32 $0xFFFFFFFF;
	p2 =	slt.u32 s8, $0xFFFFF086  }
0x1c: {  	p1 =	slt.u32 s9, $0xF7A;
	s5 =	simm.s32 @!p2 $0x0  }
0x1d: {  	s5 =	simm.s32 @p1 $0x1;
	p0 =	seq.s32 s7, s2  }
0x1e: {  	s7 =	smul.u32 @!p0 $0xF7A, s2;
	p2 =	seq.s32 @!p0 s5, $0x0  }
0x1f: {  	s9 =	smul.u32 $0xF7A, s1;
	s8 =	simm.s32 @!p0 $0x1BF5;
	p2 =	por !p2, p0  }
0x20: {  	[sflag:s8] =	ssyncset.s32 @!p0 $0xFFFFF086;
	s6 =	sadd.s32 @!p0 s3, s7;
	s7 =	simm.s32 @!p0 $0x108  }
0x21: {  	s3 =	sadd.s32 s3, s9;
	s6 =	sadd.s32 @!p0 $0x88, s6;
	s7 =	simm.s32 @p2 $0x1082  }
0x22: {  	[simem:s7], [sflag:s8] =	dma.local @!p0 [hbm:s6], $0xF7A  }
0x23: {  	s9 =	sor.u32 $0xD0000000, s2;
	s6 =	simm.s32 $0x108;
	_ =	swait.ge @!p0 [sflag:s8], $0x0  }
0x24: {  	s3 =	sadd.s32 $0x88, s3;
	s6 =	simm.s32 @!p1 $0x1082;
	[sflag:s4] =	ssyncset.s32 $0xFFFFF086  }
0x25: {  	[simem:s6], [sflag:s4] =	dma.local [hbm:s3], $0xF7A  }
0x26: {  	[smem:$0x3F9B] =	sst s1;
	(tag) =	ssettag s2;
	_ =	strace s9  }
0x27: {  	s1 =	sld [smem:$0x3FAB]  }
0x28: {  	s2 =	sld [smem:$0x3FAC]  }
0x29: {  	s4 =	sld [smem:$0x3FAE]  }
0x2a: {  	p0 =	seq.s32 s5, $0x0;
	s5 =	sld [smem:$0x3FAF]  }
0x2b: {  	s6 =	sld [smem:$0x3FB0]  }
0x2c: {  	s7 =	sld [smem:$0x3FB1]  }
0x2d: {  	s3 =	simm.s32 $0x108;
	s8 =	sld [smem:$0x3FB2]  }
0x2e: {  	s3 =	simm.s32 @!p0 $0x1082;
	s9 =	sld [smem:$0x3FB3]  }
0x2f: {  	lr =	sadd.s32 s0, s3;
	s0 =	sld [smem:$0x3FAA]  }
0x30: {  	s3 =	sld [smem:$0x3FAD]  }
0x31: {  	[smem:$0x3FB6] =	sst s10  }
0x32: {  	s10 =	sld [smem:$0x3FB4];
	_ =	sdelay $0x3  }
0x33: {  	p0 =	seq.s32 s10, $0x1;
	s10 =	sld [smem:$0x3FB6];
	_ =	sdelay $0x3  }
0x34: {  	[smem:$0x3FB6] =	sst s10  }
0x35: {  	s10 =	sld [smem:$0x3FB5];
	_ =	sdelay $0x3  }
0x36: {  	p1 =	seq.s32 s10, $0x1;
	s10 =	sld [smem:$0x3FB6];
	_ =	sdelay $0x3  }
0x37: {  	[smem:$0x3FB6] =	sst s10  }
0x38: {  	s10 =	sld [smem:$0x3FB7]  }
0x39: {  	_ = 	snop;
	(pc) =	sbr.ind lr, $3  }
0x3a: {  	_ = 	snop  }
0x3b: {  	_ = 	snop  }
0x3c: {  	p2 =	seq.s32 s10, $0x1;
	s10 =	sld [smem:$0x3FB6]  }
0x3d: {  	_ =	shalt  }
0x3e: {  	_ =	shalt  }
0x3f: {  	_ =	shalt  }
0x40: {  	_ =	shalt  }
0x41: {  	_ =	shalt  }
0x42: {  	_ =	shalt  }
0x43: {  	_ =	shalt  }
0x44: {  	_ =	shalt  }
0x45: {  	_ =	shalt  }
0x46: {  	_ =	shalt  }
0x47: {  	_ =	shalt  }
0x48: {  	_ =	shalt  }
0x49: {  	_ =	shalt  }
0x4a: {  	_ =	shalt  }
0x4b: {  	_ =	shalt  }
0x4c: {  	_ =	shalt  }
0x4d: {  	_ =	shalt  }
0x4e: {  	_ =	shalt  }
0x4f: {  	_ =	shalt  }
0x50: {  	_ =	shalt  }
0x51: {  	_ =	shalt  }
0x52: {  	_ =	shalt  }
0x53: {  	_ =	shalt  }
0x54: {  	_ =	shalt  }
0x55: {  	_ =	shalt  }
0x56: {  	_ =	shalt  }
0x57: {  	_ =	shalt  }
0x58: {  	_ =	shalt  }
0x59: {  	_ =	shalt  }
0x5a: {  	_ =	shalt  }
0x5b: {  	_ =	shalt  }
0x5c: {  	_ =	shalt  }
0x5d: {  	_ =	shalt  }
0x5e: {  	_ =	shalt  }
0x5f: {  	_ =	shalt  }
0x60: {  	_ =	shalt  }
0x61: {  	_ =	shalt  }
0x62: {  	_ =	shalt  }
0x63: {  	_ =	shalt  }
0x64: {  	_ =	shalt  }
0x65: {  	_ =	shalt  }
0x66: {  	_ =	shalt  }
0x67: {  	_ =	shalt  }
0x68: {  	_ =	shalt  }
0x69: {  	_ =	shalt  }
0x6a: {  	_ =	shalt  }
0x6b: {  	_ =	shalt  }
0x6c: {  	_ =	shalt  }
0x6d: {  	_ =	shalt  }
0x6e: {  	_ =	shalt  }
0x6f: {  	_ =	shalt  }
0x70: {  	_ =	shalt  }
0x71: {  	_ =	shalt  }
0x72: {  	_ =	shalt  }
0x73: {  	_ =	shalt  }
0x74: {  	_ =	shalt  }
0x75: {  	_ =	shalt  }
0x76: {  	_ =	shalt  }
0x77: {  	_ =	shalt  }
0x78: {  	_ =	shalt  }
0x79: {  	_ =	shalt  }
0x7a: {  	_ =	shalt  }
0x7b: {  	_ =	shalt  }
0x7c: {  	_ =	shalt  }
0x7d: {  	_ =	shalt  }
0x7e: {  	_ =	shalt  }
0x7f: {  	_ =	shalt  }
0x80: {  	_ =	shalt  }
0x81: {  	_ =	shalt  }
0x82: {  	_ =	shalt  }
0x83: {  	_ =	shalt  }
0x84: {  	_ =	shalt  }
0x85: {  	_ =	shalt  }
0x86: {  	_ =	shalt  }
0x87: {  	_ =	shalt  }
.Lfunc_end0:
.L_simem_size_0:
called_computation.1_lowered:
.L_overlay_start_0:
0x88: {  	s2 =	sld [smem:$0x3FD9]  }
0x89: {  	s3 =	sld [smem:$0x3FFE];
	_ =	sdelay $0x1  }
0x8a: {  	s1 =	srdreg.scid  }
0x8b: {  	s0 =	sand.u32 $0x1, s1  }
0x8c: {  	s16 =	sshll.u32 s0, $0xA;
	s2 =	sadd.s32 s3, s2  }
0x8d: {  	s2 =	sadd.s32 s2, s16  }
0x8e: {  	[smem:$0x3FC2] =	sst s2  }
0x8f: {  	_ = 	snop  }
0x90: {  	(tm) =	ssettm $0x1  }
0x91: {  	s17 =	sld [smem:$0x3FFB];
	_ =	sdelay $0x3  }
0x92: {  	_ =	strace s17  }
0x93: {  	s2 =	sld [smem:$0x3FFC];
	_ =	sdelay $0x3  }
0x94: {  	_ =	strace s2  }
0x95: {  	s2 =	sld [smem:$0x3FFD];
	_ =	sdelay $0x3  }
0x96: {  	_ =	strace s2  }
0x97: {  	_ =	strace $0x8FFFFFFF  }
0x98: {  	s18 =	sld [smem:$0x3FDB];
	_ =	sdelay $0x1  }
0x99: {  	s19 =	simm.s32 $_scs_section_size  }
0x9a: {  	s4 =	simm.s32 $_size__tile_overlayer_lowered;
	s5 =	simm.s32 $_tile_overlayer_lowered  }
0x9b: {  	s22 =	simm.s32 $0x1BFF;
	s21 =	sshll.u32 s5, $0x1;
	s2 =	sadd.s32 s19, s18  }
0x9c: {  	s6 =	simm.s32 $0x0;
	s20 =	sshll.u32 s4, $0x1;
	s4 =	sadd.s32 s21, s2  }
0x9d: {  	[timem:s6], [sflag:s22] =	dma.local [hbm:s4], s20  }
0x9e: {  	_ =	swait.ge [sflag:s22], s20  }
0x9f: {  	s3 =	ssub.s32 $0x0, s20;
	[sflag:s22] =	ssyncset.done $0x0  }
0xa0: {  	[sflag:s22] =	ssyncadd.s32 s3;
	_ =	sdelay $0x1  }
0xa1: {  	s23 =	simm.s32 $0x1B8B  }
0xa2: {  	_ =	swait.ge [sflag:s23], $0x1  }
0xa3: {  	[sflag:s23] =	ssyncset.done $0x0  }
0xa4: {  	s25 =	simm.s32 $0x1B8E;
	s24 =	sld [smem:$0x3FFE];
	[sflag:s23] =	ssyncadd.s32 $0xFFFFFFFF  }
0xa5: {  	s26 =	simm.s32 $execute0_lowered;
	[smem:$0x3FD2] =	sst s25  }
0xa6: {  	s4 =	sshll.u32 s26, $0x1;
	_ =	strace $0x80000049;
	[dreg:$0x1] =	wrdreg $0xFFFFFFFF  }
0xa7: {  	s28 =	simm.s32 $_size_execute0_lowered;
	s2 =	sadd.s32 s2, s4;
	[dreg:$0x0] =	wrdreg $0x0  }
0xa8: {  	s4 =	sshll.u32 s28, $0x1;
	[dreg:$0x2] =	wrdreg s2  }
0xa9: {  	[dreg:$0x3] =	wrdreg s4  }
0xaa: {  	[dreg:$0x4] =	wrdreg $0xC0  }
0xab: {  	_ =	task [dreg:s6], $0x5FFFF  }
0xac: {  	[dreg:$0x1] =	wrdreg $0xFFFFFFFF  }
0xad: {  	[dreg:$0x0] =	wrdreg $0x60  }
0xae: {  	[dreg:$0x2] =	wrdreg s24  }
0xaf: {  	[dreg:$0x3] =	wrdreg $0x74000  }
0xb0: {  	[dreg:$0x4] =	wrdreg $0x9  }
0xb1: {  	_ =	task.clear_ibuf [dreg:s6], $0x5FFFF;
	_ =	strace $0x90000049  }
0xb2: {  	s29 =	simm.s32 $0x9;
	_ =	strace $0x8000004B  }
0xb3: {  	_ =	swait.ge [sflag:s29], $0x1  }
0xb4: {  	[sflag:s29] =	ssyncadd.s32 $0xFFFFFFFF  }
0xb5: {  	_ =	strace $0x9000004B  }
0xb6: {  	_ =	sfence  }
0xb7: {  	s30 =	sld [smem:$0x0];
	_ =	sdelay $0x2  }
0xb8: {  	s31 =	sshll.u32 s1, $0xD;
	s1 =	sshrl.u32 s1, $0x2  }
0xb9: {  	s3 =	sand.u32 $0x4000, s31;
	s1 =	sadd.s32 s1, s30  }
0xba: {  	s0 =	sor.u32 s3, s0;
	s1 =	sshll.u32 s1, $0x11  }
0xbb: {  	s0 =	sor.u32 s1, s0  }
0xbc: {  	s0 =	sadd.s32 $0x8F2B, s0  }
0xbd: {  	[sflag:s0] =	ssyncadd.remote.s32 $0x1  }
0xbe: {  	_ =	sfence.sel $0xFFFF  }
0xbf: {  	[dreg:$0x0] =	wrdreg $0xFFFFFFFF;
	(pc) =	sbr.abs _section_cstart, $3  }
0xc0: {  	[dreg:$0x1] =	wrdreg $0xFFFFFFFF  }
0xc1: {  	_ =	task.clear_ibuf [dreg:s6], $0x2FFFF;
	_ =	strace $0x9FFFFFFF  }
0xc2: {  	(tm) =	ssettm $0x7FFFFFFF  }
0xc3: {  	_ =	shalt  }
tec
execute0_lowered:
.L_overlay_start_1:
0x0: {  	(tag) =	ssettag $0x1  }
0x1: {  	s0 =	rddreg [dreg:$0x0]  }
0x2: {  	s2 =	rddreg [dreg:$0x1];
	s3 =	simm.s32 $0x0;
	s11 =	stileid.u32  }
0x3: {  	s1 =	srdreg.scid;
	s31 =	simm.s32 $0x80;
	s28 =	simm.s32 $0x9  }
0x4: {  	s29 =	simm.s32 $0x0;
	[smem:$0x7FF] =	sst s3;
	s5 =	smul.u32 $0x18800, s11  }
0x5: {  	s1 =	sand.u32 $0x1, s1;
	s18 =	sadd.s32 $0x64000, s0;
	s19 =	sadd.s32 $0x2000, s0  }
0x6: {  	s4 =	sadd.s32 $0xF7000, s0;
	s10 =	sshll.u32 s11, $0x1;
	s13 =	smul.u32 $0x31000, s11  }
0x7: {  	s21 =	sshll.u32 s11, $0x6;
	_ =	strace $0x8000004A;
	s6 =	smul.u32 $0x188000, s1  }
0x8: {  	s8 =	ssub.s32 $0x2, s1;
	s20 =	sor.u32 s1, s10;
	s1 =	smul.u32 $0x18800, s1  }
0x9: {  	s7 =	sshrl.u32 s5, $0x3;
	s9 =	sshrl.u32 s8, $0x1;
	s14 =	smul.u32 $0x3100, s20  }
0xa: {  	s7 =	sadd.s32 s7, s0;
	s6 =	sadd.s32 s5, s6;
	s17 =	ssub.s32 s8, s9  }
0xb: {  	s5 =	sadd.s32 s5, s2;
	s1 =	sadd.s32 s1, s13;
	s6 =	sshrl.u32 s6, $0x3  }
0xc: {  	[dreg:$0x3] =	wrdreg s5;
	s22 =	sadd.s32 $0xC6000, s7;
	s7 =	sor.u32 $0x1C0A, s21  }
0xd: {  	s23 =	sadd.s32 s18, s14;
	s24 =	sor.u32 $0x40, s14;
	s25 =	sadd.s32 s19, s14  }
0xe: {  	s15 =	sor.u32 $0x80, s14;
	s30 =	sor.u32 $0xC0, s14;
	[dreg:$0x4] =	wrdreg s22  }
0xf: {  	s1 =	sadd.s32 $0x800, s1;
	s17 =	smax.u32 s17, $0x1;
	[dreg:$0x5] =	wrdreg s23  }
0x10: {  	s0 =	sadd.s32 s6, s0;
	[dreg:$0x6] =	wrdreg s25;
	s26 =	sadd.s32 s18, s24  }
.Ltmp0:
0x11: {  	s11 =	sadd.s32 s19, s24;
	s12 =	sadd.s32 s18, s15;
	(pc) =	sbr.rel .LBB2_1-.Ltmp0, $4  }
0x12: {  	s13 =	sadd.s32 s19, s15;
	s14 =	sadd.s32 s18, s30;
	s15 =	sadd.s32 s19, s30  }
0x13: {  	s20 =	sshrl.u32 s1, $0x3;
	s22 =	simm.s32 $0x1;
	s23 =	simm.s32 $0x200  }
0x14: {  	s25 =	simm.s32 $0x2;
	[dreg:$0x7] =	wrdreg s26;
	s16 =	sadd.s32 $0x128000, s0  }
0x15: {  	s1 =	sadd.s32 s20, s19;
	s0 =	sadd.s32 s20, s18;
	s20 =	simm.s32 $0xA  }
.LBB2_5:
0x16: {  	_ =	swait.ge [sflag:s28], $0x800  }
0x17: {  	[sflag:s28] =	ssyncset.done $0x0  }
0x18: {  	[sflag:s28] =	ssyncadd.s32 $0xFFFFF800  }
0x19: {  	_ =	swait.ge [sflag:s28], $0x800  }
0x1a: {  	[sflag:s28] =	ssyncset.done $0x0  }
0x1b: {  	[sflag:s28] =	ssyncadd.s32 $0xFFFFF800  }
0x1c: {  	_ =	swait.ge [sflag:s28], $0x800  }
0x1d: {  	[sflag:s28] =	ssyncset.done $0x0  }
0x1e: {  	[sflag:s28] =	ssyncadd.s32 $0xFFFFF800  }
0x1f: {  	_ =	swait.ge [sflag:s28], $0x800  }
0x20: {  	s29 =	sadd.s32 $0x1, s29;
	[sflag:s28] =	ssyncset.done $0x0  }
0x21: {  	p0 =	sne.s32 s29, s17;
	[sflag:s28] =	ssyncadd.s32 $0xFFFFF800  }
.Ltmp1:
0x22: {  	[bflag:$0x0] =	sbarrier.arrive $0xFFFF;
	(pc) =	sbr.rel @!p0 .LBB2_6-.Ltmp1, $4  }
0x23: {  	[hbm:s16], [sflag:s7] =	dma.local [spmem:s30], $0x3100  }
0x24: {  	_ =	swait.ge [sflag:s20], $0x3100  }
0x25: {  	[sflag:s20] =	ssyncset.done $0x0  }
0x26: {  	[sflag:s20] =	ssyncadd.s32 $0xFFFFCF00  }
.LBB2_1:
0x27: {  	s5 =	rddreg [dreg:$0x3]  }
0x28: {  	s19 =	rddreg [dreg:$0x4];
	s30 =	sshrl.u32 s5, $0x3  }
0x29: {  	[spmem:s30], [sflag:s7] =	dma.local [hbm:s19], $0x3100  }
0x2a: {  	_ =	swait.ge [sflag:s20], $0x3100  }
0x2b: {  	[sflag:s20] =	ssyncset.done $0x0  }
0x2c: {  	[sflag:s20] =	ssyncadd.s32 $0xFFFFCF00  }
0x2d: {  	[bflag:$0x0] =	sbarrier.arrive $0xFFFF  }
0x2e: {  	s21 =	rddreg [dreg:$0x5]  }
0x2f: {  	[tilespmem:s3], [sflag:$0x1] =	stream.linear.gather [hbm4b:s21+s3], $0x200, $0x38;
	[tilespmem:$0x1FC00] =	vst v63  }
0x30: {  	s6 =	simm.s32 $0xA00;
	s24 =	rddreg [dreg:$0x6]  }
0x31: {  	[tilespmem:s6], [sflag:$0x1] =	stream.linear.gather [hbm4b:s24+s3], $0x200, $0x38;
	[tilespmem:$0x1FC00] =	vst v63  }
0x32: {  	_ =	swait.ge [sflag:s22], $0x200  }
0x33: {  	[sflag:s22] =	ssyncset.done $0x0  }
0x34: {  	[sflag:s22] =	ssyncadd.s32 $0xFFFFFE00  }
0x35: {  	_ =	swait.ge [sflag:s22], $0x200  }
0x36: {  	[sflag:s22] =	ssyncset.done $0x0  }
0x37: {  	s26 =	rddreg [dreg:$0x7];
	[sflag:s22] =	ssyncadd.s32 $0xFFFFFE00  }
0x38: {  	[tilespmem:s23], [sflag:$0x2] =	stream.linear.gather [hbm4b:s26+s3], $0x200, $0x38;
	[tilespmem:$0x1FC00] =	vst v63  }
0x39: {  	s6 =	simm.s32 $0xC00  }
0x3a: {  	[tilespmem:s6], [sflag:$0x2] =	stream.linear.gather [hbm4b:s11+s3], $0x200, $0x38;
	[tilespmem:$0x1FC00] =	vst v63  }
0x3b: {  	_ =	swait.ge [sflag:s25], $0x200  }
0x3c: {  	[sflag:s25] =	ssyncset.done $0x0  }
0x3d: {  	[sflag:s25] =	ssyncadd.s32 $0xFFFFFE00  }
0x3e: {  	_ =	swait.ge [sflag:s25], $0x200  }
0x3f: {  	[sflag:s25] =	ssyncset.done $0x0  }
0x40: {  	s8 =	simm.s32 $0x400;
	[sflag:s25] =	ssyncadd.s32 $0xFFFFFE00  }
0x41: {  	[tilespmem:s8], [sflag:$0x3] =	stream.linear.gather [hbm4b:s12+s3], $0x200, $0x38;
	[tilespmem:$0x1FC00] =	vst v63  }
0x42: {  	s9 =	simm.s32 $0xE00  }
0x43: {  	[tilespmem:s9], [sflag:$0x3] =	stream.linear.gather [hbm4b:s13+s3], $0x200, $0x38;
	[tilespmem:$0x1FC00] =	vst v63  }
0x44: {  	s10 =	simm.s32 $0x600  }
0x45: {  	[tilespmem:s10], [sflag:$0x4] =	stream.linear.gather [hbm4b:s14+s3], $0x200, $0x38;
	[tilespmem:$0x1FC00] =	vst v63  }
0x46: {  	s18 =	simm.s32 $0x1000  }
0x47: {  	[tilespmem:s18], [sflag:$0x4] =	stream.linear.gather [hbm4b:s15+s3], $0x200, $0x38;
	[tilespmem:$0x1FC00] =	vst v63  }
0x48: {  	s19 =	simm.s32 $0x1400  }
0x49: {  	[tilespmem:s19], [sflag:$0x6] =	stream.indirect.gather [hbm4b:s4+s31], $0x10, s3, s31, $0xb8;
	[tilespmem:$0x1FC00] =	vst v63  }
0x4a: {  	s21 =	simm.s32 $0x1C00  }
0x4b: {  	[tilespmem:s21], [sflag:$0x6] =	stream.indirect.gather [hbm4b:s4+s31], $0x10, s31, s31, $0xb8;
	[tilespmem:$0x1FC00] =	vst v63  }
0x4c: {  	s24 =	simm.s32 $0x100;
	s26 =	simm.s32 $0x2400  }
0x4d: {  	[tilespmem:s26], [sflag:$0x6] =	stream.indirect.gather [hbm4b:s4+s31], $0x10, s24, s31, $0xb8;
	[tilespmem:$0x1FC00] =	vst v63  }
0x4e: {  	s6 =	simm.s32 $0x180;
	s8 =	simm.s32 $0x2C00  }
0x4f: {  	[tilespmem:s8], [sflag:$0x6] =	stream.indirect.gather [hbm4b:s4+s31], $0x10, s6, s31, $0xb8;
	[tilespmem:$0x1FC00] =	vst v63  }
0x50: {  	s9 =	simm.s32 $0x3400  }
0x51: {  	[tilespmem:s9], [sflag:$0x7] =	stream.indirect.gather [hbm4b:s4+s31], $0x10, s23, s31, $0xb8;
	[tilespmem:$0x1FC00] =	vst v63  }
0x52: {  	s10 =	simm.s32 $0x280;
	s18 =	simm.s32 $0x3C00  }
0x53: {  	[tilespmem:s18], [sflag:$0x7] =	stream.indirect.gather [hbm4b:s4+s31], $0x10, s10, s31, $0xb8;
	[tilespmem:$0x1FC00] =	vst v63  }
.Ltmp2:
0x54: {  	s19 =	simm.s32 $0x300;
	(pc) =	sbr.rel .LBB2_2-.Ltmp2, $4  }
0x55: {  	s21 =	simm.s32 $0x4400;
	s24 =	simm.s32 $0x380;
	s26 =	simm.s32 $0x4C00  }
0x56: {  	[tilespmem:s21], [sflag:$0x7] =	stream.indirect.gather [hbm4b:s4+s31], $0x10, s19, s31, $0xb8;
	[tilespmem:$0x1FC00] =	vst v63  }
0x57: {  	s18 =	smov.u32 s1;
	s19 =	smov.u32 s0;
	s21 =	simm.s32 $0x0  }
0x58: {  	[tilespmem:s26], [sflag:$0x7] =	stream.indirect.gather [hbm4b:s4+s31], $0x10, s24, s31, $0xb8;
	[tilespmem:$0x1FC00] =	vst v63  }
.LBB2_4:
0x59: {  	s5 =	sand.u32 $0xFF, s21  }
0x5a: {  	s6 =	smul.u32 $0xAB, s5;
	_ =	sdelay $0x1  }
0x5b: {  	s5 =	smul.u32 $0xCD, s5;
	s6 =	sshrl.u32 s6, $0x9  }
0x5c: {  	s6 =	smul.u32 $0x3, s6  }
0x5d: {  	s5 =	sshrl.u32 s5, $0xA  }
0x5e: {  	s5 =	smul.u32 $0x5, s5;
	s6 =	ssub.s32 s21, s6  }
0x5f: {  	s6 =	sand.u32 $0xFF, s6  }
0x60: {  	s5 =	ssub.s32 s21, s5;
	s8 =	sadd.s32 $0x6, s6  }
0x61: {  	s5 =	sand.u32 $0xFF, s5;
	_ =	swait.ge [sflag:s8], $0x800  }
0x62: {  	s6 =	sshll.u32 s6, $0xD;
	s5 =	sshll.u32 s5, $0x9;
	[sflag:s8] =	ssyncset.done $0x0  }
0x63: {  	s9 =	sor.u32 $0x1400, s6;
	s10 =	sadd.s32 $0xA00, s5;
	[sflag:s8] =	ssyncadd.s32 $0xFFFFF800  }
0x64: {  	[spmem:s2] =	stream.indirect.scatter.add.f32 [tilespmem:s9], [sflag:$0x9], $0x10, s10, s31, $0xb8;
	[tilespmem:$0x1FC00] =	vst v63  }
0x65: {  	_ =	swait.ge [sflag:s8], $0x800  }
0x66: {  	[sflag:s8] =	ssyncset.done $0x0  }
0x67: {  	s24 =	sor.u32 $0x1C00, s6;
	s26 =	sadd.s32 $0xA80, s5;
	[sflag:s8] =	ssyncadd.s32 $0xFFFFF800  }
0x68: {  	[spmem:s2] =	stream.indirect.scatter.add.f32 [tilespmem:s24], [sflag:$0x9], $0x10, s26, s31, $0xb8;
	[tilespmem:$0x1FC00] =	vst v63  }
0x69: {  	s21 =	sadd.s32 $0x1, s21;
	_ =	swait.ge [sflag:s8], $0x800  }
0x6a: {  	p0 =	sne.s32 s21, $0xC4;
	[sflag:s8] =	ssyncset.done $0x0  }
0x6b: {  	s24 =	sadd.s32 $0x2400, s6;
	s26 =	sadd.s32 $0xB00, s5;
	[sflag:s8] =	ssyncadd.s32 $0xFFFFF800  }
0x6c: {  	[spmem:s2] =	stream.indirect.scatter.add.f32 [tilespmem:s24], [sflag:$0x9], $0x10, s26, s31, $0xb8;
	[tilespmem:$0x1FC00] =	vst v63  }
.Ltmp3:
0x6d: {  	_ = 	snop;
	(pc) =	sbr.rel @!p0 .LBB2_5-.Ltmp3, $4  }
0x6e: {  	_ =	swait.ge [sflag:s8], $0x800  }
0x6f: {  	s18 =	sadd.s32 $0x40, s18;
	s19 =	sadd.s32 $0x40, s19;
	[sflag:s8] =	ssyncset.done $0x0  }
0x70: {  	s6 =	sadd.s32 $0x2C00, s6;
	s5 =	sadd.s32 $0xB80, s5;
	[sflag:s8] =	ssyncadd.s32 $0xFFFFF800  }
0x71: {  	[spmem:s2] =	stream.indirect.scatter.add.f32 [tilespmem:s6], [sflag:$0x9], $0x10, s5, s31, $0xb8;
	[tilespmem:$0x1FC00] =	vst v63  }
.LBB2_2:
0x72: {  	p0 =	seq.s32 s21, $0x0  }
0x73: {  	s24 =	simm.s32 @!p0 $0x9  }
0x74: {  	_ =	swait.ge @!p0 [sflag:s24], $0x800  }
0x75: {  	[sflag:s24] =	ssyncset.done @!p0 $0x0  }
0x76: {  	[sflag:s24] =	ssyncadd.s32 @!p0 $0xFFFFF800  }
0x77: {  	_ =	swait.ge @!p0 [sflag:s24], $0x800  }
0x78: {  	[sflag:s24] =	ssyncset.done @!p0 $0x0  }
0x79: {  	p1 =	sgt.u32 @!p0 s21, $0xC1;
	[sflag:s24] =	ssyncadd.s32 @!p0 $0xFFFFF800  }
0x7a: {  	p1 =	por p0, !p1;
	_ =	swait.ge @!p0 [sflag:s24], $0x800  }
.Ltmp4:
0x7b: {  	[sflag:s24] =	ssyncset.done @!p0 $0x0;
	(pc) =	sbr.rel @!p1 .LBB2_4-.Ltmp4, $4  }
0x7c: {  	[sflag:s24] =	ssyncadd.s32 @!p0 $0xFFFFF800  }
0x7d: {  	_ =	swait.ge @!p0 [sflag:s24], $0x800  }
0x7e: {  	[sflag:s24] =	ssyncset.done @!p0 $0x0  }
0x7f: {  	[sflag:s24] =	ssyncadd.s32 @!p0 $0xFFFFF800  }
0x80: {  	s24 =	sadd.s32 $0x2, s21  }
0x81: {  	s26 =	sand.u32 $0xFF, s24  }
0x82: {  	s5 =	smul.u32 $0xCD, s26;
	_ =	sdelay $0x1  }
0x83: {  	s5 =	sshrl.u32 s5, $0xA  }
0x84: {  	s5 =	smul.u32 $0x5, s5;
	_ =	sdelay $0x1  }
0x85: {  	s5 =	ssub.s32 s24, s5  }
0x86: {  	s26 =	smul.u32 $0xAB, s26;
	s5 =	sand.u32 $0xFF, s5  }
0x87: {  	s6 =	sadd.s32 $0x1, s5  }
0x88: {  	s26 =	sshrl.u32 s26, $0x9;
	_ =	swait.ge [sflag:s6], $0x200  }
0x89: {  	s26 =	smul.u32 $0x3, s26;
	[sflag:s6] =	ssyncset.done $0x0  }
0x8a: {  	[sflag:s6] =	ssyncadd.s32 $0xFFFFFE00  }
0x8b: {  	s24 =	ssub.s32 s24, s26;
	s26 =	sadd.s32 $0x4, s21;
	_ =	swait.ge [sflag:s6], $0x200  }
0x8c: {  	s24 =	sand.u32 $0xFF, s24;
	s8 =	sand.u32 $0xFF, s26;
	[sflag:s6] =	ssyncset.done $0x0  }
0x8d: {  	s8 =	smul.u32 $0xCD, s8;
	[sflag:s6] =	ssyncadd.s32 $0xFFFFFE00;
	s6 =	sshll.u32 s24, $0xD  }
0x8e: {  	s5 =	sshll.u32 s5, $0x9;
	s24 =	sadd.s32 $0x6, s24;
	s9 =	sor.u32 $0x1400, s6  }
0x8f: {  	[tilespmem:s9], [sflag:s24] =	stream.indirect.gather [hbm4b:s4+s31], $0x10, s5, s31, $0xb8;
	[tilespmem:$0x1FC00] =	vst v63  }
0x90: {  	s10 =	sor.u32 $0x80, s5;
	s8 =	sshrl.u32 s8, $0xA;
	s9 =	sor.u32 $0x1C00, s6  }
0x91: {  	[tilespmem:s9], [sflag:s24] =	stream.indirect.gather [hbm4b:s4+s31], $0x10, s10, s31, $0xb8;
	[tilespmem:$0x1FC00] =	vst v63  }
0x92: {  	s8 =	smul.u32 $0x5, s8;
	s9 =	sadd.s32 $0x2400, s6;
	s10 =	sor.u32 $0x100, s5  }
0x93: {  	[tilespmem:s9], [sflag:s24] =	stream.indirect.gather [hbm4b:s4+s31], $0x10, s10, s31, $0xb8;
	[tilespmem:$0x1FC00] =	vst v63  }
0x94: {  	s8 =	ssub.s32 s26, s8;
	s6 =	sadd.s32 $0x2C00, s6;
	s5 =	sor.u32 $0x180, s5  }
0x95: {  	[tilespmem:s6], [sflag:s24] =	stream.indirect.gather [hbm4b:s4+s31], $0x10, s5, s31, $0xb8;
	[tilespmem:$0x1FC00] =	vst v63  }
.Ltmp5:
0x96: {  	p0 =	sgt.u32 s21, $0xBF;
	s5 =	sand.u32 $0xFF, s8;
	(pc) =	sbr.rel .LBB2_4-.Ltmp5, $4  }
0x97: {  	s8 =	simm.s32 @!p0 $0x0;
	s6 =	sadd.s32 @!p0 $0x1, s5;
	s5 =	sshll.u32 @!p0 s5, $0x9  }
0x98: {  	[tilespmem:s5], [sflag:s6] =	stream.linear.gather @!p0 [hbm4b:s19+s8], $0x200, $0x38;
	[tilespmem:$0x1FC00] =	vst v63  }
0x99: {  	s5 =	sadd.s32 @!p0 $0xA00, s5  }
0x9a: {  	[tilespmem:s5], [sflag:s6] =	stream.linear.gather @!p0 [hbm4b:s18+s8], $0x200, $0x38;
	[tilespmem:$0x1FC00] =	vst v63  }
.LBB2_6:
0x9b: {  	_ =	sfence.sel $0x180000  }
0x9c: {  	[bflag:$0x0] =	sbarrier.arrive $0xFFFF  }
0x9d: {  	_ =	strace $0x9000004A  }
0x9e: {  	s0 =	stileid.u32;
	[bflag:$0x2] =	sbarrier.arrive $0xFFFF  }
0x9f: {  	p0 =	sne.s32 s0, $0x0;
	s0 =	rddreg [dreg:$0x2]  }
0xa0: {  	s0 =	sadd.s32 @!p0 $0x100000, s0  }
0xa1: {  	[sflag:s0] =	ssyncadd.tile.s32 @!p0 $0x1;
	_ =	shalt  }
.Lfunc_end2:
_tile_overlayer_lowered:
.L_overlay_start_2:
0xa2: {  	(tag) =	ssettag $0x2  }
0xa3: {  	s0 =	rddreg [dreg:$0x0];
	s2 =	stileid.u32  }
0xa4: {  	s1 =	rddreg [dreg:$0x1];
	p0 =	sne.s32 s2, $0x0  }
0xa5: {  	s3 =	rddreg [dreg:$0x2];
	[bflag:$0x3] =	sbarrier.arrive $0xFFFF;
	s2 =	simm.s32 @!p0 $0x1C0A  }
0xa6: {  	[timem:s3], [sflag:s2] =	dma.local @!p0 [hbm:s0], s1  }
0xa7: {  	s0 =	simm.s32 @!p0 $0xA  }
0xa8: {  	_ =	swait.ge @!p0 [sflag:s0], s1  }
0xa9: {  	s1 =	ssub.s32 @!p0 $0x0, s1;
	[sflag:s0] =	ssyncset.done @!p0 $0x0  }
0xaa: {  	[sflag:s0] =	ssyncadd.s32 @!p0 s1  }
0xab: {  	[bflag:$0x3] =	sbarrier.arrive $0xFFFF  }
0xac: {  	_ =	shalt  }

// kernel: kernel.14.cloned.1.call-start
scs
__scs_entry_jumppad:
0x0: {  	(pc) =	sbr.rel $0x88, $3  }
0x1: {  	(tag) =	ssettag $0x0;
	lr =	simm.s32 $0x1  }
0x2: {  	[smem:$0x3F9B] =	sst lr;
	_ =	strace $0xD0000000  }
0x3: {  	_ = 	snop  }
0x4: {  	_ = 	snop  }
0x5: {  	_ = 	snop  }
0x6: {  	_ = 	snop  }
0x7: {  	_ = 	snop  }
__scs_overlays_trampoline_lowered:
0x8: {  	[smem:$0x3FAA] =	sst s0  }
0x9: {  	[smem:$0x3FAB] =	sst s1  }
0xa: {  	[smem:$0x3FAC] =	sst s2  }
0xb: {  	[smem:$0x3FAD] =	sst s3  }
0xc: {  	[smem:$0x3FAE] =	sst s4  }
0xd: {  	[smem:$0x3FAF] =	sst s5  }
0xe: {  	[smem:$0x3FB0] =	sst s6  }
0xf: {  	[smem:$0x3FB1] =	sst s7  }
0x10: {  	[smem:$0x3FB2] =	sst s8  }
0x11: {  	[smem:$0x3FB3] =	sst s9;
	s0 =	simm.s32 @!p0 $0x0  }
0x12: {  	s1 =	sld [smem:$0x3F99];
	s0 =	simm.s32 @p0 $0x1  }
0x13: {  	[smem:$0x3FB4] =	sst s0;
	s0 =	simm.s32 @!p1 $0x0  }
0x14: {  	s2 =	sld [smem:$0x3F98];
	s0 =	simm.s32 @p1 $0x1  }
0x15: {  	[smem:$0x3FB5] =	sst s0;
	s0 =	simm.s32 @!p2 $0x0  }
0x16: {  	s3 =	sld [smem:$0x3FDB];
	s0 =	simm.s32 @p2 $0x1  }
0x17: {  	s4 =	simm.s32 $0x1BF5;
	[smem:$0x3FB7] =	sst s0  }
0x18: {  	s0 =	sld [smem:$0x3F9A];
	_ =	swait.ge [sflag:s4], $0x0  }
0x19: {  	s7 =	sld [smem:$0x3F9B]  }
0x1a: {  	s8 =	sadd.s32 $0xFFFFE003, lr  }
0x1b: {  	s9 =	sadd.s32 $0xFFFFFEF7, lr;
	s5 =	simm.s32 $0xFFFFFFFF;
	p2 =	slt.u32 s8, $0xFFFFF086  }
0x1c: {  	p1 =	slt.u32 s9, $0xF7A;
	s5 =	simm.s32 @!p2 $0x0  }
0x1d: {  	s5 =	simm.s32 @p1 $0x1;
	p0 =	seq.s32 s7, s2  }
0x1e: {  	s7 =	smul.u32 @!p0 $0xF7A, s2;
	p2 =	seq.s32 @!p0 s5, $0x0  }
0x1f: {  	s9 =	smul.u32 $0xF7A, s1;
	s8 =	simm.s32 @!p0 $0x1BF5;
	p2 =	por !p2, p0  }
0x20: {  	[sflag:s8] =	ssyncset.s32 @!p0 $0xFFFFF086;
	s6 =	sadd.s32 @!p0 s3, s7;
	s7 =	simm.s32 @!p0 $0x108  }
0x21: {  	s3 =	sadd.s32 s3, s9;
	s6 =	sadd.s32 @!p0 $0x88, s6;
	s7 =	simm.s32 @p2 $0x1082  }
0x22: {  	[simem:s7], [sflag:s8] =	dma.local @!p0 [hbm:s6], $0xF7A  }
0x23: {  	s9 =	sor.u32 $0xD0000000, s2;
	s6 =	simm.s32 $0x108;
	_ =	swait.ge @!p0 [sflag:s8], $0x0  }
0x24: {  	s3 =	sadd.s32 $0x88, s3;
	s6 =	simm.s32 @!p1 $0x1082;
	[sflag:s4] =	ssyncset.s32 $0xFFFFF086  }
0x25: {  	[simem:s6], [sflag:s4] =	dma.local [hbm:s3], $0xF7A  }
0x26: {  	[smem:$0x3F9B] =	sst s1;
	(tag) =	ssettag s2;
	_ =	strace s9  }
0x27: {  	s1 =	sld [smem:$0x3FAB]  }
0x28: {  	s2 =	sld [smem:$0x3FAC]  }
0x29: {  	s4 =	sld [smem:$0x3FAE]  }
0x2a: {  	p0 =	seq.s32 s5, $0x0;
	s5 =	sld [smem:$0x3FAF]  }
0x2b: {  	s6 =	sld [smem:$0x3FB0]  }
0x2c: {  	s7 =	sld [smem:$0x3FB1]  }
0x2d: {  	s3 =	simm.s32 $0x108;
	s8 =	sld [smem:$0x3FB2]  }
0x2e: {  	s3 =	simm.s32 @!p0 $0x1082;
	s9 =	sld [smem:$0x3FB3]  }
0x2f: {  	lr =	sadd.s32 s0, s3;
	s0 =	sld [smem:$0x3FAA]  }
0x30: {  	s3 =	sld [smem:$0x3FAD]  }
0x31: {  	[smem:$0x3FB6] =	sst s10  }
0x32: {  	s10 =	sld [smem:$0x3FB4];
	_ =	sdelay $0x3  }
0x33: {  	p0 =	seq.s32 s10, $0x1;
	s10 =	sld [smem:$0x3FB6];
	_ =	sdelay $0x3  }
0x34: {  	[smem:$0x3FB6] =	sst s10  }
0x35: {  	s10 =	sld [smem:$0x3FB5];
	_ =	sdelay $0x3  }
0x36: {  	p1 =	seq.s32 s10, $0x1;
	s10 =	sld [smem:$0x3FB6];
	_ =	sdelay $0x3  }
0x37: {  	[smem:$0x3FB6] =	sst s10  }
0x38: {  	s10 =	sld [smem:$0x3FB7]  }
0x39: {  	_ = 	snop;
	(pc) =	sbr.ind lr, $3  }
0x3a: {  	_ = 	snop  }
0x3b: {  	_ = 	snop  }
0x3c: {  	p2 =	seq.s32 s10, $0x1;
	s10 =	sld [smem:$0x3FB6]  }
0x3d: {  	_ =	shalt  }
0x3e: {  	_ =	shalt  }
0x3f: {  	_ =	shalt  }
0x40: {  	_ =	shalt  }
0x41: {  	_ =	shalt  }
0x42: {  	_ =	shalt  }
0x43: {  	_ =	shalt  }
0x44: {  	_ =	shalt  }
0x45: {  	_ =	shalt  }
0x46: {  	_ =	shalt  }
0x47: {  	_ =	shalt  }
0x48: {  	_ =	shalt  }
0x49: {  	_ =	shalt  }
0x4a: {  	_ =	shalt  }
0x4b: {  	_ =	shalt  }
0x4c: {  	_ =	shalt  }
0x4d: {  	_ =	shalt  }
0x4e: {  	_ =	shalt  }
0x4f: {  	_ =	shalt  }
0x50: {  	_ =	shalt  }
0x51: {  	_ =	shalt  }
0x52: {  	_ =	shalt  }
0x53: {  	_ =	shalt  }
0x54: {  	_ =	shalt  }
0x55: {  	_ =	shalt  }
0x56: {  	_ =	shalt  }
0x57: {  	_ =	shalt  }
0x58: {  	_ =	shalt  }
0x59: {  	_ =	shalt  }
0x5a: {  	_ =	shalt  }
0x5b: {  	_ =	shalt  }
0x5c: {  	_ =	shalt  }
0x5d: {  	_ =	shalt  }
0x5e: {  	_ =	shalt  }
0x5f: {  	_ =	shalt  }
0x60: {  	_ =	shalt  }
0x61: {  	_ =	shalt  }
0x62: {  	_ =	shalt  }
0x63: {  	_ =	shalt  }
0x64: {  	_ =	shalt  }
0x65: {  	_ =	shalt  }
0x66: {  	_ =	shalt  }
0x67: {  	_ =	shalt  }
0x68: {  	_ =	shalt  }
0x69: {  	_ =	shalt  }
0x6a: {  	_ =	shalt  }
0x6b: {  	_ =	shalt  }
0x6c: {  	_ =	shalt  }
0x6d: {  	_ =	shalt  }
0x6e: {  	_ =	shalt  }
0x6f: {  	_ =	shalt  }
0x70: {  	_ =	shalt  }
0x71: {  	_ =	shalt  }
0x72: {  	_ =	shalt  }
0x73: {  	_ =	shalt  }
0x74: {  	_ =	shalt  }
0x75: {  	_ =	shalt  }
0x76: {  	_ =	shalt  }
0x77: {  	_ =	shalt  }
0x78: {  	_ =	shalt  }
0x79: {  	_ =	shalt  }
0x7a: {  	_ =	shalt  }
0x7b: {  	_ =	shalt  }
0x7c: {  	_ =	shalt  }
0x7d: {  	_ =	shalt  }
0x7e: {  	_ =	shalt  }
0x7f: {  	_ =	shalt  }
0x80: {  	_ =	shalt  }
0x81: {  	_ =	shalt  }
0x82: {  	_ =	shalt  }
0x83: {  	_ =	shalt  }
0x84: {  	_ =	shalt  }
0x85: {  	_ =	shalt  }
0x86: {  	_ =	shalt  }
0x87: {  	_ =	shalt  }
.Lfunc_end0:
.L_simem_size_0:
called_computation.2_lowered:
.L_overlay_start_0:
0x88: {  	s2 =	sld [smem:$0x3FD9]  }
0x89: {  	s3 =	sld [smem:$0x3FFE];
	_ =	sdelay $0x1  }
0x8a: {  	s1 =	srdreg.scid  }
0x8b: {  	s0 =	sand.u32 $0x1, s1  }
0x8c: {  	s16 =	sshll.u32 s0, $0xA;
	s2 =	sadd.s32 s3, s2  }
0x8d: {  	s2 =	sadd.s32 s2, s16  }
0x8e: {  	[smem:$0x3FC2] =	sst s2  }
0x8f: {  	_ = 	snop  }
0x90: {  	(tm) =	ssettm $0x1  }
0x91: {  	s17 =	sld [smem:$0x3FFB];
	_ =	sdelay $0x3  }
0x92: {  	_ =	strace s17  }
0x93: {  	s2 =	sld [smem:$0x3FFC];
	_ =	sdelay $0x3  }
0x94: {  	_ =	strace s2  }
0x95: {  	s2 =	sld [smem:$0x3FFD];
	_ =	sdelay $0x3  }
0x96: {  	_ =	strace s2  }
0x97: {  	_ =	strace $0x8FFFFFFF  }
0x98: {  	s18 =	sld [smem:$0x3FDB];
	_ =	sdelay $0x1  }
0x99: {  	s19 =	simm.s32 $_scs_section_size  }
0x9a: {  	s4 =	simm.s32 $_size__tile_overlayer_lowered;
	s5 =	simm.s32 $_tile_overlayer_lowered  }
0x9b: {  	s22 =	simm.s32 $0x1BFF;
	s21 =	sshll.u32 s5, $0x1;
	s2 =	sadd.s32 s19, s18  }
0x9c: {  	s6 =	simm.s32 $0x0;
	s20 =	sshll.u32 s4, $0x1;
	s4 =	sadd.s32 s21, s2  }
0x9d: {  	[timem:s6], [sflag:s22] =	dma.local [hbm:s4], s20  }
0x9e: {  	_ =	swait.ge [sflag:s22], s20  }
0x9f: {  	s3 =	ssub.s32 $0x0, s20;
	[sflag:s22] =	ssyncset.done $0x0  }
0xa0: {  	[sflag:s22] =	ssyncadd.s32 s3;
	_ =	sdelay $0x1  }
0xa1: {  	s23 =	simm.s32 $0x1B8B  }
0xa2: {  	_ =	swait.ge [sflag:s23], $0x1  }
0xa3: {  	[sflag:s23] =	ssyncset.done $0x0  }
0xa4: {  	s25 =	simm.s32 $0x1B8E;
	s24 =	sld [smem:$0x3FFE];
	[sflag:s23] =	ssyncadd.s32 $0xFFFFFFFF  }
0xa5: {  	s26 =	simm.s32 $execute0_lowered;
	[smem:$0x3FD2] =	sst s25  }
0xa6: {  	s4 =	sshll.u32 s26, $0x1;
	_ =	strace $0x8000004C;
	[dreg:$0x1] =	wrdreg $0xFFFFFFFF  }
0xa7: {  	s28 =	simm.s32 $_size_execute0_lowered;
	s2 =	sadd.s32 s2, s4;
	[dreg:$0x0] =	wrdreg $0x0  }
0xa8: {  	s4 =	sshll.u32 s28, $0x1;
	[dreg:$0x2] =	wrdreg s2  }
0xa9: {  	[dreg:$0x3] =	wrdreg s4  }
0xaa: {  	[dreg:$0x4] =	wrdreg $0xC0  }
0xab: {  	_ =	task [dreg:s6], $0x5FFFF  }
0xac: {  	[dreg:$0x1] =	wrdreg $0xFFFFFFFF  }
0xad: {  	[dreg:$0x0] =	wrdreg $0x60  }
0xae: {  	[dreg:$0x2] =	wrdreg s24  }
0xaf: {  	[dreg:$0x3] =	wrdreg $0x74000  }
0xb0: {  	[dreg:$0x4] =	wrdreg $0x9  }
0xb1: {  	_ =	task.clear_ibuf [dreg:s6], $0x5FFFF;
	_ =	strace $0x9000004C  }
0xb2: {  	s29 =	simm.s32 $0x9;
	_ =	strace $0x8000004E  }
0xb3: {  	_ =	swait.ge [sflag:s29], $0x1  }
0xb4: {  	[sflag:s29] =	ssyncadd.s32 $0xFFFFFFFF  }
0xb5: {  	_ =	strace $0x9000004E  }
0xb6: {  	_ =	sfence  }
0xb7: {  	s30 =	sld [smem:$0x0];
	_ =	sdelay $0x2  }
0xb8: {  	s31 =	sshll.u32 s1, $0xD;
	s1 =	sshrl.u32 s1, $0x2  }
0xb9: {  	s3 =	sand.u32 $0x4000, s31;
	s1 =	sadd.s32 s1, s30  }
0xba: {  	s0 =	sor.u32 s3, s0;
	s1 =	sshll.u32 s1, $0x11  }
0xbb: {  	s0 =	sor.u32 s1, s0  }
0xbc: {  	s0 =	sadd.s32 $0x8F2B, s0  }
0xbd: {  	[sflag:s0] =	ssyncadd.remote.s32 $0x1  }
0xbe: {  	_ =	sfence.sel $0xFFFF  }
0xbf: {  	[dreg:$0x0] =	wrdreg $0xFFFFFFFF;
	(pc) =	sbr.abs _section_cstart, $3  }
0xc0: {  	[dreg:$0x1] =	wrdreg $0xFFFFFFFF  }
0xc1: {  	_ =	task.clear_ibuf [dreg:s6], $0x2FFFF;
	_ =	strace $0x9FFFFFFF  }
0xc2: {  	(tm) =	ssettm $0x7FFFFFFF  }
0xc3: {  	_ =	shalt  }
tec
execute0_lowered:
.L_overlay_start_1:
0x0: {  	(tag) =	ssettag $0x1  }
0x1: {  	s0 =	rddreg [dreg:$0x0]  }
0x2: {  	s2 =	rddreg [dreg:$0x1];
	s3 =	simm.s32 $0x0;
	s11 =	stileid.u32  }
0x3: {  	s1 =	srdreg.scid;
	s31 =	simm.s32 $0x80;
	s28 =	simm.s32 $0x9  }
0x4: {  	s29 =	simm.s32 $0x0;
	[smem:$0x7FF] =	sst s3;
	s5 =	smul.u32 $0x18800, s11  }
0x5: {  	s1 =	sand.u32 $0x1, s1;
	s18 =	sadd.s32 $0x64000, s0;
	s19 =	sadd.s32 $0x2000, s0  }
0x6: {  	s4 =	sadd.s32 $0xF7000, s0;
	s10 =	sshll.u32 s11, $0x1;
	s13 =	smul.u32 $0x31000, s11  }
0x7: {  	s21 =	sshll.u32 s11, $0x6;
	_ =	strace $0x8000004D;
	s6 =	smul.u32 $0x188000, s1  }
0x8: {  	s8 =	ssub.s32 $0x2, s1;
	s20 =	sor.u32 s1, s10;
	s1 =	smul.u32 $0x18800, s1  }
0x9: {  	s7 =	sshrl.u32 s5, $0x3;
	s9 =	sshrl.u32 s8, $0x1;
	s14 =	smul.u32 $0x3100, s20  }
0xa: {  	s7 =	sadd.s32 s7, s0;
	s6 =	sadd.s32 s5, s6;
	s17 =	ssub.s32 s8, s9  }
0xb: {  	s5 =	sadd.s32 s5, s2;
	s1 =	sadd.s32 s1, s13;
	s6 =	sshrl.u32 s6, $0x3  }
0xc: {  	[dreg:$0x3] =	wrdreg s5;
	s22 =	sadd.s32 $0xC6000, s7;
	s7 =	sor.u32 $0x1C0A, s21  }
0xd: {  	s23 =	sadd.s32 s18, s14;
	s24 =	sor.u32 $0x40, s14;
	s25 =	sadd.s32 s19, s14  }
0xe: {  	s15 =	sor.u32 $0x80, s14;
	s30 =	sor.u32 $0xC0, s14;
	[dreg:$0x4] =	wrdreg s22  }
0xf: {  	s1 =	sadd.s32 $0x800, s1;
	s17 =	smax.u32 s17, $0x1;
	[dreg:$0x5] =	wrdreg s23  }
0x10: {  	s0 =	sadd.s32 s6, s0;
	[dreg:$0x6] =	wrdreg s25;
	s26 =	sadd.s32 s18, s24  }
.Ltmp0:
0x11: {  	s11 =	sadd.s32 s19, s24;
	s12 =	sadd.s32 s18, s15;
	(pc) =	sbr.rel .LBB2_1-.Ltmp0, $4  }
0x12: {  	s13 =	sadd.s32 s19, s15;
	s14 =	sadd.s32 s18, s30;
	s15 =	sadd.s32 s19, s30  }
0x13: {  	s20 =	sshrl.u32 s1, $0x3;
	s22 =	simm.s32 $0x1;
	s23 =	simm.s32 $0x200  }
0x14: {  	s25 =	simm.s32 $0x2;
	[dreg:$0x7] =	wrdreg s26;
	s16 =	sadd.s32 $0x128000, s0  }
0x15: {  	s1 =	sadd.s32 s20, s19;
	s0 =	sadd.s32 s20, s18;
	s20 =	simm.s32 $0xA  }
.LBB2_5:
0x16: {  	_ =	swait.ge [sflag:s28], $0x800  }
0x17: {  	[sflag:s28] =	ssyncset.done $0x0  }
0x18: {  	[sflag:s28] =	ssyncadd.s32 $0xFFFFF800  }
0x19: {  	_ =	swait.ge [sflag:s28], $0x800  }
0x1a: {  	[sflag:s28] =	ssyncset.done $0x0  }
0x1b: {  	[sflag:s28] =	ssyncadd.s32 $0xFFFFF800  }
0x1c: {  	_ =	swait.ge [sflag:s28], $0x800  }
0x1d: {  	[sflag:s28] =	ssyncset.done $0x0  }
0x1e: {  	[sflag:s28] =	ssyncadd.s32 $0xFFFFF800  }
0x1f: {  	_ =	swait.ge [sflag:s28], $0x800  }
0x20: {  	s29 =	sadd.s32 $0x1, s29;
	[sflag:s28] =	ssyncset.done $0x0  }
0x21: {  	p0 =	sne.s32 s29, s17;
	[sflag:s28] =	ssyncadd.s32 $0xFFFFF800  }
.Ltmp1:
0x22: {  	[bflag:$0x0] =	sbarrier.arrive $0xFFFF;
	(pc) =	sbr.rel @!p0 .LBB2_6-.Ltmp1, $4  }
0x23: {  	[hbm:s16], [sflag:s7] =	dma.local [spmem:s30], $0x3100  }
0x24: {  	_ =	swait.ge [sflag:s20], $0x3100  }
0x25: {  	[sflag:s20] =	ssyncset.done $0x0  }
0x26: {  	[sflag:s20] =	ssyncadd.s32 $0xFFFFCF00  }
.LBB2_1:
0x27: {  	s5 =	rddreg [dreg:$0x3]  }
0x28: {  	s19 =	rddreg [dreg:$0x4];
	s30 =	sshrl.u32 s5, $0x3  }
0x29: {  	[spmem:s30], [sflag:s7] =	dma.local [hbm:s19], $0x3100  }
0x2a: {  	_ =	swait.ge [sflag:s20], $0x3100  }
0x2b: {  	[sflag:s20] =	ssyncset.done $0x0  }
0x2c: {  	[sflag:s20] =	ssyncadd.s32 $0xFFFFCF00  }
0x2d: {  	[bflag:$0x0] =	sbarrier.arrive $0xFFFF  }
0x2e: {  	s21 =	rddreg [dreg:$0x5]  }
0x2f: {  	[tilespmem:s3], [sflag:$0x1] =	stream.linear.gather [hbm4b:s21+s3], $0x200, $0x38;
	[tilespmem:$0x1FC00] =	vst v63  }
0x30: {  	s6 =	simm.s32 $0xA00;
	s24 =	rddreg [dreg:$0x6]  }
0x31: {  	[tilespmem:s6], [sflag:$0x1] =	stream.linear.gather [hbm4b:s24+s3], $0x200, $0x38;
	[tilespmem:$0x1FC00] =	vst v63  }
0x32: {  	_ =	swait.ge [sflag:s22], $0x200  }
0x33: {  	[sflag:s22] =	ssyncset.done $0x0  }
0x34: {  	[sflag:s22] =	ssyncadd.s32 $0xFFFFFE00  }
0x35: {  	_ =	swait.ge [sflag:s22], $0x200  }
0x36: {  	[sflag:s22] =	ssyncset.done $0x0  }
0x37: {  	s26 =	rddreg [dreg:$0x7];
	[sflag:s22] =	ssyncadd.s32 $0xFFFFFE00  }
0x38: {  	[tilespmem:s23], [sflag:$0x2] =	stream.linear.gather [hbm4b:s26+s3], $0x200, $0x38;
	[tilespmem:$0x1FC00] =	vst v63  }
0x39: {  	s6 =	simm.s32 $0xC00  }
0x3a: {  	[tilespmem:s6], [sflag:$0x2] =	stream.linear.gather [hbm4b:s11+s3], $0x200, $0x38;
	[tilespmem:$0x1FC00] =	vst v63  }
0x3b: {  	_ =	swait.ge [sflag:s25], $0x200  }
0x3c: {  	[sflag:s25] =	ssyncset.done $0x0  }
0x3d: {  	[sflag:s25] =	ssyncadd.s32 $0xFFFFFE00  }
0x3e: {  	_ =	swait.ge [sflag:s25], $0x200  }
0x3f: {  	[sflag:s25] =	ssyncset.done $0x0  }
0x40: {  	s8 =	simm.s32 $0x400;
	[sflag:s25] =	ssyncadd.s32 $0xFFFFFE00  }
0x41: {  	[tilespmem:s8], [sflag:$0x3] =	stream.linear.gather [hbm4b:s12+s3], $0x200, $0x38;
	[tilespmem:$0x1FC00] =	vst v63  }
0x42: {  	s9 =	simm.s32 $0xE00  }
0x43: {  	[tilespmem:s9], [sflag:$0x3] =	stream.linear.gather [hbm4b:s13+s3], $0x200, $0x38;
	[tilespmem:$0x1FC00] =	vst v63  }
0x44: {  	s10 =	simm.s32 $0x600  }
0x45: {  	[tilespmem:s10], [sflag:$0x4] =	stream.linear.gather [hbm4b:s14+s3], $0x200, $0x38;
	[tilespmem:$0x1FC00] =	vst v63  }
0x46: {  	s18 =	simm.s32 $0x1000  }
0x47: {  	[tilespmem:s18], [sflag:$0x4] =	stream.linear.gather [hbm4b:s15+s3], $0x200, $0x38;
	[tilespmem:$0x1FC00] =	vst v63  }
0x48: {  	s19 =	simm.s32 $0x1400  }
0x49: {  	[tilespmem:s19], [sflag:$0x6] =	stream.indirect.gather [hbm4b:s4+s31], $0x10, s3, s31, $0xb8;
	[tilespmem:$0x1FC00] =	vst v63  }
0x4a: {  	s21 =	simm.s32 $0x1C00  }
0x4b: {  	[tilespmem:s21], [sflag:$0x6] =	stream.indirect.gather [hbm4b:s4+s31], $0x10, s31, s31, $0xb8;
	[tilespmem:$0x1FC00] =	vst v63  }
0x4c: {  	s24 =	simm.s32 $0x100;
	s26 =	simm.s32 $0x2400  }
0x4d: {  	[tilespmem:s26], [sflag:$0x6] =	stream.indirect.gather [hbm4b:s4+s31], $0x10, s24, s31, $0xb8;
	[tilespmem:$0x1FC00] =	vst v63  }
0x4e: {  	s6 =	simm.s32 $0x180;
	s8 =	simm.s32 $0x2C00  }
0x4f: {  	[tilespmem:s8], [sflag:$0x6] =	stream.indirect.gather [hbm4b:s4+s31], $0x10, s6, s31, $0xb8;
	[tilespmem:$0x1FC00] =	vst v63  }
0x50: {  	s9 =	simm.s32 $0x3400  }
0x51: {  	[tilespmem:s9], [sflag:$0x7] =	stream.indirect.gather [hbm4b:s4+s31], $0x10, s23, s31, $0xb8;
	[tilespmem:$0x1FC00] =	vst v63  }
0x52: {  	s10 =	simm.s32 $0x280;
	s18 =	simm.s32 $0x3C00  }
0x53: {  	[tilespmem:s18], [sflag:$0x7] =	stream.indirect.gather [hbm4b:s4+s31], $0x10, s10, s31, $0xb8;
	[tilespmem:$0x1FC00] =	vst v63  }
.Ltmp2:
0x54: {  	s19 =	simm.s32 $0x300;
	(pc) =	sbr.rel .LBB2_2-.Ltmp2, $4  }
0x55: {  	s21 =	simm.s32 $0x4400;
	s24 =	simm.s32 $0x380;
	s26 =	simm.s32 $0x4C00  }
0x56: {  	[tilespmem:s21], [sflag:$0x7] =	stream.indirect.gather [hbm4b:s4+s31], $0x10, s19, s31, $0xb8;
	[tilespmem:$0x1FC00] =	vst v63  }
0x57: {  	s18 =	smov.u32 s1;
	s19 =	smov.u32 s0;
	s21 =	simm.s32 $0x0  }
0x58: {  	[tilespmem:s26], [sflag:$0x7] =	stream.indirect.gather [hbm4b:s4+s31], $0x10, s24, s31, $0xb8;
	[tilespmem:$0x1FC00] =	vst v63  }
.LBB2_4:
0x59: {  	s5 =	sand.u32 $0xFF, s21  }
0x5a: {  	s6 =	smul.u32 $0xAB, s5;
	_ =	sdelay $0x1  }
0x5b: {  	s5 =	smul.u32 $0xCD, s5;
	s6 =	sshrl.u32 s6, $0x9  }
0x5c: {  	s6 =	smul.u32 $0x3, s6  }
0x5d: {  	s5 =	sshrl.u32 s5, $0xA  }
0x5e: {  	s5 =	smul.u32 $0x5, s5;
	s6 =	ssub.s32 s21, s6  }
0x5f: {  	s6 =	sand.u32 $0xFF, s6  }
0x60: {  	s5 =	ssub.s32 s21, s5;
	s8 =	sadd.s32 $0x6, s6  }
0x61: {  	s5 =	sand.u32 $0xFF, s5;
	_ =	swait.ge [sflag:s8], $0x800  }
0x62: {  	s6 =	sshll.u32 s6, $0xD;
	s5 =	sshll.u32 s5, $0x9;
	[sflag:s8] =	ssyncset.done $0x0  }
0x63: {  	s9 =	sor.u32 $0x1400, s6;
	s10 =	sadd.s32 $0xA00, s5;
	[sflag:s8] =	ssyncadd.s32 $0xFFFFF800  }
0x64: {  	[spmem:s2] =	stream.indirect.scatter.add.f32 [tilespmem:s9], [sflag:$0x9], $0x10, s10, s31, $0xb8;
	[tilespmem:$0x1FC00] =	vst v63  }
0x65: {  	_ =	swait.ge [sflag:s8], $0x800  }
0x66: {  	[sflag:s8] =	ssyncset.done $0x0  }
0x67: {  	s24 =	sor.u32 $0x1C00, s6;
	s26 =	sadd.s32 $0xA80, s5;
	[sflag:s8] =	ssyncadd.s32 $0xFFFFF800  }
0x68: {  	[spmem:s2] =	stream.indirect.scatter.add.f32 [tilespmem:s24], [sflag:$0x9], $0x10, s26, s31, $0xb8;
	[tilespmem:$0x1FC00] =	vst v63  }
0x69: {  	s21 =	sadd.s32 $0x1, s21;
	_ =	swait.ge [sflag:s8], $0x800  }
0x6a: {  	p0 =	sne.s32 s21, $0xC4;
	[sflag:s8] =	ssyncset.done $0x0  }
0x6b: {  	s24 =	sadd.s32 $0x2400, s6;
	s26 =	sadd.s32 $0xB00, s5;
	[sflag:s8] =	ssyncadd.s32 $0xFFFFF800  }
0x6c: {  	[spmem:s2] =	stream.indirect.scatter.add.f32 [tilespmem:s24], [sflag:$0x9], $0x10, s26, s31, $0xb8;
	[tilespmem:$0x1FC00] =	vst v63  }
.Ltmp3:
0x6d: {  	_ = 	snop;
	(pc) =	sbr.rel @!p0 .LBB2_5-.Ltmp3, $4  }
0x6e: {  	_ =	swait.ge [sflag:s8], $0x800  }
0x6f: {  	s18 =	sadd.s32 $0x40, s18;
	s19 =	sadd.s32 $0x40, s19;
	[sflag:s8] =	ssyncset.done $0x0  }
0x70: {  	s6 =	sadd.s32 $0x2C00, s6;
	s5 =	sadd.s32 $0xB80, s5;
	[sflag:s8] =	ssyncadd.s32 $0xFFFFF800  }
0x71: {  	[spmem:s2] =	stream.indirect.scatter.add.f32 [tilespmem:s6], [sflag:$0x9], $0x10, s5, s31, $0xb8;
	[tilespmem:$0x1FC00] =	vst v63  }
.LBB2_2:
0x72: {  	p0 =	seq.s32 s21, $0x0  }
0x73: {  	s24 =	simm.s32 @!p0 $0x9  }
0x74: {  	_ =	swait.ge @!p0 [sflag:s24], $0x800  }
0x75: {  	[sflag:s24] =	ssyncset.done @!p0 $0x0  }
0x76: {  	[sflag:s24] =	ssyncadd.s32 @!p0 $0xFFFFF800  }
0x77: {  	_ =	swait.ge @!p0 [sflag:s24], $0x800  }
0x78: {  	[sflag:s24] =	ssyncset.done @!p0 $0x0  }
0x79: {  	p1 =	sgt.u32 @!p0 s21, $0xC1;
	[sflag:s24] =	ssyncadd.s32 @!p0 $0xFFFFF800  }
0x7a: {  	p1 =	por p0, !p1;
	_ =	swait.ge @!p0 [sflag:s24], $0x800  }
.Ltmp4:
0x7b: {  	[sflag:s24] =	ssyncset.done @!p0 $0x0;
	(pc) =	sbr.rel @!p1 .LBB2_4-.Ltmp4, $4  }
0x7c: {  	[sflag:s24] =	ssyncadd.s32 @!p0 $0xFFFFF800  }
0x7d: {  	_ =	swait.ge @!p0 [sflag:s24], $0x800  }
0x7e: {  	[sflag:s24] =	ssyncset.done @!p0 $0x0  }
0x7f: {  	[sflag:s24] =	ssyncadd.s32 @!p0 $0xFFFFF800  }
0x80: {  	s24 =	sadd.s32 $0x2, s21  }
0x81: {  	s26 =	sand.u32 $0xFF, s24  }
0x82: {  	s5 =	smul.u32 $0xCD, s26;
	_ =	sdelay $0x1  }
0x83: {  	s5 =	sshrl.u32 s5, $0xA  }
0x84: {  	s5 =	smul.u32 $0x5, s5;
	_ =	sdelay $0x1  }
0x85: {  	s5 =	ssub.s32 s24, s5  }
0x86: {  	s26 =	smul.u32 $0xAB, s26;
	s5 =	sand.u32 $0xFF, s5  }
0x87: {  	s6 =	sadd.s32 $0x1, s5  }
0x88: {  	s26 =	sshrl.u32 s26, $0x9;
	_ =	swait.ge [sflag:s6], $0x200  }
0x89: {  	s26 =	smul.u32 $0x3, s26;
	[sflag:s6] =	ssyncset.done $0x0  }
0x8a: {  	[sflag:s6] =	ssyncadd.s32 $0xFFFFFE00  }
0x8b: {  	s24 =	ssub.s32 s24, s26;
	s26 =	sadd.s32 $0x4, s21;
	_ =	swait.ge [sflag:s6], $0x200  }
0x8c: {  	s24 =	sand.u32 $0xFF, s24;
	s8 =	sand.u32 $0xFF, s26;
	[sflag:s6] =	ssyncset.done $0x0  }
0x8d: {  	s8 =	smul.u32 $0xCD, s8;
	[sflag:s6] =	ssyncadd.s32 $0xFFFFFE00;
	s6 =	sshll.u32 s24, $0xD  }
0x8e: {  	s5 =	sshll.u32 s5, $0x9;
	s24 =	sadd.s32 $0x6, s24;
	s9 =	sor.u32 $0x1400, s6  }
0x8f: {  	[tilespmem:s9], [sflag:s24] =	stream.indirect.gather [hbm4b:s4+s31], $0x10, s5, s31, $0xb8;
	[tilespmem:$0x1FC00] =	vst v63  }
0x90: {  	s10 =	sor.u32 $0x80, s5;
	s8 =	sshrl.u32 s8, $0xA;
	s9 =	sor.u32 $0x1C00, s6  }
0x91: {  	[tilespmem:s9], [sflag:s24] =	stream.indirect.gather [hbm4b:s4+s31], $0x10, s10, s31, $0xb8;
	[tilespmem:$0x1FC00] =	vst v63  }
0x92: {  	s8 =	smul.u32 $0x5, s8;
	s9 =	sadd.s32 $0x2400, s6;
	s10 =	sor.u32 $0x100, s5  }
0x93: {  	[tilespmem:s9], [sflag:s24] =	stream.indirect.gather [hbm4b:s4+s31], $0x10, s10, s31, $0xb8;
	[tilespmem:$0x1FC00] =	vst v63  }
0x94: {  	s8 =	ssub.s32 s26, s8;
	s6 =	sadd.s32 $0x2C00, s6;
	s5 =	sor.u32 $0x180, s5  }
0x95: {  	[tilespmem:s6], [sflag:s24] =	stream.indirect.gather [hbm4b:s4+s31], $0x10, s5, s31, $0xb8;
	[tilespmem:$0x1FC00] =	vst v63  }
.Ltmp5:
0x96: {  	p0 =	sgt.u32 s21, $0xBF;
	s5 =	sand.u32 $0xFF, s8;
	(pc) =	sbr.rel .LBB2_4-.Ltmp5, $4  }
0x97: {  	s8 =	simm.s32 @!p0 $0x0;
	s6 =	sadd.s32 @!p0 $0x1, s5;
	s5 =	sshll.u32 @!p0 s5, $0x9  }
0x98: {  	[tilespmem:s5], [sflag:s6] =	stream.linear.gather @!p0 [hbm4b:s19+s8], $0x200, $0x38;
	[tilespmem:$0x1FC00] =	vst v63  }
0x99: {  	s5 =	sadd.s32 @!p0 $0xA00, s5  }
0x9a: {  	[tilespmem:s5], [sflag:s6] =	stream.linear.gather @!p0 [hbm4b:s18+s8], $0x200, $0x38;
	[tilespmem:$0x1FC00] =	vst v63  }
.LBB2_6:
0x9b: {  	_ =	sfence.sel $0x180000  }
0x9c: {  	[bflag:$0x0] =	sbarrier.arrive $0xFFFF  }
0x9d: {  	_ =	strace $0x9000004D  }
0x9e: {  	s0 =	stileid.u32;
	[bflag:$0x2] =	sbarrier.arrive $0xFFFF  }
0x9f: {  	p0 =	sne.s32 s0, $0x0;
	s0 =	rddreg [dreg:$0x2]  }
0xa0: {  	s0 =	sadd.s32 @!p0 $0x100000, s0  }
0xa1: {  	[sflag:s0] =	ssyncadd.tile.s32 @!p0 $0x1;
	_ =	shalt  }
.Lfunc_end2:
_tile_overlayer_lowered:
.L_overlay_start_2:
0xa2: {  	(tag) =	ssettag $0x2  }
0xa3: {  	s0 =	rddreg [dreg:$0x0];
	s2 =	stileid.u32  }
0xa4: {  	s1 =	rddreg [dreg:$0x1];
	p0 =	sne.s32 s2, $0x0  }
0xa5: {  	s3 =	rddreg [dreg:$0x2];
	[bflag:$0x3] =	sbarrier.arrive $0xFFFF;
	s2 =	simm.s32 @!p0 $0x1C0A  }
0xa6: {  	[timem:s3], [sflag:s2] =	dma.local @!p0 [hbm:s0], s1  }
0xa7: {  	s0 =	simm.s32 @!p0 $0xA  }
0xa8: {  	_ =	swait.ge @!p0 [sflag:s0], s1  }
0xa9: {  	s1 =	ssub.s32 @!p0 $0x0, s1;
	[sflag:s0] =	ssyncset.done @!p0 $0x0  }
0xaa: {  	[sflag:s0] =	ssyncadd.s32 @!p0 s1  }
0xab: {  	[bflag:$0x3] =	sbarrier.arrive $0xFFFF  }
0xac: {  	_ =	shalt  }

// kernel: kernel.8.cloned.1.call-start
scs
__scs_entry_jumppad:
0x0: {  	(pc) =	sbr.rel $0x88, $3  }
0x1: {  	(tag) =	ssettag $0x0;
	lr =	simm.s32 $0x1  }
0x2: {  	[smem:$0x3F9B] =	sst lr;
	_ =	strace $0xD0000000  }
0x3: {  	_ = 	snop  }
0x4: {  	_ = 	snop  }
0x5: {  	_ = 	snop  }
0x6: {  	_ = 	snop  }
0x7: {  	_ = 	snop  }
__scs_overlays_trampoline_lowered:
0x8: {  	[smem:$0x3FAA] =	sst s0  }
0x9: {  	[smem:$0x3FAB] =	sst s1  }
0xa: {  	[smem:$0x3FAC] =	sst s2  }
0xb: {  	[smem:$0x3FAD] =	sst s3  }
0xc: {  	[smem:$0x3FAE] =	sst s4  }
0xd: {  	[smem:$0x3FAF] =	sst s5  }
0xe: {  	[smem:$0x3FB0] =	sst s6  }
0xf: {  	[smem:$0x3FB1] =	sst s7  }
0x10: {  	[smem:$0x3FB2] =	sst s8  }
0x11: {  	[smem:$0x3FB3] =	sst s9;
	s0 =	simm.s32 @!p0 $0x0  }
0x12: {  	s1 =	sld [smem:$0x3F99];
	s0 =	simm.s32 @p0 $0x1  }
0x13: {  	[smem:$0x3FB4] =	sst s0;
	s0 =	simm.s32 @!p1 $0x0  }
0x14: {  	s2 =	sld [smem:$0x3F98];
	s0 =	simm.s32 @p1 $0x1  }
0x15: {  	[smem:$0x3FB5] =	sst s0;
	s0 =	simm.s32 @!p2 $0x0  }
0x16: {  	s3 =	sld [smem:$0x3FDB];
	s0 =	simm.s32 @p2 $0x1  }
0x17: {  	s4 =	simm.s32 $0x1BF5;
	[smem:$0x3FB7] =	sst s0  }
0x18: {  	s0 =	sld [smem:$0x3F9A];
	_ =	swait.ge [sflag:s4], $0x0  }
0x19: {  	s7 =	sld [smem:$0x3F9B]  }
0x1a: {  	s8 =	sadd.s32 $0xFFFFE003, lr  }
0x1b: {  	s9 =	sadd.s32 $0xFFFFFEF7, lr;
	s5 =	simm.s32 $0xFFFFFFFF;
	p2 =	slt.u32 s8, $0xFFFFF086  }
0x1c: {  	p1 =	slt.u32 s9, $0xF7A;
	s5 =	simm.s32 @!p2 $0x0  }
0x1d: {  	s5 =	simm.s32 @p1 $0x1;
	p0 =	seq.s32 s7, s2  }
0x1e: {  	s7 =	smul.u32 @!p0 $0xF7A, s2;
	p2 =	seq.s32 @!p0 s5, $0x0  }
0x1f: {  	s9 =	smul.u32 $0xF7A, s1;
	s8 =	simm.s32 @!p0 $0x1BF5;
	p2 =	por !p2, p0  }
0x20: {  	[sflag:s8] =	ssyncset.s32 @!p0 $0xFFFFF086;
	s6 =	sadd.s32 @!p0 s3, s7;
	s7 =	simm.s32 @!p0 $0x108  }
0x21: {  	s3 =	sadd.s32 s3, s9;
	s6 =	sadd.s32 @!p0 $0x88, s6;
	s7 =	simm.s32 @p2 $0x1082  }
0x22: {  	[simem:s7], [sflag:s8] =	dma.local @!p0 [hbm:s6], $0xF7A  }
0x23: {  	s9 =	sor.u32 $0xD0000000, s2;
	s6 =	simm.s32 $0x108;
	_ =	swait.ge @!p0 [sflag:s8], $0x0  }
0x24: {  	s3 =	sadd.s32 $0x88, s3;
	s6 =	simm.s32 @!p1 $0x1082;
	[sflag:s4] =	ssyncset.s32 $0xFFFFF086  }
0x25: {  	[simem:s6], [sflag:s4] =	dma.local [hbm:s3], $0xF7A  }
0x26: {  	[smem:$0x3F9B] =	sst s1;
	(tag) =	ssettag s2;
	_ =	strace s9  }
0x27: {  	s1 =	sld [smem:$0x3FAB]  }
0x28: {  	s2 =	sld [smem:$0x3FAC]  }
0x29: {  	s4 =	sld [smem:$0x3FAE]  }
0x2a: {  	p0 =	seq.s32 s5, $0x0;
	s5 =	sld [smem:$0x3FAF]  }
0x2b: {  	s6 =	sld [smem:$0x3FB0]  }
0x2c: {  	s7 =	sld [smem:$0x3FB1]  }
0x2d: {  	s3 =	simm.s32 $0x108;
	s8 =	sld [smem:$0x3FB2]  }
0x2e: {  	s3 =	simm.s32 @!p0 $0x1082;
	s9 =	sld [smem:$0x3FB3]  }
0x2f: {  	lr =	sadd.s32 s0, s3;
	s0 =	sld [smem:$0x3FAA]  }
0x30: {  	s3 =	sld [smem:$0x3FAD]  }
0x31: {  	[smem:$0x3FB6] =	sst s10  }
0x32: {  	s10 =	sld [smem:$0x3FB4];
	_ =	sdelay $0x3  }
0x33: {  	p0 =	seq.s32 s10, $0x1;
	s10 =	sld [smem:$0x3FB6];
	_ =	sdelay $0x3  }
0x34: {  	[smem:$0x3FB6] =	sst s10  }
0x35: {  	s10 =	sld [smem:$0x3FB5];
	_ =	sdelay $0x3  }
0x36: {  	p1 =	seq.s32 s10, $0x1;
	s10 =	sld [smem:$0x3FB6];
	_ =	sdelay $0x3  }
0x37: {  	[smem:$0x3FB6] =	sst s10  }
0x38: {  	s10 =	sld [smem:$0x3FB7]  }
0x39: {  	_ = 	snop;
	(pc) =	sbr.ind lr, $3  }
0x3a: {  	_ = 	snop  }
0x3b: {  	_ = 	snop  }
0x3c: {  	p2 =	seq.s32 s10, $0x1;
	s10 =	sld [smem:$0x3FB6]  }
0x3d: {  	_ =	shalt  }
0x3e: {  	_ =	shalt  }
0x3f: {  	_ =	shalt  }
0x40: {  	_ =	shalt  }
0x41: {  	_ =	shalt  }
0x42: {  	_ =	shalt  }
0x43: {  	_ =	shalt  }
0x44: {  	_ =	shalt  }
0x45: {  	_ =	shalt  }
0x46: {  	_ =	shalt  }
0x47: {  	_ =	shalt  }
0x48: {  	_ =	shalt  }
0x49: {  	_ =	shalt  }
0x4a: {  	_ =	shalt  }
0x4b: {  	_ =	shalt  }
0x4c: {  	_ =	shalt  }
0x4d: {  	_ =	shalt  }
0x4e: {  	_ =	shalt  }
0x4f: {  	_ =	shalt  }
0x50: {  	_ =	shalt  }
0x51: {  	_ =	shalt  }
0x52: {  	_ =	shalt  }
0x53: {  	_ =	shalt  }
0x54: {  	_ =	shalt  }
0x55: {  	_ =	shalt  }
0x56: {  	_ =	shalt  }
0x57: {  	_ =	shalt  }
0x58: {  	_ =	shalt  }
0x59: {  	_ =	shalt  }
0x5a: {  	_ =	shalt  }
0x5b: {  	_ =	shalt  }
0x5c: {  	_ =	shalt  }
0x5d: {  	_ =	shalt  }
0x5e: {  	_ =	shalt  }
0x5f: {  	_ =	shalt  }
0x60: {  	_ =	shalt  }
0x61: {  	_ =	shalt  }
0x62: {  	_ =	shalt  }
0x63: {  	_ =	shalt  }
0x64: {  	_ =	shalt  }
0x65: {  	_ =	shalt  }
0x66: {  	_ =	shalt  }
0x67: {  	_ =	shalt  }
0x68: {  	_ =	shalt  }
0x69: {  	_ =	shalt  }
0x6a: {  	_ =	shalt  }
0x6b: {  	_ =	shalt  }
0x6c: {  	_ =	shalt  }
0x6d: {  	_ =	shalt  }
0x6e: {  	_ =	shalt  }
0x6f: {  	_ =	shalt  }
0x70: {  	_ =	shalt  }
0x71: {  	_ =	shalt  }
0x72: {  	_ =	shalt  }
0x73: {  	_ =	shalt  }
0x74: {  	_ =	shalt  }
0x75: {  	_ =	shalt  }
0x76: {  	_ =	shalt  }
0x77: {  	_ =	shalt  }
0x78: {  	_ =	shalt  }
0x79: {  	_ =	shalt  }
0x7a: {  	_ =	shalt  }
0x7b: {  	_ =	shalt  }
0x7c: {  	_ =	shalt  }
0x7d: {  	_ =	shalt  }
0x7e: {  	_ =	shalt  }
0x7f: {  	_ =	shalt  }
0x80: {  	_ =	shalt  }
0x81: {  	_ =	shalt  }
0x82: {  	_ =	shalt  }
0x83: {  	_ =	shalt  }
0x84: {  	_ =	shalt  }
0x85: {  	_ =	shalt  }
0x86: {  	_ =	shalt  }
0x87: {  	_ =	shalt  }
.Lfunc_end0:
.L_simem_size_0:
called_computation_lowered:
.L_overlay_start_0:
0x88: {  	s2 =	sld [smem:$0x3FD9]  }
0x89: {  	s3 =	sld [smem:$0x3FFE];
	_ =	sdelay $0x1  }
0x8a: {  	s1 =	srdreg.scid  }
0x8b: {  	s0 =	sand.u32 $0x1, s1  }
0x8c: {  	s17 =	sshll.u32 s0, $0xA;
	s2 =	sadd.s32 s3, s2  }
0x8d: {  	s2 =	sadd.s32 s2, s17  }
0x8e: {  	[smem:$0x3FC2] =	sst s2  }
0x8f: {  	_ = 	snop  }
0x90: {  	s2 =	sld [smem:$0x3FD0];
	(tm) =	ssettm $0x1  }
0x91: {  	s18 =	sld [smem:$0x3FFB];
	_ =	sdelay $0x3  }
0x92: {  	_ =	strace s18  }
0x93: {  	s3 =	sld [smem:$0x3FFC];
	_ =	sdelay $0x3  }
0x94: {  	_ =	strace s3  }
0x95: {  	s3 =	sld [smem:$0x3FFD];
	_ =	sdelay $0x3  }
0x96: {  	_ =	strace s3  }
0x97: {  	_ =	strace $0x8FFFFFFF  }
0x98: {  	s19 =	sld [smem:$0x3FDB];
	_ =	sdelay $0x1  }
0x99: {  	s4 =	simm.s32 $_scs_section_size  }
0x9a: {  	s5 =	simm.s32 $_size__tile_overlayer_lowered;
	s6 =	simm.s32 $_tile_overlayer_lowered  }
0x9b: {  	s22 =	simm.s32 $0x1BFF;
	s21 =	sshll.u32 s6, $0x1;
	s3 =	sadd.s32 s4, s19  }
0x9c: {  	s7 =	simm.s32 $0x0;
	s20 =	sshll.u32 s5, $0x1;
	s5 =	sadd.s32 s21, s3  }
0x9d: {  	[timem:s7], [sflag:s22] =	dma.local [hbm:s5], s20  }
0x9e: {  	_ =	swait.ge [sflag:s22], s20  }
0x9f: {  	s4 =	ssub.s32 $0x0, s20;
	[sflag:s22] =	ssyncset.done $0x0  }
0xa0: {  	[sflag:s22] =	ssyncadd.s32 s4;
	_ =	sdelay $0x1  }
0xa1: {  	s23 =	simm.s32 $0x1B8B  }
0xa2: {  	_ =	swait.ge [sflag:s23], $0x1  }
0xa3: {  	[sflag:s23] =	ssyncset.done $0x0  }
0xa4: {  	s25 =	simm.s32 $0x1B8E;
	s24 =	sld [smem:$0x3FFE];
	[sflag:s23] =	ssyncadd.s32 $0xFFFFFFFF  }
0xa5: {  	s26 =	simm.s32 $execute0_lowered;
	[smem:$0x3FD2] =	sst s25  }
0xa6: {  	s5 =	sshll.u32 s26, $0x1;
	_ =	strace $0x80000046;
	[dreg:$0x1] =	wrdreg $0xFFFFFFFF  }
0xa7: {  	s28 =	simm.s32 $_size_execute0_lowered;
	s3 =	sadd.s32 s3, s5;
	[dreg:$0x0] =	wrdreg $0x0  }
0xa8: {  	s5 =	sshll.u32 s28, $0x1;
	[dreg:$0x2] =	wrdreg s3  }
0xa9: {  	[dreg:$0x3] =	wrdreg s5  }
0xaa: {  	[dreg:$0x4] =	wrdreg $0xC0  }
0xab: {  	_ =	task [dreg:s7], $0x5FFFF  }
0xac: {  	[dreg:$0x1] =	wrdreg $0xFFFFFFFF  }
0xad: {  	[dreg:$0x0] =	wrdreg $0x60  }
0xae: {  	[dreg:$0x2] =	wrdreg s24  }
0xaf: {  	[dreg:$0x3] =	wrdreg s2  }
0xb0: {  	[dreg:$0x4] =	wrdreg $0x6A000  }
0xb1: {  	[dreg:$0x5] =	wrdreg $0x9  }
0xb2: {  	_ =	task.clear_ibuf [dreg:s7], $0x6FFFF;
	_ =	strace $0x90000046  }
0xb3: {  	s29 =	simm.s32 $0x9;
	_ =	strace $0x80000048  }
0xb4: {  	_ =	swait.ge [sflag:s29], $0x1  }
0xb5: {  	[sflag:s29] =	ssyncadd.s32 $0xFFFFFFFF  }
0xb6: {  	_ =	strace $0x90000048  }
0xb7: {  	_ =	sfence  }
0xb8: {  	s30 =	sld [smem:$0x0];
	_ =	sdelay $0x2  }
0xb9: {  	s31 =	sshll.u32 s1, $0xD;
	s1 =	sshrl.u32 s1, $0x2  }
0xba: {  	s3 =	sand.u32 $0x4000, s31;
	s1 =	sadd.s32 s1, s30  }
0xbb: {  	s0 =	sor.u32 s3, s0;
	s1 =	sshll.u32 s1, $0x11  }
0xbc: {  	s0 =	sor.u32 s1, s0  }
0xbd: {  	s0 =	sadd.s32 $0x8F2B, s0  }
0xbe: {  	[sflag:s0] =	ssyncadd.remote.s32 $0x1  }
0xbf: {  	_ =	sfence.sel $0xFFFF  }
0xc0: {  	[dreg:$0x0] =	wrdreg $0xFFFFFFFF;
	(pc) =	sbr.abs _section_cstart, $3  }
0xc1: {  	[dreg:$0x1] =	wrdreg $0xFFFFFFFF  }
0xc2: {  	_ =	task.clear_ibuf [dreg:s7], $0x2FFFF;
	_ =	strace $0x9FFFFFFF  }
0xc3: {  	(tm) =	ssettm $0x7FFFFFFF  }
tec
execute0_lowered:
.L_overlay_start_1:
0x0: {  	(tag) =	ssettag $0x1  }
0x1: {  	s5 =	rddreg [dreg:$0x0]  }
0x2: {  	s2 =	rddreg [dreg:$0x1]  }
0x3: {  	s3 =	rddreg [dreg:$0x2]  }
0x4: {  	s0 =	rddreg [dreg:$0x3]  }
0x5: {  	s4 =	simm.s32 $0x0;
	s1 =	stileid.u32;
	s6 =	srdreg.scid  }
0x6: {  	s17 =	simm.s32 $0x1;
	s18 =	simm.s32 $0x200;
	s19 =	simm.s32 $0x2  }
0x7: {  	s20 =	simm.s32 $0x400;
	s21 =	simm.s32 $0x600;
	s22 =	simm.s32 $0x80  }
0x8: {  	s23 =	simm.s32 $0x6;
	s24 =	simm.s32 $0x0;
	[smem:$0x7FF] =	sst s4  }
0x9: {  	s7 =	smul.u32 $0x18800, s1;
	s6 =	sand.u32 $0x1, s6;
	s13 =	sadd.s32 $0x64000, s5  }
0xa: {  	s10 =	sshll.u32 s1, $0x1;
	s14 =	smul.u32 $0x31000, s1;
	s31 =	sshll.u32 s1, $0x6  }
0xb: {  	_ =	strace $0x80000047;
	s8 =	smul.u32 $0x188000, s6;
	s10 =	sor.u32 s6, s10  }
0xc: {  	s11 =	ssub.s32 $0x2, s6;
	s30 =	smul.u32 $0x18800, s6;
	s9 =	sshrl.u32 s7, $0x3  }
0xd: {  	s10 =	smul.u32 $0x3100, s10;
	s29 =	sshrl.u32 s11, $0x1;
	s16 =	sadd.s32 s7, s3  }
0xe: {  	s9 =	sadd.s32 s9, s5;
	s8 =	sadd.s32 s7, s8;
	s15 =	ssub.s32 s11, s29  }
0xf: {  	s7 =	sor.u32 $0x1C07, s31;
	s11 =	sadd.s32 s30, s14;
	s8 =	sshrl.u32 s8, $0x3  }
.Ltmp0:
0x10: {  	s6 =	sadd.s32 s13, s10;
	s14 =	sadd.s32 $0x800, s11;
	(pc) =	sbr.rel .LBB2_1-.Ltmp0, $4  }
0x11: {  	s12 =	sadd.s32 s8, s5;
	s5 =	sadd.s32 $0xC6000, s9;
	s8 =	sadd.s32 $0x40, s6  }
0x12: {  	s9 =	sadd.s32 $0x80, s6;
	s10 =	sadd.s32 $0xC0, s6;
	s14 =	sshrl.u32 s14, $0x3  }
0x13: {  	s11 =	sadd.s32 $0xF7000, s12;
	s12 =	smax.u32 s15, $0x1;
	s13 =	sadd.s32 s14, s13  }
0x14: {  	s14 =	sshrl.u32 s16, $0x3;
	s15 =	simm.s32 $0x7;
	s16 =	simm.s32 $0xA00  }
.LBB2_5:
0x15: {  	_ =	swait.ge [sflag:s23], $0x800  }
0x16: {  	[sflag:s23] =	ssyncset.done $0x0  }
0x17: {  	[sflag:s23] =	ssyncadd.s32 $0xFFFFF800  }
0x18: {  	_ =	swait.ge [sflag:s23], $0x800  }
0x19: {  	[sflag:s23] =	ssyncset.done $0x0  }
0x1a: {  	[sflag:s23] =	ssyncadd.s32 $0xFFFFF800  }
0x1b: {  	_ =	swait.ge [sflag:s23], $0x800  }
0x1c: {  	[sflag:s23] =	ssyncset.done $0x0  }
0x1d: {  	[sflag:s23] =	ssyncadd.s32 $0xFFFFF800  }
0x1e: {  	_ =	swait.ge [sflag:s23], $0x800  }
0x1f: {  	s24 =	sadd.s32 $0x1, s24;
	[sflag:s23] =	ssyncset.done $0x0  }
0x20: {  	p0 =	sne.s32 s24, s12;
	[sflag:s23] =	ssyncadd.s32 $0xFFFFF800  }
.Ltmp1:
0x21: {  	[bflag:$0x0] =	sbarrier.arrive $0xFFFF;
	(pc) =	sbr.rel @!p0 .LBB2_6-.Ltmp1, $4  }
0x22: {  	[hbm:s11], [sflag:s7] =	dma.local [spmem:s14], $0x3100  }
0x23: {  	_ =	swait.ge [sflag:s15], $0x3100  }
0x24: {  	[sflag:s15] =	ssyncset.done $0x0  }
0x25: {  	[sflag:s15] =	ssyncadd.s32 $0xFFFFCF00  }
.LBB2_1:
0x26: {  	[spmem:s14], [sflag:s7] =	dma.local [hbm:s5], $0x3100  }
0x27: {  	_ =	swait.ge [sflag:s15], $0x3100  }
0x28: {  	[sflag:s15] =	ssyncset.done $0x0  }
0x29: {  	[sflag:s15] =	ssyncadd.s32 $0xFFFFCF00  }
0x2a: {  	[tilespmem:s16], [sflag:$0x7] =	stream.linear.gather [hbm4b:s2+s4], $0x800, $0x38;
	[tilespmem:$0x1F200] =	vst v63  }
0x2b: {  	_ =	swait.ge [sflag:s15], $0x800  }
0x2c: {  	[sflag:s15] =	ssyncset.done $0x0  }
0x2d: {  	[sflag:s15] =	ssyncadd.s32 $0xFFFFF800  }
0x2e: {  	[bflag:$0x0] =	sbarrier.arrive $0xFFFF  }
0x2f: {  	[tilespmem:s4], [sflag:$0x1] =	stream.linear.gather [hbm4b:s6+s4], $0x200, $0x38;
	[tilespmem:$0x1F200] =	vst v63  }
0x30: {  	_ =	swait.ge [sflag:s17], $0x200  }
0x31: {  	[sflag:s17] =	ssyncset.done $0x0  }
0x32: {  	[sflag:s17] =	ssyncadd.s32 $0xFFFFFE00  }
0x33: {  	[tilespmem:s18], [sflag:$0x2] =	stream.linear.gather [hbm4b:s8+s4], $0x200, $0x38;
	[tilespmem:$0x1F200] =	vst v63  }
0x34: {  	_ =	swait.ge [sflag:s19], $0x200  }
.Ltmp2:
0x35: {  	[sflag:s19] =	ssyncset.done $0x0;
	(pc) =	sbr.rel .LBB2_2-.Ltmp2, $4  }
0x36: {  	[sflag:s19] =	ssyncadd.s32 $0xFFFFFE00  }
0x37: {  	[tilespmem:s20], [sflag:$0x3] =	stream.linear.gather [hbm4b:s9+s4], $0x200, $0x38;
	[tilespmem:$0x1F200] =	vst v63  }
0x38: {  	s25 =	smov.u32 s13;
	s26 =	simm.s32 $0x0  }
0x39: {  	[tilespmem:s21], [sflag:$0x4] =	stream.linear.gather [hbm4b:s10+s4], $0x200, $0x38;
	[tilespmem:$0x1F200] =	vst v63  }
.LBB2_4:
0x3a: {  	s28 =	smul.u32 $0xCD, s26;
	_ =	sdelay $0x1  }
0x3b: {  	s28 =	sshrl.u32 s28, $0xA  }
0x3c: {  	s28 =	sand.u32 $0x3F, s28  }
0x3d: {  	s28 =	smul.u32 $0x5, s28;
	_ =	sdelay $0x1  }
0x3e: {  	s28 =	ssub.s32 s26, s28  }
0x3f: {  	s28 =	sand.u32 $0xFF, s28  }
0x40: {  	s26 =	sadd.s32 $0x1, s26;
	s28 =	sshll.u32 s28, $0x9  }
0x41: {  	[spmem:s3] =	stream.indirect.scatter.add.f32 [tilespmem:s16], [sflag:$0x6], $0x10, s28, s22, $0xb8;
	[tilespmem:$0x1F200] =	vst v63  }
0x42: {  	p0 =	sne.s32 s26, $0xC4;
	s29 =	sor.u32 $0x80, s28  }
0x43: {  	[spmem:s3] =	stream.indirect.scatter.add.f32 [tilespmem:s16], [sflag:$0x6], $0x10, s29, s22, $0xb8;
	[tilespmem:$0x1F200] =	vst v63  }
.Ltmp3:
0x44: {  	_ = 	snop;
	(pc) =	sbr.rel @!p0 .LBB2_5-.Ltmp3, $4  }
0x45: {  	s31 =	sor.u32 $0x100, s28  }
0x46: {  	[spmem:s3] =	stream.indirect.scatter.add.f32 [tilespmem:s16], [sflag:$0x6], $0x10, s31, s22, $0xb8;
	[tilespmem:$0x1F200] =	vst v63  }
0x47: {  	s25 =	sadd.s32 $0x40, s25;
	s28 =	sor.u32 $0x180, s28  }
0x48: {  	[spmem:s3] =	stream.indirect.scatter.add.f32 [tilespmem:s16], [sflag:$0x6], $0x10, s28, s22, $0xb8;
	[tilespmem:$0x1F200] =	vst v63  }
.LBB2_2:
0x49: {  	p0 =	seq.s32 s26, $0x0  }
0x4a: {  	s28 =	simm.s32 @!p0 $0x6  }
0x4b: {  	_ =	swait.ge @!p0 [sflag:s28], $0x800  }
0x4c: {  	[sflag:s28] =	ssyncset.done @!p0 $0x0  }
0x4d: {  	[sflag:s28] =	ssyncadd.s32 @!p0 $0xFFFFF800  }
0x4e: {  	_ =	swait.ge @!p0 [sflag:s28], $0x800  }
0x4f: {  	[sflag:s28] =	ssyncset.done @!p0 $0x0  }
0x50: {  	p1 =	sgt.u32 @!p0 s26, $0xC1;
	[sflag:s28] =	ssyncadd.s32 @!p0 $0xFFFFF800  }
0x51: {  	p1 =	por p0, !p1;
	_ =	swait.ge @!p0 [sflag:s28], $0x800  }
.Ltmp4:
0x52: {  	[sflag:s28] =	ssyncset.done @!p0 $0x0;
	(pc) =	sbr.rel @!p1 .LBB2_4-.Ltmp4, $4  }
0x53: {  	[sflag:s28] =	ssyncadd.s32 @!p0 $0xFFFFF800  }
0x54: {  	_ =	swait.ge @!p0 [sflag:s28], $0x800  }
0x55: {  	[sflag:s28] =	ssyncset.done @!p0 $0x0  }
0x56: {  	[sflag:s28] =	ssyncadd.s32 @!p0 $0xFFFFF800  }
0x57: {  	s28 =	sadd.s32 $0x2, s26  }
0x58: {  	s29 =	sand.u32 $0xFF, s28  }
0x59: {  	s30 =	sadd.s32 $0x4, s26;
	s29 =	smul.u32 $0xCD, s29  }
0x5a: {  	s31 =	sand.u32 $0xFF, s30  }
0x5b: {  	s31 =	smul.u32 $0xCD, s31;
	s29 =	sshrl.u32 s29, $0xA  }
0x5c: {  	s29 =	smul.u32 $0x5, s29;
	_ =	sdelay $0x1  }
0x5d: {  	s31 =	sshrl.u32 s31, $0xA;
	s28 =	ssub.s32 s28, s29  }
0x5e: {  	s29 =	smul.u32 $0x5, s31;
	s28 =	sand.u32 $0xFF, s28  }
.Ltmp5:
0x5f: {  	s28 =	sadd.s32 $0x1, s28;
	(pc) =	sbr.rel .LBB2_4-.Ltmp5, $4  }
0x60: {  	p0 =	sgt.u32 s26, $0xBF;
	s29 =	ssub.s32 s30, s29;
	_ =	swait.ge [sflag:s28], $0x200  }
0x61: {  	s30 =	simm.s32 @!p0 $0x0;
	s29 =	sand.u32 $0xFF, s29;
	[sflag:s28] =	ssyncset.done $0x0  }
0x62: {  	[sflag:s28] =	ssyncadd.s32 $0xFFFFFE00;
	s28 =	sshll.u32 @!p0 s29, $0x9;
	s29 =	sadd.s32 @!p0 $0x1, s29  }
0x63: {  	[tilespmem:s28], [sflag:s29] =	stream.linear.gather @!p0 [hbm4b:s25+s30], $0x200, $0x38;
	[tilespmem:$0x1F200] =	vst v63  }
.LBB2_6:
0x64: {  	_ =	sfence.sel $0x180000  }
0x65: {  	[bflag:$0x0] =	sbarrier.arrive $0xFFFF  }
0x66: {  	p0 =	sne.s32 s1, $0x0;
	_ =	strace $0x90000047  }
0x67: {  	s0 =	sadd.s32 @!p0 $0x100000, s0;
	[bflag:$0x2] =	sbarrier.arrive $0xFFFF  }
0x68: {  	[sflag:s0] =	ssyncadd.tile.s32 @!p0 $0x1;
	_ =	shalt  }
.Lfunc_end2:
_tile_overlayer_lowered:
.L_overlay_start_2:
0x69: {  	(tag) =	ssettag $0x2  }
0x6a: {  	s0 =	rddreg [dreg:$0x0];
	s2 =	stileid.u32  }
0x6b: {  	s1 =	rddreg [dreg:$0x1];
	p0 =	sne.s32 s2, $0x0  }
0x6c: {  	s3 =	rddreg [dreg:$0x2];
	[bflag:$0x3] =	sbarrier.arrive $0xFFFF;
	s2 =	simm.s32 @!p0 $0x1C07  }
0x6d: {  	[timem:s3], [sflag:s2] =	dma.local @!p0 [hbm:s0], s1  }
0x6e: {  	s0 =	simm.s32 @!p0 $0x7  }
0x6f: {  	_ =	swait.ge @!p0 [sflag:s0], s1  }
0x70: {  	s1 =	ssub.s32 @!p0 $0x0, s1;
	[sflag:s0] =	ssyncset.done @!p0 $0x0  }
0x71: {  	[sflag:s0] =	ssyncadd.s32 @!p0 s1  }
0x72: {  	[bflag:$0x3] =	sbarrier.arrive $0xFFFF  }
0x73: {  	_ =	shalt  }

</sc_bundles>
